<compile_context>
chip_gen: v7x
topology: tpu7x:2x2x1
jax: 0.10.2.dev20260603
libtpu: 0.0.44.dev20260713+nightly
codegen_flags: <defaults>
</compile_context>

<pallas_src>
import jax
import jax.numpy as jnp
from jax import lax
from jax.experimental import pallas as pl
from jax.experimental.pallas import tpu as pltpu
from jax.experimental.pallas import tpu_sc as plsc

N = 10000
E = 320000
N_PAD = 10240
NC = 2
NS = 16
L = 16
NW = NC * NS
EP = E // NW
NT = N_PAD // NS
BLK = 2048
U = 25

_NEG = float("-inf")
_DN = (((1,), (1,)), ((), ()))
_HI = lax.Precision.HIGHEST


def _tc1_body(feat_ref, spkt_ref, spat_ref, wf_ref, ws_ref, wp_ref, we_ref,
              b12_ref, be_ref, y_ref):
    dnn = (((1,), (0,)), ((), ()))
    dtt = (((0,), (0,)), ((), ()))
    x = lax.dot_general(feat_ref[...], wf_ref[...], dnn,
                        preferred_element_type=jnp.float32)
    x += lax.dot_general(spkt_ref[...], ws_ref[...], dtt,
                         preferred_element_type=jnp.float32)
    x += lax.dot_general(spat_ref[...], wp_ref[...], dtt,
                         preferred_element_type=jnp.float32)
    x += b12_ref[...]
    q = we_ref[:, 64:128]
    p = we_ref[:, 0:64] - q
    g = jnp.concatenate([q, p], axis=0)
    bias4 = jnp.concatenate([jnp.zeros((2, 1), jnp.float32), be_ref[...]],
                            axis=0)
    y_ref[...] = lax.dot_general(g, x, _DN,
                                 preferred_element_type=jnp.float32) + bias4


def _tc1(feat, spk, spa, Wf, Ws, Wp, We, b12, be2):
    return pl.pallas_call(
        _tc1_body,
        grid=(N_PAD // BLK,),
        in_specs=[
            pl.BlockSpec((BLK, 128), lambda i: (i, 0)),
            pl.BlockSpec((16, BLK), lambda i: (0, i)),
            pl.BlockSpec((16, BLK), lambda i: (0, i)),
            pl.BlockSpec((128, 64), lambda i: (0, 0)),
            pl.BlockSpec((16, 64), lambda i: (0, 0)),
            pl.BlockSpec((16, 64), lambda i: (0, 0)),
            pl.BlockSpec((2, 128), lambda i: (0, 0)),
            pl.BlockSpec((1, 64), lambda i: (0, 0)),
            pl.BlockSpec((2, 1), lambda i: (0, 0)),
        ],
        out_specs=pl.BlockSpec((4, BLK), lambda i: (0, i)),
        out_shape=jax.ShapeDtypeStruct((4, N_PAD), jnp.float32),
        compiler_params=pltpu.CompilerParams(
            dimension_semantics=("parallel",)),
    )(feat, spk, spa, Wf, Ws, Wp, We, b12, be2)


def _take(v, idx):
    dn = lax.GatherDimensionNumbers(offset_dims=(), collapsed_slice_dims=(0,),
                                    start_index_map=(0,))
    return lax.gather(v, idx[:, None], dimension_numbers=dn, slice_sizes=(1,),
                      mode=lax.GatherScatterMode.PROMISE_IN_BOUNDS)


def _sc_body(y_hbm, idx_hbm, part_hbm, b1_v, b2_v, m1_v, m2_v,
             src_v, dst_v, buf_v, out_v, sem, shared):
    c = lax.axis_index("c")
    s = lax.axis_index("s")
    g = c * NS + s

    d1 = pltpu.async_copy(y_hbm.at[0], b1_v, sem)
    d2 = pltpu.async_copy(y_hbm.at[1], b2_v, sem)
    d3 = pltpu.async_copy(idx_hbm.at[0, pl.ds(g * EP, EP)], src_v, sem)
    d4 = pltpu.async_copy(idx_hbm.at[1, pl.ds(g * EP, EP)], dst_v, sem)

    neg = jnp.full((L,), _NEG, jnp.float32)

    def init(k, _):
        m1_v[pl.ds(k * L, L)] = neg
        m2_v[pl.ds(k * L, L)] = neg
        return 0

    with jax.named_scope("sc_stage"):
        lax.fori_loop(0, N_PAD // L, init, 0)
        d1.wait()
        d2.wait()
        d3.wait()
        d4.wait()

    iota = lax.iota(jnp.int32, L)
    isl15 = iota == (L - 1)
    offidx = [jnp.maximum(iota - (1 << k), 0) for k in range(4)]
    nxtidx = jnp.minimum(iota + 1, L - 1)

    def one_group(e):
        d16 = dst_v[pl.ds(e * L, L)]
        s16 = src_v[pl.ds(e * L, L)]
        dsort, perm = plsc.sort_key_val(d16, iota)
        s16p = _take(s16, perm)
        b1 = plsc.load_gather(b1_v, [s16p])
        b2 = plsc.load_gather(b2_v, [s16p])
        for k in range(4):
            keq = _take(dsort, offidx[k]) == dsort
            b1 = jnp.where(keq, jnp.maximum(b1, _take(b1, offidx[k])), b1)
            b2 = jnp.where(keq, jnp.maximum(b2, _take(b2, offidx[k])), b2)
        islast = jnp.logical_or(_take(dsort, nxtidx) != dsort, isl15)
        cur1 = plsc.load_gather(m1_v, [dsort])
        cur2 = plsc.load_gather(m2_v, [dsort])
        plsc.store_scatter(m1_v, [dsort], jnp.maximum(cur1, b1), mask=islast)
        plsc.store_scatter(m2_v, [dsort], jnp.maximum(cur2, b2), mask=islast)

    def edge_group(e, _):
        for u in range(U):
            one_group(e * U + u)
        return 0

    with jax.named_scope("sc_edges"):
        lax.fori_loop(0, EP // L // U, edge_group, 0)

    with jax.named_scope("sc_merge"):
        pltpu.sync_copy(m1_v, shared.at[s, 0])
        pltpu.sync_copy(m2_v, shared.at[s, 1])
        plsc.subcore_barrier()

        n0 = s * NT
        descs = []
        for comp in range(2):
            for t in range(NS):
                descs.append(pltpu.async_copy(
                    shared.at[t, comp, pl.ds(n0, NT)], buf_v.at[comp, t], sem))
        for d_ in descs:
            d_.wait()

        for comp in range(2):
            def merge(k, _, comp=comp):
                acc = buf_v[comp, 0, pl.ds(k * L, L)]
                for t in range(1, NS):
                    acc = jnp.maximum(acc, buf_v[comp, t, pl.ds(k * L, L)])
                out_v[pl.ds(k * L, L)] = acc
                return 0

            lax.fori_loop(0, NT // L, merge, 0)
            pltpu.sync_copy(out_v, part_hbm.at[c, comp, pl.ds(n0, NT)])


def _sc(y, index):
    mesh = plsc.VectorSubcoreMesh(core_axis_name="c", subcore_axis_name="s",
                                  num_cores=NC, num_subcores=NS)
    return pl.kernel(
        _sc_body,
        out_type=jax.ShapeDtypeStruct((NC, 2, N_PAD), jnp.float32),
        mesh=mesh,
        compiler_params=pltpu.CompilerParams(needs_layout_passes=False,
                                             use_tc_tiling_on_sc=False),
        scratch_types=[
            pltpu.VMEM((N_PAD,), jnp.float32),
            pltpu.VMEM((N_PAD,), jnp.float32),
            pltpu.VMEM((N_PAD,), jnp.float32),
            pltpu.VMEM((N_PAD,), jnp.float32),
            pltpu.VMEM((EP,), jnp.int32),
            pltpu.VMEM((EP,), jnp.int32),
            pltpu.VMEM((2, NS, NT), jnp.float32),
            pltpu.VMEM((NT,), jnp.float32),
            pltpu.SemaphoreType.DMA,
            pltpu.VMEM_SHARED((NS, 2, N_PAD), jnp.float32),
        ],
    )(y, index)


def _tc2_body(p_ref, c_ref, o_ref):
    m = jnp.maximum(p_ref[0, :, 0:N], p_ref[1, :, 0:N])
    o_ref[...] = jnp.where(m == _NEG, 0.0, c_ref[...] + m)


def _tc2(part, cc):
    return pl.pallas_call(
        _tc2_body,
        out_shape=jax.ShapeDtypeStruct((2, N), jnp.float32),
    )(part, cc)


@jax.jit
def kernel(feat, speaker_feat, spatial_feat, index, W1, b1, W2, b2, We, be):
    b12 = (b1 + b2)[None, :]
    be2 = be[:, None]
    Wf = (W1 + W2[:, :128]).T
    Ws = W2[:, 128:144].T
    Wp = W2[:, 144:160].T

    y = _tc1(feat, speaker_feat.T, spatial_feat.T, Wf, Ws, Wp, We, b12, be2)
    part = _sc(y, index)
    out2 = _tc2(part, y[2:4, 0:N])
    return out2.T

# --- scband reference (transcript-rebuilt; emitter-appended) ---
"""Pipeline reference for scband-feat-trans-53953379173217 (READ-ONLY COPY).

The authoritative reference and input builder live on the scoring server;
editing this copy changes nothing except your own understanding.
"""

import jax, jax.numpy as jnp
import numpy as np

N = 10000
E = 320000
FEAT = 128
SPK = 16
SPA = 16
OUT = 64


def _linear_params(key, out_f, in_f):
    k1, k2 = jax.random.split(key)
    bound = 1.0 / np.sqrt(in_f)
    W = jax.random.uniform(k1, (out_f, in_f), minval=-bound, maxval=bound, dtype=jnp.float32)
    b = jax.random.uniform(k2, (out_f,), minval=-bound, maxval=bound, dtype=jnp.float32)
    return W, b


def setup_inputs(seed: int = 0) -> dict:
    key = jax.random.key(seed)
    ks = jax.random.split(key, 8)
    feat = jax.random.normal(ks[0], (N, FEAT), dtype=jnp.float32)
    speaker_feat = jax.random.normal(ks[1], (N, SPK), dtype=jnp.float32)
    spatial_feat = jax.random.normal(ks[2], (N, SPA), dtype=jnp.float32)
    index = jax.random.randint(ks[3], (2, E), 0, N, dtype=jnp.int32)
    W1, b1 = _linear_params(ks[4], OUT, FEAT)
    W2, b2 = _linear_params(ks[5], OUT, FEAT + SPK + SPA)
    We, be = _linear_params(ks[6], 2, 2 * OUT)
    return {"feat": feat, "speaker_feat": speaker_feat, "spatial_feat": spatial_feat,
            "index": index, "W1": W1, "b1": b1, "W2": W2, "b2": b2, "We": We, "be": be}


def reference(feat, speaker_feat, spatial_feat, index, W1, b1, W2, b2, We, be):
    # fc1
    x1 = feat @ W1.T + b1
    # fc2 on concatenated features
    x2 = jnp.concatenate((feat, speaker_feat, spatial_feat), axis=1) @ W2.T + b2
    x = x1 + x2
    # EdgeConv: message = nn(cat([x_i, x_j - x_i])), aggr = max over incoming edges
    src = index[0]
    dst = index[1]
    x_i = jnp.take(x, dst, axis=0)
    x_j = jnp.take(x, src, axis=0)
    msg = jnp.concatenate((x_i, x_j - x_i), axis=1) @ We.T + be
    out = jax.ops.segment_max(msg, dst, num_segments=N)
    # nodes with no incoming edges get 0 (PyG scatter-max default fill)
    out = jnp.where(jnp.isfinite(out), out, 0.0)
    return out

if __name__ == "__main__":
    import jax
    _d = setup_inputs()
    print(jax.jit(kernel)(*tuple(_d.values())))

</pallas_src>

<mosaic_0001>
#map = affine_map<(d0, d1) -> (0, 0)>
#map1 = affine_map<(d0, d1) -> (0, 0, 0)>
module attributes {stable_mosaic.version = 14 : i64} {
  func.func @_sc_body(%arg0: i32, %arg1: i32, %arg2: memref<4x10240xf32, #tpu.memory_space<hbm>>, %arg3: memref<2x320000xi32, #tpu.memory_space<hbm>>, %arg4: memref<2x2x10240xf32, #tpu.memory_space<hbm>>, %arg5: memref<10240xf32, #tpu.memory_space<vmem>>, %arg6: memref<10240xf32, #tpu.memory_space<vmem>>, %arg7: memref<10240xf32, #tpu.memory_space<vmem>>, %arg8: memref<10240xf32, #tpu.memory_space<vmem>>, %arg9: memref<10000xi32, #tpu.memory_space<vmem>>, %arg10: memref<10000xi32, #tpu.memory_space<vmem>>, %arg11: memref<2x16x640xf32, #tpu.memory_space<vmem>>, %arg12: memref<640xf32, #tpu.memory_space<vmem>>, %arg13: memref<!tpu.dma_semaphore, #tpu.memory_space<semaphore_mem>>, %arg14: memref<16x2x10240xf32, #tpu.memory_space<vmem_shared>>) attributes {dimension_semantics = [#tpu.dimension_semantics<core_parallel>, #tpu.dimension_semantics<subcore_parallel>], iteration_bounds = array<i64: 2, 16>, scalar_prefetch = 0 : i64, scratch_operands = 10 : i64, tpu.core_type = #tpu.core_type<sc_vector_subcore>, window_params = [{transform_indices = #map}, {transform_indices = #map}, {transform_indices = #map1}]} {
    %mul3A = arith.constant 16 : i32
    %mul3A_0 = arith.muli %arg0, %mul3A : i32
    %add3A = arith.addi %mul3A_0, %arg1 : i32
    %dma_start3A = arith.constant 0 : i32
    %dma_start3A_1 = arith.constant 0 : i32
    %dma_start3A_2 = tpu.memref_slice %arg2[%dma_start3A, %dma_start3A_1] : memref<4x10240xf32, #tpu.memory_space<hbm>> -> memref<1x10240xf32, #tpu.memory_space<hbm>>
    %dma_start3A_3 = tpu.memref_squeeze %dma_start3A_2 : memref<1x10240xf32, #tpu.memory_space<hbm>> -> memref<10240xf32, #tpu.memory_space<hbm>>
    %dma_start3A_4 = arith.constant 0 : i32
    %dma_start3A_5 = tpu.memref_slice %arg2[%dma_start3A, %dma_start3A_4] : memref<4x10240xf32, #tpu.memory_space<hbm>> -> memref<1x10240xf32, #tpu.memory_space<hbm>>
    %dma_start3A_6 = tpu.memref_squeeze %dma_start3A_5 : memref<1x10240xf32, #tpu.memory_space<hbm>> -> memref<10240xf32, #tpu.memory_space<hbm>>
    tpu.enqueue_dma source(%dma_start3A_6 : memref<10240xf32, #tpu.memory_space<hbm>>) target(%arg5 : memref<10240xf32, #tpu.memory_space<vmem>>) target_semaphore(%arg13 : memref<!tpu.dma_semaphore, #tpu.memory_space<semaphore_mem>>)
    %dma_start3A_7 = arith.constant 1 : i32
    %dma_start3A_8 = arith.constant 0 : i32
    %dma_start3A_9 = tpu.memref_slice %arg2[%dma_start3A_7, %dma_start3A_8] : memref<4x10240xf32, #tpu.memory_space<hbm>> -> memref<1x10240xf32, #tpu.memory_space<hbm>>
    %dma_start3A_10 = tpu.memref_squeeze %dma_start3A_9 : memref<1x10240xf32, #tpu.memory_space<hbm>> -> memref<10240xf32, #tpu.memory_space<hbm>>
    %dma_start3A_11 = arith.constant 0 : i32
    %dma_start3A_12 = tpu.memref_slice %arg2[%dma_start3A_7, %dma_start3A_11] : memref<4x10240xf32, #tpu.memory_space<hbm>> -> memref<1x10240xf32, #tpu.memory_space<hbm>>
    %dma_start3A_13 = tpu.memref_squeeze %dma_start3A_12 : memref<1x10240xf32, #tpu.memory_space<hbm>> -> memref<10240xf32, #tpu.memory_space<hbm>>
    tpu.enqueue_dma source(%dma_start3A_13 : memref<10240xf32, #tpu.memory_space<hbm>>) target(%arg6 : memref<10240xf32, #tpu.memory_space<vmem>>) target_semaphore(%arg13 : memref<!tpu.dma_semaphore, #tpu.memory_space<semaphore_mem>>)
    %mul3A_14 = arith.constant 10000 : i32
    %mul3A_15 = arith.muli %add3A, %mul3A_14 : i32
    %dma_start3A_16 = arith.constant 0 : i32
    %dma_start3A_17 = tpu.memref_slice %arg3[%dma_start3A_16, %mul3A_15] : memref<2x320000xi32, #tpu.memory_space<hbm>> -> memref<1x10000xi32, #tpu.memory_space<hbm>>
    %dma_start3A_18 = tpu.memref_squeeze %dma_start3A_17 : memref<1x10000xi32, #tpu.memory_space<hbm>> -> memref<10000xi32, #tpu.memory_space<hbm>>
    %dma_start3A_19 = tpu.memref_slice %arg3[%dma_start3A_16, %mul3A_15] : memref<2x320000xi32, #tpu.memory_space<hbm>> -> memref<1x10000xi32, #tpu.memory_space<hbm>>
    %dma_start3A_20 = tpu.memref_squeeze %dma_start3A_19 : memref<1x10000xi32, #tpu.memory_space<hbm>> -> memref<10000xi32, #tpu.memory_space<hbm>>
    tpu.enqueue_dma source(%dma_start3A_20 : memref<10000xi32, #tpu.memory_space<hbm>>) target(%arg9 : memref<10000xi32, #tpu.memory_space<vmem>>) target_semaphore(%arg13 : memref<!tpu.dma_semaphore, #tpu.memory_space<semaphore_mem>>)
    %mul3A_21 = arith.constant 10000 : i32
    %mul3A_22 = arith.muli %add3A, %mul3A_21 : i32
    %dma_start3A_23 = arith.constant 1 : i32
    %dma_start3A_24 = tpu.memref_slice %arg3[%dma_start3A_23, %mul3A_22] : memref<2x320000xi32, #tpu.memory_space<hbm>> -> memref<1x10000xi32, #tpu.memory_space<hbm>>
    %dma_start3A_25 = tpu.memref_squeeze %dma_start3A_24 : memref<1x10000xi32, #tpu.memory_space<hbm>> -> memref<10000xi32, #tpu.memory_space<hbm>>
    %dma_start3A_26 = tpu.memref_slice %arg3[%dma_start3A_23, %mul3A_22] : memref<2x320000xi32, #tpu.memory_space<hbm>> -> memref<1x10000xi32, #tpu.memory_space<hbm>>
    %dma_start3A_27 = tpu.memref_squeeze %dma_start3A_26 : memref<1x10000xi32, #tpu.memory_space<hbm>> -> memref<10000xi32, #tpu.memory_space<hbm>>
    tpu.enqueue_dma source(%dma_start3A_27 : memref<10000xi32, #tpu.memory_space<hbm>>) target(%arg10 : memref<10000xi32, #tpu.memory_space<vmem>>) target_semaphore(%arg13 : memref<!tpu.dma_semaphore, #tpu.memory_space<semaphore_mem>>)
    %broadcast_in_dim3A = arith.constant 0xFF800000 : f32
    %broadcast_in_dim3A_28 = vector.broadcast %broadcast_in_dim3A : f32 to vector<16xf32>
    "tpu.trace_start"() <{level = 10 : i32, message = "sc_stage"}> : () -> ()
    %scan3A = arith.constant 0 : i32
    %scan3A_29 = arith.constant 0 : i32
    %scan3A_30 = arith.constant 640 : i32
    %scan3A_31 = arith.addi %scan3A_29, %scan3A_30 : i32
    %scan3A_32 = arith.constant 1 : i32
    %scan3A_33 = scf.for %scan3A_1009 = %scan3A_29 to %scan3A_31 step %scan3A_32 iter_args(%scan3A_1010 = %scan3A) -> (i32)  : i32 {
      %mul3A_1011 = arith.constant 16 : i32
      %mul3A_1012 = arith.muli %scan3A_1009, %mul3A_1011 : i32
      %swap3A = arith.index_cast %mul3A_1012 : i32 to index
      %swap3A_1013 = tpu.vector_load %arg7[%swap3A] {strides = array<i32>} : memref<10240xf32, #tpu.memory_space<vmem>>, vector<16xf32>,
      tpu.vector_store %arg7[%swap3A], %broadcast_in_dim3A_28 {strides = array<i32>} : memref<10240xf32, #tpu.memory_space<vmem>>, vector<16xf32>,
      %mul3A_1014 = arith.constant 16 : i32
      %mul3A_1015 = arith.muli %scan3A_1009, %mul3A_1014 : i32
      %swap3A_1016 = arith.index_cast %mul3A_1015 : i32 to index
      %swap3A_1017 = tpu.vector_load %arg8[%swap3A_1016] {strides = array<i32>} : memref<10240xf32, #tpu.memory_space<vmem>>, vector<16xf32>,
      tpu.vector_store %arg8[%swap3A_1016], %broadcast_in_dim3A_28 {strides = array<i32>} : memref<10240xf32, #tpu.memory_space<vmem>>, vector<16xf32>,
      %scan3A_1018 = arith.constant 0 : i32
      scf.yield %scan3A_1018 : i32
    }
    %scan3A_34 = arith.constant 640 : i32
    %dma_wait3A = arith.constant 0 : i32
    %dma_wait3A_35 = arith.constant 0 : i32
    %dma_wait3A_36 = tpu.memref_slice %arg2[%dma_wait3A, %dma_wait3A_35] : memref<4x10240xf32, #tpu.memory_space<hbm>> -> memref<1x10240xf32, #tpu.memory_space<hbm>>
    %dma_wait3A_37 = tpu.memref_squeeze %dma_wait3A_36 : memref<1x10240xf32, #tpu.memory_space<hbm>> -> memref<10240xf32, #tpu.memory_space<hbm>>
    %dma_wait3A_38 = arith.constant 0 : i32
    %dma_wait3A_39 = tpu.memref_slice %arg2[%dma_wait3A, %dma_wait3A_38] : memref<4x10240xf32, #tpu.memory_space<hbm>> -> memref<1x10240xf32, #tpu.memory_space<hbm>>
    %dma_wait3A_40 = tpu.memref_squeeze %dma_wait3A_39 : memref<1x10240xf32, #tpu.memory_space<hbm>> -> memref<10240xf32, #tpu.memory_space<hbm>>
    tpu.wait_dma2 semaphore(%arg13 : memref<!tpu.dma_semaphore, #tpu.memory_space<semaphore_mem>>) src(%dma_wait3A_40 : memref<10240xf32, #tpu.memory_space<hbm>>) dst(%arg5 : memref<10240xf32, #tpu.memory_space<vmem>>)
    %dma_wait3A_41 = arith.constant 1 : i32
    %dma_wait3A_42 = arith.constant 0 : i32
    %dma_wait3A_43 = tpu.memref_slice %arg2[%dma_wait3A_41, %dma_wait3A_42] : memref<4x10240xf32, #tpu.memory_space<hbm>> -> memref<1x10240xf32, #tpu.memory_space<hbm>>
    %dma_wait3A_44 = tpu.memref_squeeze %dma_wait3A_43 : memref<1x10240xf32, #tpu.memory_space<hbm>> -> memref<10240xf32, #tpu.memory_space<hbm>>
    %dma_wait3A_45 = arith.constant 0 : i32
    %dma_wait3A_46 = tpu.memref_slice %arg2[%dma_wait3A_41, %dma_wait3A_45] : memref<4x10240xf32, #tpu.memory_space<hbm>> -> memref<1x10240xf32, #tpu.memory_space<hbm>>
    %dma_wait3A_47 = tpu.memref_squeeze %dma_wait3A_46 : memref<1x10240xf32, #tpu.memory_space<hbm>> -> memref<10240xf32, #tpu.memory_space<hbm>>
    tpu.wait_dma2 semaphore(%arg13 : memref<!tpu.dma_semaphore, #tpu.memory_space<semaphore_mem>>) src(%dma_wait3A_47 : memref<10240xf32, #tpu.memory_space<hbm>>) dst(%arg6 : memref<10240xf32, #tpu.memory_space<vmem>>)
    %dma_wait3A_48 = arith.constant 0 : i32
    %dma_wait3A_49 = tpu.memref_slice %arg3[%dma_wait3A_48, %mul3A_15] : memref<2x320000xi32, #tpu.memory_space<hbm>> -> memref<1x10000xi32, #tpu.memory_space<hbm>>
    %dma_wait3A_50 = tpu.memref_squeeze %dma_wait3A_49 : memref<1x10000xi32, #tpu.memory_space<hbm>> -> memref<10000xi32, #tpu.memory_space<hbm>>
    %dma_wait3A_51 = tpu.memref_slice %arg3[%dma_wait3A_48, %mul3A_15] : memref<2x320000xi32, #tpu.memory_space<hbm>> -> memref<1x10000xi32, #tpu.memory_space<hbm>>
    %dma_wait3A_52 = tpu.memref_squeeze %dma_wait3A_51 : memref<1x10000xi32, #tpu.memory_space<hbm>> -> memref<10000xi32, #tpu.memory_space<hbm>>
    tpu.wait_dma2 semaphore(%arg13 : memref<!tpu.dma_semaphore, #tpu.memory_space<semaphore_mem>>) src(%dma_wait3A_52 : memref<10000xi32, #tpu.memory_space<hbm>>) dst(%arg9 : memref<10000xi32, #tpu.memory_space<vmem>>)
    %dma_wait3A_53 = arith.constant 1 : i32
    %dma_wait3A_54 = tpu.memref_slice %arg3[%dma_wait3A_53, %mul3A_22] : memref<2x320000xi32, #tpu.memory_space<hbm>> -> memref<1x10000xi32, #tpu.memory_space<hbm>>
    %dma_wait3A_55 = tpu.memref_squeeze %dma_wait3A_54 : memref<1x10000xi32, #tpu.memory_space<hbm>> -> memref<10000xi32, #tpu.memory_space<hbm>>
    %dma_wait3A_56 = tpu.memref_slice %arg3[%dma_wait3A_53, %mul3A_22] : memref<2x320000xi32, #tpu.memory_space<hbm>> -> memref<1x10000xi32, #tpu.memory_space<hbm>>
    %dma_wait3A_57 = tpu.memref_squeeze %dma_wait3A_56 : memref<1x10000xi32, #tpu.memory_space<hbm>> -> memref<10000xi32, #tpu.memory_space<hbm>>
    tpu.wait_dma2 semaphore(%arg13 : memref<!tpu.dma_semaphore, #tpu.memory_space<semaphore_mem>>) src(%dma_wait3A_57 : memref<10000xi32, #tpu.memory_space<hbm>>) dst(%arg10 : memref<10000xi32, #tpu.memory_space<vmem>>)
    "tpu.trace_stop"() : () -> ()
    %iota3A = tpu.iota {dimensions = array<i32: 0>} : vector<16xi32>
    %eq3A = arith.constant 15 : i32
    %eq3A_58 = vector.broadcast %eq3A : i32 to vector<16xi32>
    %eq3A_59 = arith.cmpi eq, %iota3A, %eq3A_58 : vector<16xi32>
    %sub3A = arith.constant 1 : i32
    %sub3A_60 = vector.broadcast %sub3A : i32 to vector<16xi32>
    %sub3A_61 = arith.subi %iota3A, %sub3A_60 : vector<16xi32>
    %max3A = arith.constant 0 : i32
    %max3A_62 = vector.broadcast %max3A : i32 to vector<16xi32>
    %max3A_63 = arith.maxsi %sub3A_61, %max3A_62 : vector<16xi32>
    %sub3A_64 = arith.constant 2 : i32
    %sub3A_65 = vector.broadcast %sub3A_64 : i32 to vector<16xi32>
    %sub3A_66 = arith.subi %iota3A, %sub3A_65 : vector<16xi32>
    %max3A_67 = arith.constant 0 : i32
    %max3A_68 = vector.broadcast %max3A_67 : i32 to vector<16xi32>
    %max3A_69 = arith.maxsi %sub3A_66, %max3A_68 : vector<16xi32>
    %sub3A_70 = arith.constant 4 : i32
    %sub3A_71 = vector.broadcast %sub3A_70 : i32 to vector<16xi32>
    %sub3A_72 = arith.subi %iota3A, %sub3A_71 : vector<16xi32>
    %max3A_73 = arith.constant 0 : i32
    %max3A_74 = vector.broadcast %max3A_73 : i32 to vector<16xi32>
    %max3A_75 = arith.maxsi %sub3A_72, %max3A_74 : vector<16xi32>
    %sub3A_76 = arith.constant 8 : i32
    %sub3A_77 = vector.broadcast %sub3A_76 : i32 to vector<16xi32>
    %sub3A_78 = arith.subi %iota3A, %sub3A_77 : vector<16xi32>
    %max3A_79 = arith.constant 0 : i32
    %max3A_80 = vector.broadcast %max3A_79 : i32 to vector<16xi32>
    %max3A_81 = arith.maxsi %sub3A_78, %max3A_80 : vector<16xi32>
    %add3A_82 = arith.constant 1 : i32
    %add3A_83 = vector.broadcast %add3A_82 : i32 to vector<16xi32>
    %add3A_84 = arith.addi %iota3A, %add3A_83 : vector<16xi32>
    %min3A = arith.constant 15 : i32
    %min3A_85 = vector.broadcast %min3A : i32 to vector<16xi32>
    %min3A_86 = arith.minsi %add3A_84, %min3A_85 : vector<16xi32>
    "tpu.trace_start"() <{level = 10 : i32, message = "sc_edges"}> : () -> ()
    %scan3A_87 = arith.constant 0 : i32
    %scan3A_88 = arith.constant 0 : i32
    %scan3A_89 = arith.constant 25 : i32
    %scan3A_90 = arith.addi %scan3A_88, %scan3A_89 : i32
    %scan3A_91 = arith.constant 1 : i32
    %scan3A_92 = scf.for %scan3A_1009 = %scan3A_88 to %scan3A_90 step %scan3A_91 iter_args(%scan3A_1010 = %scan3A_87) -> (i32)  : i32 {
      %mul3A_1011 = arith.constant 25 : i32
      %mul3A_1012 = arith.muli %scan3A_1009, %mul3A_1011 : i32
      %add3A_1013 = arith.constant 0 : i32
      %add3A_1014 = arith.addi %mul3A_1012, %add3A_1013 : i32
      %mul3A_1015 = arith.constant 16 : i32
      %mul3A_1016 = arith.muli %add3A_1014, %mul3A_1015 : i32
      %get3A = arith.index_cast %mul3A_1016 : i32 to index
      %get3A_1017 = tpu.vector_load %arg10[%get3A] {strides = array<i32>} : memref<10000xi32, #tpu.memory_space<vmem>>, vector<16xi32>,
      %mul3A_1018 = arith.constant 16 : i32
      %mul3A_1019 = arith.muli %add3A_1014, %mul3A_1018 : i32
      %get3A_1020 = arith.index_cast %mul3A_1019 : i32 to index
      %get3A_1021 = tpu.vector_load %arg9[%get3A_1020] {strides = array<i32>} : memref<10000xi32, #tpu.memory_space<vmem>>, vector<16xi32>,
      %masked_sort3A = arith.constant dense<true> : vector<16xi1>
      %masked_sort3A_1022 = arith.constant -2147483648 : i32
      %masked_sort3A_1023 = vector.broadcast %masked_sort3A_1022 : i32 to vector<16xi32>
      %masked_sort3A_1024 = arith.xori %get3A_1017, %masked_sort3A_1023 : vector<16xi32>
      %masked_sort3A_1025, %masked_sort3A_1026, %masked_sort3A_1027 = tpu.sort %masked_sort3A_1024, %iota3A masked %masked_sort3A : (vector<16xi32>, vector<16xi32>, vector<16xi1>) -> (vector<16xi1>, vector<16xi32>, vector<16xi32>)
      %masked_sort3A_1028 = arith.xori %masked_sort3A_1026, %masked_sort3A_1023 : vector<16xi32>
      %broadcast_in_dim3A_1029 = vector.shape_cast %masked_sort3A_1027 : vector<16xi32> to vector<16x1xi32>
      %gather3A = vector.shape_cast %broadcast_in_dim3A_1029 : vector<16x1xi32> to vector<16xi32>
      %gather3A_1030 = tpu.dynamic_gather %get3A_1021[%gather3A] in [0] : vector<16xi32>, vector<16xi32> -> vector<16xi32>
      %gather3A_1031 = tpu.vector_load_idx %arg5[%gather3A_1030] : memref<10240xf32, #tpu.memory_space<vmem>>[vector<16xi32>], vector<16xf32>,
      %gather3A_1032 = tpu.vector_load_idx %arg6[%gather3A_1030] : memref<10240xf32, #tpu.memory_space<vmem>>[vector<16xi32>], vector<16xf32>,
      %broadcast_in_dim3A_1033 = vector.shape_cast %max3A_63 : vector<16xi32> to vector<16x1xi32>
      %gather3A_1034 = vector.shape_cast %broadcast_in_dim3A_1033 : vector<16x1xi32> to vector<16xi32>
      %gather3A_1035 = tpu.dynamic_gather %masked_sort3A_1028[%gather3A_1034] in [0] : vector<16xi32>, vector<16xi32> -> vector<16xi32>
      %eq3A_1036 = arith.cmpi eq, %gather3A_1035, %masked_sort3A_1028 : vector<16xi32>
      %broadcast_in_dim3A_1037 = vector.shape_cast %max3A_63 : vector<16xi32> to vector<16x1xi32>
      %gather3A_1038 = vector.shape_cast %broadcast_in_dim3A_1037 : vector<16x1xi32> to vector<16xi32>
      %gather3A_1039 = tpu.dynamic_gather %gather3A_1031[%gather3A_1038] in [0] : vector<16xf32>, vector<16xi32> -> vector<16xf32>
      %max3A_1040 = arith.maximumf %gather3A_1031, %gather3A_1039 : vector<16xf32>
      %select_n3A = arith.select %eq3A_1036, %max3A_1040, %gather3A_1031 : vector<16xi1>, vector<16xf32>
      %broadcast_in_dim3A_1041 = vector.shape_cast %max3A_63 : vector<16xi32> to vector<16x1xi32>
      %gather3A_1042 = vector.shape_cast %broadcast_in_dim3A_1041 : vector<16x1xi32> to vector<16xi32>
      %gather3A_1043 = tpu.dynamic_gather %gather3A_1032[%gather3A_1042] in [0] : vector<16xf32>, vector<16xi32> -> vector<16xf32>
      %max3A_1044 = arith.maximumf %gather3A_1032, %gather3A_1043 : vector<16xf32>
      %select_n3A_1045 = arith.select %eq3A_1036, %max3A_1044, %gather3A_1032 : vector<16xi1>, vector<16xf32>
      %broadcast_in_dim3A_1046 = vector.shape_cast %max3A_69 : vector<16xi32> to vector<16x1xi32>
      %gather3A_1047 = vector.shape_cast %broadcast_in_dim3A_1046 : vector<16x1xi32> to vector<16xi32>
      %gather3A_1048 = tpu.dynamic_gather %masked_sort3A_1028[%gather3A_1047] in [0] : vector<16xi32>, vector<16xi32> -> vector<16xi32>
      %eq3A_1049 = arith.cmpi eq, %gather3A_1048, %masked_sort3A_1028 : vector<16xi32>
      %broadcast_in_dim3A_1050 = vector.shape_cast %max3A_69 : vector<16xi32> to vector<16x1xi32>
      %gather3A_1051 = vector.shape_cast %broadcast_in_dim3A_1050 : vector<16x1xi32> to vector<16xi32>
      %gather3A_1052 = tpu.dynamic_gather %select_n3A[%gather3A_1051] in [0] : vector<16xf32>, vector<16xi32> -> vector<16xf32>
      %max3A_1053 = arith.maximumf %select_n3A, %gather3A_1052 : vector<16xf32>
      %select_n3A_1054 = arith.select %eq3A_1049, %max3A_1053, %select_n3A : vector<16xi1>, vector<16xf32>
      %broadcast_in_dim3A_1055 = vector.shape_cast %max3A_69 : vector<16xi32> to vector<16x1xi32>
      %gather3A_1056 = vector.shape_cast %broadcast_in_dim3A_1055 : vector<16x1xi32> to vector<16xi32>
      %gather3A_1057 = tpu.dynamic_gather %select_n3A_1045[%gather3A_1056] in [0] : vector<16xf32>, vector<16xi32> -> vector<16xf32>
      %max3A_1058 = arith.maximumf %select_n3A_1045, %gather3A_1057 : vector<16xf32>
      %select_n3A_1059 = arith.select %eq3A_1049, %max3A_1058, %select_n3A_1045 : vector<16xi1>, vector<16xf32>
      %broadcast_in_dim3A_1060 = vector.shape_cast %max3A_75 : vector<16xi32> to vector<16x1xi32>
      %gather3A_1061 = vector.shape_cast %broadcast_in_dim3A_1060 : vector<16x1xi32> to vector<16xi32>
      %gather3A_1062 = tpu.dynamic_gather %masked_sort3A_1028[%gather3A_1061] in [0] : vector<16xi32>, vector<16xi32> -> vector<16xi32>
      %eq3A_1063 = arith.cmpi eq, %gather3A_1062, %masked_sort3A_1028 : vector<16xi32>
      %broadcast_in_dim3A_1064 = vector.shape_cast %max3A_75 : vector<16xi32> to vector<16x1xi32>
      %gather3A_1065 = vector.shape_cast %broadcast_in_dim3A_1064 : vector<16x1xi32> to vector<16xi32>
      %gather3A_1066 = tpu.dynamic_gather %select_n3A_1054[%gather3A_1065] in [0] : vector<16xf32>, vector<16xi32> -> vector<16xf32>
      %max3A_1067 = arith.maximumf %select_n3A_1054, %gather3A_1066 : vector<16xf32>
      %select_n3A_1068 = arith.select %eq3A_1063, %max3A_1067, %select_n3A_1054 : vector<16xi1>, vector<16xf32>
      %broadcast_in_dim3A_1069 = vector.shape_cast %max3A_75 : vector<16xi32> to vector<16x1xi32>
      %gather3A_1070 = vector.shape_cast %broadcast_in_dim3A_1069 : vector<16x1xi32> to vector<16xi32>
      %gather3A_1071 = tpu.dynamic_gather %select_n3A_1059[%gather3A_1070] in [0] : vector<16xf32>, vector<16xi32> -> vector<16xf32>
      %max3A_1072 = arith.maximumf %select_n3A_1059, %gather3A_1071 : vector<16xf32>
      %select_n3A_1073 = arith.select %eq3A_1063, %max3A_1072, %select_n3A_1059 : vector<16xi1>, vector<16xf32>
      %broadcast_in_dim3A_1074 = vector.shape_cast %max3A_81 : vector<16xi32> to vector<16x1xi32>
      %gather3A_1075 = vector.shape_cast %broadcast_in_dim3A_1074 : vector<16x1xi32> to vector<16xi32>
      %gather3A_1076 = tpu.dynamic_gather %masked_sort3A_1028[%gather3A_1075] in [0] : vector<16xi32>, vector<16xi32> -> vector<16xi32>
      %eq3A_1077 = arith.cmpi eq, %gather3A_1076, %masked_sort3A_1028 : vector<16xi32>
      %broadcast_in_dim3A_1078 = vector.shape_cast %max3A_81 : vector<16xi32> to vector<16x1xi32>
      %gather3A_1079 = vector.shape_cast %broadcast_in_dim3A_1078 : vector<16x1xi32> to vector<16xi32>
      %gather3A_1080 = tpu.dynamic_gather %select_n3A_1068[%gather3A_1079] in [0] : vector<16xf32>, vector<16xi32> -> vector<16xf32>
      %max3A_1081 = arith.maximumf %select_n3A_1068, %gather3A_1080 : vector<16xf32>
      %select_n3A_1082 = arith.select %eq3A_1077, %max3A_1081, %select_n3A_1068 : vector<16xi1>, vector<16xf32>
      %broadcast_in_dim3A_1083 = vector.shape_cast %max3A_81 : vector<16xi32> to vector<16x1xi32>
      %gather3A_1084 = vector.shape_cast %broadcast_in_dim3A_1083 : vector<16x1xi32> to vector<16xi32>
      %gather3A_1085 = tpu.dynamic_gather %select_n3A_1073[%gather3A_1084] in [0] : vector<16xf32>, vector<16xi32> -> vector<16xf32>
      %max3A_1086 = arith.maximumf %select_n3A_1073, %gather3A_1085 : vector<16xf32>
      %select_n3A_1087 = arith.select %eq3A_1077, %max3A_1086, %select_n3A_1073 : vector<16xi1>, vector<16xf32>
      %broadcast_in_dim3A_1088 = vector.shape_cast %min3A_86 : vector<16xi32> to vector<16x1xi32>
      %gather3A_1089 = vector.shape_cast %broadcast_in_dim3A_1088 : vector<16x1xi32> to vector<16xi32>
      %gather3A_1090 = tpu.dynamic_gather %masked_sort3A_1028[%gather3A_1089] in [0] : vector<16xi32>, vector<16xi32> -> vector<16xi32>
      %ne3A = arith.cmpi ne, %gather3A_1090, %masked_sort3A_1028 : vector<16xi32>
      %or3A = arith.ori %ne3A, %eq3A_59 : vector<16xi1>
      %gather3A_1091 = tpu.vector_load_idx %arg7[%masked_sort3A_1028] : memref<10240xf32, #tpu.memory_space<vmem>>[vector<16xi32>], vector<16xf32>,
      %gather3A_1092 = tpu.vector_load_idx %arg8[%masked_sort3A_1028] : memref<10240xf32, #tpu.memory_space<vmem>>[vector<16xi32>], vector<16xf32>,
      %max3A_1093 = arith.maximumf %gather3A_1091, %select_n3A_1082 : vector<16xf32>
      tpu.vector_store_idx %arg7[%masked_sort3A_1028], %max3A_1093 masked %or3A : memref<10240xf32, #tpu.memory_space<vmem>>[vector<16xi32>], vector<16xf32>, vector<16xi1>
      %max3A_1094 = arith.maximumf %gather3A_1092, %select_n3A_1087 : vector<16xf32>
      tpu.vector_store_idx %arg8[%masked_sort3A_1028], %max3A_1094 masked %or3A : memref<10240xf32, #tpu.memory_space<vmem>>[vector<16xi32>], vector<16xf32>, vector<16xi1>
      %mul3A_1095 = arith.constant 25 : i32
      %mul3A_1096 = arith.muli %scan3A_1009, %mul3A_1095 : i32
      %add3A_1097 = arith.constant 1 : i32
      %add3A_1098 = arith.addi %mul3A_1096, %add3A_1097 : i32
      %mul3A_1099 = arith.constant 16 : i32
      %mul3A_1100 = arith.muli %add3A_1098, %mul3A_1099 : i32
      %get3A_1101 = arith.index_cast %mul3A_1100 : i32 to index
      %get3A_1102 = tpu.vector_load %arg10[%get3A_1101] {strides = array<i32>} : memref<10000xi32, #tpu.memory_space<vmem>>, vector<16xi32>,
      %mul3A_1103 = arith.constant 16 : i32
      %mul3A_1104 = arith.muli %add3A_1098, %mul3A_1103 : i32
      %get3A_1105 = arith.index_cast %mul3A_1104 : i32 to index
      %get3A_1106 = tpu.vector_load %arg9[%get3A_1105] {strides = array<i32>} : memref<10000xi32, #tpu.memory_space<vmem>>, vector<16xi32>,
      %masked_sort3A_1107 = arith.constant dense<true> : vector<16xi1>
      %masked_sort3A_1108 = arith.constant -2147483648 : i32
      %masked_sort3A_1109 = vector.broadcast %masked_sort3A_1108 : i32 to vector<16xi32>
      %masked_sort3A_1110 = arith.xori %get3A_1102, %masked_sort3A_1109 : vector<16xi32>
      %masked_sort3A_1111, %masked_sort3A_1112, %masked_sort3A_1113 = tpu.sort %masked_sort3A_1110, %iota3A masked %masked_sort3A_1107 : (vector<16xi32>, vector<16xi32>, vector<16xi1>) -> (vector<16xi1>, vector<16xi32>, vector<16xi32>)
      %masked_sort3A_1114 = arith.xori %masked_sort3A_1112, %masked_sort3A_1109 : vector<16xi32>
      %broadcast_in_dim3A_1115 = vector.shape_cast %masked_sort3A_1113 : vector<16xi32> to vector<16x1xi32>
      %gather3A_1116 = vector.shape_cast %broadcast_in_dim3A_1115 : vector<16x1xi32> to vector<16xi32>
      %gather3A_1117 = tpu.dynamic_gather %get3A_1106[%gather3A_1116] in [0] : vector<16xi32>, vector<16xi32> -> vector<16xi32>
      %gather3A_1118 = tpu.vector_load_idx %arg5[%gather3A_1117] : memref<10240xf32, #tpu.memory_space<vmem>>[vector<16xi32>], vector<16xf32>,
      %gather3A_1119 = tpu.vector_load_idx %arg6[%gather3A_1117] : memref<10240xf32, #tpu.memory_space<vmem>>[vector<16xi32>], vector<16xf32>,
      %broadcast_in_dim3A_1120 = vector.shape_cast %max3A_63 : vector<16xi32> to vector<16x1xi32>
      %gather3A_1121 = vector.shape_cast %broadcast_in_dim3A_1120 : vector<16x1xi32> to vector<16xi32>
      %gather3A_1122 = tpu.dynamic_gather %masked_sort3A_1114[%gather3A_1121] in [0] : vector<16xi32>, vector<16xi32> -> vector<16xi32>
      %eq3A_1123 = arith.cmpi eq, %gather3A_1122, %masked_sort3A_1114 : vector<16xi32>
      %broadcast_in_dim3A_1124 = vector.shape_cast %max3A_63 : vector<16xi32> to vector<16x1xi32>
      %gather3A_1125 = vector.shape_cast %broadcast_in_dim3A_1124 : vector<16x1xi32> to vector<16xi32>
      %gather3A_1126 = tpu.dynamic_gather %gather3A_1118[%gather3A_1125] in [0] : vector<16xf32>, vector<16xi32> -> vector<16xf32>
      %max3A_1127 = arith.maximumf %gather3A_1118, %gather3A_1126 : vector<16xf32>
      %select_n3A_1128 = arith.select %eq3A_1123, %max3A_1127, %gather3A_1118 : vector<16xi1>, vector<16xf32>
      %broadcast_in_dim3A_1129 = vector.shape_cast %max3A_63 : vector<16xi32> to vector<16x1xi32>
      %gather3A_1130 = vector.shape_cast %broadcast_in_dim3A_1129 : vector<16x1xi32> to vector<16xi32>
      %gather3A_1131 = tpu.dynamic_gather %gather3A_1119[%gather3A_1130] in [0] : vector<16xf32>, vector<16xi32> -> vector<16xf32>
      %max3A_1132 = arith.maximumf %gather3A_1119, %gather3A_1131 : vector<16xf32>
      %select_n3A_1133 = arith.select %eq3A_1123, %max3A_1132, %gather3A_1119 : vector<16xi1>, vector<16xf32>
      %broadcast_in_dim3A_1134 = vector.shape_cast %max3A_69 : vector<16xi32> to vector<16x1xi32>
      %gather3A_1135 = vector.shape_cast %broadcast_in_dim3A_1134 : vector<16x1xi32> to vector<16xi32>
      %gather3A_1136 = tpu.dynamic_gather %masked_sort3A_1114[%gather3A_1135] in [0] : vector<16xi32>, vector<16xi32> -> vector<16xi32>
      %eq3A_1137 = arith.cmpi eq, %gather3A_1136, %masked_sort3A_1114 : vector<16xi32>
      %broadcast_in_dim3A_1138 = vector.shape_cast %max3A_69 : vector<16xi32> to vector<16x1xi32>
      %gather3A_1139 = vector.shape_cast %broadcast_in_dim3A_1138 : vector<16x1xi32> to vector<16xi32>
      %gather3A_1140 = tpu.dynamic_gather %select_n3A_1128[%gather3A_1139] in [0] : vector<16xf32>, vector<16xi32> -> vector<16xf32>
      %max3A_1141 = arith.maximumf %select_n3A_1128, %gather3A_1140 : vector<16xf32>
      %select_n3A_1142 = arith.select %eq3A_1137, %max3A_1141, %select_n3A_1128 : vector<16xi1>, vector<16xf32>
      %broadcast_in_dim3A_1143 = vector.shape_cast %max3A_69 : vector<16xi32> to vector<16x1xi32>
      %gather3A_1144 = vector.shape_cast %broadcast_in_dim3A_1143 : vector<16x1xi32> to vector<16xi32>
      %gather3A_1145 = tpu.dynamic_gather %select_n3A_1133[%gather3A_1144] in [0] : vector<16xf32>, vector<16xi32> -> vector<16xf32>
      %max3A_1146 = arith.maximumf %select_n3A_1133, %gather3A_1145 : vector<16xf32>
      %select_n3A_1147 = arith.select %eq3A_1137, %max3A_1146, %select_n3A_1133 : vector<16xi1>, vector<16xf32>
      %broadcast_in_dim3A_1148 = vector.shape_cast %max3A_75 : vector<16xi32> to vector<16x1xi32>
      %gather3A_1149 = vector.shape_cast %broadcast_in_dim3A_1148 : vector<16x1xi32> to vector<16xi32>
      %gather3A_1150 = tpu.dynamic_gather %masked_sort3A_1114[%gather3A_1149] in [0] : vector<16xi32>, vector<16xi32> -> vector<16xi32>
      %eq3A_1151 = arith.cmpi eq, %gather3A_1150, %masked_sort3A_1114 : vector<16xi32>
      %broadcast_in_dim3A_1152 = vector.shape_cast %max3A_75 : vector<16xi32> to vector<16x1xi32>
      %gather3A_1153 = vector.shape_cast %broadcast_in_dim3A_1152 : vector<16x1xi32> to vector<16xi32>
      %gather3A_1154 = tpu.dynamic_gather %select_n3A_1142[%gather3A_1153] in [0] : vector<16xf32>, vector<16xi32> -> vector<16xf32>
      %max3A_1155 = arith.maximumf %select_n3A_1142, %gather3A_1154 : vector<16xf32>
      %select_n3A_1156 = arith.select %eq3A_1151, %max3A_1155, %select_n3A_1142 : vector<16xi1>, vector<16xf32>
      %broadcast_in_dim3A_1157 = vector.shape_cast %max3A_75 : vector<16xi32> to vector<16x1xi32>
      %gather3A_1158 = vector.shape_cast %broadcast_in_dim3A_1157 : vector<16x1xi32> to vector<16xi32>
      %gather3A_1159 = tpu.dynamic_gather %select_n3A_1147[%gather3A_1158] in [0] : vector<16xf32>, vector<16xi32> -> vector<16xf32>
      %max3A_1160 = arith.maximumf %select_n3A_1147, %gather3A_1159 : vector<16xf32>
      %select_n3A_1161 = arith.select %eq3A_1151, %max3A_1160, %select_n3A_1147 : vector<16xi1>, vector<16xf32>
      %broadcast_in_dim3A_1162 = vector.shape_cast %max3A_81 : vector<16xi32> to vector<16x1xi32>
      %gather3A_1163 = vector.shape_cast %broadcast_in_dim3A_1162 : vector<16x1xi32> to vector<16xi32>
      %gather3A_1164 = tpu.dynamic_gather %masked_sort3A_1114[%gather3A_1163] in [0] : vector<16xi32>, vector<16xi32> -> vector<16xi32>
      %eq3A_1165 = arith.cmpi eq, %gather3A_1164, %masked_sort3A_1114 : vector<16xi32>
      %broadcast_in_dim3A_1166 = vector.shape_cast %max3A_81 : vector<16xi32> to vector<16x1xi32>
      %gather3A_1167 = vector.shape_cast %broadcast_in_dim3A_1166 : vector<16x1xi32> to vector<16xi32>
      %gather3A_1168 = tpu.dynamic_gather %select_n3A_1156[%gather3A_1167] in [0] : vector<16xf32>, vector<16xi32> -> vector<16xf32>
      %max3A_1169 = arith.maximumf %select_n3A_1156, %gather3A_1168 : vector<16xf32>
      %select_n3A_1170 = arith.select %eq3A_1165, %max3A_1169, %select_n3A_1156 : vector<16xi1>, vector<16xf32>
      %broadcast_in_dim3A_1171 = vector.shape_cast %max3A_81 : vector<16xi32> to vector<16x1xi32>
      %gather3A_1172 = vector.shape_cast %broadcast_in_dim3A_1171 : vector<16x1xi32> to vector<16xi32>
      %gather3A_1173 = tpu.dynamic_gather %select_n3A_1161[%gather3A_1172] in [0] : vector<16xf32>, vector<16xi32> -> vector<16xf32>
      %max3A_1174 = arith.maximumf %select_n3A_1161, %gather3A_1173 : vector<16xf32>
      %select_n3A_1175 = arith.select %eq3A_1165, %max3A_1174, %select_n3A_1161 : vector<16xi1>, vector<16xf32>
      %broadcast_in_dim3A_1176 = vector.shape_cast %min3A_86 : vector<16xi32> to vector<16x1xi32>
      %gather3A_1177 = vector.shape_cast %broadcast_in_dim3A_1176 : vector<16x1xi32> to vector<16xi32>
      %gather3A_1178 = tpu.dynamic_gather %masked_sort3A_1114[%gather3A_1177] in [0] : vector<16xi32>, vector<16xi32> -> vector<16xi32>
      %ne3A_1179 = arith.cmpi ne, %gather3A_1178, %masked_sort3A_1114 : vector<16xi32>
      %or3A_1180 = arith.ori %ne3A_1179, %eq3A_59 : vector<16xi1>
      %gather3A_1181 = tpu.vector_load_idx %arg7[%masked_sort3A_1114] : memref<10240xf32, #tpu.memory_space<vmem>>[vector<16xi32>], vector<16xf32>,
      %gather3A_1182 = tpu.vector_load_idx %arg8[%masked_sort3A_1114] : memref<10240xf32, #tpu.memory_space<vmem>>[vector<16xi32>], vector<16xf32>,
      %max3A_1183 = arith.maximumf %gather3A_1181, %select_n3A_1170 : vector<16xf32>
      tpu.vector_store_idx %arg7[%masked_sort3A_1114], %max3A_1183 masked %or3A_1180 : memref<10240xf32, #tpu.memory_space<vmem>>[vector<16xi32>], vector<16xf32>, vector<16xi1>
      %max3A_1184 = arith.maximumf %gather3A_1182, %select_n3A_1175 : vector<16xf32>
      tpu.vector_store_idx %arg8[%masked_sort3A_1114], %max3A_1184 masked %or3A_1180 : memref<10240xf32, #tpu.memory_space<vmem>>[vector<16xi32>], vector<16xf32>, vector<16xi1>
      %mul3A_1185 = arith.constant 25 : i32
      %mul3A_1186 = arith.muli %scan3A_1009, %mul3A_1185 : i32
      %add3A_1187 = arith.constant 2 : i32
      %add3A_1188 = arith.addi %mul3A_1186, %add3A_1187 : i32
      %mul3A_1189 = arith.constant 16 : i32
      %mul3A_1190 = arith.muli %add3A_1188, %mul3A_1189 : i32
      %get3A_1191 = arith.index_cast %mul3A_1190 : i32 to index
      %get3A_1192 = tpu.vector_load %arg10[%get3A_1191] {strides = array<i32>} : memref<10000xi32, #tpu.memory_space<vmem>>, vector<16xi32>,
      %mul3A_1193 = arith.constant 16 : i32
      %mul3A_1194 = arith.muli %add3A_1188, %mul3A_1193 : i32
      %get3A_1195 = arith.index_cast %mul3A_1194 : i32 to index
      %get3A_1196 = tpu.vector_load %arg9[%get3A_1195] {strides = array<i32>} : memref<10000xi32, #tpu.memory_space<vmem>>, vector<16xi32>,
      %masked_sort3A_1197 = arith.constant dense<true> : vector<16xi1>
      %masked_sort3A_1198 = arith.constant -2147483648 : i32
      %masked_sort3A_1199 = vector.broadcast %masked_sort3A_1198 : i32 to vector<16xi32>
      %masked_sort3A_1200 = arith.xori %get3A_1192, %masked_sort3A_1199 : vector<16xi32>
      %masked_sort3A_1201, %masked_sort3A_1202, %masked_sort3A_1203 = tpu.sort %masked_sort3A_1200, %iota3A masked %masked_sort3A_1197 : (vector<16xi32>, vector<16xi32>, vector<16xi1>) -> (vector<16xi1>, vector<16xi32>, vector<16xi32>)
      %masked_sort3A_1204 = arith.xori %masked_sort3A_1202, %masked_sort3A_1199 : vector<16xi32>
      %broadcast_in_dim3A_1205 = vector.shape_cast %masked_sort3A_1203 : vector<16xi32> to vector<16x1xi32>
      %gather3A_1206 = vector.shape_cast %broadcast_in_dim3A_1205 : vector<16x1xi32> to vector<16xi32>
      %gather3A_1207 = tpu.dynamic_gather %get3A_1196[%gather3A_1206] in [0] : vector<16xi32>, vector<16xi32> -> vector<16xi32>
      %gather3A_1208 = tpu.vector_load_idx %arg5[%gather3A_1207] : memref<10240xf32, #tpu.memory_space<vmem>>[vector<16xi32>], vector<16xf32>,
      %gather3A_1209 = tpu.vector_load_idx %arg6[%gather3A_1207] : memref<10240xf32, #tpu.memory_space<vmem>>[vector<16xi32>], vector<16xf32>,
      %broadcast_in_dim3A_1210 = vector.shape_cast %max3A_63 : vector<16xi32> to vector<16x1xi32>
      %gather3A_1211 = vector.shape_cast %broadcast_in_dim3A_1210 : vector<16x1xi32> to vector<16xi32>
      %gather3A_1212 = tpu.dynamic_gather %masked_sort3A_1204[%gather3A_1211] in [0] : vector<16xi32>, vector<16xi32> -> vector<16xi32>
      %eq3A_1213 = arith.cmpi eq, %gather3A_1212, %masked_sort3A_1204 : vector<16xi32>
      %broadcast_in_dim3A_1214 = vector.shape_cast %max3A_63 : vector<16xi32> to vector<16x1xi32>
      %gather3A_1215 = vector.shape_cast %broadcast_in_dim3A_1214 : vector<16x1xi32> to vector<16xi32>
      %gather3A_1216 = tpu.dynamic_gather %gather3A_1208[%gather3A_1215] in [0] : vector<16xf32>, vector<16xi32> -> vector<16xf32>
      %max3A_1217 = arith.maximumf %gather3A_1208, %gather3A_1216 : vector<16xf32>
      %select_n3A_1218 = arith.select %eq3A_1213, %max3A_1217, %gather3A_1208 : vector<16xi1>, vector<16xf32>
      %broadcast_in_dim3A_1219 = vector.shape_cast %max3A_63 : vector<16xi32> to vector<16x1xi32>
      %gather3A_1220 = vector.shape_cast %broadcast_in_dim3A_1219 : vector<16x1xi32> to vector<16xi32>
      %gather3A_1221 = tpu.dynamic_gather %gather3A_1209[%gather3A_1220] in [0] : vector<16xf32>, vector<16xi32> -> vector<16xf32>
      %max3A_1222 = arith.maximumf %gather3A_1209, %gather3A_1221 : vector<16xf32>
      %select_n3A_1223 = arith.select %eq3A_1213, %max3A_1222, %gather3A_1209 : vector<16xi1>, vector<16xf32>
      %broadcast_in_dim3A_1224 = vector.shape_cast %max3A_69 : vector<16xi32> to vector<16x1xi32>
      %gather3A_1225 = vector.shape_cast %broadcast_in_dim3A_1224 : vector<16x1xi32> to vector<16xi32>
      %gather3A_1226 = tpu.dynamic_gather %masked_sort3A_1204[%gather3A_1225] in [0] : vector<16xi32>, vector<16xi32> -> vector<16xi32>
      %eq3A_1227 = arith.cmpi eq, %gather3A_1226, %masked_sort3A_1204 : vector<16xi32>
      %broadcast_in_dim3A_1228 = vector.shape_cast %max3A_69 : vector<16xi32> to vector<16x1xi32>
      %gather3A_1229 = vector.shape_cast %broadcast_in_dim3A_1228 : vector<16x1xi32> to vector<16xi32>
      %gather3A_1230 = tpu.dynamic_gather %select_n3A_1218[%gather3A_1229] in [0] : vector<16xf32>, vector<16xi32> -> vector<16xf32>
      %max3A_1231 = arith.maximumf %select_n3A_1218, %gather3A_1230 : vector<16xf32>
      %select_n3A_1232 = arith.select %eq3A_1227, %max3A_1231, %select_n3A_1218 : vector<16xi1>, vector<16xf32>
      %broadcast_in_dim3A_1233 = vector.shape_cast %max3A_69 : vector<16xi32> to vector<16x1xi32>
      %gather3A_1234 = vector.shape_cast %broadcast_in_dim3A_1233 : vector<16x1xi32> to vector<16xi32>
      %gather3A_1235 = tpu.dynamic_gather %select_n3A_1223[%gather3A_1234] in [0] : vector<16xf32>, vector<16xi32> -> vector<16xf32>
      %max3A_1236 = arith.maximumf %select_n3A_1223, %gather3A_1235 : vector<16xf32>
      %select_n3A_1237 = arith.select %eq3A_1227, %max3A_1236, %select_n3A_1223 : vector<16xi1>, vector<16xf32>
      %broadcast_in_dim3A_1238 = vector.shape_cast %max3A_75 : vector<16xi32> to vector<16x1xi32>
      %gather3A_1239 = vector.shape_cast %broadcast_in_dim3A_1238 : vector<16x1xi32> to vector<16xi32>
      %gather3A_1240 = tpu.dynamic_gather %masked_sort3A_1204[%gather3A_1239] in [0] : vector<16xi32>, vector<16xi32> -> vector<16xi32>
      %eq3A_1241 = arith.cmpi eq, %gather3A_1240, %masked_sort3A_1204 : vector<16xi32>
      %broadcast_in_dim3A_1242 = vector.shape_cast %max3A_75 : vector<16xi32> to vector<16x1xi32>
      %gather3A_1243 = vector.shape_cast %broadcast_in_dim3A_1242 : vector<16x1xi32> to vector<16xi32>
      %gather3A_1244 = tpu.dynamic_gather %select_n3A_1232[%gather3A_1243] in [0] : vector<16xf32>, vector<16xi32> -> vector<16xf32>
      %max3A_1245 = arith.maximumf %select_n3A_1232, %gather3A_1244 : vector<16xf32>
      %select_n3A_1246 = arith.select %eq3A_1241, %max3A_1245, %select_n3A_1232 : vector<16xi1>, vector<16xf32>
      %broadcast_in_dim3A_1247 = vector.shape_cast %max3A_75 : vector<16xi32> to vector<16x1xi32>
      %gather3A_1248 = vector.shape_cast %broadcast_in_dim3A_1247 : vector<16x1xi32> to vector<16xi32>
      %gather3A_1249 = tpu.dynamic_gather %select_n3A_1237[%gather3A_1248] in [0] : vector<16xf32>, vector<16xi32> -> vector<16xf32>
      %max3A_1250 = arith.maximumf %select_n3A_1237, %gather3A_1249 : vector<16xf32>
      %select_n3A_1251 = arith.select %eq3A_1241, %max3A_1250, %select_n3A_1237 : vector<16xi1>, vector<16xf32>
      %broadcast_in_dim3A_1252 = vector.shape_cast %max3A_81 : vector<16xi32> to vector<16x1xi32>
      %gather3A_1253 = vector.shape_cast %broadcast_in_dim3A_1252 : vector<16x1xi32> to vector<16xi32>
      %gather3A_1254 = tpu.dynamic_gather %masked_sort3A_1204[%gather3A_1253] in [0] : vector<16xi32>, vector<16xi32> -> vector<16xi32>
      %eq3A_1255 = arith.cmpi eq, %gather3A_1254, %masked_sort3A_1204 : vector<16xi32>
      %broadcast_in_dim3A_1256 = vector.shape_cast %max3A_81 : vector<16xi32> to vector<16x1xi32>
      %gather3A_1257 = vector.shape_cast %broadcast_in_dim3A_1256 : vector<16x1xi32> to vector<16xi32>
      %gather3A_1258 = tpu.dynamic_gather %select_n3A_1246[%gather3A_1257] in [0] : vector<16xf32>, vector<16xi32> -> vector<16xf32>
      %max3A_1259 = arith.maximumf %select_n3A_1246, %gather3A_1258 : vector<16xf32>
      %select_n3A_1260 = arith.select %eq3A_1255, %max3A_1259, %select_n3A_1246 : vector<16xi1>, vector<16xf32>
      %broadcast_in_dim3A_1261 = vector.shape_cast %max3A_81 : vector<16xi32> to vector<16x1xi32>
      %gather3A_1262 = vector.shape_cast %broadcast_in_dim3A_1261 : vector<16x1xi32> to vector<16xi32>
      %gather3A_1263 = tpu.dynamic_gather %select_n3A_1251[%gather3A_1262] in [0] : vector<16xf32>, vector<16xi32> -> vector<16xf32>
      %max3A_1264 = arith.maximumf %select_n3A_1251, %gather3A_1263 : vector<16xf32>
      %select_n3A_1265 = arith.select %eq3A_1255, %max3A_1264, %select_n3A_1251 : vector<16xi1>, vector<16xf32>
      %broadcast_in_dim3A_1266 = vector.shape_cast %min3A_86 : vector<16xi32> to vector<16x1xi32>
      %gather3A_1267 = vector.shape_cast %broadcast_in_dim3A_1266 : vector<16x1xi32> to vector<16xi32>
      %gather3A_1268 = tpu.dynamic_gather %masked_sort3A_1204[%gather3A_1267] in [0] : vector<16xi32>, vector<16xi32> -> vector<16xi32>
      %ne3A_1269 = arith.cmpi ne, %gather3A_1268, %masked_sort3A_1204 : vector<16xi32>
      %or3A_1270 = arith.ori %ne3A_1269, %eq3A_59 : vector<16xi1>
      %gather3A_1271 = tpu.vector_load_idx %arg7[%masked_sort3A_1204] : memref<10240xf32, #tpu.memory_space<vmem>>[vector<16xi32>], vector<16xf32>,
      %gather3A_1272 = tpu.vector_load_idx %arg8[%masked_sort3A_1204] : memref<10240xf32, #tpu.memory_space<vmem>>[vector<16xi32>], vector<16xf32>,
      %max3A_1273 = arith.maximumf %gather3A_1271, %select_n3A_1260 : vector<16xf32>
      tpu.vector_store_idx %arg7[%masked_sort3A_1204], %max3A_1273 masked %or3A_1270 : memref<10240xf32, #tpu.memory_space<vmem>>[vector<16xi32>], vector<16xf32>, vector<16xi1>
      %max3A_1274 = arith.maximumf %gather3A_1272, %select_n3A_1265 : vector<16xf32>
      tpu.vector_store_idx %arg8[%masked_sort3A_1204], %max3A_1274 masked %or3A_1270 : memref<10240xf32, #tpu.memory_space<vmem>>[vector<16xi32>], vector<16xf32>, vector<16xi1>
      %mul3A_1275 = arith.constant 25 : i32
      %mul3A_1276 = arith.muli %scan3A_1009, %mul3A_1275 : i32
      %add3A_1277 = arith.constant 3 : i32
      %add3A_1278 = arith.addi %mul3A_1276, %add3A_1277 : i32
      %mul3A_1279 = arith.constant 16 : i32
      %mul3A_1280 = arith.muli %add3A_1278, %mul3A_1279 : i32
      %get3A_1281 = arith.index_cast %mul3A_1280 : i32 to index
      %get3A_1282 = tpu.vector_load %arg10[%get3A_1281] {strides = array<i32>} : memref<10000xi32, #tpu.memory_space<vmem>>, vector<16xi32>,
      %mul3A_1283 = arith.constant 16 : i32
      %mul3A_1284 = arith.muli %add3A_1278, %mul3A_1283 : i32
      %get3A_1285 = arith.index_cast %mul3A_1284 : i32 to index
      %get3A_1286 = tpu.vector_load %arg9[%get3A_1285] {strides = array<i32>} : memref<10000xi32, #tpu.memory_space<vmem>>, vector<16xi32>,
      %masked_sort3A_1287 = arith.constant dense<true> : vector<16xi1>
      %masked_sort3A_1288 = arith.constant -2147483648 : i32
      %masked_sort3A_1289 = vector.broadcast %masked_sort3A_1288 : i32 to vector<16xi32>
      %masked_sort3A_1290 = arith.xori %get3A_1282, %masked_sort3A_1289 : vector<16xi32>
      %masked_sort3A_1291, %masked_sort3A_1292, %masked_sort3A_1293 = tpu.sort %masked_sort3A_1290, %iota3A masked %masked_sort3A_1287 : (vector<16xi32>, vector<16xi32>, vector<16xi1>) -> (vector<16xi1>, vector<16xi32>, vector<16xi32>)
      %masked_sort3A_1294 = arith.xori %masked_sort3A_1292, %masked_sort3A_1289 : vector<16xi32>
      %broadcast_in_dim3A_1295 = vector.shape_cast %masked_sort3A_1293 : vector<16xi32> to vector<16x1xi32>
      %gather3A_1296 = vector.shape_cast %broadcast_in_dim3A_1295 : vector<16x1xi32> to vector<16xi32>
      %gather3A_1297 = tpu.dynamic_gather %get3A_1286[%gather3A_1296] in [0] : vector<16xi32>, vector<16xi32> -> vector<16xi32>
      %gather3A_1298 = tpu.vector_load_idx %arg5[%gather3A_1297] : memref<10240xf32, #tpu.memory_space<vmem>>[vector<16xi32>], vector<16xf32>,
      %gather3A_1299 = tpu.vector_load_idx %arg6[%gather3A_1297] : memref<10240xf32, #tpu.memory_space<vmem>>[vector<16xi32>], vector<16xf32>,
      %broadcast_in_dim3A_1300 = vector.shape_cast %max3A_63 : vector<16xi32> to vector<16x1xi32>
      %gather3A_1301 = vector.shape_cast %broadcast_in_dim3A_1300 : vector<16x1xi32> to vector<16xi32>
      %gather3A_1302 = tpu.dynamic_gather %masked_sort3A_1294[%gather3A_1301] in [0] : vector<16xi32>, vector<16xi32> -> vector<16xi32>
      %eq3A_1303 = arith.cmpi eq, %gather3A_1302, %masked_sort3A_1294 : vector<16xi32>
      %broadcast_in_dim3A_1304 = vector.shape_cast %max3A_63 : vector<16xi32> to vector<16x1xi32>
      %gather3A_1305 = vector.shape_cast %broadcast_in_dim3A_1304 : vector<16x1xi32> to vector<16xi32>
      %gather3A_1306 = tpu.dynamic_gather %gather3A_1298[%gather3A_1305] in [0] : vector<16xf32>, vector<16xi32> -> vector<16xf32>
      %max3A_1307 = arith.maximumf %gather3A_1298, %gather3A_1306 : vector<16xf32>
      %select_n3A_1308 = arith.select %eq3A_1303, %max3A_1307, %gather3A_1298 : vector<16xi1>, vector<16xf32>
      %broadcast_in_dim3A_1309 = vector.shape_cast %max3A_63 : vector<16xi32> to vector<16x1xi32>
      %gather3A_1310 = vector.shape_cast %broadcast_in_dim3A_1309 : vector<16x1xi32> to vector<16xi32>
      %gather3A_1311 = tpu.dynamic_gather %gather3A_1299[%gather3A_1310] in [0] : vector<16xf32>, vector<16xi32> -> vector<16xf32>
      %max3A_1312 = arith.maximumf %gather3A_1299, %gather3A_1311 : vector<16xf32>
      %select_n3A_1313 = arith.select %eq3A_1303, %max3A_1312, %gather3A_1299 : vector<16xi1>, vector<16xf32>
      %broadcast_in_dim3A_1314 = vector.shape_cast %max3A_69 : vector<16xi32> to vector<16x1xi32>
      %gather3A_1315 = vector.shape_cast %broadcast_in_dim3A_1314 : vector<16x1xi32> to vector<16xi32>
      %gather3A_1316 = tpu.dynamic_gather %masked_sort3A_1294[%gather3A_1315] in [0] : vector<16xi32>, vector<16xi32> -> vector<16xi32>
      %eq3A_1317 = arith.cmpi eq, %gather3A_1316, %masked_sort3A_1294 : vector<16xi32>
      %broadcast_in_dim3A_1318 = vector.shape_cast %max3A_69 : vector<16xi32> to vector<16x1xi32>
      %gather3A_1319 = vector.shape_cast %broadcast_in_dim3A_1318 : vector<16x1xi32> to vector<16xi32>
      %gather3A_1320 = tpu.dynamic_gather %select_n3A_1308[%gather3A_1319] in [0] : vector<16xf32>, vector<16xi32> -> vector<16xf32>
      %max3A_1321 = arith.maximumf %select_n3A_1308, %gather3A_1320 : vector<16xf32>
      %select_n3A_1322 = arith.select %eq3A_1317, %max3A_1321, %select_n3A_1308 : vector<16xi1>, vector<16xf32>
      %broadcast_in_dim3A_1323 = vector.shape_cast %max3A_69 : vector<16xi32> to vector<16x1xi32>
      %gather3A_1324 = vector.shape_cast %broadcast_in_dim3A_1323 : vector<16x1xi32> to vector<16xi32>
      %gather3A_1325 = tpu.dynamic_gather %select_n3A_1313[%gather3A_1324] in [0] : vector<16xf32>, vector<16xi32> -> vector<16xf32>
      %max3A_1326 = arith.maximumf %select_n3A_1313, %gather3A_1325 : vector<16xf32>
      %select_n3A_1327 = arith.select %eq3A_1317, %max3A_1326, %select_n3A_1313 : vector<16xi1>, vector<16xf32>
      %broadcast_in_dim3A_1328 = vector.shape_cast %max3A_75 : vector<16xi32> to vector<16x1xi32>
      %gather3A_1329 = vector.shape_cast %broadcast_in_dim3A_1328 : vector<16x1xi32> to vector<16xi32>
      %gather3A_1330 = tpu.dynamic_gather %masked_sort3A_1294[%gather3A_1329] in [0] : vector<16xi32>, vector<16xi32> -> vector<16xi32>
      %eq3A_1331 = arith.cmpi eq, %gather3A_1330, %masked_sort3A_1294 : vector<16xi32>
      %broadcast_in_dim3A_1332 = vector.shape_cast %max3A_75 : vector<16xi32> to vector<16x1xi32>
      %gather3A_1333 = vector.shape_cast %broadcast_in_dim3A_1332 : vector<16x1xi32> to vector<16xi32>
      %gather3A_1334 = tpu.dynamic_gather %select_n3A_1322[%gather3A_1333] in [0] : vector<16xf32>, vector<16xi32> -> vector<16xf32>
      %max3A_1335 = arith.maximumf %select_n3A_1322, %gather3A_1334 : vector<16xf32>
      %select_n3A_1336 = arith.select %eq3A_1331, %max3A_1335, %select_n3A_1322 : vector<16xi1>, vector<16xf32>
      %broadcast_in_dim3A_1337 = vector.shape_cast %max3A_75 : vector<16xi32> to vector<16x1xi32>
      %gather3A_1338 = vector.shape_cast %broadcast_in_dim3A_1337 : vector<16x1xi32> to vector<16xi32>
      %gather3A_1339 = tpu.dynamic_gather %select_n3A_1327[%gather3A_1338] in [0] : vector<16xf32>, vector<16xi32> -> vector<16xf32>
      %max3A_1340 = arith.maximumf %select_n3A_1327, %gather3A_1339 : vector<16xf32>
      %select_n3A_1341 = arith.select %eq3A_1331, %max3A_1340, %select_n3A_1327 : vector<16xi1>, vector<16xf32>
      %broadcast_in_dim3A_1342 = vector.shape_cast %max3A_81 : vector<16xi32> to vector<16x1xi32>
      %gather3A_1343 = vector.shape_cast %broadcast_in_dim3A_1342 : vector<16x1xi32> to vector<16xi32>
      %gather3A_1344 = tpu.dynamic_gather %masked_sort3A_1294[%gather3A_1343] in [0] : vector<16xi32>, vector<16xi32> -> vector<16xi32>
      %eq3A_1345 = arith.cmpi eq, %gather3A_1344, %masked_sort3A_1294 : vector<16xi32>
      %broadcast_in_dim3A_1346 = vector.shape_cast %max3A_81 : vector<16xi32> to vector<16x1xi32>
      %gather3A_1347 = vector.shape_cast %broadcast_in_dim3A_1346 : vector<16x1xi32> to vector<16xi32>
      %gather3A_1348 = tpu.dynamic_gather %select_n3A_1336[%gather3A_1347] in [0] : vector<16xf32>, vector<16xi32> -> vector<16xf32>
      %max3A_1349 = arith.maximumf %select_n3A_1336, %gather3A_1348 : vector<16xf32>
      %select_n3A_1350 = arith.select %eq3A_1345, %max3A_1349, %select_n3A_1336 : vector<16xi1>, vector<16xf32>
      %broadcast_in_dim3A_1351 = vector.shape_cast %max3A_81 : vector<16xi32> to vector<16x1xi32>
      %gather3A_1352 = vector.shape_cast %broadcast_in_dim3A_1351 : vector<16x1xi32> to vector<16xi32>
      %gather3A_1353 = tpu.dynamic_gather %select_n3A_1341[%gather3A_1352] in [0] : vector<16xf32>, vector<16xi32> -> vector<16xf32>
      %max3A_1354 = arith.maximumf %select_n3A_1341, %gather3A_1353 : vector<16xf32>
      %select_n3A_1355 = arith.select %eq3A_1345, %max3A_1354, %select_n3A_1341 : vector<16xi1>, vector<16xf32>
      %broadcast_in_dim3A_1356 = vector.shape_cast %min3A_86 : vector<16xi32> to vector<16x1xi32>
      %gather3A_1357 = vector.shape_cast %broadcast_in_dim3A_1356 : vector<16x1xi32> to vector<16xi32>
      %gather3A_1358 = tpu.dynamic_gather %masked_sort3A_1294[%gather3A_1357] in [0] : vector<16xi32>, vector<16xi32> -> vector<16xi32>
      %ne3A_1359 = arith.cmpi ne, %gather3A_1358, %masked_sort3A_1294 : vector<16xi32>
      %or3A_1360 = arith.ori %ne3A_1359, %eq3A_59 : vector<16xi1>
      %gather3A_1361 = tpu.vector_load_idx %arg7[%masked_sort3A_1294] : memref<10240xf32, #tpu.memory_space<vmem>>[vector<16xi32>], vector<16xf32>,
      %gather3A_1362 = tpu.vector_load_idx %arg8[%masked_sort3A_1294] : memref<10240xf32, #tpu.memory_space<vmem>>[vector<16xi32>], vector<16xf32>,
      %max3A_1363 = arith.maximumf %gather3A_1361, %select_n3A_1350 : vector<16xf32>
      tpu.vector_store_idx %arg7[%masked_sort3A_1294], %max3A_1363 masked %or3A_1360 : memref<10240xf32, #tpu.memory_space<vmem>>[vector<16xi32>], vector<16xf32>, vector<16xi1>
      %max3A_1364 = arith.maximumf %gather3A_1362, %select_n3A_1355 : vector<16xf32>
      tpu.vector_store_idx %arg8[%masked_sort3A_1294], %max3A_1364 masked %or3A_1360 : memref<10240xf32, #tpu.memory_space<vmem>>[vector<16xi32>], vector<16xf32>, vector<16xi1>
      %mul3A_1365 = arith.constant 25 : i32
      %mul3A_1366 = arith.muli %scan3A_1009, %mul3A_1365 : i32
      %add3A_1367 = arith.constant 4 : i32
      %add3A_1368 = arith.addi %mul3A_1366, %add3A_1367 : i32
      %mul3A_1369 = arith.constant 16 : i32
      %mul3A_1370 = arith.muli %add3A_1368, %mul3A_1369 : i32
      %get3A_1371 = arith.index_cast %mul3A_1370 : i32 to index
      %get3A_1372 = tpu.vector_load %arg10[%get3A_1371] {strides = array<i32>} : memref<10000xi32, #tpu.memory_space<vmem>>, vector<16xi32>,
      %mul3A_1373 = arith.constant 16 : i32
      %mul3A_1374 = arith.muli %add3A_1368, %mul3A_1373 : i32
      %get3A_1375 = arith.index_cast %mul3A_1374 : i32 to index
      %get3A_1376 = tpu.vector_load %arg9[%get3A_1375] {strides = array<i32>} : memref<10000xi32, #tpu.memory_space<vmem>>, vector<16xi32>,
      %masked_sort3A_1377 = arith.constant dense<true> : vector<16xi1>
      %masked_sort3A_1378 = arith.constant -2147483648 : i32
      %masked_sort3A_1379 = vector.broadcast %masked_sort3A_1378 : i32 to vector<16xi32>
      %masked_sort3A_1380 = arith.xori %get3A_1372, %masked_sort3A_1379 : vector<16xi32>
      %masked_sort3A_1381, %masked_sort3A_1382, %masked_sort3A_1383 = tpu.sort %masked_sort3A_1380, %iota3A masked %masked_sort3A_1377 : (vector<16xi32>, vector<16xi32>, vector<16xi1>) -> (vector<16xi1>, vector<16xi32>, vector<16xi32>)
      %masked_sort3A_1384 = arith.xori %masked_sort3A_1382, %masked_sort3A_1379 : vector<16xi32>
      %broadcast_in_dim3A_1385 = vector.shape_cast %masked_sort3A_1383 : vector<16xi32> to vector<16x1xi32>
      %gather3A_1386 = vector.shape_cast %broadcast_in_dim3A_1385 : vector<16x1xi32> to vector<16xi32>
      %gather3A_1387 = tpu.dynamic_gather %get3A_1376[%gather3A_1386] in [0] : vector<16xi32>, vector<16xi32> -> vector<16xi32>
      %gather3A_1388 = tpu.vector_load_idx %arg5[%gather3A_1387] : memref<10240xf32, #tpu.memory_space<vmem>>[vector<16xi32>], vector<16xf32>,
      %gather3A_1389 = tpu.vector_load_idx %arg6[%gather3A_1387] : memref<10240xf32, #tpu.memory_space<vmem>>[vector<16xi32>], vector<16xf32>,
      %broadcast_in_dim3A_1390 = vector.shape_cast %max3A_63 : vector<16xi32> to vector<16x1xi32>
      %gather3A_1391 = vector.shape_cast %broadcast_in_dim3A_1390 : vector<16x1xi32> to vector<16xi32>
      %gather3A_1392 = tpu.dynamic_gather %masked_sort3A_1384[%gather3A_1391] in [0] : vector<16xi32>, vector<16xi32> -> vector<16xi32>
      %eq3A_1393 = arith.cmpi eq, %gather3A_1392, %masked_sort3A_1384 : vector<16xi32>
      %broadcast_in_dim3A_1394 = vector.shape_cast %max3A_63 : vector<16xi32> to vector<16x1xi32>
      %gather3A_1395 = vector.shape_cast %broadcast_in_dim3A_1394 : vector<16x1xi32> to vector<16xi32>
      %gather3A_1396 = tpu.dynamic_gather %gather3A_1388[%gather3A_1395] in [0] : vector<16xf32>, vector<16xi32> -> vector<16xf32>
      %max3A_1397 = arith.maximumf %gather3A_1388, %gather3A_1396 : vector<16xf32>
      %select_n3A_1398 = arith.select %eq3A_1393, %max3A_1397, %gather3A_1388 : vector<16xi1>, vector<16xf32>
      %broadcast_in_dim3A_1399 = vector.shape_cast %max3A_63 : vector<16xi32> to vector<16x1xi32>
      %gather3A_1400 = vector.shape_cast %broadcast_in_dim3A_1399 : vector<16x1xi32> to vector<16xi32>
      %gather3A_1401 = tpu.dynamic_gather %gather3A_1389[%gather3A_1400] in [0] : vector<16xf32>, vector<16xi32> -> vector<16xf32>
      %max3A_1402 = arith.maximumf %gather3A_1389, %gather3A_1401 : vector<16xf32>
      %select_n3A_1403 = arith.select %eq3A_1393, %max3A_1402, %gather3A_1389 : vector<16xi1>, vector<16xf32>
      %broadcast_in_dim3A_1404 = vector.shape_cast %max3A_69 : vector<16xi32> to vector<16x1xi32>
      %gather3A_1405 = vector.shape_cast %broadcast_in_dim3A_1404 : vector<16x1xi32> to vector<16xi32>
      %gather3A_1406 = tpu.dynamic_gather %masked_sort3A_1384[%gather3A_1405] in [0] : vector<16xi32>, vector<16xi32> -> vector<16xi32>
      %eq3A_1407 = arith.cmpi eq, %gather3A_1406, %masked_sort3A_1384 : vector<16xi32>
      %broadcast_in_dim3A_1408 = vector.shape_cast %max3A_69 : vector<16xi32> to vector<16x1xi32>
      %gather3A_1409 = vector.shape_cast %broadcast_in_dim3A_1408 : vector<16x1xi32> to vector<16xi32>
      %gather3A_1410 = tpu.dynamic_gather %select_n3A_1398[%gather3A_1409] in [0] : vector<16xf32>, vector<16xi32> -> vector<16xf32>
      %max3A_1411 = arith.maximumf %select_n3A_1398, %gather3A_1410 : vector<16xf32>
      %select_n3A_1412 = arith.select %eq3A_1407, %max3A_1411, %select_n3A_1398 : vector<16xi1>, vector<16xf32>
      %broadcast_in_dim3A_1413 = vector.shape_cast %max3A_69 : vector<16xi32> to vector<16x1xi32>
      %gather3A_1414 = vector.shape_cast %broadcast_in_dim3A_1413 : vector<16x1xi32> to vector<16xi32>
      %gather3A_1415 = tpu.dynamic_gather %select_n3A_1403[%gather3A_1414] in [0] : vector<16xf32>, vector<16xi32> -> vector<16xf32>
      %max3A_1416 = arith.maximumf %select_n3A_1403, %gather3A_1415 : vector<16xf32>
      %select_n3A_1417 = arith.select %eq3A_1407, %max3A_1416, %select_n3A_1403 : vector<16xi1>, vector<16xf32>
      %broadcast_in_dim3A_1418 = vector.shape_cast %max3A_75 : vector<16xi32> to vector<16x1xi32>
      %gather3A_1419 = vector.shape_cast %broadcast_in_dim3A_1418 : vector<16x1xi32> to vector<16xi32>
      %gather3A_1420 = tpu.dynamic_gather %masked_sort3A_1384[%gather3A_1419] in [0] : vector<16xi32>, vector<16xi32> -> vector<16xi32>
      %eq3A_1421 = arith.cmpi eq, %gather3A_1420, %masked_sort3A_1384 : vector<16xi32>
      %broadcast_in_dim3A_1422 = vector.shape_cast %max3A_75 : vector<16xi32> to vector<16x1xi32>
      %gather3A_1423 = vector.shape_cast %broadcast_in_dim3A_1422 : vector<16x1xi32> to vector<16xi32>
      %gather3A_1424 = tpu.dynamic_gather %select_n3A_1412[%gather3A_1423] in [0] : vector<16xf32>, vector<16xi32> -> vector<16xf32>
      %max3A_1425 = arith.maximumf %select_n3A_1412, %gather3A_1424 : vector<16xf32>
      %select_n3A_1426 = arith.select %eq3A_1421, %max3A_1425, %select_n3A_1412 : vector<16xi1>, vector<16xf32>
      %broadcast_in_dim3A_1427 = vector.shape_cast %max3A_75 : vector<16xi32> to vector<16x1xi32>
      %gather3A_1428 = vector.shape_cast %broadcast_in_dim3A_1427 : vector<16x1xi32> to vector<16xi32>
      %gather3A_1429 = tpu.dynamic_gather %select_n3A_1417[%gather3A_1428] in [0] : vector<16xf32>, vector<16xi32> -> vector<16xf32>
      %max3A_1430 = arith.maximumf %select_n3A_1417, %gather3A_1429 : vector<16xf32>
      %select_n3A_1431 = arith.select %eq3A_1421, %max3A_1430, %select_n3A_1417 : vector<16xi1>, vector<16xf32>
      %broadcast_in_dim3A_1432 = vector.shape_cast %max3A_81 : vector<16xi32> to vector<16x1xi32>
      %gather3A_1433 = vector.shape_cast %broadcast_in_dim3A_1432 : vector<16x1xi32> to vector<16xi32>
      %gather3A_1434 = tpu.dynamic_gather %masked_sort3A_1384[%gather3A_1433] in [0] : vector<16xi32>, vector<16xi32> -> vector<16xi32>
      %eq3A_1435 = arith.cmpi eq, %gather3A_1434, %masked_sort3A_1384 : vector<16xi32>
      %broadcast_in_dim3A_1436 = vector.shape_cast %max3A_81 : vector<16xi32> to vector<16x1xi32>
      %gather3A_1437 = vector.shape_cast %broadcast_in_dim3A_1436 : vector<16x1xi32> to vector<16xi32>
      %gather3A_1438 = tpu.dynamic_gather %select_n3A_1426[%gather3A_1437] in [0] : vector<16xf32>, vector<16xi32> -> vector<16xf32>
      %max3A_1439 = arith.maximumf %select_n3A_1426, %gather3A_1438 : vector<16xf32>
      %select_n3A_1440 = arith.select %eq3A_1435, %max3A_1439, %select_n3A_1426 : vector<16xi1>, vector<16xf32>
      %broadcast_in_dim3A_1441 = vector.shape_cast %max3A_81 : vector<16xi32> to vector<16x1xi32>
      %gather3A_1442 = vector.shape_cast %broadcast_in_dim3A_1441 : vector<16x1xi32> to vector<16xi32>
      %gather3A_1443 = tpu.dynamic_gather %select_n3A_1431[%gather3A_1442] in [0] : vector<16xf32>, vector<16xi32> -> vector<16xf32>
      %max3A_1444 = arith.maximumf %select_n3A_1431, %gather3A_1443 : vector<16xf32>
      %select_n3A_1445 = arith.select %eq3A_1435, %max3A_1444, %select_n3A_1431 : vector<16xi1>, vector<16xf32>
      %broadcast_in_dim3A_1446 = vector.shape_cast %min3A_86 : vector<16xi32> to vector<16x1xi32>
      %gather3A_1447 = vector.shape_cast %broadcast_in_dim3A_1446 : vector<16x1xi32> to vector<16xi32>
      %gather3A_1448 = tpu.dynamic_gather %masked_sort3A_1384[%gather3A_1447] in [0] : vector<16xi32>, vector<16xi32> -> vector<16xi32>
      %ne3A_1449 = arith.cmpi ne, %gather3A_1448, %masked_sort3A_1384 : vector<16xi32>
      %or3A_1450 = arith.ori %ne3A_1449, %eq3A_59 : vector<16xi1>
      %gather3A_1451 = tpu.vector_load_idx %arg7[%masked_sort3A_1384] : memref<10240xf32, #tpu.memory_space<vmem>>[vector<16xi32>], vector<16xf32>,
      %gather3A_1452 = tpu.vector_load_idx %arg8[%masked_sort3A_1384] : memref<10240xf32, #tpu.memory_space<vmem>>[vector<16xi32>], vector<16xf32>,
      %max3A_1453 = arith.maximumf %gather3A_1451, %select_n3A_1440 : vector<16xf32>
      tpu.vector_store_idx %arg7[%masked_sort3A_1384], %max3A_1453 masked %or3A_1450 : memref<10240xf32, #tpu.memory_space<vmem>>[vector<16xi32>], vector<16xf32>, vector<16xi1>
      %max3A_1454 = arith.maximumf %gather3A_1452, %select_n3A_1445 : vector<16xf32>
      tpu.vector_store_idx %arg8[%masked_sort3A_1384], %max3A_1454 masked %or3A_1450 : memref<10240xf32, #tpu.memory_space<vmem>>[vector<16xi32>], vector<16xf32>, vector<16xi1>
      %mul3A_1455 = arith.constant 25 : i32
      %mul3A_1456 = arith.muli %scan3A_1009, %mul3A_1455 : i32
      %add3A_1457 = arith.constant 5 : i32
      %add3A_1458 = arith.addi %mul3A_1456, %add3A_1457 : i32
      %mul3A_1459 = arith.constant 16 : i32
      %mul3A_1460 = arith.muli %add3A_1458, %mul3A_1459 : i32
      %get3A_1461 = arith.index_cast %mul3A_1460 : i32 to index
      %get3A_1462 = tpu.vector_load %arg10[%get3A_1461] {strides = array<i32>} : memref<10000xi32, #tpu.memory_space<vmem>>, vector<16xi32>,
      %mul3A_1463 = arith.constant 16 : i32
      %mul3A_1464 = arith.muli %add3A_1458, %mul3A_1463 : i32
      %get3A_1465 = arith.index_cast %mul3A_1464 : i32 to index
      %get3A_1466 = tpu.vector_load %arg9[%get3A_1465] {strides = array<i32>} : memref<10000xi32, #tpu.memory_space<vmem>>, vector<16xi32>,
      %masked_sort3A_1467 = arith.constant dense<true> : vector<16xi1>
      %masked_sort3A_1468 = arith.constant -2147483648 : i32
      %masked_sort3A_1469 = vector.broadcast %masked_sort3A_1468 : i32 to vector<16xi32>
      %masked_sort3A_1470 = arith.xori %get3A_1462, %masked_sort3A_1469 : vector<16xi32>
      %masked_sort3A_1471, %masked_sort3A_1472, %masked_sort3A_1473 = tpu.sort %masked_sort3A_1470, %iota3A masked %masked_sort3A_1467 : (vector<16xi32>, vector<16xi32>, vector<16xi1>) -> (vector<16xi1>, vector<16xi32>, vector<16xi32>)
      %masked_sort3A_1474 = arith.xori %masked_sort3A_1472, %masked_sort3A_1469 : vector<16xi32>
      %broadcast_in_dim3A_1475 = vector.shape_cast %masked_sort3A_1473 : vector<16xi32> to vector<16x1xi32>
      %gather3A_1476 = vector.shape_cast %broadcast_in_dim3A_1475 : vector<16x1xi32> to vector<16xi32>
      %gather3A_1477 = tpu.dynamic_gather %get3A_1466[%gather3A_1476] in [0] : vector<16xi32>, vector<16xi32> -> vector<16xi32>
      %gather3A_1478 = tpu.vector_load_idx %arg5[%gather3A_1477] : memref<10240xf32, #tpu.memory_space<vmem>>[vector<16xi32>], vector<16xf32>,
      %gather3A_1479 = tpu.vector_load_idx %arg6[%gather3A_1477] : memref<10240xf32, #tpu.memory_space<vmem>>[vector<16xi32>], vector<16xf32>,
      %broadcast_in_dim3A_1480 = vector.shape_cast %max3A_63 : vector<16xi32> to vector<16x1xi32>
      %gather3A_1481 = vector.shape_cast %broadcast_in_dim3A_1480 : vector<16x1xi32> to vector<16xi32>
      %gather3A_1482 = tpu.dynamic_gather %masked_sort3A_1474[%gather3A_1481] in [0] : vector<16xi32>, vector<16xi32> -> vector<16xi32>
      %eq3A_1483 = arith.cmpi eq, %gather3A_1482, %masked_sort3A_1474 : vector<16xi32>
      %broadcast_in_dim3A_1484 = vector.shape_cast %max3A_63 : vector<16xi32> to vector<16x1xi32>
      %gather3A_1485 = vector.shape_cast %broadcast_in_dim3A_1484 : vector<16x1xi32> to vector<16xi32>
      %gather3A_1486 = tpu.dynamic_gather %gather3A_1478[%gather3A_1485] in [0] : vector<16xf32>, vector<16xi32> -> vector<16xf32>
      %max3A_1487 = arith.maximumf %gather3A_1478, %gather3A_1486 : vector<16xf32>
      %select_n3A_1488 = arith.select %eq3A_1483, %max3A_1487, %gather3A_1478 : vector<16xi1>, vector<16xf32>
      %broadcast_in_dim3A_1489 = vector.shape_cast %max3A_63 : vector<16xi32> to vector<16x1xi32>
      %gather3A_1490 = vector.shape_cast %broadcast_in_dim3A_1489 : vector<16x1xi32> to vector<16xi32>
      %gather3A_1491 = tpu.dynamic_gather %gather3A_1479[%gather3A_1490] in [0] : vector<16xf32>, vector<16xi32> -> vector<16xf32>
      %max3A_1492 = arith.maximumf %gather3A_1479, %gather3A_1491 : vector<16xf32>
      %select_n3A_1493 = arith.select %eq3A_1483, %max3A_1492, %gather3A_1479 : vector<16xi1>, vector<16xf32>
      %broadcast_in_dim3A_1494 = vector.shape_cast %max3A_69 : vector<16xi32> to vector<16x1xi32>
      %gather3A_1495 = vector.shape_cast %broadcast_in_dim3A_1494 : vector<16x1xi32> to vector<16xi32>
      %gather3A_1496 = tpu.dynamic_gather %masked_sort3A_1474[%gather3A_1495] in [0] : vector<16xi32>, vector<16xi32> -> vector<16xi32>
      %eq3A_1497 = arith.cmpi eq, %gather3A_1496, %masked_sort3A_1474 : vector<16xi32>
      %broadcast_in_dim3A_1498 = vector.shape_cast %max3A_69 : vector<16xi32> to vector<16x1xi32>
      %gather3A_1499 = vector.shape_cast %broadcast_in_dim3A_1498 : vector<16x1xi32> to vector<16xi32>
      %gather3A_1500 = tpu.dynamic_gather %select_n3A_1488[%gather3A_1499] in [0] : vector<16xf32>, vector<16xi32> -> vector<16xf32>
      %max3A_1501 = arith.maximumf %select_n3A_1488, %gather3A_1500 : vector<16xf32>
      %select_n3A_1502 = arith.select %eq3A_1497, %max3A_1501, %select_n3A_1488 : vector<16xi1>, vector<16xf32>
      %broadcast_in_dim3A_1503 = vector.shape_cast %max3A_69 : vector<16xi32> to vector<16x1xi32>
      %gather3A_1504 = vector.shape_cast %broadcast_in_dim3A_1503 : vector<16x1xi32> to vector<16xi32>
      %gather3A_1505 = tpu.dynamic_gather %select_n3A_1493[%gather3A_1504] in [0] : vector<16xf32>, vector<16xi32> -> vector<16xf32>
      %max3A_1506 = arith.maximumf %select_n3A_1493, %gather3A_1505 : vector<16xf32>
      %select_n3A_1507 = arith.select %eq3A_1497, %max3A_1506, %select_n3A_1493 : vector<16xi1>, vector<16xf32>
      %broadcast_in_dim3A_1508 = vector.shape_cast %max3A_75 : vector<16xi32> to vector<16x1xi32>
      %gather3A_1509 = vector.shape_cast %broadcast_in_dim3A_1508 : vector<16x1xi32> to vector<16xi32>
      %gather3A_1510 = tpu.dynamic_gather %masked_sort3A_1474[%gather3A_1509] in [0] : vector<16xi32>, vector<16xi32> -> vector<16xi32>
      %eq3A_1511 = arith.cmpi eq, %gather3A_1510, %masked_sort3A_1474 : vector<16xi32>
      %broadcast_in_dim3A_1512 = vector.shape_cast %max3A_75 : vector<16xi32> to vector<16x1xi32>
      %gather3A_1513 = vector.shape_cast %broadcast_in_dim3A_1512 : vector<16x1xi32> to vector<16xi32>
      %gather3A_1514 = tpu.dynamic_gather %select_n3A_1502[%gather3A_1513] in [0] : vector<16xf32>, vector<16xi32> -> vector<16xf32>
      %max3A_1515 = arith.maximumf %select_n3A_1502, %gather3A_1514 : vector<16xf32>
      %select_n3A_1516 = arith.select %eq3A_1511, %max3A_1515, %select_n3A_1502 : vector<16xi1>, vector<16xf32>
      %broadcast_in_dim3A_1517 = vector.shape_cast %max3A_75 : vector<16xi32> to vector<16x1xi32>
      %gather3A_1518 = vector.shape_cast %broadcast_in_dim3A_1517 : vector<16x1xi32> to vector<16xi32>
      %gather3A_1519 = tpu.dynamic_gather %select_n3A_1507[%gather3A_1518] in [0] : vector<16xf32>, vector<16xi32> -> vector<16xf32>
      %max3A_1520 = arith.maximumf %select_n3A_1507, %gather3A_1519 : vector<16xf32>
      %select_n3A_1521 = arith.select %eq3A_1511, %max3A_1520, %select_n3A_1507 : vector<16xi1>, vector<16xf32>
      %broadcast_in_dim3A_1522 = vector.shape_cast %max3A_81 : vector<16xi32> to vector<16x1xi32>
      %gather3A_1523 = vector.shape_cast %broadcast_in_dim3A_1522 : vector<16x1xi32> to vector<16xi32>
      %gather3A_1524 = tpu.dynamic_gather %masked_sort3A_1474[%gather3A_1523] in [0] : vector<16xi32>, vector<16xi32> -> vector<16xi32>
      %eq3A_1525 = arith.cmpi eq, %gather3A_1524, %masked_sort3A_1474 : vector<16xi32>
      %broadcast_in_dim3A_1526 = vector.shape_cast %max3A_81 : vector<16xi32> to vector<16x1xi32>
      %gather3A_1527 = vector.shape_cast %broadcast_in_dim3A_1526 : vector<16x1xi32> to vector<16xi32>
      %gather3A_1528 = tpu.dynamic_gather %select_n3A_1516[%gather3A_1527] in [0] : vector<16xf32>, vector<16xi32> -> vector<16xf32>
      %max3A_1529 = arith.maximumf %select_n3A_1516, %gather3A_1528 : vector<16xf32>
      %select_n3A_1530 = arith.select %eq3A_1525, %max3A_1529, %select_n3A_1516 : vector<16xi1>, vector<16xf32>
      %broadcast_in_dim3A_1531 = vector.shape_cast %max3A_81 : vector<16xi32> to vector<16x1xi32>
      %gather3A_1532 = vector.shape_cast %broadcast_in_dim3A_1531 : vector<16x1xi32> to vector<16xi32>
      %gather3A_1533 = tpu.dynamic_gather %select_n3A_1521[%gather3A_1532] in [0] : vector<16xf32>, vector<16xi32> -> vector<16xf32>
      %max3A_1534 = arith.maximumf %select_n3A_1521, %gather3A_1533 : vector<16xf32>
      %select_n3A_1535 = arith.select %eq3A_1525, %max3A_1534, %select_n3A_1521 : vector<16xi1>, vector<16xf32>
      %broadcast_in_dim3A_1536 = vector.shape_cast %min3A_86 : vector<16xi32> to vector<16x1xi32>
      %gather3A_1537 = vector.shape_cast %broadcast_in_dim3A_1536 : vector<16x1xi32> to vector<16xi32>
      %gather3A_1538 = tpu.dynamic_gather %masked_sort3A_1474[%gather3A_1537] in [0] : vector<16xi32>, vector<16xi32> -> vector<16xi32>
      %ne3A_1539 = arith.cmpi ne, %gather3A_1538, %masked_sort3A_1474 : vector<16xi32>
      %or3A_1540 = arith.ori %ne3A_1539, %eq3A_59 : vector<16xi1>
      %gather3A_1541 = tpu.vector_load_idx %arg7[%masked_sort3A_1474] : memref<10240xf32, #tpu.memory_space<vmem>>[vector<16xi32>], vector<16xf32>,
      %gather3A_1542 = tpu.vector_load_idx %arg8[%masked_sort3A_1474] : memref<10240xf32, #tpu.memory_space<vmem>>[vector<16xi32>], vector<16xf32>,
      %max3A_1543 = arith.maximumf %gather3A_1541, %select_n3A_1530 : vector<16xf32>
      tpu.vector_store_idx %arg7[%masked_sort3A_1474], %max3A_1543 masked %or3A_1540 : memref<10240xf32, #tpu.memory_space<vmem>>[vector<16xi32>], vector<16xf32>, vector<16xi1>
      %max3A_1544 = arith.maximumf %gather3A_1542, %select_n3A_1535 : vector<16xf32>
      tpu.vector_store_idx %arg8[%masked_sort3A_1474], %max3A_1544 masked %or3A_1540 : memref<10240xf32, #tpu.memory_space<vmem>>[vector<16xi32>], vector<16xf32>, vector<16xi1>
      %mul3A_1545 = arith.constant 25 : i32
      %mul3A_1546 = arith.muli %scan3A_1009, %mul3A_1545 : i32
      %add3A_1547 = arith.constant 6 : i32
      %add3A_1548 = arith.addi %mul3A_1546, %add3A_1547 : i32
      %mul3A_1549 = arith.constant 16 : i32
      %mul3A_1550 = arith.muli %add3A_1548, %mul3A_1549 : i32
      %get3A_1551 = arith.index_cast %mul3A_1550 : i32 to index
      %get3A_1552 = tpu.vector_load %arg10[%get3A_1551] {strides = array<i32>} : memref<10000xi32, #tpu.memory_space<vmem>>, vector<16xi32>,
      %mul3A_1553 = arith.constant 16 : i32
      %mul3A_1554 = arith.muli %add3A_1548, %mul3A_1553 : i32
      %get3A_1555 = arith.index_cast %mul3A_1554 : i32 to index
      %get3A_1556 = tpu.vector_load %arg9[%get3A_1555] {strides = array<i32>} : memref<10000xi32, #tpu.memory_space<vmem>>, vector<16xi32>,
      %masked_sort3A_1557 = arith.constant dense<true> : vector<16xi1>
      %masked_sort3A_1558 = arith.constant -2147483648 : i32
      %masked_sort3A_1559 = vector.broadcast %masked_sort3A_1558 : i32 to vector<16xi32>
      %masked_sort3A_1560 = arith.xori %get3A_1552, %masked_sort3A_1559 : vector<16xi32>
      %masked_sort3A_1561, %masked_sort3A_1562, %masked_sort3A_1563 = tpu.sort %masked_sort3A_1560, %iota3A masked %masked_sort3A_1557 : (vector<16xi32>, vector<16xi32>, vector<16xi1>) -> (vector<16xi1>, vector<16xi32>, vector<16xi32>)
      %masked_sort3A_1564 = arith.xori %masked_sort3A_1562, %masked_sort3A_1559 : vector<16xi32>
      %broadcast_in_dim3A_1565 = vector.shape_cast %masked_sort3A_1563 : vector<16xi32> to vector<16x1xi32>
      %gather3A_1566 = vector.shape_cast %broadcast_in_dim3A_1565 : vector<16x1xi32> to vector<16xi32>
      %gather3A_1567 = tpu.dynamic_gather %get3A_1556[%gather3A_1566] in [0] : vector<16xi32>, vector<16xi32> -> vector<16xi32>
      %gather3A_1568 = tpu.vector_load_idx %arg5[%gather3A_1567] : memref<10240xf32, #tpu.memory_space<vmem>>[vector<16xi32>], vector<16xf32>,
      %gather3A_1569 = tpu.vector_load_idx %arg6[%gather3A_1567] : memref<10240xf32, #tpu.memory_space<vmem>>[vector<16xi32>], vector<16xf32>,
      %broadcast_in_dim3A_1570 = vector.shape_cast %max3A_63 : vector<16xi32> to vector<16x1xi32>
      %gather3A_1571 = vector.shape_cast %broadcast_in_dim3A_1570 : vector<16x1xi32> to vector<16xi32>
      %gather3A_1572 = tpu.dynamic_gather %masked_sort3A_1564[%gather3A_1571] in [0] : vector<16xi32>, vector<16xi32> -> vector<16xi32>
      %eq3A_1573 = arith.cmpi eq, %gather3A_1572, %masked_sort3A_1564 : vector<16xi32>
      %broadcast_in_dim3A_1574 = vector.shape_cast %max3A_63 : vector<16xi32> to vector<16x1xi32>
      %gather3A_1575 = vector.shape_cast %broadcast_in_dim3A_1574 : vector<16x1xi32> to vector<16xi32>
      %gather3A_1576 = tpu.dynamic_gather %gather3A_1568[%gather3A_1575] in [0] : vector<16xf32>, vector<16xi32> -> vector<16xf32>
      %max3A_1577 = arith.maximumf %gather3A_1568, %gather3A_1576 : vector<16xf32>
      %select_n3A_1578 = arith.select %eq3A_1573, %max3A_1577, %gather3A_1568 : vector<16xi1>, vector<16xf32>
      %broadcast_in_dim3A_1579 = vector.shape_cast %max3A_63 : vector<16xi32> to vector<16x1xi32>
      %gather3A_1580 = vector.shape_cast %broadcast_in_dim3A_1579 : vector<16x1xi32> to vector<16xi32>
      %gather3A_1581 = tpu.dynamic_gather %gather3A_1569[%gather3A_1580] in [0] : vector<16xf32>, vector<16xi32> -> vector<16xf32>
      %max3A_1582 = arith.maximumf %gather3A_1569, %gather3A_1581 : vector<16xf32>
      %select_n3A_1583 = arith.select %eq3A_1573, %max3A_1582, %gather3A_1569 : vector<16xi1>, vector<16xf32>
      %broadcast_in_dim3A_1584 = vector.shape_cast %max3A_69 : vector<16xi32> to vector<16x1xi32>
      %gather3A_1585 = vector.shape_cast %broadcast_in_dim3A_1584 : vector<16x1xi32> to vector<16xi32>
      %gather3A_1586 = tpu.dynamic_gather %masked_sort3A_1564[%gather3A_1585] in [0] : vector<16xi32>, vector<16xi32> -> vector<16xi32>
      %eq3A_1587 = arith.cmpi eq, %gather3A_1586, %masked_sort3A_1564 : vector<16xi32>
      %broadcast_in_dim3A_1588 = vector.shape_cast %max3A_69 : vector<16xi32> to vector<16x1xi32>
      %gather3A_1589 = vector.shape_cast %broadcast_in_dim3A_1588 : vector<16x1xi32> to vector<16xi32>
      %gather3A_1590 = tpu.dynamic_gather %select_n3A_1578[%gather3A_1589] in [0] : vector<16xf32>, vector<16xi32> -> vector<16xf32>
      %max3A_1591 = arith.maximumf %select_n3A_1578, %gather3A_1590 : vector<16xf32>
      %select_n3A_1592 = arith.select %eq3A_1587, %max3A_1591, %select_n3A_1578 : vector<16xi1>, vector<16xf32>
      %broadcast_in_dim3A_1593 = vector.shape_cast %max3A_69 : vector<16xi32> to vector<16x1xi32>
      %gather3A_1594 = vector.shape_cast %broadcast_in_dim3A_1593 : vector<16x1xi32> to vector<16xi32>
      %gather3A_1595 = tpu.dynamic_gather %select_n3A_1583[%gather3A_1594] in [0] : vector<16xf32>, vector<16xi32> -> vector<16xf32>
      %max3A_1596 = arith.maximumf %select_n3A_1583, %gather3A_1595 : vector<16xf32>
      %select_n3A_1597 = arith.select %eq3A_1587, %max3A_1596, %select_n3A_1583 : vector<16xi1>, vector<16xf32>
      %broadcast_in_dim3A_1598 = vector.shape_cast %max3A_75 : vector<16xi32> to vector<16x1xi32>
      %gather3A_1599 = vector.shape_cast %broadcast_in_dim3A_1598 : vector<16x1xi32> to vector<16xi32>
      %gather3A_1600 = tpu.dynamic_gather %masked_sort3A_1564[%gather3A_1599] in [0] : vector<16xi32>, vector<16xi32> -> vector<16xi32>
      %eq3A_1601 = arith.cmpi eq, %gather3A_1600, %masked_sort3A_1564 : vector<16xi32>
      %broadcast_in_dim3A_1602 = vector.shape_cast %max3A_75 : vector<16xi32> to vector<16x1xi32>
      %gather3A_1603 = vector.shape_cast %broadcast_in_dim3A_1602 : vector<16x1xi32> to vector<16xi32>
      %gather3A_1604 = tpu.dynamic_gather %select_n3A_1592[%gather3A_1603] in [0] : vector<16xf32>, vector<16xi32> -> vector<16xf32>
      %max3A_1605 = arith.maximumf %select_n3A_1592, %gather3A_1604 : vector<16xf32>
      %select_n3A_1606 = arith.select %eq3A_1601, %max3A_1605, %select_n3A_1592 : vector<16xi1>, vector<16xf32>
      %broadcast_in_dim3A_1607 = vector.shape_cast %max3A_75 : vector<16xi32> to vector<16x1xi32>
      %gather3A_1608 = vector.shape_cast %broadcast_in_dim3A_1607 : vector<16x1xi32> to vector<16xi32>
      %gather3A_1609 = tpu.dynamic_gather %select_n3A_1597[%gather3A_1608] in [0] : vector<16xf32>, vector<16xi32> -> vector<16xf32>
      %max3A_1610 = arith.maximumf %select_n3A_1597, %gather3A_1609 : vector<16xf32>
      %select_n3A_1611 = arith.select %eq3A_1601, %max3A_1610, %select_n3A_1597 : vector<16xi1>, vector<16xf32>
      %broadcast_in_dim3A_1612 = vector.shape_cast %max3A_81 : vector<16xi32> to vector<16x1xi32>
      %gather3A_1613 = vector.shape_cast %broadcast_in_dim3A_1612 : vector<16x1xi32> to vector<16xi32>
      %gather3A_1614 = tpu.dynamic_gather %masked_sort3A_1564[%gather3A_1613] in [0] : vector<16xi32>, vector<16xi32> -> vector<16xi32>
      %eq3A_1615 = arith.cmpi eq, %gather3A_1614, %masked_sort3A_1564 : vector<16xi32>
      %broadcast_in_dim3A_1616 = vector.shape_cast %max3A_81 : vector<16xi32> to vector<16x1xi32>
      %gather3A_1617 = vector.shape_cast %broadcast_in_dim3A_1616 : vector<16x1xi32> to vector<16xi32>
      %gather3A_1618 = tpu.dynamic_gather %select_n3A_1606[%gather3A_1617] in [0] : vector<16xf32>, vector<16xi32> -> vector<16xf32>
      %max3A_1619 = arith.maximumf %select_n3A_1606, %gather3A_1618 : vector<16xf32>
      %select_n3A_1620 = arith.select %eq3A_1615, %max3A_1619, %select_n3A_1606 : vector<16xi1>, vector<16xf32>
      %broadcast_in_dim3A_1621 = vector.shape_cast %max3A_81 : vector<16xi32> to vector<16x1xi32>
      %gather3A_1622 = vector.shape_cast %broadcast_in_dim3A_1621 : vector<16x1xi32> to vector<16xi32>
      %gather3A_1623 = tpu.dynamic_gather %select_n3A_1611[%gather3A_1622] in [0] : vector<16xf32>, vector<16xi32> -> vector<16xf32>
      %max3A_1624 = arith.maximumf %select_n3A_1611, %gather3A_1623 : vector<16xf32>
      %select_n3A_1625 = arith.select %eq3A_1615, %max3A_1624, %select_n3A_1611 : vector<16xi1>, vector<16xf32>
      %broadcast_in_dim3A_1626 = vector.shape_cast %min3A_86 : vector<16xi32> to vector<16x1xi32>
      %gather3A_1627 = vector.shape_cast %broadcast_in_dim3A_1626 : vector<16x1xi32> to vector<16xi32>
      %gather3A_1628 = tpu.dynamic_gather %masked_sort3A_1564[%gather3A_1627] in [0] : vector<16xi32>, vector<16xi32> -> vector<16xi32>
      %ne3A_1629 = arith.cmpi ne, %gather3A_1628, %masked_sort3A_1564 : vector<16xi32>
      %or3A_1630 = arith.ori %ne3A_1629, %eq3A_59 : vector<16xi1>
      %gather3A_1631 = tpu.vector_load_idx %arg7[%masked_sort3A_1564] : memref<10240xf32, #tpu.memory_space<vmem>>[vector<16xi32>], vector<16xf32>,
      %gather3A_1632 = tpu.vector_load_idx %arg8[%masked_sort3A_1564] : memref<10240xf32, #tpu.memory_space<vmem>>[vector<16xi32>], vector<16xf32>,
      %max3A_1633 = arith.maximumf %gather3A_1631, %select_n3A_1620 : vector<16xf32>
      tpu.vector_store_idx %arg7[%masked_sort3A_1564], %max3A_1633 masked %or3A_1630 : memref<10240xf32, #tpu.memory_space<vmem>>[vector<16xi32>], vector<16xf32>, vector<16xi1>
      %max3A_1634 = arith.maximumf %gather3A_1632, %select_n3A_1625 : vector<16xf32>
      tpu.vector_store_idx %arg8[%masked_sort3A_1564], %max3A_1634 masked %or3A_1630 : memref<10240xf32, #tpu.memory_space<vmem>>[vector<16xi32>], vector<16xf32>, vector<16xi1>
      %mul3A_1635 = arith.constant 25 : i32
      %mul3A_1636 = arith.muli %scan3A_1009, %mul3A_1635 : i32
      %add3A_1637 = arith.constant 7 : i32
      %add3A_1638 = arith.addi %mul3A_1636, %add3A_1637 : i32
      %mul3A_1639 = arith.constant 16 : i32
      %mul3A_1640 = arith.muli %add3A_1638, %mul3A_1639 : i32
      %get3A_1641 = arith.index_cast %mul3A_1640 : i32 to index
      %get3A_1642 = tpu.vector_load %arg10[%get3A_1641] {strides = array<i32>} : memref<10000xi32, #tpu.memory_space<vmem>>, vector<16xi32>,
      %mul3A_1643 = arith.constant 16 : i32
      %mul3A_1644 = arith.muli %add3A_1638, %mul3A_1643 : i32
      %get3A_1645 = arith.index_cast %mul3A_1644 : i32 to index
      %get3A_1646 = tpu.vector_load %arg9[%get3A_1645] {strides = array<i32>} : memref<10000xi32, #tpu.memory_space<vmem>>, vector<16xi32>,
      %masked_sort3A_1647 = arith.constant dense<true> : vector<16xi1>
      %masked_sort3A_1648 = arith.constant -2147483648 : i32
      %masked_sort3A_1649 = vector.broadcast %masked_sort3A_1648 : i32 to vector<16xi32>
      %masked_sort3A_1650 = arith.xori %get3A_1642, %masked_sort3A_1649 : vector<16xi32>
      %masked_sort3A_1651, %masked_sort3A_1652, %masked_sort3A_1653 = tpu.sort %masked_sort3A_1650, %iota3A masked %masked_sort3A_1647 : (vector<16xi32>, vector<16xi32>, vector<16xi1>) -> (vector<16xi1>, vector<16xi32>, vector<16xi32>)
      %masked_sort3A_1654 = arith.xori %masked_sort3A_1652, %masked_sort3A_1649 : vector<16xi32>
      %broadcast_in_dim3A_1655 = vector.shape_cast %masked_sort3A_1653 : vector<16xi32> to vector<16x1xi32>
      %gather3A_1656 = vector.shape_cast %broadcast_in_dim3A_1655 : vector<16x1xi32> to vector<16xi32>
      %gather3A_1657 = tpu.dynamic_gather %get3A_1646[%gather3A_1656] in [0] : vector<16xi32>, vector<16xi32> -> vector<16xi32>
      %gather3A_1658 = tpu.vector_load_idx %arg5[%gather3A_1657] : memref<10240xf32, #tpu.memory_space<vmem>>[vector<16xi32>], vector<16xf32>,
      %gather3A_1659 = tpu.vector_load_idx %arg6[%gather3A_1657] : memref<10240xf32, #tpu.memory_space<vmem>>[vector<16xi32>], vector<16xf32>,
      %broadcast_in_dim3A_1660 = vector.shape_cast %max3A_63 : vector<16xi32> to vector<16x1xi32>
      %gather3A_1661 = vector.shape_cast %broadcast_in_dim3A_1660 : vector<16x1xi32> to vector<16xi32>
      %gather3A_1662 = tpu.dynamic_gather %masked_sort3A_1654[%gather3A_1661] in [0] : vector<16xi32>, vector<16xi32> -> vector<16xi32>
      %eq3A_1663 = arith.cmpi eq, %gather3A_1662, %masked_sort3A_1654 : vector<16xi32>
      %broadcast_in_dim3A_1664 = vector.shape_cast %max3A_63 : vector<16xi32> to vector<16x1xi32>
      %gather3A_1665 = vector.shape_cast %broadcast_in_dim3A_1664 : vector<16x1xi32> to vector<16xi32>
      %gather3A_1666 = tpu.dynamic_gather %gather3A_1658[%gather3A_1665] in [0] : vector<16xf32>, vector<16xi32> -> vector<16xf32>
      %max3A_1667 = arith.maximumf %gather3A_1658, %gather3A_1666 : vector<16xf32>
      %select_n3A_1668 = arith.select %eq3A_1663, %max3A_1667, %gather3A_1658 : vector<16xi1>, vector<16xf32>
      %broadcast_in_dim3A_1669 = vector.shape_cast %max3A_63 : vector<16xi32> to vector<16x1xi32>
      %gather3A_1670 = vector.shape_cast %broadcast_in_dim3A_1669 : vector<16x1xi32> to vector<16xi32>
      %gather3A_1671 = tpu.dynamic_gather %gather3A_1659[%gather3A_1670] in [0] : vector<16xf32>, vector<16xi32> -> vector<16xf32>
      %max3A_1672 = arith.maximumf %gather3A_1659, %gather3A_1671 : vector<16xf32>
      %select_n3A_1673 = arith.select %eq3A_1663, %max3A_1672, %gather3A_1659 : vector<16xi1>, vector<16xf32>
      %broadcast_in_dim3A_1674 = vector.shape_cast %max3A_69 : vector<16xi32> to vector<16x1xi32>
      %gather3A_1675 = vector.shape_cast %broadcast_in_dim3A_1674 : vector<16x1xi32> to vector<16xi32>
      %gather3A_1676 = tpu.dynamic_gather %masked_sort3A_1654[%gather3A_1675] in [0] : vector<16xi32>, vector<16xi32> -> vector<16xi32>
      %eq3A_1677 = arith.cmpi eq, %gather3A_1676, %masked_sort3A_1654 : vector<16xi32>
      %broadcast_in_dim3A_1678 = vector.shape_cast %max3A_69 : vector<16xi32> to vector<16x1xi32>
      %gather3A_1679 = vector.shape_cast %broadcast_in_dim3A_1678 : vector<16x1xi32> to vector<16xi32>
      %gather3A_1680 = tpu.dynamic_gather %select_n3A_1668[%gather3A_1679] in [0] : vector<16xf32>, vector<16xi32> -> vector<16xf32>
      %max3A_1681 = arith.maximumf %select_n3A_1668, %gather3A_1680 : vector<16xf32>
      %select_n3A_1682 = arith.select %eq3A_1677, %max3A_1681, %select_n3A_1668 : vector<16xi1>, vector<16xf32>
      %broadcast_in_dim3A_1683 = vector.shape_cast %max3A_69 : vector<16xi32> to vector<16x1xi32>
      %gather3A_1684 = vector.shape_cast %broadcast_in_dim3A_1683 : vector<16x1xi32> to vector<16xi32>
      %gather3A_1685 = tpu.dynamic_gather %select_n3A_1673[%gather3A_1684] in [0] : vector<16xf32>, vector<16xi32> -> vector<16xf32>
      %max3A_1686 = arith.maximumf %select_n3A_1673, %gather3A_1685 : vector<16xf32>
      %select_n3A_1687 = arith.select %eq3A_1677, %max3A_1686, %select_n3A_1673 : vector<16xi1>, vector<16xf32>
      %broadcast_in_dim3A_1688 = vector.shape_cast %max3A_75 : vector<16xi32> to vector<16x1xi32>
      %gather3A_1689 = vector.shape_cast %broadcast_in_dim3A_1688 : vector<16x1xi32> to vector<16xi32>
      %gather3A_1690 = tpu.dynamic_gather %masked_sort3A_1654[%gather3A_1689] in [0] : vector<16xi32>, vector<16xi32> -> vector<16xi32>
      %eq3A_1691 = arith.cmpi eq, %gather3A_1690, %masked_sort3A_1654 : vector<16xi32>
      %broadcast_in_dim3A_1692 = vector.shape_cast %max3A_75 : vector<16xi32> to vector<16x1xi32>
      %gather3A_1693 = vector.shape_cast %broadcast_in_dim3A_1692 : vector<16x1xi32> to vector<16xi32>
      %gather3A_1694 = tpu.dynamic_gather %select_n3A_1682[%gather3A_1693] in [0] : vector<16xf32>, vector<16xi32> -> vector<16xf32>
      %max3A_1695 = arith.maximumf %select_n3A_1682, %gather3A_1694 : vector<16xf32>
      %select_n3A_1696 = arith.select %eq3A_1691, %max3A_1695, %select_n3A_1682 : vector<16xi1>, vector<16xf32>
      %broadcast_in_dim3A_1697 = vector.shape_cast %max3A_75 : vector<16xi32> to vector<16x1xi32>
      %gather3A_1698 = vector.shape_cast %broadcast_in_dim3A_1697 : vector<16x1xi32> to vector<16xi32>
      %gather3A_1699 = tpu.dynamic_gather %select_n3A_1687[%gather3A_1698] in [0] : vector<16xf32>, vector<16xi32> -> vector<16xf32>
      %max3A_1700 = arith.maximumf %select_n3A_1687, %gather3A_1699 : vector<16xf32>
      %select_n3A_1701 = arith.select %eq3A_1691, %max3A_1700, %select_n3A_1687 : vector<16xi1>, vector<16xf32>
      %broadcast_in_dim3A_1702 = vector.shape_cast %max3A_81 : vector<16xi32> to vector<16x1xi32>
      %gather3A_1703 = vector.shape_cast %broadcast_in_dim3A_1702 : vector<16x1xi32> to vector<16xi32>
      %gather3A_1704 = tpu.dynamic_gather %masked_sort3A_1654[%gather3A_1703] in [0] : vector<16xi32>, vector<16xi32> -> vector<16xi32>
      %eq3A_1705 = arith.cmpi eq, %gather3A_1704, %masked_sort3A_1654 : vector<16xi32>
      %broadcast_in_dim3A_1706 = vector.shape_cast %max3A_81 : vector<16xi32> to vector<16x1xi32>
      %gather3A_1707 = vector.shape_cast %broadcast_in_dim3A_1706 : vector<16x1xi32> to vector<16xi32>
      %gather3A_1708 = tpu.dynamic_gather %select_n3A_1696[%gather3A_1707] in [0] : vector<16xf32>, vector<16xi32> -> vector<16xf32>
      %max3A_1709 = arith.maximumf %select_n3A_1696, %gather3A_1708 : vector<16xf32>
      %select_n3A_1710 = arith.select %eq3A_1705, %max3A_1709, %select_n3A_1696 : vector<16xi1>, vector<16xf32>
      %broadcast_in_dim3A_1711 = vector.shape_cast %max3A_81 : vector<16xi32> to vector<16x1xi32>
      %gather3A_1712 = vector.shape_cast %broadcast_in_dim3A_1711 : vector<16x1xi32> to vector<16xi32>
      %gather3A_1713 = tpu.dynamic_gather %select_n3A_1701[%gather3A_1712] in [0] : vector<16xf32>, vector<16xi32> -> vector<16xf32>
      %max3A_1714 = arith.maximumf %select_n3A_1701, %gather3A_1713 : vector<16xf32>
      %select_n3A_1715 = arith.select %eq3A_1705, %max3A_1714, %select_n3A_1701 : vector<16xi1>, vector<16xf32>
      %broadcast_in_dim3A_1716 = vector.shape_cast %min3A_86 : vector<16xi32> to vector<16x1xi32>
      %gather3A_1717 = vector.shape_cast %broadcast_in_dim3A_1716 : vector<16x1xi32> to vector<16xi32>
      %gather3A_1718 = tpu.dynamic_gather %masked_sort3A_1654[%gather3A_1717] in [0] : vector<16xi32>, vector<16xi32> -> vector<16xi32>
      %ne3A_1719 = arith.cmpi ne, %gather3A_1718, %masked_sort3A_1654 : vector<16xi32>
      %or3A_1720 = arith.ori %ne3A_1719, %eq3A_59 : vector<16xi1>
      %gather3A_1721 = tpu.vector_load_idx %arg7[%masked_sort3A_1654] : memref<10240xf32, #tpu.memory_space<vmem>>[vector<16xi32>], vector<16xf32>,
      %gather3A_1722 = tpu.vector_load_idx %arg8[%masked_sort3A_1654] : memref<10240xf32, #tpu.memory_space<vmem>>[vector<16xi32>], vector<16xf32>,
      %max3A_1723 = arith.maximumf %gather3A_1721, %select_n3A_1710 : vector<16xf32>
      tpu.vector_store_idx %arg7[%masked_sort3A_1654], %max3A_1723 masked %or3A_1720 : memref<10240xf32, #tpu.memory_space<vmem>>[vector<16xi32>], vector<16xf32>, vector<16xi1>
      %max3A_1724 = arith.maximumf %gather3A_1722, %select_n3A_1715 : vector<16xf32>
      tpu.vector_store_idx %arg8[%masked_sort3A_1654], %max3A_1724 masked %or3A_1720 : memref<10240xf32, #tpu.memory_space<vmem>>[vector<16xi32>], vector<16xf32>, vector<16xi1>
      %mul3A_1725 = arith.constant 25 : i32
      %mul3A_1726 = arith.muli %scan3A_1009, %mul3A_1725 : i32
      %add3A_1727 = arith.constant 8 : i32
      %add3A_1728 = arith.addi %mul3A_1726, %add3A_1727 : i32
      %mul3A_1729 = arith.constant 16 : i32
      %mul3A_1730 = arith.muli %add3A_1728, %mul3A_1729 : i32
      %get3A_1731 = arith.index_cast %mul3A_1730 : i32 to index
      %get3A_1732 = tpu.vector_load %arg10[%get3A_1731] {strides = array<i32>} : memref<10000xi32, #tpu.memory_space<vmem>>, vector<16xi32>,
      %mul3A_1733 = arith.constant 16 : i32
      %mul3A_1734 = arith.muli %add3A_1728, %mul3A_1733 : i32
      %get3A_1735 = arith.index_cast %mul3A_1734 : i32 to index
      %get3A_1736 = tpu.vector_load %arg9[%get3A_1735] {strides = array<i32>} : memref<10000xi32, #tpu.memory_space<vmem>>, vector<16xi32>,
      %masked_sort3A_1737 = arith.constant dense<true> : vector<16xi1>
      %masked_sort3A_1738 = arith.constant -2147483648 : i32
      %masked_sort3A_1739 = vector.broadcast %masked_sort3A_1738 : i32 to vector<16xi32>
      %masked_sort3A_1740 = arith.xori %get3A_1732, %masked_sort3A_1739 : vector<16xi32>
      %masked_sort3A_1741, %masked_sort3A_1742, %masked_sort3A_1743 = tpu.sort %masked_sort3A_1740, %iota3A masked %masked_sort3A_1737 : (vector<16xi32>, vector<16xi32>, vector<16xi1>) -> (vector<16xi1>, vector<16xi32>, vector<16xi32>)
      %masked_sort3A_1744 = arith.xori %masked_sort3A_1742, %masked_sort3A_1739 : vector<16xi32>
      %broadcast_in_dim3A_1745 = vector.shape_cast %masked_sort3A_1743 : vector<16xi32> to vector<16x1xi32>
      %gather3A_1746 = vector.shape_cast %broadcast_in_dim3A_1745 : vector<16x1xi32> to vector<16xi32>
      %gather3A_1747 = tpu.dynamic_gather %get3A_1736[%gather3A_1746] in [0] : vector<16xi32>, vector<16xi32> -> vector<16xi32>
      %gather3A_1748 = tpu.vector_load_idx %arg5[%gather3A_1747] : memref<10240xf32, #tpu.memory_space<vmem>>[vector<16xi32>], vector<16xf32>,
      %gather3A_1749 = tpu.vector_load_idx %arg6[%gather3A_1747] : memref<10240xf32, #tpu.memory_space<vmem>>[vector<16xi32>], vector<16xf32>,
      %broadcast_in_dim3A_1750 = vector.shape_cast %max3A_63 : vector<16xi32> to vector<16x1xi32>
      %gather3A_1751 = vector.shape_cast %broadcast_in_dim3A_1750 : vector<16x1xi32> to vector<16xi32>
      %gather3A_1752 = tpu.dynamic_gather %masked_sort3A_1744[%gather3A_1751] in [0] : vector<16xi32>, vector<16xi32> -> vector<16xi32>
      %eq3A_1753 = arith.cmpi eq, %gather3A_1752, %masked_sort3A_1744 : vector<16xi32>
      %broadcast_in_dim3A_1754 = vector.shape_cast %max3A_63 : vector<16xi32> to vector<16x1xi32>
      %gather3A_1755 = vector.shape_cast %broadcast_in_dim3A_1754 : vector<16x1xi32> to vector<16xi32>
      %gather3A_1756 = tpu.dynamic_gather %gather3A_1748[%gather3A_1755] in [0] : vector<16xf32>, vector<16xi32> -> vector<16xf32>
      %max3A_1757 = arith.maximumf %gather3A_1748, %gather3A_1756 : vector<16xf32>
      %select_n3A_1758 = arith.select %eq3A_1753, %max3A_1757, %gather3A_1748 : vector<16xi1>, vector<16xf32>
      %broadcast_in_dim3A_1759 = vector.shape_cast %max3A_63 : vector<16xi32> to vector<16x1xi32>
      %gather3A_1760 = vector.shape_cast %broadcast_in_dim3A_1759 : vector<16x1xi32> to vector<16xi32>
      %gather3A_1761 = tpu.dynamic_gather %gather3A_1749[%gather3A_1760] in [0] : vector<16xf32>, vector<16xi32> -> vector<16xf32>
      %max3A_1762 = arith.maximumf %gather3A_1749, %gather3A_1761 : vector<16xf32>
      %select_n3A_1763 = arith.select %eq3A_1753, %max3A_1762, %gather3A_1749 : vector<16xi1>, vector<16xf32>
      %broadcast_in_dim3A_1764 = vector.shape_cast %max3A_69 : vector<16xi32> to vector<16x1xi32>
      %gather3A_1765 = vector.shape_cast %broadcast_in_dim3A_1764 : vector<16x1xi32> to vector<16xi32>
      %gather3A_1766 = tpu.dynamic_gather %masked_sort3A_1744[%gather3A_1765] in [0] : vector<16xi32>, vector<16xi32> -> vector<16xi32>
      %eq3A_1767 = arith.cmpi eq, %gather3A_1766, %masked_sort3A_1744 : vector<16xi32>
      %broadcast_in_dim3A_1768 = vector.shape_cast %max3A_69 : vector<16xi32> to vector<16x1xi32>
      %gather3A_1769 = vector.shape_cast %broadcast_in_dim3A_1768 : vector<16x1xi32> to vector<16xi32>
      %gather3A_1770 = tpu.dynamic_gather %select_n3A_1758[%gather3A_1769] in [0] : vector<16xf32>, vector<16xi32> -> vector<16xf32>
      %max3A_1771 = arith.maximumf %select_n3A_1758, %gather3A_1770 : vector<16xf32>
      %select_n3A_1772 = arith.select %eq3A_1767, %max3A_1771, %select_n3A_1758 : vector<16xi1>, vector<16xf32>
      %broadcast_in_dim3A_1773 = vector.shape_cast %max3A_69 : vector<16xi32> to vector<16x1xi32>
      %gather3A_1774 = vector.shape_cast %broadcast_in_dim3A_1773 : vector<16x1xi32> to vector<16xi32>
      %gather3A_1775 = tpu.dynamic_gather %select_n3A_1763[%gather3A_1774] in [0] : vector<16xf32>, vector<16xi32> -> vector<16xf32>
      %max3A_1776 = arith.maximumf %select_n3A_1763, %gather3A_1775 : vector<16xf32>
      %select_n3A_1777 = arith.select %eq3A_1767, %max3A_1776, %select_n3A_1763 : vector<16xi1>, vector<16xf32>
      %broadcast_in_dim3A_1778 = vector.shape_cast %max3A_75 : vector<16xi32> to vector<16x1xi32>
      %gather3A_1779 = vector.shape_cast %broadcast_in_dim3A_1778 : vector<16x1xi32> to vector<16xi32>
      %gather3A_1780 = tpu.dynamic_gather %masked_sort3A_1744[%gather3A_1779] in [0] : vector<16xi32>, vector<16xi32> -> vector<16xi32>
      %eq3A_1781 = arith.cmpi eq, %gather3A_1780, %masked_sort3A_1744 : vector<16xi32>
      %broadcast_in_dim3A_1782 = vector.shape_cast %max3A_75 : vector<16xi32> to vector<16x1xi32>
      %gather3A_1783 = vector.shape_cast %broadcast_in_dim3A_1782 : vector<16x1xi32> to vector<16xi32>
      %gather3A_1784 = tpu.dynamic_gather %select_n3A_1772[%gather3A_1783] in [0] : vector<16xf32>, vector<16xi32> -> vector<16xf32>
      %max3A_1785 = arith.maximumf %select_n3A_1772, %gather3A_1784 : vector<16xf32>
      %select_n3A_1786 = arith.select %eq3A_1781, %max3A_1785, %select_n3A_1772 : vector<16xi1>, vector<16xf32>
      %broadcast_in_dim3A_1787 = vector.shape_cast %max3A_75 : vector<16xi32> to vector<16x1xi32>
      %gather3A_1788 = vector.shape_cast %broadcast_in_dim3A_1787 : vector<16x1xi32> to vector<16xi32>
      %gather3A_1789 = tpu.dynamic_gather %select_n3A_1777[%gather3A_1788] in [0] : vector<16xf32>, vector<16xi32> -> vector<16xf32>
      %max3A_1790 = arith.maximumf %select_n3A_1777, %gather3A_1789 : vector<16xf32>
      %select_n3A_1791 = arith.select %eq3A_1781, %max3A_1790, %select_n3A_1777 : vector<16xi1>, vector<16xf32>
      %broadcast_in_dim3A_1792 = vector.shape_cast %max3A_81 : vector<16xi32> to vector<16x1xi32>
      %gather3A_1793 = vector.shape_cast %broadcast_in_dim3A_1792 : vector<16x1xi32> to vector<16xi32>
      %gather3A_1794 = tpu.dynamic_gather %masked_sort3A_1744[%gather3A_1793] in [0] : vector<16xi32>, vector<16xi32> -> vector<16xi32>
      %eq3A_1795 = arith.cmpi eq, %gather3A_1794, %masked_sort3A_1744 : vector<16xi32>
      %broadcast_in_dim3A_1796 = vector.shape_cast %max3A_81 : vector<16xi32> to vector<16x1xi32>
      %gather3A_1797 = vector.shape_cast %broadcast_in_dim3A_1796 : vector<16x1xi32> to vector<16xi32>
      %gather3A_1798 = tpu.dynamic_gather %select_n3A_1786[%gather3A_1797] in [0] : vector<16xf32>, vector<16xi32> -> vector<16xf32>
      %max3A_1799 = arith.maximumf %select_n3A_1786, %gather3A_1798 : vector<16xf32>
      %select_n3A_1800 = arith.select %eq3A_1795, %max3A_1799, %select_n3A_1786 : vector<16xi1>, vector<16xf32>
      %broadcast_in_dim3A_1801 = vector.shape_cast %max3A_81 : vector<16xi32> to vector<16x1xi32>
      %gather3A_1802 = vector.shape_cast %broadcast_in_dim3A_1801 : vector<16x1xi32> to vector<16xi32>
      %gather3A_1803 = tpu.dynamic_gather %select_n3A_1791[%gather3A_1802] in [0] : vector<16xf32>, vector<16xi32> -> vector<16xf32>
      %max3A_1804 = arith.maximumf %select_n3A_1791, %gather3A_1803 : vector<16xf32>
      %select_n3A_1805 = arith.select %eq3A_1795, %max3A_1804, %select_n3A_1791 : vector<16xi1>, vector<16xf32>
      %broadcast_in_dim3A_1806 = vector.shape_cast %min3A_86 : vector<16xi32> to vector<16x1xi32>
      %gather3A_1807 = vector.shape_cast %broadcast_in_dim3A_1806 : vector<16x1xi32> to vector<16xi32>
      %gather3A_1808 = tpu.dynamic_gather %masked_sort3A_1744[%gather3A_1807] in [0] : vector<16xi32>, vector<16xi32> -> vector<16xi32>
      %ne3A_1809 = arith.cmpi ne, %gather3A_1808, %masked_sort3A_1744 : vector<16xi32>
      %or3A_1810 = arith.ori %ne3A_1809, %eq3A_59 : vector<16xi1>
      %gather3A_1811 = tpu.vector_load_idx %arg7[%masked_sort3A_1744] : memref<10240xf32, #tpu.memory_space<vmem>>[vector<16xi32>], vector<16xf32>,
      %gather3A_1812 = tpu.vector_load_idx %arg8[%masked_sort3A_1744] : memref<10240xf32, #tpu.memory_space<vmem>>[vector<16xi32>], vector<16xf32>,
      %max3A_1813 = arith.maximumf %gather3A_1811, %select_n3A_1800 : vector<16xf32>
      tpu.vector_store_idx %arg7[%masked_sort3A_1744], %max3A_1813 masked %or3A_1810 : memref<10240xf32, #tpu.memory_space<vmem>>[vector<16xi32>], vector<16xf32>, vector<16xi1>
      %max3A_1814 = arith.maximumf %gather3A_1812, %select_n3A_1805 : vector<16xf32>
      tpu.vector_store_idx %arg8[%masked_sort3A_1744], %max3A_1814 masked %or3A_1810 : memref<10240xf32, #tpu.memory_space<vmem>>[vector<16xi32>], vector<16xf32>, vector<16xi1>
      %mul3A_1815 = arith.constant 25 : i32
      %mul3A_1816 = arith.muli %scan3A_1009, %mul3A_1815 : i32
      %add3A_1817 = arith.constant 9 : i32
      %add3A_1818 = arith.addi %mul3A_1816, %add3A_1817 : i32
      %mul3A_1819 = arith.constant 16 : i32
      %mul3A_1820 = arith.muli %add3A_1818, %mul3A_1819 : i32
      %get3A_1821 = arith.index_cast %mul3A_1820 : i32 to index
      %get3A_1822 = tpu.vector_load %arg10[%get3A_1821] {strides = array<i32>} : memref<10000xi32, #tpu.memory_space<vmem>>, vector<16xi32>,
      %mul3A_1823 = arith.constant 16 : i32
      %mul3A_1824 = arith.muli %add3A_1818, %mul3A_1823 : i32
      %get3A_1825 = arith.index_cast %mul3A_1824 : i32 to index
      %get3A_1826 = tpu.vector_load %arg9[%get3A_1825] {strides = array<i32>} : memref<10000xi32, #tpu.memory_space<vmem>>, vector<16xi32>,
      %masked_sort3A_1827 = arith.constant dense<true> : vector<16xi1>
      %masked_sort3A_1828 = arith.constant -2147483648 : i32
      %masked_sort3A_1829 = vector.broadcast %masked_sort3A_1828 : i32 to vector<16xi32>
      %masked_sort3A_1830 = arith.xori %get3A_1822, %masked_sort3A_1829 : vector<16xi32>
      %masked_sort3A_1831, %masked_sort3A_1832, %masked_sort3A_1833 = tpu.sort %masked_sort3A_1830, %iota3A masked %masked_sort3A_1827 : (vector<16xi32>, vector<16xi32>, vector<16xi1>) -> (vector<16xi1>, vector<16xi32>, vector<16xi32>)
      %masked_sort3A_1834 = arith.xori %masked_sort3A_1832, %masked_sort3A_1829 : vector<16xi32>
      %broadcast_in_dim3A_1835 = vector.shape_cast %masked_sort3A_1833 : vector<16xi32> to vector<16x1xi32>
      %gather3A_1836 = vector.shape_cast %broadcast_in_dim3A_1835 : vector<16x1xi32> to vector<16xi32>
      %gather3A_1837 = tpu.dynamic_gather %get3A_1826[%gather3A_1836] in [0] : vector<16xi32>, vector<16xi32> -> vector<16xi32>
      %gather3A_1838 = tpu.vector_load_idx %arg5[%gather3A_1837] : memref<10240xf32, #tpu.memory_space<vmem>>[vector<16xi32>], vector<16xf32>,
      %gather3A_1839 = tpu.vector_load_idx %arg6[%gather3A_1837] : memref<10240xf32, #tpu.memory_space<vmem>>[vector<16xi32>], vector<16xf32>,
      %broadcast_in_dim3A_1840 = vector.shape_cast %max3A_63 : vector<16xi32> to vector<16x1xi32>
      %gather3A_1841 = vector.shape_cast %broadcast_in_dim3A_1840 : vector<16x1xi32> to vector<16xi32>
      %gather3A_1842 = tpu.dynamic_gather %masked_sort3A_1834[%gather3A_1841] in [0] : vector<16xi32>, vector<16xi32> -> vector<16xi32>
      %eq3A_1843 = arith.cmpi eq, %gather3A_1842, %masked_sort3A_1834 : vector<16xi32>
      %broadcast_in_dim3A_1844 = vector.shape_cast %max3A_63 : vector<16xi32> to vector<16x1xi32>
      %gather3A_1845 = vector.shape_cast %broadcast_in_dim3A_1844 : vector<16x1xi32> to vector<16xi32>
      %gather3A_1846 = tpu.dynamic_gather %gather3A_1838[%gather3A_1845] in [0] : vector<16xf32>, vector<16xi32> -> vector<16xf32>
      %max3A_1847 = arith.maximumf %gather3A_1838, %gather3A_1846 : vector<16xf32>
      %select_n3A_1848 = arith.select %eq3A_1843, %max3A_1847, %gather3A_1838 : vector<16xi1>, vector<16xf32>
      %broadcast_in_dim3A_1849 = vector.shape_cast %max3A_63 : vector<16xi32> to vector<16x1xi32>
      %gather3A_1850 = vector.shape_cast %broadcast_in_dim3A_1849 : vector<16x1xi32> to vector<16xi32>
      %gather3A_1851 = tpu.dynamic_gather %gather3A_1839[%gather3A_1850] in [0] : vector<16xf32>, vector<16xi32> -> vector<16xf32>
      %max3A_1852 = arith.maximumf %gather3A_1839, %gather3A_1851 : vector<16xf32>
      %select_n3A_1853 = arith.select %eq3A_1843, %max3A_1852, %gather3A_1839 : vector<16xi1>, vector<16xf32>
      %broadcast_in_dim3A_1854 = vector.shape_cast %max3A_69 : vector<16xi32> to vector<16x1xi32>
      %gather3A_1855 = vector.shape_cast %broadcast_in_dim3A_1854 : vector<16x1xi32> to vector<16xi32>
      %gather3A_1856 = tpu.dynamic_gather %masked_sort3A_1834[%gather3A_1855] in [0] : vector<16xi32>, vector<16xi32> -> vector<16xi32>
      %eq3A_1857 = arith.cmpi eq, %gather3A_1856, %masked_sort3A_1834 : vector<16xi32>
      %broadcast_in_dim3A_1858 = vector.shape_cast %max3A_69 : vector<16xi32> to vector<16x1xi32>
      %gather3A_1859 = vector.shape_cast %broadcast_in_dim3A_1858 : vector<16x1xi32> to vector<16xi32>
      %gather3A_1860 = tpu.dynamic_gather %select_n3A_1848[%gather3A_1859] in [0] : vector<16xf32>, vector<16xi32> -> vector<16xf32>
      %max3A_1861 = arith.maximumf %select_n3A_1848, %gather3A_1860 : vector<16xf32>
      %select_n3A_1862 = arith.select %eq3A_1857, %max3A_1861, %select_n3A_1848 : vector<16xi1>, vector<16xf32>
      %broadcast_in_dim3A_1863 = vector.shape_cast %max3A_69 : vector<16xi32> to vector<16x1xi32>
      %gather3A_1864 = vector.shape_cast %broadcast_in_dim3A_1863 : vector<16x1xi32> to vector<16xi32>
      %gather3A_1865 = tpu.dynamic_gather %select_n3A_1853[%gather3A_1864] in [0] : vector<16xf32>, vector<16xi32> -> vector<16xf32>
      %max3A_1866 = arith.maximumf %select_n3A_1853, %gather3A_1865 : vector<16xf32>
      %select_n3A_1867 = arith.select %eq3A_1857, %max3A_1866, %select_n3A_1853 : vector<16xi1>, vector<16xf32>
      %broadcast_in_dim3A_1868 = vector.shape_cast %max3A_75 : vector<16xi32> to vector<16x1xi32>
      %gather3A_1869 = vector.shape_cast %broadcast_in_dim3A_1868 : vector<16x1xi32> to vector<16xi32>
      %gather3A_1870 = tpu.dynamic_gather %masked_sort3A_1834[%gather3A_1869] in [0] : vector<16xi32>, vector<16xi32> -> vector<16xi32>
      %eq3A_1871 = arith.cmpi eq, %gather3A_1870, %masked_sort3A_1834 : vector<16xi32>
      %broadcast_in_dim3A_1872 = vector.shape_cast %max3A_75 : vector<16xi32> to vector<16x1xi32>
      %gather3A_1873 = vector.shape_cast %broadcast_in_dim3A_1872 : vector<16x1xi32> to vector<16xi32>
      %gather3A_1874 = tpu.dynamic_gather %select_n3A_1862[%gather3A_1873] in [0] : vector<16xf32>, vector<16xi32> -> vector<16xf32>
      %max3A_1875 = arith.maximumf %select_n3A_1862, %gather3A_1874 : vector<16xf32>
      %select_n3A_1876 = arith.select %eq3A_1871, %max3A_1875, %select_n3A_1862 : vector<16xi1>, vector<16xf32>
      %broadcast_in_dim3A_1877 = vector.shape_cast %max3A_75 : vector<16xi32> to vector<16x1xi32>
      %gather3A_1878 = vector.shape_cast %broadcast_in_dim3A_1877 : vector<16x1xi32> to vector<16xi32>
      %gather3A_1879 = tpu.dynamic_gather %select_n3A_1867[%gather3A_1878] in [0] : vector<16xf32>, vector<16xi32> -> vector<16xf32>
      %max3A_1880 = arith.maximumf %select_n3A_1867, %gather3A_1879 : vector<16xf32>
      %select_n3A_1881 = arith.select %eq3A_1871, %max3A_1880, %select_n3A_1867 : vector<16xi1>, vector<16xf32>
      %broadcast_in_dim3A_1882 = vector.shape_cast %max3A_81 : vector<16xi32> to vector<16x1xi32>
      %gather3A_1883 = vector.shape_cast %broadcast_in_dim3A_1882 : vector<16x1xi32> to vector<16xi32>
      %gather3A_1884 = tpu.dynamic_gather %masked_sort3A_1834[%gather3A_1883] in [0] : vector<16xi32>, vector<16xi32> -> vector<16xi32>
      %eq3A_1885 = arith.cmpi eq, %gather3A_1884, %masked_sort3A_1834 : vector<16xi32>
      %broadcast_in_dim3A_1886 = vector.shape_cast %max3A_81 : vector<16xi32> to vector<16x1xi32>
      %gather3A_1887 = vector.shape_cast %broadcast_in_dim3A_1886 : vector<16x1xi32> to vector<16xi32>
      %gather3A_1888 = tpu.dynamic_gather %select_n3A_1876[%gather3A_1887] in [0] : vector<16xf32>, vector<16xi32> -> vector<16xf32>
      %max3A_1889 = arith.maximumf %select_n3A_1876, %gather3A_1888 : vector<16xf32>
      %select_n3A_1890 = arith.select %eq3A_1885, %max3A_1889, %select_n3A_1876 : vector<16xi1>, vector<16xf32>
      %broadcast_in_dim3A_1891 = vector.shape_cast %max3A_81 : vector<16xi32> to vector<16x1xi32>
      %gather3A_1892 = vector.shape_cast %broadcast_in_dim3A_1891 : vector<16x1xi32> to vector<16xi32>
      %gather3A_1893 = tpu.dynamic_gather %select_n3A_1881[%gather3A_1892] in [0] : vector<16xf32>, vector<16xi32> -> vector<16xf32>
      %max3A_1894 = arith.maximumf %select_n3A_1881, %gather3A_1893 : vector<16xf32>
      %select_n3A_1895 = arith.select %eq3A_1885, %max3A_1894, %select_n3A_1881 : vector<16xi1>, vector<16xf32>
      %broadcast_in_dim3A_1896 = vector.shape_cast %min3A_86 : vector<16xi32> to vector<16x1xi32>
      %gather3A_1897 = vector.shape_cast %broadcast_in_dim3A_1896 : vector<16x1xi32> to vector<16xi32>
      %gather3A_1898 = tpu.dynamic_gather %masked_sort3A_1834[%gather3A_1897] in [0] : vector<16xi32>, vector<16xi32> -> vector<16xi32>
      %ne3A_1899 = arith.cmpi ne, %gather3A_1898, %masked_sort3A_1834 : vector<16xi32>
      %or3A_1900 = arith.ori %ne3A_1899, %eq3A_59 : vector<16xi1>
      %gather3A_1901 = tpu.vector_load_idx %arg7[%masked_sort3A_1834] : memref<10240xf32, #tpu.memory_space<vmem>>[vector<16xi32>], vector<16xf32>,
      %gather3A_1902 = tpu.vector_load_idx %arg8[%masked_sort3A_1834] : memref<10240xf32, #tpu.memory_space<vmem>>[vector<16xi32>], vector<16xf32>,
      %max3A_1903 = arith.maximumf %gather3A_1901, %select_n3A_1890 : vector<16xf32>
      tpu.vector_store_idx %arg7[%masked_sort3A_1834], %max3A_1903 masked %or3A_1900 : memref<10240xf32, #tpu.memory_space<vmem>>[vector<16xi32>], vector<16xf32>, vector<16xi1>
      %max3A_1904 = arith.maximumf %gather3A_1902, %select_n3A_1895 : vector<16xf32>
      tpu.vector_store_idx %arg8[%masked_sort3A_1834], %max3A_1904 masked %or3A_1900 : memref<10240xf32, #tpu.memory_space<vmem>>[vector<16xi32>], vector<16xf32>, vector<16xi1>
      %mul3A_1905 = arith.constant 25 : i32
      %mul3A_1906 = arith.muli %scan3A_1009, %mul3A_1905 : i32
      %add3A_1907 = arith.constant 10 : i32
      %add3A_1908 = arith.addi %mul3A_1906, %add3A_1907 : i32
      %mul3A_1909 = arith.constant 16 : i32
      %mul3A_1910 = arith.muli %add3A_1908, %mul3A_1909 : i32
      %get3A_1911 = arith.index_cast %mul3A_1910 : i32 to index
      %get3A_1912 = tpu.vector_load %arg10[%get3A_1911] {strides = array<i32>} : memref<10000xi32, #tpu.memory_space<vmem>>, vector<16xi32>,
      %mul3A_1913 = arith.constant 16 : i32
      %mul3A_1914 = arith.muli %add3A_1908, %mul3A_1913 : i32
      %get3A_1915 = arith.index_cast %mul3A_1914 : i32 to index
      %get3A_1916 = tpu.vector_load %arg9[%get3A_1915] {strides = array<i32>} : memref<10000xi32, #tpu.memory_space<vmem>>, vector<16xi32>,
      %masked_sort3A_1917 = arith.constant dense<true> : vector<16xi1>
      %masked_sort3A_1918 = arith.constant -2147483648 : i32
      %masked_sort3A_1919 = vector.broadcast %masked_sort3A_1918 : i32 to vector<16xi32>
      %masked_sort3A_1920 = arith.xori %get3A_1912, %masked_sort3A_1919 : vector<16xi32>
      %masked_sort3A_1921, %masked_sort3A_1922, %masked_sort3A_1923 = tpu.sort %masked_sort3A_1920, %iota3A masked %masked_sort3A_1917 : (vector<16xi32>, vector<16xi32>, vector<16xi1>) -> (vector<16xi1>, vector<16xi32>, vector<16xi32>)
      %masked_sort3A_1924 = arith.xori %masked_sort3A_1922, %masked_sort3A_1919 : vector<16xi32>
      %broadcast_in_dim3A_1925 = vector.shape_cast %masked_sort3A_1923 : vector<16xi32> to vector<16x1xi32>
      %gather3A_1926 = vector.shape_cast %broadcast_in_dim3A_1925 : vector<16x1xi32> to vector<16xi32>
      %gather3A_1927 = tpu.dynamic_gather %get3A_1916[%gather3A_1926] in [0] : vector<16xi32>, vector<16xi32> -> vector<16xi32>
      %gather3A_1928 = tpu.vector_load_idx %arg5[%gather3A_1927] : memref<10240xf32, #tpu.memory_space<vmem>>[vector<16xi32>], vector<16xf32>,
      %gather3A_1929 = tpu.vector_load_idx %arg6[%gather3A_1927] : memref<10240xf32, #tpu.memory_space<vmem>>[vector<16xi32>], vector<16xf32>,
      %broadcast_in_dim3A_1930 = vector.shape_cast %max3A_63 : vector<16xi32> to vector<16x1xi32>
      %gather3A_1931 = vector.shape_cast %broadcast_in_dim3A_1930 : vector<16x1xi32> to vector<16xi32>
      %gather3A_1932 = tpu.dynamic_gather %masked_sort3A_1924[%gather3A_1931] in [0] : vector<16xi32>, vector<16xi32> -> vector<16xi32>
      %eq3A_1933 = arith.cmpi eq, %gather3A_1932, %masked_sort3A_1924 : vector<16xi32>
      %broadcast_in_dim3A_1934 = vector.shape_cast %max3A_63 : vector<16xi32> to vector<16x1xi32>
      %gather3A_1935 = vector.shape_cast %broadcast_in_dim3A_1934 : vector<16x1xi32> to vector<16xi32>
      %gather3A_1936 = tpu.dynamic_gather %gather3A_1928[%gather3A_1935] in [0] : vector<16xf32>, vector<16xi32> -> vector<16xf32>
      %max3A_1937 = arith.maximumf %gather3A_1928, %gather3A_1936 : vector<16xf32>
      %select_n3A_1938 = arith.select %eq3A_1933, %max3A_1937, %gather3A_1928 : vector<16xi1>, vector<16xf32>
      %broadcast_in_dim3A_1939 = vector.shape_cast %max3A_63 : vector<16xi32> to vector<16x1xi32>
      %gather3A_1940 = vector.shape_cast %broadcast_in_dim3A_1939 : vector<16x1xi32> to vector<16xi32>
      %gather3A_1941 = tpu.dynamic_gather %gather3A_1929[%gather3A_1940] in [0] : vector<16xf32>, vector<16xi32> -> vector<16xf32>
      %max3A_1942 = arith.maximumf %gather3A_1929, %gather3A_1941 : vector<16xf32>
      %select_n3A_1943 = arith.select %eq3A_1933, %max3A_1942, %gather3A_1929 : vector<16xi1>, vector<16xf32>
      %broadcast_in_dim3A_1944 = vector.shape_cast %max3A_69 : vector<16xi32> to vector<16x1xi32>
      %gather3A_1945 = vector.shape_cast %broadcast_in_dim3A_1944 : vector<16x1xi32> to vector<16xi32>
      %gather3A_1946 = tpu.dynamic_gather %masked_sort3A_1924[%gather3A_1945] in [0] : vector<16xi32>, vector<16xi32> -> vector<16xi32>
      %eq3A_1947 = arith.cmpi eq, %gather3A_1946, %masked_sort3A_1924 : vector<16xi32>
      %broadcast_in_dim3A_1948 = vector.shape_cast %max3A_69 : vector<16xi32> to vector<16x1xi32>
      %gather3A_1949 = vector.shape_cast %broadcast_in_dim3A_1948 : vector<16x1xi32> to vector<16xi32>
      %gather3A_1950 = tpu.dynamic_gather %select_n3A_1938[%gather3A_1949] in [0] : vector<16xf32>, vector<16xi32> -> vector<16xf32>
      %max3A_1951 = arith.maximumf %select_n3A_1938, %gather3A_1950 : vector<16xf32>
      %select_n3A_1952 = arith.select %eq3A_1947, %max3A_1951, %select_n3A_1938 : vector<16xi1>, vector<16xf32>
      %broadcast_in_dim3A_1953 = vector.shape_cast %max3A_69 : vector<16xi32> to vector<16x1xi32>
      %gather3A_1954 = vector.shape_cast %broadcast_in_dim3A_1953 : vector<16x1xi32> to vector<16xi32>
      %gather3A_1955 = tpu.dynamic_gather %select_n3A_1943[%gather3A_1954] in [0] : vector<16xf32>, vector<16xi32> -> vector<16xf32>
      %max3A_1956 = arith.maximumf %select_n3A_1943, %gather3A_1955 : vector<16xf32>
      %select_n3A_1957 = arith.select %eq3A_1947, %max3A_1956, %select_n3A_1943 : vector<16xi1>, vector<16xf32>
      %broadcast_in_dim3A_1958 = vector.shape_cast %max3A_75 : vector<16xi32> to vector<16x1xi32>
      %gather3A_1959 = vector.shape_cast %broadcast_in_dim3A_1958 : vector<16x1xi32> to vector<16xi32>
      %gather3A_1960 = tpu.dynamic_gather %masked_sort3A_1924[%gather3A_1959] in [0] : vector<16xi32>, vector<16xi32> -> vector<16xi32>
      %eq3A_1961 = arith.cmpi eq, %gather3A_1960, %masked_sort3A_1924 : vector<16xi32>
      %broadcast_in_dim3A_1962 = vector.shape_cast %max3A_75 : vector<16xi32> to vector<16x1xi32>
      %gather3A_1963 = vector.shape_cast %broadcast_in_dim3A_1962 : vector<16x1xi32> to vector<16xi32>
      %gather3A_1964 = tpu.dynamic_gather %select_n3A_1952[%gather3A_1963] in [0] : vector<16xf32>, vector<16xi32> -> vector<16xf32>
      %max3A_1965 = arith.maximumf %select_n3A_1952, %gather3A_1964 : vector<16xf32>
      %select_n3A_1966 = arith.select %eq3A_1961, %max3A_1965, %select_n3A_1952 : vector<16xi1>, vector<16xf32>
      %broadcast_in_dim3A_1967 = vector.shape_cast %max3A_75 : vector<16xi32> to vector<16x1xi32>
      %gather3A_1968 = vector.shape_cast %broadcast_in_dim3A_1967 : vector<16x1xi32> to vector<16xi32>
      %gather3A_1969 = tpu.dynamic_gather %select_n3A_1957[%gather3A_1968] in [0] : vector<16xf32>, vector<16xi32> -> vector<16xf32>
      %max3A_1970 = arith.maximumf %select_n3A_1957, %gather3A_1969 : vector<16xf32>
      %select_n3A_1971 = arith.select %eq3A_1961, %max3A_1970, %select_n3A_1957 : vector<16xi1>, vector<16xf32>
      %broadcast_in_dim3A_1972 = vector.shape_cast %max3A_81 : vector<16xi32> to vector<16x1xi32>
      %gather3A_1973 = vector.shape_cast %broadcast_in_dim3A_1972 : vector<16x1xi32> to vector<16xi32>
      %gather3A_1974 = tpu.dynamic_gather %masked_sort3A_1924[%gather3A_1973] in [0] : vector<16xi32>, vector<16xi32> -> vector<16xi32>
      %eq3A_1975 = arith.cmpi eq, %gather3A_1974, %masked_sort3A_1924 : vector<16xi32>
      %broadcast_in_dim3A_1976 = vector.shape_cast %max3A_81 : vector<16xi32> to vector<16x1xi32>
      %gather3A_1977 = vector.shape_cast %broadcast_in_dim3A_1976 : vector<16x1xi32> to vector<16xi32>
      %gather3A_1978 = tpu.dynamic_gather %select_n3A_1966[%gather3A_1977] in [0] : vector<16xf32>, vector<16xi32> -> vector<16xf32>
      %max3A_1979 = arith.maximumf %select_n3A_1966, %gather3A_1978 : vector<16xf32>
      %select_n3A_1980 = arith.select %eq3A_1975, %max3A_1979, %select_n3A_1966 : vector<16xi1>, vector<16xf32>
      %broadcast_in_dim3A_1981 = vector.shape_cast %max3A_81 : vector<16xi32> to vector<16x1xi32>
      %gather3A_1982 = vector.shape_cast %broadcast_in_dim3A_1981 : vector<16x1xi32> to vector<16xi32>
      %gather3A_1983 = tpu.dynamic_gather %select_n3A_1971[%gather3A_1982] in [0] : vector<16xf32>, vector<16xi32> -> vector<16xf32>
      %max3A_1984 = arith.maximumf %select_n3A_1971, %gather3A_1983 : vector<16xf32>
      %select_n3A_1985 = arith.select %eq3A_1975, %max3A_1984, %select_n3A_1971 : vector<16xi1>, vector<16xf32>
      %broadcast_in_dim3A_1986 = vector.shape_cast %min3A_86 : vector<16xi32> to vector<16x1xi32>
      %gather3A_1987 = vector.shape_cast %broadcast_in_dim3A_1986 : vector<16x1xi32> to vector<16xi32>
      %gather3A_1988 = tpu.dynamic_gather %masked_sort3A_1924[%gather3A_1987] in [0] : vector<16xi32>, vector<16xi32> -> vector<16xi32>
      %ne3A_1989 = arith.cmpi ne, %gather3A_1988, %masked_sort3A_1924 : vector<16xi32>
      %or3A_1990 = arith.ori %ne3A_1989, %eq3A_59 : vector<16xi1>
      %gather3A_1991 = tpu.vector_load_idx %arg7[%masked_sort3A_1924] : memref<10240xf32, #tpu.memory_space<vmem>>[vector<16xi32>], vector<16xf32>,
      %gather3A_1992 = tpu.vector_load_idx %arg8[%masked_sort3A_1924] : memref<10240xf32, #tpu.memory_space<vmem>>[vector<16xi32>], vector<16xf32>,
      %max3A_1993 = arith.maximumf %gather3A_1991, %select_n3A_1980 : vector<16xf32>
      tpu.vector_store_idx %arg7[%masked_sort3A_1924], %max3A_1993 masked %or3A_1990 : memref<10240xf32, #tpu.memory_space<vmem>>[vector<16xi32>], vector<16xf32>, vector<16xi1>
      %max3A_1994 = arith.maximumf %gather3A_1992, %select_n3A_1985 : vector<16xf32>
      tpu.vector_store_idx %arg8[%masked_sort3A_1924], %max3A_1994 masked %or3A_1990 : memref<10240xf32, #tpu.memory_space<vmem>>[vector<16xi32>], vector<16xf32>, vector<16xi1>
      %mul3A_1995 = arith.constant 25 : i32
      %mul3A_1996 = arith.muli %scan3A_1009, %mul3A_1995 : i32
      %add3A_1997 = arith.constant 11 : i32
      %add3A_1998 = arith.addi %mul3A_1996, %add3A_1997 : i32
      %mul3A_1999 = arith.constant 16 : i32
      %mul3A_2000 = arith.muli %add3A_1998, %mul3A_1999 : i32
      %get3A_2001 = arith.index_cast %mul3A_2000 : i32 to index
      %get3A_2002 = tpu.vector_load %arg10[%get3A_2001] {strides = array<i32>} : memref<10000xi32, #tpu.memory_space<vmem>>, vector<16xi32>,
      %mul3A_2003 = arith.constant 16 : i32
      %mul3A_2004 = arith.muli %add3A_1998, %mul3A_2003 : i32
      %get3A_2005 = arith.index_cast %mul3A_2004 : i32 to index
      %get3A_2006 = tpu.vector_load %arg9[%get3A_2005] {strides = array<i32>} : memref<10000xi32, #tpu.memory_space<vmem>>, vector<16xi32>,
      %masked_sort3A_2007 = arith.constant dense<true> : vector<16xi1>
      %masked_sort3A_2008 = arith.constant -2147483648 : i32
      %masked_sort3A_2009 = vector.broadcast %masked_sort3A_2008 : i32 to vector<16xi32>
      %masked_sort3A_2010 = arith.xori %get3A_2002, %masked_sort3A_2009 : vector<16xi32>
      %masked_sort3A_2011, %masked_sort3A_2012, %masked_sort3A_2013 = tpu.sort %masked_sort3A_2010, %iota3A masked %masked_sort3A_2007 : (vector<16xi32>, vector<16xi32>, vector<16xi1>) -> (vector<16xi1>, vector<16xi32>, vector<16xi32>)
      %masked_sort3A_2014 = arith.xori %masked_sort3A_2012, %masked_sort3A_2009 : vector<16xi32>
      %broadcast_in_dim3A_2015 = vector.shape_cast %masked_sort3A_2013 : vector<16xi32> to vector<16x1xi32>
      %gather3A_2016 = vector.shape_cast %broadcast_in_dim3A_2015 : vector<16x1xi32> to vector<16xi32>
      %gather3A_2017 = tpu.dynamic_gather %get3A_2006[%gather3A_2016] in [0] : vector<16xi32>, vector<16xi32> -> vector<16xi32>
      %gather3A_2018 = tpu.vector_load_idx %arg5[%gather3A_2017] : memref<10240xf32, #tpu.memory_space<vmem>>[vector<16xi32>], vector<16xf32>,
      %gather3A_2019 = tpu.vector_load_idx %arg6[%gather3A_2017] : memref<10240xf32, #tpu.memory_space<vmem>>[vector<16xi32>], vector<16xf32>,
      %broadcast_in_dim3A_2020 = vector.shape_cast %max3A_63 : vector<16xi32> to vector<16x1xi32>
      %gather3A_2021 = vector.shape_cast %broadcast_in_dim3A_2020 : vector<16x1xi32> to vector<16xi32>
      %gather3A_2022 = tpu.dynamic_gather %masked_sort3A_2014[%gather3A_2021] in [0] : vector<16xi32>, vector<16xi32> -> vector<16xi32>
      %eq3A_2023 = arith.cmpi eq, %gather3A_2022, %masked_sort3A_2014 : vector<16xi32>
      %broadcast_in_dim3A_2024 = vector.shape_cast %max3A_63 : vector<16xi32> to vector<16x1xi32>
      %gather3A_2025 = vector.shape_cast %broadcast_in_dim3A_2024 : vector<16x1xi32> to vector<16xi32>
      %gather3A_2026 = tpu.dynamic_gather %gather3A_2018[%gather3A_2025] in [0] : vector<16xf32>, vector<16xi32> -> vector<16xf32>
      %max3A_2027 = arith.maximumf %gather3A_2018, %gather3A_2026 : vector<16xf32>
      %select_n3A_2028 = arith.select %eq3A_2023, %max3A_2027, %gather3A_2018 : vector<16xi1>, vector<16xf32>
      %broadcast_in_dim3A_2029 = vector.shape_cast %max3A_63 : vector<16xi32> to vector<16x1xi32>
      %gather3A_2030 = vector.shape_cast %broadcast_in_dim3A_2029 : vector<16x1xi32> to vector<16xi32>
      %gather3A_2031 = tpu.dynamic_gather %gather3A_2019[%gather3A_2030] in [0] : vector<16xf32>, vector<16xi32> -> vector<16xf32>
      %max3A_2032 = arith.maximumf %gather3A_2019, %gather3A_2031 : vector<16xf32>
      %select_n3A_2033 = arith.select %eq3A_2023, %max3A_2032, %gather3A_2019 : vector<16xi1>, vector<16xf32>
      %broadcast_in_dim3A_2034 = vector.shape_cast %max3A_69 : vector<16xi32> to vector<16x1xi32>
      %gather3A_2035 = vector.shape_cast %broadcast_in_dim3A_2034 : vector<16x1xi32> to vector<16xi32>
      %gather3A_2036 = tpu.dynamic_gather %masked_sort3A_2014[%gather3A_2035] in [0] : vector<16xi32>, vector<16xi32> -> vector<16xi32>
      %eq3A_2037 = arith.cmpi eq, %gather3A_2036, %masked_sort3A_2014 : vector<16xi32>
      %broadcast_in_dim3A_2038 = vector.shape_cast %max3A_69 : vector<16xi32> to vector<16x1xi32>
      %gather3A_2039 = vector.shape_cast %broadcast_in_dim3A_2038 : vector<16x1xi32> to vector<16xi32>
      %gather3A_2040 = tpu.dynamic_gather %select_n3A_2028[%gather3A_2039] in [0] : vector<16xf32>, vector<16xi32> -> vector<16xf32>
      %max3A_2041 = arith.maximumf %select_n3A_2028, %gather3A_2040 : vector<16xf32>
      %select_n3A_2042 = arith.select %eq3A_2037, %max3A_2041, %select_n3A_2028 : vector<16xi1>, vector<16xf32>
      %broadcast_in_dim3A_2043 = vector.shape_cast %max3A_69 : vector<16xi32> to vector<16x1xi32>
      %gather3A_2044 = vector.shape_cast %broadcast_in_dim3A_2043 : vector<16x1xi32> to vector<16xi32>
      %gather3A_2045 = tpu.dynamic_gather %select_n3A_2033[%gather3A_2044] in [0] : vector<16xf32>, vector<16xi32> -> vector<16xf32>
      %max3A_2046 = arith.maximumf %select_n3A_2033, %gather3A_2045 : vector<16xf32>
      %select_n3A_2047 = arith.select %eq3A_2037, %max3A_2046, %select_n3A_2033 : vector<16xi1>, vector<16xf32>
      %broadcast_in_dim3A_2048 = vector.shape_cast %max3A_75 : vector<16xi32> to vector<16x1xi32>
      %gather3A_2049 = vector.shape_cast %broadcast_in_dim3A_2048 : vector<16x1xi32> to vector<16xi32>
      %gather3A_2050 = tpu.dynamic_gather %masked_sort3A_2014[%gather3A_2049] in [0] : vector<16xi32>, vector<16xi32> -> vector<16xi32>
      %eq3A_2051 = arith.cmpi eq, %gather3A_2050, %masked_sort3A_2014 : vector<16xi32>
      %broadcast_in_dim3A_2052 = vector.shape_cast %max3A_75 : vector<16xi32> to vector<16x1xi32>
      %gather3A_2053 = vector.shape_cast %broadcast_in_dim3A_2052 : vector<16x1xi32> to vector<16xi32>
      %gather3A_2054 = tpu.dynamic_gather %select_n3A_2042[%gather3A_2053] in [0] : vector<16xf32>, vector<16xi32> -> vector<16xf32>
      %max3A_2055 = arith.maximumf %select_n3A_2042, %gather3A_2054 : vector<16xf32>
      %select_n3A_2056 = arith.select %eq3A_2051, %max3A_2055, %select_n3A_2042 : vector<16xi1>, vector<16xf32>
      %broadcast_in_dim3A_2057 = vector.shape_cast %max3A_75 : vector<16xi32> to vector<16x1xi32>
      %gather3A_2058 = vector.shape_cast %broadcast_in_dim3A_2057 : vector<16x1xi32> to vector<16xi32>
      %gather3A_2059 = tpu.dynamic_gather %select_n3A_2047[%gather3A_2058] in [0] : vector<16xf32>, vector<16xi32> -> vector<16xf32>
      %max3A_2060 = arith.maximumf %select_n3A_2047, %gather3A_2059 : vector<16xf32>
      %select_n3A_2061 = arith.select %eq3A_2051, %max3A_2060, %select_n3A_2047 : vector<16xi1>, vector<16xf32>
      %broadcast_in_dim3A_2062 = vector.shape_cast %max3A_81 : vector<16xi32> to vector<16x1xi32>
      %gather3A_2063 = vector.shape_cast %broadcast_in_dim3A_2062 : vector<16x1xi32> to vector<16xi32>
      %gather3A_2064 = tpu.dynamic_gather %masked_sort3A_2014[%gather3A_2063] in [0] : vector<16xi32>, vector<16xi32> -> vector<16xi32>
      %eq3A_2065 = arith.cmpi eq, %gather3A_2064, %masked_sort3A_2014 : vector<16xi32>
      %broadcast_in_dim3A_2066 = vector.shape_cast %max3A_81 : vector<16xi32> to vector<16x1xi32>
      %gather3A_2067 = vector.shape_cast %broadcast_in_dim3A_2066 : vector<16x1xi32> to vector<16xi32>
      %gather3A_2068 = tpu.dynamic_gather %select_n3A_2056[%gather3A_2067] in [0] : vector<16xf32>, vector<16xi32> -> vector<16xf32>
      %max3A_2069 = arith.maximumf %select_n3A_2056, %gather3A_2068 : vector<16xf32>
      %select_n3A_2070 = arith.select %eq3A_2065, %max3A_2069, %select_n3A_2056 : vector<16xi1>, vector<16xf32>
      %broadcast_in_dim3A_2071 = vector.shape_cast %max3A_81 : vector<16xi32> to vector<16x1xi32>
      %gather3A_2072 = vector.shape_cast %broadcast_in_dim3A_2071 : vector<16x1xi32> to vector<16xi32>
      %gather3A_2073 = tpu.dynamic_gather %select_n3A_2061[%gather3A_2072] in [0] : vector<16xf32>, vector<16xi32> -> vector<16xf32>
      %max3A_2074 = arith.maximumf %select_n3A_2061, %gather3A_2073 : vector<16xf32>
      %select_n3A_2075 = arith.select %eq3A_2065, %max3A_2074, %select_n3A_2061 : vector<16xi1>, vector<16xf32>
      %broadcast_in_dim3A_2076 = vector.shape_cast %min3A_86 : vector<16xi32> to vector<16x1xi32>
      %gather3A_2077 = vector.shape_cast %broadcast_in_dim3A_2076 : vector<16x1xi32> to vector<16xi32>
      %gather3A_2078 = tpu.dynamic_gather %masked_sort3A_2014[%gather3A_2077] in [0] : vector<16xi32>, vector<16xi32> -> vector<16xi32>
      %ne3A_2079 = arith.cmpi ne, %gather3A_2078, %masked_sort3A_2014 : vector<16xi32>
      %or3A_2080 = arith.ori %ne3A_2079, %eq3A_59 : vector<16xi1>
      %gather3A_2081 = tpu.vector_load_idx %arg7[%masked_sort3A_2014] : memref<10240xf32, #tpu.memory_space<vmem>>[vector<16xi32>], vector<16xf32>,
      %gather3A_2082 = tpu.vector_load_idx %arg8[%masked_sort3A_2014] : memref<10240xf32, #tpu.memory_space<vmem>>[vector<16xi32>], vector<16xf32>,
      %max3A_2083 = arith.maximumf %gather3A_2081, %select_n3A_2070 : vector<16xf32>
      tpu.vector_store_idx %arg7[%masked_sort3A_2014], %max3A_2083 masked %or3A_2080 : memref<10240xf32, #tpu.memory_space<vmem>>[vector<16xi32>], vector<16xf32>, vector<16xi1>
      %max3A_2084 = arith.maximumf %gather3A_2082, %select_n3A_2075 : vector<16xf32>
      tpu.vector_store_idx %arg8[%masked_sort3A_2014], %max3A_2084 masked %or3A_2080 : memref<10240xf32, #tpu.memory_space<vmem>>[vector<16xi32>], vector<16xf32>, vector<16xi1>
      %mul3A_2085 = arith.constant 25 : i32
      %mul3A_2086 = arith.muli %scan3A_1009, %mul3A_2085 : i32
      %add3A_2087 = arith.constant 12 : i32
      %add3A_2088 = arith.addi %mul3A_2086, %add3A_2087 : i32
      %mul3A_2089 = arith.constant 16 : i32
      %mul3A_2090 = arith.muli %add3A_2088, %mul3A_2089 : i32
      %get3A_2091 = arith.index_cast %mul3A_2090 : i32 to index
      %get3A_2092 = tpu.vector_load %arg10[%get3A_2091] {strides = array<i32>} : memref<10000xi32, #tpu.memory_space<vmem>>, vector<16xi32>,
      %mul3A_2093 = arith.constant 16 : i32
      %mul3A_2094 = arith.muli %add3A_2088, %mul3A_2093 : i32
      %get3A_2095 = arith.index_cast %mul3A_2094 : i32 to index
      %get3A_2096 = tpu.vector_load %arg9[%get3A_2095] {strides = array<i32>} : memref<10000xi32, #tpu.memory_space<vmem>>, vector<16xi32>,
      %masked_sort3A_2097 = arith.constant dense<true> : vector<16xi1>
      %masked_sort3A_2098 = arith.constant -2147483648 : i32
      %masked_sort3A_2099 = vector.broadcast %masked_sort3A_2098 : i32 to vector<16xi32>
      %masked_sort3A_2100 = arith.xori %get3A_2092, %masked_sort3A_2099 : vector<16xi32>
      %masked_sort3A_2101, %masked_sort3A_2102, %masked_sort3A_2103 = tpu.sort %masked_sort3A_2100, %iota3A masked %masked_sort3A_2097 : (vector<16xi32>, vector<16xi32>, vector<16xi1>) -> (vector<16xi1>, vector<16xi32>, vector<16xi32>)
      %masked_sort3A_2104 = arith.xori %masked_sort3A_2102, %masked_sort3A_2099 : vector<16xi32>
      %broadcast_in_dim3A_2105 = vector.shape_cast %masked_sort3A_2103 : vector<16xi32> to vector<16x1xi32>
      %gather3A_2106 = vector.shape_cast %broadcast_in_dim3A_2105 : vector<16x1xi32> to vector<16xi32>
      %gather3A_2107 = tpu.dynamic_gather %get3A_2096[%gather3A_2106] in [0] : vector<16xi32>, vector<16xi32> -> vector<16xi32>
      %gather3A_2108 = tpu.vector_load_idx %arg5[%gather3A_2107] : memref<10240xf32, #tpu.memory_space<vmem>>[vector<16xi32>], vector<16xf32>,
      %gather3A_2109 = tpu.vector_load_idx %arg6[%gather3A_2107] : memref<10240xf32, #tpu.memory_space<vmem>>[vector<16xi32>], vector<16xf32>,
      %broadcast_in_dim3A_2110 = vector.shape_cast %max3A_63 : vector<16xi32> to vector<16x1xi32>
      %gather3A_2111 = vector.shape_cast %broadcast_in_dim3A_2110 : vector<16x1xi32> to vector<16xi32>
      %gather3A_2112 = tpu.dynamic_gather %masked_sort3A_2104[%gather3A_2111] in [0] : vector<16xi32>, vector<16xi32> -> vector<16xi32>
      %eq3A_2113 = arith.cmpi eq, %gather3A_2112, %masked_sort3A_2104 : vector<16xi32>
      %broadcast_in_dim3A_2114 = vector.shape_cast %max3A_63 : vector<16xi32> to vector<16x1xi32>
      %gather3A_2115 = vector.shape_cast %broadcast_in_dim3A_2114 : vector<16x1xi32> to vector<16xi32>
      %gather3A_2116 = tpu.dynamic_gather %gather3A_2108[%gather3A_2115] in [0] : vector<16xf32>, vector<16xi32> -> vector<16xf32>
      %max3A_2117 = arith.maximumf %gather3A_2108, %gather3A_2116 : vector<16xf32>
      %select_n3A_2118 = arith.select %eq3A_2113, %max3A_2117, %gather3A_2108 : vector<16xi1>, vector<16xf32>
      %broadcast_in_dim3A_2119 = vector.shape_cast %max3A_63 : vector<16xi32> to vector<16x1xi32>
      %gather3A_2120 = vector.shape_cast %broadcast_in_dim3A_2119 : vector<16x1xi32> to vector<16xi32>
      %gather3A_2121 = tpu.dynamic_gather %gather3A_2109[%gather3A_2120] in [0] : vector<16xf32>, vector<16xi32> -> vector<16xf32>
      %max3A_2122 = arith.maximumf %gather3A_2109, %gather3A_2121 : vector<16xf32>
      %select_n3A_2123 = arith.select %eq3A_2113, %max3A_2122, %gather3A_2109 : vector<16xi1>, vector<16xf32>
      %broadcast_in_dim3A_2124 = vector.shape_cast %max3A_69 : vector<16xi32> to vector<16x1xi32>
      %gather3A_2125 = vector.shape_cast %broadcast_in_dim3A_2124 : vector<16x1xi32> to vector<16xi32>
      %gather3A_2126 = tpu.dynamic_gather %masked_sort3A_2104[%gather3A_2125] in [0] : vector<16xi32>, vector<16xi32> -> vector<16xi32>
      %eq3A_2127 = arith.cmpi eq, %gather3A_2126, %masked_sort3A_2104 : vector<16xi32>
      %broadcast_in_dim3A_2128 = vector.shape_cast %max3A_69 : vector<16xi32> to vector<16x1xi32>
      %gather3A_2129 = vector.shape_cast %broadcast_in_dim3A_2128 : vector<16x1xi32> to vector<16xi32>
      %gather3A_2130 = tpu.dynamic_gather %select_n3A_2118[%gather3A_2129] in [0] : vector<16xf32>, vector<16xi32> -> vector<16xf32>
      %max3A_2131 = arith.maximumf %select_n3A_2118, %gather3A_2130 : vector<16xf32>
      %select_n3A_2132 = arith.select %eq3A_2127, %max3A_2131, %select_n3A_2118 : vector<16xi1>, vector<16xf32>
      %broadcast_in_dim3A_2133 = vector.shape_cast %max3A_69 : vector<16xi32> to vector<16x1xi32>
      %gather3A_2134 = vector.shape_cast %broadcast_in_dim3A_2133 : vector<16x1xi32> to vector<16xi32>
      %gather3A_2135 = tpu.dynamic_gather %select_n3A_2123[%gather3A_2134] in [0] : vector<16xf32>, vector<16xi32> -> vector<16xf32>
      %max3A_2136 = arith.maximumf %select_n3A_2123, %gather3A_2135 : vector<16xf32>
      %select_n3A_2137 = arith.select %eq3A_2127, %max3A_2136, %select_n3A_2123 : vector<16xi1>, vector<16xf32>
      %broadcast_in_dim3A_2138 = vector.shape_cast %max3A_75 : vector<16xi32> to vector<16x1xi32>
      %gather3A_2139 = vector.shape_cast %broadcast_in_dim3A_2138 : vector<16x1xi32> to vector<16xi32>
      %gather3A_2140 = tpu.dynamic_gather %masked_sort3A_2104[%gather3A_2139] in [0] : vector<16xi32>, vector<16xi32> -> vector<16xi32>
      %eq3A_2141 = arith.cmpi eq, %gather3A_2140, %masked_sort3A_2104 : vector<16xi32>
      %broadcast_in_dim3A_2142 = vector.shape_cast %max3A_75 : vector<16xi32> to vector<16x1xi32>
      %gather3A_2143 = vector.shape_cast %broadcast_in_dim3A_2142 : vector<16x1xi32> to vector<16xi32>
      %gather3A_2144 = tpu.dynamic_gather %select_n3A_2132[%gather3A_2143] in [0] : vector<16xf32>, vector<16xi32> -> vector<16xf32>
      %max3A_2145 = arith.maximumf %select_n3A_2132, %gather3A_2144 : vector<16xf32>
      %select_n3A_2146 = arith.select %eq3A_2141, %max3A_2145, %select_n3A_2132 : vector<16xi1>, vector<16xf32>
      %broadcast_in_dim3A_2147 = vector.shape_cast %max3A_75 : vector<16xi32> to vector<16x1xi32>
      %gather3A_2148 = vector.shape_cast %broadcast_in_dim3A_2147 : vector<16x1xi32> to vector<16xi32>
      %gather3A_2149 = tpu.dynamic_gather %select_n3A_2137[%gather3A_2148] in [0] : vector<16xf32>, vector<16xi32> -> vector<16xf32>
      %max3A_2150 = arith.maximumf %select_n3A_2137, %gather3A_2149 : vector<16xf32>
      %select_n3A_2151 = arith.select %eq3A_2141, %max3A_2150, %select_n3A_2137 : vector<16xi1>, vector<16xf32>
      %broadcast_in_dim3A_2152 = vector.shape_cast %max3A_81 : vector<16xi32> to vector<16x1xi32>
      %gather3A_2153 = vector.shape_cast %broadcast_in_dim3A_2152 : vector<16x1xi32> to vector<16xi32>
      %gather3A_2154 = tpu.dynamic_gather %masked_sort3A_2104[%gather3A_2153] in [0] : vector<16xi32>, vector<16xi32> -> vector<16xi32>
      %eq3A_2155 = arith.cmpi eq, %gather3A_2154, %masked_sort3A_2104 : vector<16xi32>
      %broadcast_in_dim3A_2156 = vector.shape_cast %max3A_81 : vector<16xi32> to vector<16x1xi32>
      %gather3A_2157 = vector.shape_cast %broadcast_in_dim3A_2156 : vector<16x1xi32> to vector<16xi32>
      %gather3A_2158 = tpu.dynamic_gather %select_n3A_2146[%gather3A_2157] in [0] : vector<16xf32>, vector<16xi32> -> vector<16xf32>
      %max3A_2159 = arith.maximumf %select_n3A_2146, %gather3A_2158 : vector<16xf32>
      %select_n3A_2160 = arith.select %eq3A_2155, %max3A_2159, %select_n3A_2146 : vector<16xi1>, vector<16xf32>
      %broadcast_in_dim3A_2161 = vector.shape_cast %max3A_81 : vector<16xi32> to vector<16x1xi32>
      %gather3A_2162 = vector.shape_cast %broadcast_in_dim3A_2161 : vector<16x1xi32> to vector<16xi32>
      %gather3A_2163 = tpu.dynamic_gather %select_n3A_2151[%gather3A_2162] in [0] : vector<16xf32>, vector<16xi32> -> vector<16xf32>
      %max3A_2164 = arith.maximumf %select_n3A_2151, %gather3A_2163 : vector<16xf32>
      %select_n3A_2165 = arith.select %eq3A_2155, %max3A_2164, %select_n3A_2151 : vector<16xi1>, vector<16xf32>
      %broadcast_in_dim3A_2166 = vector.shape_cast %min3A_86 : vector<16xi32> to vector<16x1xi32>
      %gather3A_2167 = vector.shape_cast %broadcast_in_dim3A_2166 : vector<16x1xi32> to vector<16xi32>
      %gather3A_2168 = tpu.dynamic_gather %masked_sort3A_2104[%gather3A_2167] in [0] : vector<16xi32>, vector<16xi32> -> vector<16xi32>
      %ne3A_2169 = arith.cmpi ne, %gather3A_2168, %masked_sort3A_2104 : vector<16xi32>
      %or3A_2170 = arith.ori %ne3A_2169, %eq3A_59 : vector<16xi1>
      %gather3A_2171 = tpu.vector_load_idx %arg7[%masked_sort3A_2104] : memref<10240xf32, #tpu.memory_space<vmem>>[vector<16xi32>], vector<16xf32>,
      %gather3A_2172 = tpu.vector_load_idx %arg8[%masked_sort3A_2104] : memref<10240xf32, #tpu.memory_space<vmem>>[vector<16xi32>], vector<16xf32>,
      %max3A_2173 = arith.maximumf %gather3A_2171, %select_n3A_2160 : vector<16xf32>
      tpu.vector_store_idx %arg7[%masked_sort3A_2104], %max3A_2173 masked %or3A_2170 : memref<10240xf32, #tpu.memory_space<vmem>>[vector<16xi32>], vector<16xf32>, vector<16xi1>
      %max3A_2174 = arith.maximumf %gather3A_2172, %select_n3A_2165 : vector<16xf32>
      tpu.vector_store_idx %arg8[%masked_sort3A_2104], %max3A_2174 masked %or3A_2170 : memref<10240xf32, #tpu.memory_space<vmem>>[vector<16xi32>], vector<16xf32>, vector<16xi1>
      %mul3A_2175 = arith.constant 25 : i32
      %mul3A_2176 = arith.muli %scan3A_1009, %mul3A_2175 : i32
      %add3A_2177 = arith.constant 13 : i32
      %add3A_2178 = arith.addi %mul3A_2176, %add3A_2177 : i32
      %mul3A_2179 = arith.constant 16 : i32
      %mul3A_2180 = arith.muli %add3A_2178, %mul3A_2179 : i32
      %get3A_2181 = arith.index_cast %mul3A_2180 : i32 to index
      %get3A_2182 = tpu.vector_load %arg10[%get3A_2181] {strides = array<i32>} : memref<10000xi32, #tpu.memory_space<vmem>>, vector<16xi32>,
      %mul3A_2183 = arith.constant 16 : i32
      %mul3A_2184 = arith.muli %add3A_2178, %mul3A_2183 : i32
      %get3A_2185 = arith.index_cast %mul3A_2184 : i32 to index
      %get3A_2186 = tpu.vector_load %arg9[%get3A_2185] {strides = array<i32>} : memref<10000xi32, #tpu.memory_space<vmem>>, vector<16xi32>,
      %masked_sort3A_2187 = arith.constant dense<true> : vector<16xi1>
      %masked_sort3A_2188 = arith.constant -2147483648 : i32
      %masked_sort3A_2189 = vector.broadcast %masked_sort3A_2188 : i32 to vector<16xi32>
      %masked_sort3A_2190 = arith.xori %get3A_2182, %masked_sort3A_2189 : vector<16xi32>
      %masked_sort3A_2191, %masked_sort3A_2192, %masked_sort3A_2193 = tpu.sort %masked_sort3A_2190, %iota3A masked %masked_sort3A_2187 : (vector<16xi32>, vector<16xi32>, vector<16xi1>) -> (vector<16xi1>, vector<16xi32>, vector<16xi32>)
      %masked_sort3A_2194 = arith.xori %masked_sort3A_2192, %masked_sort3A_2189 : vector<16xi32>
      %broadcast_in_dim3A_2195 = vector.shape_cast %masked_sort3A_2193 : vector<16xi32> to vector<16x1xi32>
      %gather3A_2196 = vector.shape_cast %broadcast_in_dim3A_2195 : vector<16x1xi32> to vector<16xi32>
      %gather3A_2197 = tpu.dynamic_gather %get3A_2186[%gather3A_2196] in [0] : vector<16xi32>, vector<16xi32> -> vector<16xi32>
      %gather3A_2198 = tpu.vector_load_idx %arg5[%gather3A_2197] : memref<10240xf32, #tpu.memory_space<vmem>>[vector<16xi32>], vector<16xf32>,
      %gather3A_2199 = tpu.vector_load_idx %arg6[%gather3A_2197] : memref<10240xf32, #tpu.memory_space<vmem>>[vector<16xi32>], vector<16xf32>,
      %broadcast_in_dim3A_2200 = vector.shape_cast %max3A_63 : vector<16xi32> to vector<16x1xi32>
      %gather3A_2201 = vector.shape_cast %broadcast_in_dim3A_2200 : vector<16x1xi32> to vector<16xi32>
      %gather3A_2202 = tpu.dynamic_gather %masked_sort3A_2194[%gather3A_2201] in [0] : vector<16xi32>, vector<16xi32> -> vector<16xi32>
      %eq3A_2203 = arith.cmpi eq, %gather3A_2202, %masked_sort3A_2194 : vector<16xi32>
      %broadcast_in_dim3A_2204 = vector.shape_cast %max3A_63 : vector<16xi32> to vector<16x1xi32>
      %gather3A_2205 = vector.shape_cast %broadcast_in_dim3A_2204 : vector<16x1xi32> to vector<16xi32>
      %gather3A_2206 = tpu.dynamic_gather %gather3A_2198[%gather3A_2205] in [0] : vector<16xf32>, vector<16xi32> -> vector<16xf32>
      %max3A_2207 = arith.maximumf %gather3A_2198, %gather3A_2206 : vector<16xf32>
      %select_n3A_2208 = arith.select %eq3A_2203, %max3A_2207, %gather3A_2198 : vector<16xi1>, vector<16xf32>
      %broadcast_in_dim3A_2209 = vector.shape_cast %max3A_63 : vector<16xi32> to vector<16x1xi32>
      %gather3A_2210 = vector.shape_cast %broadcast_in_dim3A_2209 : vector<16x1xi32> to vector<16xi32>
      %gather3A_2211 = tpu.dynamic_gather %gather3A_2199[%gather3A_2210] in [0] : vector<16xf32>, vector<16xi32> -> vector<16xf32>
      %max3A_2212 = arith.maximumf %gather3A_2199, %gather3A_2211 : vector<16xf32>
      %select_n3A_2213 = arith.select %eq3A_2203, %max3A_2212, %gather3A_2199 : vector<16xi1>, vector<16xf32>
      %broadcast_in_dim3A_2214 = vector.shape_cast %max3A_69 : vector<16xi32> to vector<16x1xi32>
      %gather3A_2215 = vector.shape_cast %broadcast_in_dim3A_2214 : vector<16x1xi32> to vector<16xi32>
      %gather3A_2216 = tpu.dynamic_gather %masked_sort3A_2194[%gather3A_2215] in [0] : vector<16xi32>, vector<16xi32> -> vector<16xi32>
      %eq3A_2217 = arith.cmpi eq, %gather3A_2216, %masked_sort3A_2194 : vector<16xi32>
      %broadcast_in_dim3A_2218 = vector.shape_cast %max3A_69 : vector<16xi32> to vector<16x1xi32>
      %gather3A_2219 = vector.shape_cast %broadcast_in_dim3A_2218 : vector<16x1xi32> to vector<16xi32>
      %gather3A_2220 = tpu.dynamic_gather %select_n3A_2208[%gather3A_2219] in [0] : vector<16xf32>, vector<16xi32> -> vector<16xf32>
      %max3A_2221 = arith.maximumf %select_n3A_2208, %gather3A_2220 : vector<16xf32>
      %select_n3A_2222 = arith.select %eq3A_2217, %max3A_2221, %select_n3A_2208 : vector<16xi1>, vector<16xf32>
      %broadcast_in_dim3A_2223 = vector.shape_cast %max3A_69 : vector<16xi32> to vector<16x1xi32>
      %gather3A_2224 = vector.shape_cast %broadcast_in_dim3A_2223 : vector<16x1xi32> to vector<16xi32>
      %gather3A_2225 = tpu.dynamic_gather %select_n3A_2213[%gather3A_2224] in [0] : vector<16xf32>, vector<16xi32> -> vector<16xf32>
      %max3A_2226 = arith.maximumf %select_n3A_2213, %gather3A_2225 : vector<16xf32>
      %select_n3A_2227 = arith.select %eq3A_2217, %max3A_2226, %select_n3A_2213 : vector<16xi1>, vector<16xf32>
      %broadcast_in_dim3A_2228 = vector.shape_cast %max3A_75 : vector<16xi32> to vector<16x1xi32>
      %gather3A_2229 = vector.shape_cast %broadcast_in_dim3A_2228 : vector<16x1xi32> to vector<16xi32>
      %gather3A_2230 = tpu.dynamic_gather %masked_sort3A_2194[%gather3A_2229] in [0] : vector<16xi32>, vector<16xi32> -> vector<16xi32>
      %eq3A_2231 = arith.cmpi eq, %gather3A_2230, %masked_sort3A_2194 : vector<16xi32>
      %broadcast_in_dim3A_2232 = vector.shape_cast %max3A_75 : vector<16xi32> to vector<16x1xi32>
      %gather3A_2233 = vector.shape_cast %broadcast_in_dim3A_2232 : vector<16x1xi32> to vector<16xi32>
      %gather3A_2234 = tpu.dynamic_gather %select_n3A_2222[%gather3A_2233] in [0] : vector<16xf32>, vector<16xi32> -> vector<16xf32>
      %max3A_2235 = arith.maximumf %select_n3A_2222, %gather3A_2234 : vector<16xf32>
      %select_n3A_2236 = arith.select %eq3A_2231, %max3A_2235, %select_n3A_2222 : vector<16xi1>, vector<16xf32>
      %broadcast_in_dim3A_2237 = vector.shape_cast %max3A_75 : vector<16xi32> to vector<16x1xi32>
      %gather3A_2238 = vector.shape_cast %broadcast_in_dim3A_2237 : vector<16x1xi32> to vector<16xi32>
      %gather3A_2239 = tpu.dynamic_gather %select_n3A_2227[%gather3A_2238] in [0] : vector<16xf32>, vector<16xi32> -> vector<16xf32>
      %max3A_2240 = arith.maximumf %select_n3A_2227, %gather3A_2239 : vector<16xf32>
      %select_n3A_2241 = arith.select %eq3A_2231, %max3A_2240, %select_n3A_2227 : vector<16xi1>, vector<16xf32>
      %broadcast_in_dim3A_2242 = vector.shape_cast %max3A_81 : vector<16xi32> to vector<16x1xi32>
      %gather3A_2243 = vector.shape_cast %broadcast_in_dim3A_2242 : vector<16x1xi32> to vector<16xi32>
      %gather3A_2244 = tpu.dynamic_gather %masked_sort3A_2194[%gather3A_2243] in [0] : vector<16xi32>, vector<16xi32> -> vector<16xi32>
      %eq3A_2245 = arith.cmpi eq, %gather3A_2244, %masked_sort3A_2194 : vector<16xi32>
      %broadcast_in_dim3A_2246 = vector.shape_cast %max3A_81 : vector<16xi32> to vector<16x1xi32>
      %gather3A_2247 = vector.shape_cast %broadcast_in_dim3A_2246 : vector<16x1xi32> to vector<16xi32>
      %gather3A_2248 = tpu.dynamic_gather %select_n3A_2236[%gather3A_2247] in [0] : vector<16xf32>, vector<16xi32> -> vector<16xf32>
      %max3A_2249 = arith.maximumf %select_n3A_2236, %gather3A_2248 : vector<16xf32>
      %select_n3A_2250 = arith.select %eq3A_2245, %max3A_2249, %select_n3A_2236 : vector<16xi1>, vector<16xf32>
      %broadcast_in_dim3A_2251 = vector.shape_cast %max3A_81 : vector<16xi32> to vector<16x1xi32>
      %gather3A_2252 = vector.shape_cast %broadcast_in_dim3A_2251 : vector<16x1xi32> to vector<16xi32>
      %gather3A_2253 = tpu.dynamic_gather %select_n3A_2241[%gather3A_2252] in [0] : vector<16xf32>, vector<16xi32> -> vector<16xf32>
      %max3A_2254 = arith.maximumf %select_n3A_2241, %gather3A_2253 : vector<16xf32>
      %select_n3A_2255 = arith.select %eq3A_2245, %max3A_2254, %select_n3A_2241 : vector<16xi1>, vector<16xf32>
      %broadcast_in_dim3A_2256 = vector.shape_cast %min3A_86 : vector<16xi32> to vector<16x1xi32>
      %gather3A_2257 = vector.shape_cast %broadcast_in_dim3A_2256 : vector<16x1xi32> to vector<16xi32>
      %gather3A_2258 = tpu.dynamic_gather %masked_sort3A_2194[%gather3A_2257] in [0] : vector<16xi32>, vector<16xi32> -> vector<16xi32>
      %ne3A_2259 = arith.cmpi ne, %gather3A_2258, %masked_sort3A_2194 : vector<16xi32>
      %or3A_2260 = arith.ori %ne3A_2259, %eq3A_59 : vector<16xi1>
      %gather3A_2261 = tpu.vector_load_idx %arg7[%masked_sort3A_2194] : memref<10240xf32, #tpu.memory_space<vmem>>[vector<16xi32>], vector<16xf32>,
      %gather3A_2262 = tpu.vector_load_idx %arg8[%masked_sort3A_2194] : memref<10240xf32, #tpu.memory_space<vmem>>[vector<16xi32>], vector<16xf32>,
      %max3A_2263 = arith.maximumf %gather3A_2261, %select_n3A_2250 : vector<16xf32>
      tpu.vector_store_idx %arg7[%masked_sort3A_2194], %max3A_2263 masked %or3A_2260 : memref<10240xf32, #tpu.memory_space<vmem>>[vector<16xi32>], vector<16xf32>, vector<16xi1>
      %max3A_2264 = arith.maximumf %gather3A_2262, %select_n3A_2255 : vector<16xf32>
      tpu.vector_store_idx %arg8[%masked_sort3A_2194], %max3A_2264 masked %or3A_2260 : memref<10240xf32, #tpu.memory_space<vmem>>[vector<16xi32>], vector<16xf32>, vector<16xi1>
      %mul3A_2265 = arith.constant 25 : i32
      %mul3A_2266 = arith.muli %scan3A_1009, %mul3A_2265 : i32
      %add3A_2267 = arith.constant 14 : i32
      %add3A_2268 = arith.addi %mul3A_2266, %add3A_2267 : i32
      %mul3A_2269 = arith.constant 16 : i32
      %mul3A_2270 = arith.muli %add3A_2268, %mul3A_2269 : i32
      %get3A_2271 = arith.index_cast %mul3A_2270 : i32 to index
      %get3A_2272 = tpu.vector_load %arg10[%get3A_2271] {strides = array<i32>} : memref<10000xi32, #tpu.memory_space<vmem>>, vector<16xi32>,
      %mul3A_2273 = arith.constant 16 : i32
      %mul3A_2274 = arith.muli %add3A_2268, %mul3A_2273 : i32
      %get3A_2275 = arith.index_cast %mul3A_2274 : i32 to index
      %get3A_2276 = tpu.vector_load %arg9[%get3A_2275] {strides = array<i32>} : memref<10000xi32, #tpu.memory_space<vmem>>, vector<16xi32>,
      %masked_sort3A_2277 = arith.constant dense<true> : vector<16xi1>
      %masked_sort3A_2278 = arith.constant -2147483648 : i32
      %masked_sort3A_2279 = vector.broadcast %masked_sort3A_2278 : i32 to vector<16xi32>
      %masked_sort3A_2280 = arith.xori %get3A_2272, %masked_sort3A_2279 : vector<16xi32>
      %masked_sort3A_2281, %masked_sort3A_2282, %masked_sort3A_2283 = tpu.sort %masked_sort3A_2280, %iota3A masked %masked_sort3A_2277 : (vector<16xi32>, vector<16xi32>, vector<16xi1>) -> (vector<16xi1>, vector<16xi32>, vector<16xi32>)
      %masked_sort3A_2284 = arith.xori %masked_sort3A_2282, %masked_sort3A_2279 : vector<16xi32>
      %broadcast_in_dim3A_2285 = vector.shape_cast %masked_sort3A_2283 : vector<16xi32> to vector<16x1xi32>
      %gather3A_2286 = vector.shape_cast %broadcast_in_dim3A_2285 : vector<16x1xi32> to vector<16xi32>
      %gather3A_2287 = tpu.dynamic_gather %get3A_2276[%gather3A_2286] in [0] : vector<16xi32>, vector<16xi32> -> vector<16xi32>
      %gather3A_2288 = tpu.vector_load_idx %arg5[%gather3A_2287] : memref<10240xf32, #tpu.memory_space<vmem>>[vector<16xi32>], vector<16xf32>,
      %gather3A_2289 = tpu.vector_load_idx %arg6[%gather3A_2287] : memref<10240xf32, #tpu.memory_space<vmem>>[vector<16xi32>], vector<16xf32>,
      %broadcast_in_dim3A_2290 = vector.shape_cast %max3A_63 : vector<16xi32> to vector<16x1xi32>
      %gather3A_2291 = vector.shape_cast %broadcast_in_dim3A_2290 : vector<16x1xi32> to vector<16xi32>
      %gather3A_2292 = tpu.dynamic_gather %masked_sort3A_2284[%gather3A_2291] in [0] : vector<16xi32>, vector<16xi32> -> vector<16xi32>
      %eq3A_2293 = arith.cmpi eq, %gather3A_2292, %masked_sort3A_2284 : vector<16xi32>
      %broadcast_in_dim3A_2294 = vector.shape_cast %max3A_63 : vector<16xi32> to vector<16x1xi32>
      %gather3A_2295 = vector.shape_cast %broadcast_in_dim3A_2294 : vector<16x1xi32> to vector<16xi32>
      %gather3A_2296 = tpu.dynamic_gather %gather3A_2288[%gather3A_2295] in [0] : vector<16xf32>, vector<16xi32> -> vector<16xf32>
      %max3A_2297 = arith.maximumf %gather3A_2288, %gather3A_2296 : vector<16xf32>
      %select_n3A_2298 = arith.select %eq3A_2293, %max3A_2297, %gather3A_2288 : vector<16xi1>, vector<16xf32>
      %broadcast_in_dim3A_2299 = vector.shape_cast %max3A_63 : vector<16xi32> to vector<16x1xi32>
      %gather3A_2300 = vector.shape_cast %broadcast_in_dim3A_2299 : vector<16x1xi32> to vector<16xi32>
      %gather3A_2301 = tpu.dynamic_gather %gather3A_2289[%gather3A_2300] in [0] : vector<16xf32>, vector<16xi32> -> vector<16xf32>
      %max3A_2302 = arith.maximumf %gather3A_2289, %gather3A_2301 : vector<16xf32>
      %select_n3A_2303 = arith.select %eq3A_2293, %max3A_2302, %gather3A_2289 : vector<16xi1>, vector<16xf32>
      %broadcast_in_dim3A_2304 = vector.shape_cast %max3A_69 : vector<16xi32> to vector<16x1xi32>
      %gather3A_2305 = vector.shape_cast %broadcast_in_dim3A_2304 : vector<16x1xi32> to vector<16xi32>
      %gather3A_2306 = tpu.dynamic_gather %masked_sort3A_2284[%gather3A_2305] in [0] : vector<16xi32>, vector<16xi32> -> vector<16xi32>
      %eq3A_2307 = arith.cmpi eq, %gather3A_2306, %masked_sort3A_2284 : vector<16xi32>
      %broadcast_in_dim3A_2308 = vector.shape_cast %max3A_69 : vector<16xi32> to vector<16x1xi32>
      %gather3A_2309 = vector.shape_cast %broadcast_in_dim3A_2308 : vector<16x1xi32> to vector<16xi32>
      %gather3A_2310 = tpu.dynamic_gather %select_n3A_2298[%gather3A_2309] in [0] : vector<16xf32>, vector<16xi32> -> vector<16xf32>
      %max3A_2311 = arith.maximumf %select_n3A_2298, %gather3A_2310 : vector<16xf32>
      %select_n3A_2312 = arith.select %eq3A_2307, %max3A_2311, %select_n3A_2298 : vector<16xi1>, vector<16xf32>
      %broadcast_in_dim3A_2313 = vector.shape_cast %max3A_69 : vector<16xi32> to vector<16x1xi32>
      %gather3A_2314 = vector.shape_cast %broadcast_in_dim3A_2313 : vector<16x1xi32> to vector<16xi32>
      %gather3A_2315 = tpu.dynamic_gather %select_n3A_2303[%gather3A_2314] in [0] : vector<16xf32>, vector<16xi32> -> vector<16xf32>
      %max3A_2316 = arith.maximumf %select_n3A_2303, %gather3A_2315 : vector<16xf32>
      %select_n3A_2317 = arith.select %eq3A_2307, %max3A_2316, %select_n3A_2303 : vector<16xi1>, vector<16xf32>
      %broadcast_in_dim3A_2318 = vector.shape_cast %max3A_75 : vector<16xi32> to vector<16x1xi32>
      %gather3A_2319 = vector.shape_cast %broadcast_in_dim3A_2318 : vector<16x1xi32> to vector<16xi32>
      %gather3A_2320 = tpu.dynamic_gather %masked_sort3A_2284[%gather3A_2319] in [0] : vector<16xi32>, vector<16xi32> -> vector<16xi32>
      %eq3A_2321 = arith.cmpi eq, %gather3A_2320, %masked_sort3A_2284 : vector<16xi32>
      %broadcast_in_dim3A_2322 = vector.shape_cast %max3A_75 : vector<16xi32> to vector<16x1xi32>
      %gather3A_2323 = vector.shape_cast %broadcast_in_dim3A_2322 : vector<16x1xi32> to vector<16xi32>
      %gather3A_2324 = tpu.dynamic_gather %select_n3A_2312[%gather3A_2323] in [0] : vector<16xf32>, vector<16xi32> -> vector<16xf32>
      %max3A_2325 = arith.maximumf %select_n3A_2312, %gather3A_2324 : vector<16xf32>
      %select_n3A_2326 = arith.select %eq3A_2321, %max3A_2325, %select_n3A_2312 : vector<16xi1>, vector<16xf32>
      %broadcast_in_dim3A_2327 = vector.shape_cast %max3A_75 : vector<16xi32> to vector<16x1xi32>
      %gather3A_2328 = vector.shape_cast %broadcast_in_dim3A_2327 : vector<16x1xi32> to vector<16xi32>
      %gather3A_2329 = tpu.dynamic_gather %select_n3A_2317[%gather3A_2328] in [0] : vector<16xf32>, vector<16xi32> -> vector<16xf32>
      %max3A_2330 = arith.maximumf %select_n3A_2317, %gather3A_2329 : vector<16xf32>
      %select_n3A_2331 = arith.select %eq3A_2321, %max3A_2330, %select_n3A_2317 : vector<16xi1>, vector<16xf32>
      %broadcast_in_dim3A_2332 = vector.shape_cast %max3A_81 : vector<16xi32> to vector<16x1xi32>
      %gather3A_2333 = vector.shape_cast %broadcast_in_dim3A_2332 : vector<16x1xi32> to vector<16xi32>
      %gather3A_2334 = tpu.dynamic_gather %masked_sort3A_2284[%gather3A_2333] in [0] : vector<16xi32>, vector<16xi32> -> vector<16xi32>
      %eq3A_2335 = arith.cmpi eq, %gather3A_2334, %masked_sort3A_2284 : vector<16xi32>
      %broadcast_in_dim3A_2336 = vector.shape_cast %max3A_81 : vector<16xi32> to vector<16x1xi32>
      %gather3A_2337 = vector.shape_cast %broadcast_in_dim3A_2336 : vector<16x1xi32> to vector<16xi32>
      %gather3A_2338 = tpu.dynamic_gather %select_n3A_2326[%gather3A_2337] in [0] : vector<16xf32>, vector<16xi32> -> vector<16xf32>
      %max3A_2339 = arith.maximumf %select_n3A_2326, %gather3A_2338 : vector<16xf32>
      %select_n3A_2340 = arith.select %eq3A_2335, %max3A_2339, %select_n3A_2326 : vector<16xi1>, vector<16xf32>
      %broadcast_in_dim3A_2341 = vector.shape_cast %max3A_81 : vector<16xi32> to vector<16x1xi32>
      %gather3A_2342 = vector.shape_cast %broadcast_in_dim3A_2341 : vector<16x1xi32> to vector<16xi32>
      %gather3A_2343 = tpu.dynamic_gather %select_n3A_2331[%gather3A_2342] in [0] : vector<16xf32>, vector<16xi32> -> vector<16xf32>
      %max3A_2344 = arith.maximumf %select_n3A_2331, %gather3A_2343 : vector<16xf32>
      %select_n3A_2345 = arith.select %eq3A_2335, %max3A_2344, %select_n3A_2331 : vector<16xi1>, vector<16xf32>
      %broadcast_in_dim3A_2346 = vector.shape_cast %min3A_86 : vector<16xi32> to vector<16x1xi32>
      %gather3A_2347 = vector.shape_cast %broadcast_in_dim3A_2346 : vector<16x1xi32> to vector<16xi32>
      %gather3A_2348 = tpu.dynamic_gather %masked_sort3A_2284[%gather3A_2347] in [0] : vector<16xi32>, vector<16xi32> -> vector<16xi32>
      %ne3A_2349 = arith.cmpi ne, %gather3A_2348, %masked_sort3A_2284 : vector<16xi32>
      %or3A_2350 = arith.ori %ne3A_2349, %eq3A_59 : vector<16xi1>
      %gather3A_2351 = tpu.vector_load_idx %arg7[%masked_sort3A_2284] : memref<10240xf32, #tpu.memory_space<vmem>>[vector<16xi32>], vector<16xf32>,
      %gather3A_2352 = tpu.vector_load_idx %arg8[%masked_sort3A_2284] : memref<10240xf32, #tpu.memory_space<vmem>>[vector<16xi32>], vector<16xf32>,
      %max3A_2353 = arith.maximumf %gather3A_2351, %select_n3A_2340 : vector<16xf32>
      tpu.vector_store_idx %arg7[%masked_sort3A_2284], %max3A_2353 masked %or3A_2350 : memref<10240xf32, #tpu.memory_space<vmem>>[vector<16xi32>], vector<16xf32>, vector<16xi1>
      %max3A_2354 = arith.maximumf %gather3A_2352, %select_n3A_2345 : vector<16xf32>
      tpu.vector_store_idx %arg8[%masked_sort3A_2284], %max3A_2354 masked %or3A_2350 : memref<10240xf32, #tpu.memory_space<vmem>>[vector<16xi32>], vector<16xf32>, vector<16xi1>
      %mul3A_2355 = arith.constant 25 : i32
      %mul3A_2356 = arith.muli %scan3A_1009, %mul3A_2355 : i32
      %add3A_2357 = arith.constant 15 : i32
      %add3A_2358 = arith.addi %mul3A_2356, %add3A_2357 : i32
      %mul3A_2359 = arith.constant 16 : i32
      %mul3A_2360 = arith.muli %add3A_2358, %mul3A_2359 : i32
      %get3A_2361 = arith.index_cast %mul3A_2360 : i32 to index
      %get3A_2362 = tpu.vector_load %arg10[%get3A_2361] {strides = array<i32>} : memref<10000xi32, #tpu.memory_space<vmem>>, vector<16xi32>,
      %mul3A_2363 = arith.constant 16 : i32
      %mul3A_2364 = arith.muli %add3A_2358, %mul3A_2363 : i32
      %get3A_2365 = arith.index_cast %mul3A_2364 : i32 to index
      %get3A_2366 = tpu.vector_load %arg9[%get3A_2365] {strides = array<i32>} : memref<10000xi32, #tpu.memory_space<vmem>>, vector<16xi32>,
      %masked_sort3A_2367 = arith.constant dense<true> : vector<16xi1>
      %masked_sort3A_2368 = arith.constant -2147483648 : i32
      %masked_sort3A_2369 = vector.broadcast %masked_sort3A_2368 : i32 to vector<16xi32>
      %masked_sort3A_2370 = arith.xori %get3A_2362, %masked_sort3A_2369 : vector<16xi32>
      %masked_sort3A_2371, %masked_sort3A_2372, %masked_sort3A_2373 = tpu.sort %masked_sort3A_2370, %iota3A masked %masked_sort3A_2367 : (vector<16xi32>, vector<16xi32>, vector<16xi1>) -> (vector<16xi1>, vector<16xi32>, vector<16xi32>)
      %masked_sort3A_2374 = arith.xori %masked_sort3A_2372, %masked_sort3A_2369 : vector<16xi32>
      %broadcast_in_dim3A_2375 = vector.shape_cast %masked_sort3A_2373 : vector<16xi32> to vector<16x1xi32>
      %gather3A_2376 = vector.shape_cast %broadcast_in_dim3A_2375 : vector<16x1xi32> to vector<16xi32>
      %gather3A_2377 = tpu.dynamic_gather %get3A_2366[%gather3A_2376] in [0] : vector<16xi32>, vector<16xi32> -> vector<16xi32>
      %gather3A_2378 = tpu.vector_load_idx %arg5[%gather3A_2377] : memref<10240xf32, #tpu.memory_space<vmem>>[vector<16xi32>], vector<16xf32>,
      %gather3A_2379 = tpu.vector_load_idx %arg6[%gather3A_2377] : memref<10240xf32, #tpu.memory_space<vmem>>[vector<16xi32>], vector<16xf32>,
      %broadcast_in_dim3A_2380 = vector.shape_cast %max3A_63 : vector<16xi32> to vector<16x1xi32>
      %gather3A_2381 = vector.shape_cast %broadcast_in_dim3A_2380 : vector<16x1xi32> to vector<16xi32>
      %gather3A_2382 = tpu.dynamic_gather %masked_sort3A_2374[%gather3A_2381] in [0] : vector<16xi32>, vector<16xi32> -> vector<16xi32>
      %eq3A_2383 = arith.cmpi eq, %gather3A_2382, %masked_sort3A_2374 : vector<16xi32>
      %broadcast_in_dim3A_2384 = vector.shape_cast %max3A_63 : vector<16xi32> to vector<16x1xi32>
      %gather3A_2385 = vector.shape_cast %broadcast_in_dim3A_2384 : vector<16x1xi32> to vector<16xi32>
      %gather3A_2386 = tpu.dynamic_gather %gather3A_2378[%gather3A_2385] in [0] : vector<16xf32>, vector<16xi32> -> vector<16xf32>
      %max3A_2387 = arith.maximumf %gather3A_2378, %gather3A_2386 : vector<16xf32>
      %select_n3A_2388 = arith.select %eq3A_2383, %max3A_2387, %gather3A_2378 : vector<16xi1>, vector<16xf32>
      %broadcast_in_dim3A_2389 = vector.shape_cast %max3A_63 : vector<16xi32> to vector<16x1xi32>
      %gather3A_2390 = vector.shape_cast %broadcast_in_dim3A_2389 : vector<16x1xi32> to vector<16xi32>
      %gather3A_2391 = tpu.dynamic_gather %gather3A_2379[%gather3A_2390] in [0] : vector<16xf32>, vector<16xi32> -> vector<16xf32>
      %max3A_2392 = arith.maximumf %gather3A_2379, %gather3A_2391 : vector<16xf32>
      %select_n3A_2393 = arith.select %eq3A_2383, %max3A_2392, %gather3A_2379 : vector<16xi1>, vector<16xf32>
      %broadcast_in_dim3A_2394 = vector.shape_cast %max3A_69 : vector<16xi32> to vector<16x1xi32>
      %gather3A_2395 = vector.shape_cast %broadcast_in_dim3A_2394 : vector<16x1xi32> to vector<16xi32>
      %gather3A_2396 = tpu.dynamic_gather %masked_sort3A_2374[%gather3A_2395] in [0] : vector<16xi32>, vector<16xi32> -> vector<16xi32>
      %eq3A_2397 = arith.cmpi eq, %gather3A_2396, %masked_sort3A_2374 : vector<16xi32>
      %broadcast_in_dim3A_2398 = vector.shape_cast %max3A_69 : vector<16xi32> to vector<16x1xi32>
      %gather3A_2399 = vector.shape_cast %broadcast_in_dim3A_2398 : vector<16x1xi32> to vector<16xi32>
      %gather3A_2400 = tpu.dynamic_gather %select_n3A_2388[%gather3A_2399] in [0] : vector<16xf32>, vector<16xi32> -> vector<16xf32>
      %max3A_2401 = arith.maximumf %select_n3A_2388, %gather3A_2400 : vector<16xf32>
      %select_n3A_2402 = arith.select %eq3A_2397, %max3A_2401, %select_n3A_2388 : vector<16xi1>, vector<16xf32>
      %broadcast_in_dim3A_2403 = vector.shape_cast %max3A_69 : vector<16xi32> to vector<16x1xi32>
      %gather3A_2404 = vector.shape_cast %broadcast_in_dim3A_2403 : vector<16x1xi32> to vector<16xi32>
      %gather3A_2405 = tpu.dynamic_gather %select_n3A_2393[%gather3A_2404] in [0] : vector<16xf32>, vector<16xi32> -> vector<16xf32>
      %max3A_2406 = arith.maximumf %select_n3A_2393, %gather3A_2405 : vector<16xf32>
      %select_n3A_2407 = arith.select %eq3A_2397, %max3A_2406, %select_n3A_2393 : vector<16xi1>, vector<16xf32>
      %broadcast_in_dim3A_2408 = vector.shape_cast %max3A_75 : vector<16xi32> to vector<16x1xi32>
      %gather3A_2409 = vector.shape_cast %broadcast_in_dim3A_2408 : vector<16x1xi32> to vector<16xi32>
      %gather3A_2410 = tpu.dynamic_gather %masked_sort3A_2374[%gather3A_2409] in [0] : vector<16xi32>, vector<16xi32> -> vector<16xi32>
      %eq3A_2411 = arith.cmpi eq, %gather3A_2410, %masked_sort3A_2374 : vector<16xi32>
      %broadcast_in_dim3A_2412 = vector.shape_cast %max3A_75 : vector<16xi32> to vector<16x1xi32>
      %gather3A_2413 = vector.shape_cast %broadcast_in_dim3A_2412 : vector<16x1xi32> to vector<16xi32>
      %gather3A_2414 = tpu.dynamic_gather %select_n3A_2402[%gather3A_2413] in [0] : vector<16xf32>, vector<16xi32> -> vector<16xf32>
      %max3A_2415 = arith.maximumf %select_n3A_2402, %gather3A_2414 : vector<16xf32>
      %select_n3A_2416 = arith.select %eq3A_2411, %max3A_2415, %select_n3A_2402 : vector<16xi1>, vector<16xf32>
      %broadcast_in_dim3A_2417 = vector.shape_cast %max3A_75 : vector<16xi32> to vector<16x1xi32>
      %gather3A_2418 = vector.shape_cast %broadcast_in_dim3A_2417 : vector<16x1xi32> to vector<16xi32>
      %gather3A_2419 = tpu.dynamic_gather %select_n3A_2407[%gather3A_2418] in [0] : vector<16xf32>, vector<16xi32> -> vector<16xf32>
      %max3A_2420 = arith.maximumf %select_n3A_2407, %gather3A_2419 : vector<16xf32>
      %select_n3A_2421 = arith.select %eq3A_2411, %max3A_2420, %select_n3A_2407 : vector<16xi1>, vector<16xf32>
      %broadcast_in_dim3A_2422 = vector.shape_cast %max3A_81 : vector<16xi32> to vector<16x1xi32>
      %gather3A_2423 = vector.shape_cast %broadcast_in_dim3A_2422 : vector<16x1xi32> to vector<16xi32>
      %gather3A_2424 = tpu.dynamic_gather %masked_sort3A_2374[%gather3A_2423] in [0] : vector<16xi32>, vector<16xi32> -> vector<16xi32>
      %eq3A_2425 = arith.cmpi eq, %gather3A_2424, %masked_sort3A_2374 : vector<16xi32>
      %broadcast_in_dim3A_2426 = vector.shape_cast %max3A_81 : vector<16xi32> to vector<16x1xi32>
      %gather3A_2427 = vector.shape_cast %broadcast_in_dim3A_2426 : vector<16x1xi32> to vector<16xi32>
      %gather3A_2428 = tpu.dynamic_gather %select_n3A_2416[%gather3A_2427] in [0] : vector<16xf32>, vector<16xi32> -> vector<16xf32>
      %max3A_2429 = arith.maximumf %select_n3A_2416, %gather3A_2428 : vector<16xf32>
      %select_n3A_2430 = arith.select %eq3A_2425, %max3A_2429, %select_n3A_2416 : vector<16xi1>, vector<16xf32>
      %broadcast_in_dim3A_2431 = vector.shape_cast %max3A_81 : vector<16xi32> to vector<16x1xi32>
      %gather3A_2432 = vector.shape_cast %broadcast_in_dim3A_2431 : vector<16x1xi32> to vector<16xi32>
      %gather3A_2433 = tpu.dynamic_gather %select_n3A_2421[%gather3A_2432] in [0] : vector<16xf32>, vector<16xi32> -> vector<16xf32>
      %max3A_2434 = arith.maximumf %select_n3A_2421, %gather3A_2433 : vector<16xf32>
      %select_n3A_2435 = arith.select %eq3A_2425, %max3A_2434, %select_n3A_2421 : vector<16xi1>, vector<16xf32>
      %broadcast_in_dim3A_2436 = vector.shape_cast %min3A_86 : vector<16xi32> to vector<16x1xi32>
      %gather3A_2437 = vector.shape_cast %broadcast_in_dim3A_2436 : vector<16x1xi32> to vector<16xi32>
      %gather3A_2438 = tpu.dynamic_gather %masked_sort3A_2374[%gather3A_2437] in [0] : vector<16xi32>, vector<16xi32> -> vector<16xi32>
      %ne3A_2439 = arith.cmpi ne, %gather3A_2438, %masked_sort3A_2374 : vector<16xi32>
      %or3A_2440 = arith.ori %ne3A_2439, %eq3A_59 : vector<16xi1>
      %gather3A_2441 = tpu.vector_load_idx %arg7[%masked_sort3A_2374] : memref<10240xf32, #tpu.memory_space<vmem>>[vector<16xi32>], vector<16xf32>,
      %gather3A_2442 = tpu.vector_load_idx %arg8[%masked_sort3A_2374] : memref<10240xf32, #tpu.memory_space<vmem>>[vector<16xi32>], vector<16xf32>,
      %max3A_2443 = arith.maximumf %gather3A_2441, %select_n3A_2430 : vector<16xf32>
      tpu.vector_store_idx %arg7[%masked_sort3A_2374], %max3A_2443 masked %or3A_2440 : memref<10240xf32, #tpu.memory_space<vmem>>[vector<16xi32>], vector<16xf32>, vector<16xi1>
      %max3A_2444 = arith.maximumf %gather3A_2442, %select_n3A_2435 : vector<16xf32>
      tpu.vector_store_idx %arg8[%masked_sort3A_2374], %max3A_2444 masked %or3A_2440 : memref<10240xf32, #tpu.memory_space<vmem>>[vector<16xi32>], vector<16xf32>, vector<16xi1>
      %mul3A_2445 = arith.constant 25 : i32
      %mul3A_2446 = arith.muli %scan3A_1009, %mul3A_2445 : i32
      %add3A_2447 = arith.constant 16 : i32
      %add3A_2448 = arith.addi %mul3A_2446, %add3A_2447 : i32
      %mul3A_2449 = arith.constant 16 : i32
      %mul3A_2450 = arith.muli %add3A_2448, %mul3A_2449 : i32
      %get3A_2451 = arith.index_cast %mul3A_2450 : i32 to index
      %get3A_2452 = tpu.vector_load %arg10[%get3A_2451] {strides = array<i32>} : memref<10000xi32, #tpu.memory_space<vmem>>, vector<16xi32>,
      %mul3A_2453 = arith.constant 16 : i32
      %mul3A_2454 = arith.muli %add3A_2448, %mul3A_2453 : i32
      %get3A_2455 = arith.index_cast %mul3A_2454 : i32 to index
      %get3A_2456 = tpu.vector_load %arg9[%get3A_2455] {strides = array<i32>} : memref<10000xi32, #tpu.memory_space<vmem>>, vector<16xi32>,
      %masked_sort3A_2457 = arith.constant dense<true> : vector<16xi1>
      %masked_sort3A_2458 = arith.constant -2147483648 : i32
      %masked_sort3A_2459 = vector.broadcast %masked_sort3A_2458 : i32 to vector<16xi32>
      %masked_sort3A_2460 = arith.xori %get3A_2452, %masked_sort3A_2459 : vector<16xi32>
      %masked_sort3A_2461, %masked_sort3A_2462, %masked_sort3A_2463 = tpu.sort %masked_sort3A_2460, %iota3A masked %masked_sort3A_2457 : (vector<16xi32>, vector<16xi32>, vector<16xi1>) -> (vector<16xi1>, vector<16xi32>, vector<16xi32>)
      %masked_sort3A_2464 = arith.xori %masked_sort3A_2462, %masked_sort3A_2459 : vector<16xi32>
      %broadcast_in_dim3A_2465 = vector.shape_cast %masked_sort3A_2463 : vector<16xi32> to vector<16x1xi32>
      %gather3A_2466 = vector.shape_cast %broadcast_in_dim3A_2465 : vector<16x1xi32> to vector<16xi32>
      %gather3A_2467 = tpu.dynamic_gather %get3A_2456[%gather3A_2466] in [0] : vector<16xi32>, vector<16xi32> -> vector<16xi32>
      %gather3A_2468 = tpu.vector_load_idx %arg5[%gather3A_2467] : memref<10240xf32, #tpu.memory_space<vmem>>[vector<16xi32>], vector<16xf32>,
      %gather3A_2469 = tpu.vector_load_idx %arg6[%gather3A_2467] : memref<10240xf32, #tpu.memory_space<vmem>>[vector<16xi32>], vector<16xf32>,
      %broadcast_in_dim3A_2470 = vector.shape_cast %max3A_63 : vector<16xi32> to vector<16x1xi32>
      %gather3A_2471 = vector.shape_cast %broadcast_in_dim3A_2470 : vector<16x1xi32> to vector<16xi32>
      %gather3A_2472 = tpu.dynamic_gather %masked_sort3A_2464[%gather3A_2471] in [0] : vector<16xi32>, vector<16xi32> -> vector<16xi32>
      %eq3A_2473 = arith.cmpi eq, %gather3A_2472, %masked_sort3A_2464 : vector<16xi32>
      %broadcast_in_dim3A_2474 = vector.shape_cast %max3A_63 : vector<16xi32> to vector<16x1xi32>
      %gather3A_2475 = vector.shape_cast %broadcast_in_dim3A_2474 : vector<16x1xi32> to vector<16xi32>
      %gather3A_2476 = tpu.dynamic_gather %gather3A_2468[%gather3A_2475] in [0] : vector<16xf32>, vector<16xi32> -> vector<16xf32>
      %max3A_2477 = arith.maximumf %gather3A_2468, %gather3A_2476 : vector<16xf32>
      %select_n3A_2478 = arith.select %eq3A_2473, %max3A_2477, %gather3A_2468 : vector<16xi1>, vector<16xf32>
      %broadcast_in_dim3A_2479 = vector.shape_cast %max3A_63 : vector<16xi32> to vector<16x1xi32>
      %gather3A_2480 = vector.shape_cast %broadcast_in_dim3A_2479 : vector<16x1xi32> to vector<16xi32>
      %gather3A_2481 = tpu.dynamic_gather %gather3A_2469[%gather3A_2480] in [0] : vector<16xf32>, vector<16xi32> -> vector<16xf32>
      %max3A_2482 = arith.maximumf %gather3A_2469, %gather3A_2481 : vector<16xf32>
      %select_n3A_2483 = arith.select %eq3A_2473, %max3A_2482, %gather3A_2469 : vector<16xi1>, vector<16xf32>
      %broadcast_in_dim3A_2484 = vector.shape_cast %max3A_69 : vector<16xi32> to vector<16x1xi32>
      %gather3A_2485 = vector.shape_cast %broadcast_in_dim3A_2484 : vector<16x1xi32> to vector<16xi32>
      %gather3A_2486 = tpu.dynamic_gather %masked_sort3A_2464[%gather3A_2485] in [0] : vector<16xi32>, vector<16xi32> -> vector<16xi32>
      %eq3A_2487 = arith.cmpi eq, %gather3A_2486, %masked_sort3A_2464 : vector<16xi32>
      %broadcast_in_dim3A_2488 = vector.shape_cast %max3A_69 : vector<16xi32> to vector<16x1xi32>
      %gather3A_2489 = vector.shape_cast %broadcast_in_dim3A_2488 : vector<16x1xi32> to vector<16xi32>
      %gather3A_2490 = tpu.dynamic_gather %select_n3A_2478[%gather3A_2489] in [0] : vector<16xf32>, vector<16xi32> -> vector<16xf32>
      %max3A_2491 = arith.maximumf %select_n3A_2478, %gather3A_2490 : vector<16xf32>
      %select_n3A_2492 = arith.select %eq3A_2487, %max3A_2491, %select_n3A_2478 : vector<16xi1>, vector<16xf32>
      %broadcast_in_dim3A_2493 = vector.shape_cast %max3A_69 : vector<16xi32> to vector<16x1xi32>
      %gather3A_2494 = vector.shape_cast %broadcast_in_dim3A_2493 : vector<16x1xi32> to vector<16xi32>
      %gather3A_2495 = tpu.dynamic_gather %select_n3A_2483[%gather3A_2494] in [0] : vector<16xf32>, vector<16xi32> -> vector<16xf32>
      %max3A_2496 = arith.maximumf %select_n3A_2483, %gather3A_2495 : vector<16xf32>
      %select_n3A_2497 = arith.select %eq3A_2487, %max3A_2496, %select_n3A_2483 : vector<16xi1>, vector<16xf32>
      %broadcast_in_dim3A_2498 = vector.shape_cast %max3A_75 : vector<16xi32> to vector<16x1xi32>
      %gather3A_2499 = vector.shape_cast %broadcast_in_dim3A_2498 : vector<16x1xi32> to vector<16xi32>
      %gather3A_2500 = tpu.dynamic_gather %masked_sort3A_2464[%gather3A_2499] in [0] : vector<16xi32>, vector<16xi32> -> vector<16xi32>
      %eq3A_2501 = arith.cmpi eq, %gather3A_2500, %masked_sort3A_2464 : vector<16xi32>
      %broadcast_in_dim3A_2502 = vector.shape_cast %max3A_75 : vector<16xi32> to vector<16x1xi32>
      %gather3A_2503 = vector.shape_cast %broadcast_in_dim3A_2502 : vector<16x1xi32> to vector<16xi32>
      %gather3A_2504 = tpu.dynamic_gather %select_n3A_2492[%gather3A_2503] in [0] : vector<16xf32>, vector<16xi32> -> vector<16xf32>
      %max3A_2505 = arith.maximumf %select_n3A_2492, %gather3A_2504 : vector<16xf32>
      %select_n3A_2506 = arith.select %eq3A_2501, %max3A_2505, %select_n3A_2492 : vector<16xi1>, vector<16xf32>
      %broadcast_in_dim3A_2507 = vector.shape_cast %max3A_75 : vector<16xi32> to vector<16x1xi32>
      %gather3A_2508 = vector.shape_cast %broadcast_in_dim3A_2507 : vector<16x1xi32> to vector<16xi32>
      %gather3A_2509 = tpu.dynamic_gather %select_n3A_2497[%gather3A_2508] in [0] : vector<16xf32>, vector<16xi32> -> vector<16xf32>
      %max3A_2510 = arith.maximumf %select_n3A_2497, %gather3A_2509 : vector<16xf32>
      %select_n3A_2511 = arith.select %eq3A_2501, %max3A_2510, %select_n3A_2497 : vector<16xi1>, vector<16xf32>
      %broadcast_in_dim3A_2512 = vector.shape_cast %max3A_81 : vector<16xi32> to vector<16x1xi32>
      %gather3A_2513 = vector.shape_cast %broadcast_in_dim3A_2512 : vector<16x1xi32> to vector<16xi32>
      %gather3A_2514 = tpu.dynamic_gather %masked_sort3A_2464[%gather3A_2513] in [0] : vector<16xi32>, vector<16xi32> -> vector<16xi32>
      %eq3A_2515 = arith.cmpi eq, %gather3A_2514, %masked_sort3A_2464 : vector<16xi32>
      %broadcast_in_dim3A_2516 = vector.shape_cast %max3A_81 : vector<16xi32> to vector<16x1xi32>
      %gather3A_2517 = vector.shape_cast %broadcast_in_dim3A_2516 : vector<16x1xi32> to vector<16xi32>
      %gather3A_2518 = tpu.dynamic_gather %select_n3A_2506[%gather3A_2517] in [0] : vector<16xf32>, vector<16xi32> -> vector<16xf32>
      %max3A_2519 = arith.maximumf %select_n3A_2506, %gather3A_2518 : vector<16xf32>
      %select_n3A_2520 = arith.select %eq3A_2515, %max3A_2519, %select_n3A_2506 : vector<16xi1>, vector<16xf32>
      %broadcast_in_dim3A_2521 = vector.shape_cast %max3A_81 : vector<16xi32> to vector<16x1xi32>
      %gather3A_2522 = vector.shape_cast %broadcast_in_dim3A_2521 : vector<16x1xi32> to vector<16xi32>
      %gather3A_2523 = tpu.dynamic_gather %select_n3A_2511[%gather3A_2522] in [0] : vector<16xf32>, vector<16xi32> -> vector<16xf32>
      %max3A_2524 = arith.maximumf %select_n3A_2511, %gather3A_2523 : vector<16xf32>
      %select_n3A_2525 = arith.select %eq3A_2515, %max3A_2524, %select_n3A_2511 : vector<16xi1>, vector<16xf32>
      %broadcast_in_dim3A_2526 = vector.shape_cast %min3A_86 : vector<16xi32> to vector<16x1xi32>
      %gather3A_2527 = vector.shape_cast %broadcast_in_dim3A_2526 : vector<16x1xi32> to vector<16xi32>
      %gather3A_2528 = tpu.dynamic_gather %masked_sort3A_2464[%gather3A_2527] in [0] : vector<16xi32>, vector<16xi32> -> vector<16xi32>
      %ne3A_2529 = arith.cmpi ne, %gather3A_2528, %masked_sort3A_2464 : vector<16xi32>
      %or3A_2530 = arith.ori %ne3A_2529, %eq3A_59 : vector<16xi1>
      %gather3A_2531 = tpu.vector_load_idx %arg7[%masked_sort3A_2464] : memref<10240xf32, #tpu.memory_space<vmem>>[vector<16xi32>], vector<16xf32>,
      %gather3A_2532 = tpu.vector_load_idx %arg8[%masked_sort3A_2464] : memref<10240xf32, #tpu.memory_space<vmem>>[vector<16xi32>], vector<16xf32>,
      %max3A_2533 = arith.maximumf %gather3A_2531, %select_n3A_2520 : vector<16xf32>
      tpu.vector_store_idx %arg7[%masked_sort3A_2464], %max3A_2533 masked %or3A_2530 : memref<10240xf32, #tpu.memory_space<vmem>>[vector<16xi32>], vector<16xf32>, vector<16xi1>
      %max3A_2534 = arith.maximumf %gather3A_2532, %select_n3A_2525 : vector<16xf32>
      tpu.vector_store_idx %arg8[%masked_sort3A_2464], %max3A_2534 masked %or3A_2530 : memref<10240xf32, #tpu.memory_space<vmem>>[vector<16xi32>], vector<16xf32>, vector<16xi1>
      %mul3A_2535 = arith.constant 25 : i32
      %mul3A_2536 = arith.muli %scan3A_1009, %mul3A_2535 : i32
      %add3A_2537 = arith.constant 17 : i32
      %add3A_2538 = arith.addi %mul3A_2536, %add3A_2537 : i32
      %mul3A_2539 = arith.constant 16 : i32
      %mul3A_2540 = arith.muli %add3A_2538, %mul3A_2539 : i32
      %get3A_2541 = arith.index_cast %mul3A_2540 : i32 to index
      %get3A_2542 = tpu.vector_load %arg10[%get3A_2541] {strides = array<i32>} : memref<10000xi32, #tpu.memory_space<vmem>>, vector<16xi32>,
      %mul3A_2543 = arith.constant 16 : i32
      %mul3A_2544 = arith.muli %add3A_2538, %mul3A_2543 : i32
      %get3A_2545 = arith.index_cast %mul3A_2544 : i32 to index
      %get3A_2546 = tpu.vector_load %arg9[%get3A_2545] {strides = array<i32>} : memref<10000xi32, #tpu.memory_space<vmem>>, vector<16xi32>,
      %masked_sort3A_2547 = arith.constant dense<true> : vector<16xi1>
      %masked_sort3A_2548 = arith.constant -2147483648 : i32
      %masked_sort3A_2549 = vector.broadcast %masked_sort3A_2548 : i32 to vector<16xi32>
      %masked_sort3A_2550 = arith.xori %get3A_2542, %masked_sort3A_2549 : vector<16xi32>
      %masked_sort3A_2551, %masked_sort3A_2552, %masked_sort3A_2553 = tpu.sort %masked_sort3A_2550, %iota3A masked %masked_sort3A_2547 : (vector<16xi32>, vector<16xi32>, vector<16xi1>) -> (vector<16xi1>, vector<16xi32>, vector<16xi32>)
      %masked_sort3A_2554 = arith.xori %masked_sort3A_2552, %masked_sort3A_2549 : vector<16xi32>
      %broadcast_in_dim3A_2555 = vector.shape_cast %masked_sort3A_2553 : vector<16xi32> to vector<16x1xi32>
      %gather3A_2556 = vector.shape_cast %broadcast_in_dim3A_2555 : vector<16x1xi32> to vector<16xi32>
      %gather3A_2557 = tpu.dynamic_gather %get3A_2546[%gather3A_2556] in [0] : vector<16xi32>, vector<16xi32> -> vector<16xi32>
      %gather3A_2558 = tpu.vector_load_idx %arg5[%gather3A_2557] : memref<10240xf32, #tpu.memory_space<vmem>>[vector<16xi32>], vector<16xf32>,
      %gather3A_2559 = tpu.vector_load_idx %arg6[%gather3A_2557] : memref<10240xf32, #tpu.memory_space<vmem>>[vector<16xi32>], vector<16xf32>,
      %broadcast_in_dim3A_2560 = vector.shape_cast %max3A_63 : vector<16xi32> to vector<16x1xi32>
      %gather3A_2561 = vector.shape_cast %broadcast_in_dim3A_2560 : vector<16x1xi32> to vector<16xi32>
      %gather3A_2562 = tpu.dynamic_gather %masked_sort3A_2554[%gather3A_2561] in [0] : vector<16xi32>, vector<16xi32> -> vector<16xi32>
      %eq3A_2563 = arith.cmpi eq, %gather3A_2562, %masked_sort3A_2554 : vector<16xi32>
      %broadcast_in_dim3A_2564 = vector.shape_cast %max3A_63 : vector<16xi32> to vector<16x1xi32>
      %gather3A_2565 = vector.shape_cast %broadcast_in_dim3A_2564 : vector<16x1xi32> to vector<16xi32>
      %gather3A_2566 = tpu.dynamic_gather %gather3A_2558[%gather3A_2565] in [0] : vector<16xf32>, vector<16xi32> -> vector<16xf32>
      %max3A_2567 = arith.maximumf %gather3A_2558, %gather3A_2566 : vector<16xf32>
      %select_n3A_2568 = arith.select %eq3A_2563, %max3A_2567, %gather3A_2558 : vector<16xi1>, vector<16xf32>
      %broadcast_in_dim3A_2569 = vector.shape_cast %max3A_63 : vector<16xi32> to vector<16x1xi32>
      %gather3A_2570 = vector.shape_cast %broadcast_in_dim3A_2569 : vector<16x1xi32> to vector<16xi32>
      %gather3A_2571 = tpu.dynamic_gather %gather3A_2559[%gather3A_2570] in [0] : vector<16xf32>, vector<16xi32> -> vector<16xf32>
      %max3A_2572 = arith.maximumf %gather3A_2559, %gather3A_2571 : vector<16xf32>
      %select_n3A_2573 = arith.select %eq3A_2563, %max3A_2572, %gather3A_2559 : vector<16xi1>, vector<16xf32>
      %broadcast_in_dim3A_2574 = vector.shape_cast %max3A_69 : vector<16xi32> to vector<16x1xi32>
      %gather3A_2575 = vector.shape_cast %broadcast_in_dim3A_2574 : vector<16x1xi32> to vector<16xi32>
      %gather3A_2576 = tpu.dynamic_gather %masked_sort3A_2554[%gather3A_2575] in [0] : vector<16xi32>, vector<16xi32> -> vector<16xi32>
      %eq3A_2577 = arith.cmpi eq, %gather3A_2576, %masked_sort3A_2554 : vector<16xi32>
      %broadcast_in_dim3A_2578 = vector.shape_cast %max3A_69 : vector<16xi32> to vector<16x1xi32>
      %gather3A_2579 = vector.shape_cast %broadcast_in_dim3A_2578 : vector<16x1xi32> to vector<16xi32>
      %gather3A_2580 = tpu.dynamic_gather %select_n3A_2568[%gather3A_2579] in [0] : vector<16xf32>, vector<16xi32> -> vector<16xf32>
      %max3A_2581 = arith.maximumf %select_n3A_2568, %gather3A_2580 : vector<16xf32>
      %select_n3A_2582 = arith.select %eq3A_2577, %max3A_2581, %select_n3A_2568 : vector<16xi1>, vector<16xf32>
      %broadcast_in_dim3A_2583 = vector.shape_cast %max3A_69 : vector<16xi32> to vector<16x1xi32>
      %gather3A_2584 = vector.shape_cast %broadcast_in_dim3A_2583 : vector<16x1xi32> to vector<16xi32>
      %gather3A_2585 = tpu.dynamic_gather %select_n3A_2573[%gather3A_2584] in [0] : vector<16xf32>, vector<16xi32> -> vector<16xf32>
      %max3A_2586 = arith.maximumf %select_n3A_2573, %gather3A_2585 : vector<16xf32>
      %select_n3A_2587 = arith.select %eq3A_2577, %max3A_2586, %select_n3A_2573 : vector<16xi1>, vector<16xf32>
      %broadcast_in_dim3A_2588 = vector.shape_cast %max3A_75 : vector<16xi32> to vector<16x1xi32>
      %gather3A_2589 = vector.shape_cast %broadcast_in_dim3A_2588 : vector<16x1xi32> to vector<16xi32>
      %gather3A_2590 = tpu.dynamic_gather %masked_sort3A_2554[%gather3A_2589] in [0] : vector<16xi32>, vector<16xi32> -> vector<16xi32>
      %eq3A_2591 = arith.cmpi eq, %gather3A_2590, %masked_sort3A_2554 : vector<16xi32>
      %broadcast_in_dim3A_2592 = vector.shape_cast %max3A_75 : vector<16xi32> to vector<16x1xi32>
      %gather3A_2593 = vector.shape_cast %broadcast_in_dim3A_2592 : vector<16x1xi32> to vector<16xi32>
      %gather3A_2594 = tpu.dynamic_gather %select_n3A_2582[%gather3A_2593] in [0] : vector<16xf32>, vector<16xi32> -> vector<16xf32>
      %max3A_2595 = arith.maximumf %select_n3A_2582, %gather3A_2594 : vector<16xf32>
      %select_n3A_2596 = arith.select %eq3A_2591, %max3A_2595, %select_n3A_2582 : vector<16xi1>, vector<16xf32>
      %broadcast_in_dim3A_2597 = vector.shape_cast %max3A_75 : vector<16xi32> to vector<16x1xi32>
      %gather3A_2598 = vector.shape_cast %broadcast_in_dim3A_2597 : vector<16x1xi32> to vector<16xi32>
      %gather3A_2599 = tpu.dynamic_gather %select_n3A_2587[%gather3A_2598] in [0] : vector<16xf32>, vector<16xi32> -> vector<16xf32>
      %max3A_2600 = arith.maximumf %select_n3A_2587, %gather3A_2599 : vector<16xf32>
      %select_n3A_2601 = arith.select %eq3A_2591, %max3A_2600, %select_n3A_2587 : vector<16xi1>, vector<16xf32>
      %broadcast_in_dim3A_2602 = vector.shape_cast %max3A_81 : vector<16xi32> to vector<16x1xi32>
      %gather3A_2603 = vector.shape_cast %broadcast_in_dim3A_2602 : vector<16x1xi32> to vector<16xi32>
      %gather3A_2604 = tpu.dynamic_gather %masked_sort3A_2554[%gather3A_2603] in [0] : vector<16xi32>, vector<16xi32> -> vector<16xi32>
      %eq3A_2605 = arith.cmpi eq, %gather3A_2604, %masked_sort3A_2554 : vector<16xi32>
      %broadcast_in_dim3A_2606 = vector.shape_cast %max3A_81 : vector<16xi32> to vector<16x1xi32>
      %gather3A_2607 = vector.shape_cast %broadcast_in_dim3A_2606 : vector<16x1xi32> to vector<16xi32>
      %gather3A_2608 = tpu.dynamic_gather %select_n3A_2596[%gather3A_2607] in [0] : vector<16xf32>, vector<16xi32> -> vector<16xf32>
      %max3A_2609 = arith.maximumf %select_n3A_2596, %gather3A_2608 : vector<16xf32>
      %select_n3A_2610 = arith.select %eq3A_2605, %max3A_2609, %select_n3A_2596 : vector<16xi1>, vector<16xf32>
      %broadcast_in_dim3A_2611 = vector.shape_cast %max3A_81 : vector<16xi32> to vector<16x1xi32>
      %gather3A_2612 = vector.shape_cast %broadcast_in_dim3A_2611 : vector<16x1xi32> to vector<16xi32>
      %gather3A_2613 = tpu.dynamic_gather %select_n3A_2601[%gather3A_2612] in [0] : vector<16xf32>, vector<16xi32> -> vector<16xf32>
      %max3A_2614 = arith.maximumf %select_n3A_2601, %gather3A_2613 : vector<16xf32>
      %select_n3A_2615 = arith.select %eq3A_2605, %max3A_2614, %select_n3A_2601 : vector<16xi1>, vector<16xf32>
      %broadcast_in_dim3A_2616 = vector.shape_cast %min3A_86 : vector<16xi32> to vector<16x1xi32>
      %gather3A_2617 = vector.shape_cast %broadcast_in_dim3A_2616 : vector<16x1xi32> to vector<16xi32>
      %gather3A_2618 = tpu.dynamic_gather %masked_sort3A_2554[%gather3A_2617] in [0] : vector<16xi32>, vector<16xi32> -> vector<16xi32>
      %ne3A_2619 = arith.cmpi ne, %gather3A_2618, %masked_sort3A_2554 : vector<16xi32>
      %or3A_2620 = arith.ori %ne3A_2619, %eq3A_59 : vector<16xi1>
      %gather3A_2621 = tpu.vector_load_idx %arg7[%masked_sort3A_2554] : memref<10240xf32, #tpu.memory_space<vmem>>[vector<16xi32>], vector<16xf32>,
      %gather3A_2622 = tpu.vector_load_idx %arg8[%masked_sort3A_2554] : memref<10240xf32, #tpu.memory_space<vmem>>[vector<16xi32>], vector<16xf32>,
      %max3A_2623 = arith.maximumf %gather3A_2621, %select_n3A_2610 : vector<16xf32>
      tpu.vector_store_idx %arg7[%masked_sort3A_2554], %max3A_2623 masked %or3A_2620 : memref<10240xf32, #tpu.memory_space<vmem>>[vector<16xi32>], vector<16xf32>, vector<16xi1>
      %max3A_2624 = arith.maximumf %gather3A_2622, %select_n3A_2615 : vector<16xf32>
      tpu.vector_store_idx %arg8[%masked_sort3A_2554], %max3A_2624 masked %or3A_2620 : memref<10240xf32, #tpu.memory_space<vmem>>[vector<16xi32>], vector<16xf32>, vector<16xi1>
      %mul3A_2625 = arith.constant 25 : i32
      %mul3A_2626 = arith.muli %scan3A_1009, %mul3A_2625 : i32
      %add3A_2627 = arith.constant 18 : i32
      %add3A_2628 = arith.addi %mul3A_2626, %add3A_2627 : i32
      %mul3A_2629 = arith.constant 16 : i32
      %mul3A_2630 = arith.muli %add3A_2628, %mul3A_2629 : i32
      %get3A_2631 = arith.index_cast %mul3A_2630 : i32 to index
      %get3A_2632 = tpu.vector_load %arg10[%get3A_2631] {strides = array<i32>} : memref<10000xi32, #tpu.memory_space<vmem>>, vector<16xi32>,
      %mul3A_2633 = arith.constant 16 : i32
      %mul3A_2634 = arith.muli %add3A_2628, %mul3A_2633 : i32
      %get3A_2635 = arith.index_cast %mul3A_2634 : i32 to index
      %get3A_2636 = tpu.vector_load %arg9[%get3A_2635] {strides = array<i32>} : memref<10000xi32, #tpu.memory_space<vmem>>, vector<16xi32>,
      %masked_sort3A_2637 = arith.constant dense<true> : vector<16xi1>
      %masked_sort3A_2638 = arith.constant -2147483648 : i32
      %masked_sort3A_2639 = vector.broadcast %masked_sort3A_2638 : i32 to vector<16xi32>
      %masked_sort3A_2640 = arith.xori %get3A_2632, %masked_sort3A_2639 : vector<16xi32>
      %masked_sort3A_2641, %masked_sort3A_2642, %masked_sort3A_2643 = tpu.sort %masked_sort3A_2640, %iota3A masked %masked_sort3A_2637 : (vector<16xi32>, vector<16xi32>, vector<16xi1>) -> (vector<16xi1>, vector<16xi32>, vector<16xi32>)
      %masked_sort3A_2644 = arith.xori %masked_sort3A_2642, %masked_sort3A_2639 : vector<16xi32>
      %broadcast_in_dim3A_2645 = vector.shape_cast %masked_sort3A_2643 : vector<16xi32> to vector<16x1xi32>
      %gather3A_2646 = vector.shape_cast %broadcast_in_dim3A_2645 : vector<16x1xi32> to vector<16xi32>
      %gather3A_2647 = tpu.dynamic_gather %get3A_2636[%gather3A_2646] in [0] : vector<16xi32>, vector<16xi32> -> vector<16xi32>
      %gather3A_2648 = tpu.vector_load_idx %arg5[%gather3A_2647] : memref<10240xf32, #tpu.memory_space<vmem>>[vector<16xi32>], vector<16xf32>,
      %gather3A_2649 = tpu.vector_load_idx %arg6[%gather3A_2647] : memref<10240xf32, #tpu.memory_space<vmem>>[vector<16xi32>], vector<16xf32>,
      %broadcast_in_dim3A_2650 = vector.shape_cast %max3A_63 : vector<16xi32> to vector<16x1xi32>
      %gather3A_2651 = vector.shape_cast %broadcast_in_dim3A_2650 : vector<16x1xi32> to vector<16xi32>
      %gather3A_2652 = tpu.dynamic_gather %masked_sort3A_2644[%gather3A_2651] in [0] : vector<16xi32>, vector<16xi32> -> vector<16xi32>
      %eq3A_2653 = arith.cmpi eq, %gather3A_2652, %masked_sort3A_2644 : vector<16xi32>
      %broadcast_in_dim3A_2654 = vector.shape_cast %max3A_63 : vector<16xi32> to vector<16x1xi32>
      %gather3A_2655 = vector.shape_cast %broadcast_in_dim3A_2654 : vector<16x1xi32> to vector<16xi32>
      %gather3A_2656 = tpu.dynamic_gather %gather3A_2648[%gather3A_2655] in [0] : vector<16xf32>, vector<16xi32> -> vector<16xf32>
      %max3A_2657 = arith.maximumf %gather3A_2648, %gather3A_2656 : vector<16xf32>
      %select_n3A_2658 = arith.select %eq3A_2653, %max3A_2657, %gather3A_2648 : vector<16xi1>, vector<16xf32>
      %broadcast_in_dim3A_2659 = vector.shape_cast %max3A_63 : vector<16xi32> to vector<16x1xi32>
      %gather3A_2660 = vector.shape_cast %broadcast_in_dim3A_2659 : vector<16x1xi32> to vector<16xi32>
      %gather3A_2661 = tpu.dynamic_gather %gather3A_2649[%gather3A_2660] in [0] : vector<16xf32>, vector<16xi32> -> vector<16xf32>
      %max3A_2662 = arith.maximumf %gather3A_2649, %gather3A_2661 : vector<16xf32>
      %select_n3A_2663 = arith.select %eq3A_2653, %max3A_2662, %gather3A_2649 : vector<16xi1>, vector<16xf32>
      %broadcast_in_dim3A_2664 = vector.shape_cast %max3A_69 : vector<16xi32> to vector<16x1xi32>
      %gather3A_2665 = vector.shape_cast %broadcast_in_dim3A_2664 : vector<16x1xi32> to vector<16xi32>
      %gather3A_2666 = tpu.dynamic_gather %masked_sort3A_2644[%gather3A_2665] in [0] : vector<16xi32>, vector<16xi32> -> vector<16xi32>
      %eq3A_2667 = arith.cmpi eq, %gather3A_2666, %masked_sort3A_2644 : vector<16xi32>
      %broadcast_in_dim3A_2668 = vector.shape_cast %max3A_69 : vector<16xi32> to vector<16x1xi32>
      %gather3A_2669 = vector.shape_cast %broadcast_in_dim3A_2668 : vector<16x1xi32> to vector<16xi32>
      %gather3A_2670 = tpu.dynamic_gather %select_n3A_2658[%gather3A_2669] in [0] : vector<16xf32>, vector<16xi32> -> vector<16xf32>
      %max3A_2671 = arith.maximumf %select_n3A_2658, %gather3A_2670 : vector<16xf32>
      %select_n3A_2672 = arith.select %eq3A_2667, %max3A_2671, %select_n3A_2658 : vector<16xi1>, vector<16xf32>
      %broadcast_in_dim3A_2673 = vector.shape_cast %max3A_69 : vector<16xi32> to vector<16x1xi32>
      %gather3A_2674 = vector.shape_cast %broadcast_in_dim3A_2673 : vector<16x1xi32> to vector<16xi32>
      %gather3A_2675 = tpu.dynamic_gather %select_n3A_2663[%gather3A_2674] in [0] : vector<16xf32>, vector<16xi32> -> vector<16xf32>
      %max3A_2676 = arith.maximumf %select_n3A_2663, %gather3A_2675 : vector<16xf32>
      %select_n3A_2677 = arith.select %eq3A_2667, %max3A_2676, %select_n3A_2663 : vector<16xi1>, vector<16xf32>
      %broadcast_in_dim3A_2678 = vector.shape_cast %max3A_75 : vector<16xi32> to vector<16x1xi32>
      %gather3A_2679 = vector.shape_cast %broadcast_in_dim3A_2678 : vector<16x1xi32> to vector<16xi32>
      %gather3A_2680 = tpu.dynamic_gather %masked_sort3A_2644[%gather3A_2679] in [0] : vector<16xi32>, vector<16xi32> -> vector<16xi32>
      %eq3A_2681 = arith.cmpi eq, %gather3A_2680, %masked_sort3A_2644 : vector<16xi32>
      %broadcast_in_dim3A_2682 = vector.shape_cast %max3A_75 : vector<16xi32> to vector<16x1xi32>
      %gather3A_2683 = vector.shape_cast %broadcast_in_dim3A_2682 : vector<16x1xi32> to vector<16xi32>
      %gather3A_2684 = tpu.dynamic_gather %select_n3A_2672[%gather3A_2683] in [0] : vector<16xf32>, vector<16xi32> -> vector<16xf32>
      %max3A_2685 = arith.maximumf %select_n3A_2672, %gather3A_2684 : vector<16xf32>
      %select_n3A_2686 = arith.select %eq3A_2681, %max3A_2685, %select_n3A_2672 : vector<16xi1>, vector<16xf32>
      %broadcast_in_dim3A_2687 = vector.shape_cast %max3A_75 : vector<16xi32> to vector<16x1xi32>
      %gather3A_2688 = vector.shape_cast %broadcast_in_dim3A_2687 : vector<16x1xi32> to vector<16xi32>
      %gather3A_2689 = tpu.dynamic_gather %select_n3A_2677[%gather3A_2688] in [0] : vector<16xf32>, vector<16xi32> -> vector<16xf32>
      %max3A_2690 = arith.maximumf %select_n3A_2677, %gather3A_2689 : vector<16xf32>
      %select_n3A_2691 = arith.select %eq3A_2681, %max3A_2690, %select_n3A_2677 : vector<16xi1>, vector<16xf32>
      %broadcast_in_dim3A_2692 = vector.shape_cast %max3A_81 : vector<16xi32> to vector<16x1xi32>
      %gather3A_2693 = vector.shape_cast %broadcast_in_dim3A_2692 : vector<16x1xi32> to vector<16xi32>
      %gather3A_2694 = tpu.dynamic_gather %masked_sort3A_2644[%gather3A_2693] in [0] : vector<16xi32>, vector<16xi32> -> vector<16xi32>
      %eq3A_2695 = arith.cmpi eq, %gather3A_2694, %masked_sort3A_2644 : vector<16xi32>
      %broadcast_in_dim3A_2696 = vector.shape_cast %max3A_81 : vector<16xi32> to vector<16x1xi32>
      %gather3A_2697 = vector.shape_cast %broadcast_in_dim3A_2696 : vector<16x1xi32> to vector<16xi32>
      %gather3A_2698 = tpu.dynamic_gather %select_n3A_2686[%gather3A_2697] in [0] : vector<16xf32>, vector<16xi32> -> vector<16xf32>
      %max3A_2699 = arith.maximumf %select_n3A_2686, %gather3A_2698 : vector<16xf32>
      %select_n3A_2700 = arith.select %eq3A_2695, %max3A_2699, %select_n3A_2686 : vector<16xi1>, vector<16xf32>
      %broadcast_in_dim3A_2701 = vector.shape_cast %max3A_81 : vector<16xi32> to vector<16x1xi32>
      %gather3A_2702 = vector.shape_cast %broadcast_in_dim3A_2701 : vector<16x1xi32> to vector<16xi32>
      %gather3A_2703 = tpu.dynamic_gather %select_n3A_2691[%gather3A_2702] in [0] : vector<16xf32>, vector<16xi32> -> vector<16xf32>
      %max3A_2704 = arith.maximumf %select_n3A_2691, %gather3A_2703 : vector<16xf32>
      %select_n3A_2705 = arith.select %eq3A_2695, %max3A_2704, %select_n3A_2691 : vector<16xi1>, vector<16xf32>
      %broadcast_in_dim3A_2706 = vector.shape_cast %min3A_86 : vector<16xi32> to vector<16x1xi32>
      %gather3A_2707 = vector.shape_cast %broadcast_in_dim3A_2706 : vector<16x1xi32> to vector<16xi32>
      %gather3A_2708 = tpu.dynamic_gather %masked_sort3A_2644[%gather3A_2707] in [0] : vector<16xi32>, vector<16xi32> -> vector<16xi32>
      %ne3A_2709 = arith.cmpi ne, %gather3A_2708, %masked_sort3A_2644 : vector<16xi32>
      %or3A_2710 = arith.ori %ne3A_2709, %eq3A_59 : vector<16xi1>
      %gather3A_2711 = tpu.vector_load_idx %arg7[%masked_sort3A_2644] : memref<10240xf32, #tpu.memory_space<vmem>>[vector<16xi32>], vector<16xf32>,
      %gather3A_2712 = tpu.vector_load_idx %arg8[%masked_sort3A_2644] : memref<10240xf32, #tpu.memory_space<vmem>>[vector<16xi32>], vector<16xf32>,
      %max3A_2713 = arith.maximumf %gather3A_2711, %select_n3A_2700 : vector<16xf32>
      tpu.vector_store_idx %arg7[%masked_sort3A_2644], %max3A_2713 masked %or3A_2710 : memref<10240xf32, #tpu.memory_space<vmem>>[vector<16xi32>], vector<16xf32>, vector<16xi1>
      %max3A_2714 = arith.maximumf %gather3A_2712, %select_n3A_2705 : vector<16xf32>
      tpu.vector_store_idx %arg8[%masked_sort3A_2644], %max3A_2714 masked %or3A_2710 : memref<10240xf32, #tpu.memory_space<vmem>>[vector<16xi32>], vector<16xf32>, vector<16xi1>
      %mul3A_2715 = arith.constant 25 : i32
      %mul3A_2716 = arith.muli %scan3A_1009, %mul3A_2715 : i32
      %add3A_2717 = arith.constant 19 : i32
      %add3A_2718 = arith.addi %mul3A_2716, %add3A_2717 : i32
      %mul3A_2719 = arith.constant 16 : i32
      %mul3A_2720 = arith.muli %add3A_2718, %mul3A_2719 : i32
      %get3A_2721 = arith.index_cast %mul3A_2720 : i32 to index
      %get3A_2722 = tpu.vector_load %arg10[%get3A_2721] {strides = array<i32>} : memref<10000xi32, #tpu.memory_space<vmem>>, vector<16xi32>,
      %mul3A_2723 = arith.constant 16 : i32
      %mul3A_2724 = arith.muli %add3A_2718, %mul3A_2723 : i32
      %get3A_2725 = arith.index_cast %mul3A_2724 : i32 to index
      %get3A_2726 = tpu.vector_load %arg9[%get3A_2725] {strides = array<i32>} : memref<10000xi32, #tpu.memory_space<vmem>>, vector<16xi32>,
      %masked_sort3A_2727 = arith.constant dense<true> : vector<16xi1>
      %masked_sort3A_2728 = arith.constant -2147483648 : i32
      %masked_sort3A_2729 = vector.broadcast %masked_sort3A_2728 : i32 to vector<16xi32>
      %masked_sort3A_2730 = arith.xori %get3A_2722, %masked_sort3A_2729 : vector<16xi32>
      %masked_sort3A_2731, %masked_sort3A_2732, %masked_sort3A_2733 = tpu.sort %masked_sort3A_2730, %iota3A masked %masked_sort3A_2727 : (vector<16xi32>, vector<16xi32>, vector<16xi1>) -> (vector<16xi1>, vector<16xi32>, vector<16xi32>)
      %masked_sort3A_2734 = arith.xori %masked_sort3A_2732, %masked_sort3A_2729 : vector<16xi32>
      %broadcast_in_dim3A_2735 = vector.shape_cast %masked_sort3A_2733 : vector<16xi32> to vector<16x1xi32>
      %gather3A_2736 = vector.shape_cast %broadcast_in_dim3A_2735 : vector<16x1xi32> to vector<16xi32>
      %gather3A_2737 = tpu.dynamic_gather %get3A_2726[%gather3A_2736] in [0] : vector<16xi32>, vector<16xi32> -> vector<16xi32>
      %gather3A_2738 = tpu.vector_load_idx %arg5[%gather3A_2737] : memref<10240xf32, #tpu.memory_space<vmem>>[vector<16xi32>], vector<16xf32>,
      %gather3A_2739 = tpu.vector_load_idx %arg6[%gather3A_2737] : memref<10240xf32, #tpu.memory_space<vmem>>[vector<16xi32>], vector<16xf32>,
      %broadcast_in_dim3A_2740 = vector.shape_cast %max3A_63 : vector<16xi32> to vector<16x1xi32>
      %gather3A_2741 = vector.shape_cast %broadcast_in_dim3A_2740 : vector<16x1xi32> to vector<16xi32>
      %gather3A_2742 = tpu.dynamic_gather %masked_sort3A_2734[%gather3A_2741] in [0] : vector<16xi32>, vector<16xi32> -> vector<16xi32>
      %eq3A_2743 = arith.cmpi eq, %gather3A_2742, %masked_sort3A_2734 : vector<16xi32>
      %broadcast_in_dim3A_2744 = vector.shape_cast %max3A_63 : vector<16xi32> to vector<16x1xi32>
      %gather3A_2745 = vector.shape_cast %broadcast_in_dim3A_2744 : vector<16x1xi32> to vector<16xi32>
      %gather3A_2746 = tpu.dynamic_gather %gather3A_2738[%gather3A_2745] in [0] : vector<16xf32>, vector<16xi32> -> vector<16xf32>
      %max3A_2747 = arith.maximumf %gather3A_2738, %gather3A_2746 : vector<16xf32>
      %select_n3A_2748 = arith.select %eq3A_2743, %max3A_2747, %gather3A_2738 : vector<16xi1>, vector<16xf32>
      %broadcast_in_dim3A_2749 = vector.shape_cast %max3A_63 : vector<16xi32> to vector<16x1xi32>
      %gather3A_2750 = vector.shape_cast %broadcast_in_dim3A_2749 : vector<16x1xi32> to vector<16xi32>
      %gather3A_2751 = tpu.dynamic_gather %gather3A_2739[%gather3A_2750] in [0] : vector<16xf32>, vector<16xi32> -> vector<16xf32>
      %max3A_2752 = arith.maximumf %gather3A_2739, %gather3A_2751 : vector<16xf32>
      %select_n3A_2753 = arith.select %eq3A_2743, %max3A_2752, %gather3A_2739 : vector<16xi1>, vector<16xf32>
      %broadcast_in_dim3A_2754 = vector.shape_cast %max3A_69 : vector<16xi32> to vector<16x1xi32>
      %gather3A_2755 = vector.shape_cast %broadcast_in_dim3A_2754 : vector<16x1xi32> to vector<16xi32>
      %gather3A_2756 = tpu.dynamic_gather %masked_sort3A_2734[%gather3A_2755] in [0] : vector<16xi32>, vector<16xi32> -> vector<16xi32>
      %eq3A_2757 = arith.cmpi eq, %gather3A_2756, %masked_sort3A_2734 : vector<16xi32>
      %broadcast_in_dim3A_2758 = vector.shape_cast %max3A_69 : vector<16xi32> to vector<16x1xi32>
      %gather3A_2759 = vector.shape_cast %broadcast_in_dim3A_2758 : vector<16x1xi32> to vector<16xi32>
      %gather3A_2760 = tpu.dynamic_gather %select_n3A_2748[%gather3A_2759] in [0] : vector<16xf32>, vector<16xi32> -> vector<16xf32>
      %max3A_2761 = arith.maximumf %select_n3A_2748, %gather3A_2760 : vector<16xf32>
      %select_n3A_2762 = arith.select %eq3A_2757, %max3A_2761, %select_n3A_2748 : vector<16xi1>, vector<16xf32>
      %broadcast_in_dim3A_2763 = vector.shape_cast %max3A_69 : vector<16xi32> to vector<16x1xi32>
      %gather3A_2764 = vector.shape_cast %broadcast_in_dim3A_2763 : vector<16x1xi32> to vector<16xi32>
      %gather3A_2765 = tpu.dynamic_gather %select_n3A_2753[%gather3A_2764] in [0] : vector<16xf32>, vector<16xi32> -> vector<16xf32>
      %max3A_2766 = arith.maximumf %select_n3A_2753, %gather3A_2765 : vector<16xf32>
      %select_n3A_2767 = arith.select %eq3A_2757, %max3A_2766, %select_n3A_2753 : vector<16xi1>, vector<16xf32>
      %broadcast_in_dim3A_2768 = vector.shape_cast %max3A_75 : vector<16xi32> to vector<16x1xi32>
      %gather3A_2769 = vector.shape_cast %broadcast_in_dim3A_2768 : vector<16x1xi32> to vector<16xi32>
      %gather3A_2770 = tpu.dynamic_gather %masked_sort3A_2734[%gather3A_2769] in [0] : vector<16xi32>, vector<16xi32> -> vector<16xi32>
      %eq3A_2771 = arith.cmpi eq, %gather3A_2770, %masked_sort3A_2734 : vector<16xi32>
      %broadcast_in_dim3A_2772 = vector.shape_cast %max3A_75 : vector<16xi32> to vector<16x1xi32>
      %gather3A_2773 = vector.shape_cast %broadcast_in_dim3A_2772 : vector<16x1xi32> to vector<16xi32>
      %gather3A_2774 = tpu.dynamic_gather %select_n3A_2762[%gather3A_2773] in [0] : vector<16xf32>, vector<16xi32> -> vector<16xf32>
      %max3A_2775 = arith.maximumf %select_n3A_2762, %gather3A_2774 : vector<16xf32>
      %select_n3A_2776 = arith.select %eq3A_2771, %max3A_2775, %select_n3A_2762 : vector<16xi1>, vector<16xf32>
      %broadcast_in_dim3A_2777 = vector.shape_cast %max3A_75 : vector<16xi32> to vector<16x1xi32>
      %gather3A_2778 = vector.shape_cast %broadcast_in_dim3A_2777 : vector<16x1xi32> to vector<16xi32>
      %gather3A_2779 = tpu.dynamic_gather %select_n3A_2767[%gather3A_2778] in [0] : vector<16xf32>, vector<16xi32> -> vector<16xf32>
      %max3A_2780 = arith.maximumf %select_n3A_2767, %gather3A_2779 : vector<16xf32>
      %select_n3A_2781 = arith.select %eq3A_2771, %max3A_2780, %select_n3A_2767 : vector<16xi1>, vector<16xf32>
      %broadcast_in_dim3A_2782 = vector.shape_cast %max3A_81 : vector<16xi32> to vector<16x1xi32>
      %gather3A_2783 = vector.shape_cast %broadcast_in_dim3A_2782 : vector<16x1xi32> to vector<16xi32>
      %gather3A_2784 = tpu.dynamic_gather %masked_sort3A_2734[%gather3A_2783] in [0] : vector<16xi32>, vector<16xi32> -> vector<16xi32>
      %eq3A_2785 = arith.cmpi eq, %gather3A_2784, %masked_sort3A_2734 : vector<16xi32>
      %broadcast_in_dim3A_2786 = vector.shape_cast %max3A_81 : vector<16xi32> to vector<16x1xi32>
      %gather3A_2787 = vector.shape_cast %broadcast_in_dim3A_2786 : vector<16x1xi32> to vector<16xi32>
      %gather3A_2788 = tpu.dynamic_gather %select_n3A_2776[%gather3A_2787] in [0] : vector<16xf32>, vector<16xi32> -> vector<16xf32>
      %max3A_2789 = arith.maximumf %select_n3A_2776, %gather3A_2788 : vector<16xf32>
      %select_n3A_2790 = arith.select %eq3A_2785, %max3A_2789, %select_n3A_2776 : vector<16xi1>, vector<16xf32>
      %broadcast_in_dim3A_2791 = vector.shape_cast %max3A_81 : vector<16xi32> to vector<16x1xi32>
      %gather3A_2792 = vector.shape_cast %broadcast_in_dim3A_2791 : vector<16x1xi32> to vector<16xi32>
      %gather3A_2793 = tpu.dynamic_gather %select_n3A_2781[%gather3A_2792] in [0] : vector<16xf32>, vector<16xi32> -> vector<16xf32>
      %max3A_2794 = arith.maximumf %select_n3A_2781, %gather3A_2793 : vector<16xf32>
      %select_n3A_2795 = arith.select %eq3A_2785, %max3A_2794, %select_n3A_2781 : vector<16xi1>, vector<16xf32>
      %broadcast_in_dim3A_2796 = vector.shape_cast %min3A_86 : vector<16xi32> to vector<16x1xi32>
      %gather3A_2797 = vector.shape_cast %broadcast_in_dim3A_2796 : vector<16x1xi32> to vector<16xi32>
      %gather3A_2798 = tpu.dynamic_gather %masked_sort3A_2734[%gather3A_2797] in [0] : vector<16xi32>, vector<16xi32> -> vector<16xi32>
      %ne3A_2799 = arith.cmpi ne, %gather3A_2798, %masked_sort3A_2734 : vector<16xi32>
      %or3A_2800 = arith.ori %ne3A_2799, %eq3A_59 : vector<16xi1>
      %gather3A_2801 = tpu.vector_load_idx %arg7[%masked_sort3A_2734] : memref<10240xf32, #tpu.memory_space<vmem>>[vector<16xi32>], vector<16xf32>,
      %gather3A_2802 = tpu.vector_load_idx %arg8[%masked_sort3A_2734] : memref<10240xf32, #tpu.memory_space<vmem>>[vector<16xi32>], vector<16xf32>,
      %max3A_2803 = arith.maximumf %gather3A_2801, %select_n3A_2790 : vector<16xf32>
      tpu.vector_store_idx %arg7[%masked_sort3A_2734], %max3A_2803 masked %or3A_2800 : memref<10240xf32, #tpu.memory_space<vmem>>[vector<16xi32>], vector<16xf32>, vector<16xi1>
      %max3A_2804 = arith.maximumf %gather3A_2802, %select_n3A_2795 : vector<16xf32>
      tpu.vector_store_idx %arg8[%masked_sort3A_2734], %max3A_2804 masked %or3A_2800 : memref<10240xf32, #tpu.memory_space<vmem>>[vector<16xi32>], vector<16xf32>, vector<16xi1>
      %mul3A_2805 = arith.constant 25 : i32
      %mul3A_2806 = arith.muli %scan3A_1009, %mul3A_2805 : i32
      %add3A_2807 = arith.constant 20 : i32
      %add3A_2808 = arith.addi %mul3A_2806, %add3A_2807 : i32
      %mul3A_2809 = arith.constant 16 : i32
      %mul3A_2810 = arith.muli %add3A_2808, %mul3A_2809 : i32
      %get3A_2811 = arith.index_cast %mul3A_2810 : i32 to index
      %get3A_2812 = tpu.vector_load %arg10[%get3A_2811] {strides = array<i32>} : memref<10000xi32, #tpu.memory_space<vmem>>, vector<16xi32>,
      %mul3A_2813 = arith.constant 16 : i32
      %mul3A_2814 = arith.muli %add3A_2808, %mul3A_2813 : i32
      %get3A_2815 = arith.index_cast %mul3A_2814 : i32 to index
      %get3A_2816 = tpu.vector_load %arg9[%get3A_2815] {strides = array<i32>} : memref<10000xi32, #tpu.memory_space<vmem>>, vector<16xi32>,
      %masked_sort3A_2817 = arith.constant dense<true> : vector<16xi1>
      %masked_sort3A_2818 = arith.constant -2147483648 : i32
      %masked_sort3A_2819 = vector.broadcast %masked_sort3A_2818 : i32 to vector<16xi32>
      %masked_sort3A_2820 = arith.xori %get3A_2812, %masked_sort3A_2819 : vector<16xi32>
      %masked_sort3A_2821, %masked_sort3A_2822, %masked_sort3A_2823 = tpu.sort %masked_sort3A_2820, %iota3A masked %masked_sort3A_2817 : (vector<16xi32>, vector<16xi32>, vector<16xi1>) -> (vector<16xi1>, vector<16xi32>, vector<16xi32>)
      %masked_sort3A_2824 = arith.xori %masked_sort3A_2822, %masked_sort3A_2819 : vector<16xi32>
      %broadcast_in_dim3A_2825 = vector.shape_cast %masked_sort3A_2823 : vector<16xi32> to vector<16x1xi32>
      %gather3A_2826 = vector.shape_cast %broadcast_in_dim3A_2825 : vector<16x1xi32> to vector<16xi32>
      %gather3A_2827 = tpu.dynamic_gather %get3A_2816[%gather3A_2826] in [0] : vector<16xi32>, vector<16xi32> -> vector<16xi32>
      %gather3A_2828 = tpu.vector_load_idx %arg5[%gather3A_2827] : memref<10240xf32, #tpu.memory_space<vmem>>[vector<16xi32>], vector<16xf32>,
      %gather3A_2829 = tpu.vector_load_idx %arg6[%gather3A_2827] : memref<10240xf32, #tpu.memory_space<vmem>>[vector<16xi32>], vector<16xf32>,
      %broadcast_in_dim3A_2830 = vector.shape_cast %max3A_63 : vector<16xi32> to vector<16x1xi32>
      %gather3A_2831 = vector.shape_cast %broadcast_in_dim3A_2830 : vector<16x1xi32> to vector<16xi32>
      %gather3A_2832 = tpu.dynamic_gather %masked_sort3A_2824[%gather3A_2831] in [0] : vector<16xi32>, vector<16xi32> -> vector<16xi32>
      %eq3A_2833 = arith.cmpi eq, %gather3A_2832, %masked_sort3A_2824 : vector<16xi32>
      %broadcast_in_dim3A_2834 = vector.shape_cast %max3A_63 : vector<16xi32> to vector<16x1xi32>
      %gather3A_2835 = vector.shape_cast %broadcast_in_dim3A_2834 : vector<16x1xi32> to vector<16xi32>
      %gather3A_2836 = tpu.dynamic_gather %gather3A_2828[%gather3A_2835] in [0] : vector<16xf32>, vector<16xi32> -> vector<16xf32>
      %max3A_2837 = arith.maximumf %gather3A_2828, %gather3A_2836 : vector<16xf32>
      %select_n3A_2838 = arith.select %eq3A_2833, %max3A_2837, %gather3A_2828 : vector<16xi1>, vector<16xf32>
      %broadcast_in_dim3A_2839 = vector.shape_cast %max3A_63 : vector<16xi32> to vector<16x1xi32>
      %gather3A_2840 = vector.shape_cast %broadcast_in_dim3A_2839 : vector<16x1xi32> to vector<16xi32>
      %gather3A_2841 = tpu.dynamic_gather %gather3A_2829[%gather3A_2840] in [0] : vector<16xf32>, vector<16xi32> -> vector<16xf32>
      %max3A_2842 = arith.maximumf %gather3A_2829, %gather3A_2841 : vector<16xf32>
      %select_n3A_2843 = arith.select %eq3A_2833, %max3A_2842, %gather3A_2829 : vector<16xi1>, vector<16xf32>
      %broadcast_in_dim3A_2844 = vector.shape_cast %max3A_69 : vector<16xi32> to vector<16x1xi32>
      %gather3A_2845 = vector.shape_cast %broadcast_in_dim3A_2844 : vector<16x1xi32> to vector<16xi32>
      %gather3A_2846 = tpu.dynamic_gather %masked_sort3A_2824[%gather3A_2845] in [0] : vector<16xi32>, vector<16xi32> -> vector<16xi32>
      %eq3A_2847 = arith.cmpi eq, %gather3A_2846, %masked_sort3A_2824 : vector<16xi32>
      %broadcast_in_dim3A_2848 = vector.shape_cast %max3A_69 : vector<16xi32> to vector<16x1xi32>
      %gather3A_2849 = vector.shape_cast %broadcast_in_dim3A_2848 : vector<16x1xi32> to vector<16xi32>
      %gather3A_2850 = tpu.dynamic_gather %select_n3A_2838[%gather3A_2849] in [0] : vector<16xf32>, vector<16xi32> -> vector<16xf32>
      %max3A_2851 = arith.maximumf %select_n3A_2838, %gather3A_2850 : vector<16xf32>
      %select_n3A_2852 = arith.select %eq3A_2847, %max3A_2851, %select_n3A_2838 : vector<16xi1>, vector<16xf32>
      %broadcast_in_dim3A_2853 = vector.shape_cast %max3A_69 : vector<16xi32> to vector<16x1xi32>
      %gather3A_2854 = vector.shape_cast %broadcast_in_dim3A_2853 : vector<16x1xi32> to vector<16xi32>
      %gather3A_2855 = tpu.dynamic_gather %select_n3A_2843[%gather3A_2854] in [0] : vector<16xf32>, vector<16xi32> -> vector<16xf32>
      %max3A_2856 = arith.maximumf %select_n3A_2843, %gather3A_2855 : vector<16xf32>
      %select_n3A_2857 = arith.select %eq3A_2847, %max3A_2856, %select_n3A_2843 : vector<16xi1>, vector<16xf32>
      %broadcast_in_dim3A_2858 = vector.shape_cast %max3A_75 : vector<16xi32> to vector<16x1xi32>
      %gather3A_2859 = vector.shape_cast %broadcast_in_dim3A_2858 : vector<16x1xi32> to vector<16xi32>
      %gather3A_2860 = tpu.dynamic_gather %masked_sort3A_2824[%gather3A_2859] in [0] : vector<16xi32>, vector<16xi32> -> vector<16xi32>
      %eq3A_2861 = arith.cmpi eq, %gather3A_2860, %masked_sort3A_2824 : vector<16xi32>
      %broadcast_in_dim3A_2862 = vector.shape_cast %max3A_75 : vector<16xi32> to vector<16x1xi32>
      %gather3A_2863 = vector.shape_cast %broadcast_in_dim3A_2862 : vector<16x1xi32> to vector<16xi32>
      %gather3A_2864 = tpu.dynamic_gather %select_n3A_2852[%gather3A_2863] in [0] : vector<16xf32>, vector<16xi32> -> vector<16xf32>
      %max3A_2865 = arith.maximumf %select_n3A_2852, %gather3A_2864 : vector<16xf32>
      %select_n3A_2866 = arith.select %eq3A_2861, %max3A_2865, %select_n3A_2852 : vector<16xi1>, vector<16xf32>
      %broadcast_in_dim3A_2867 = vector.shape_cast %max3A_75 : vector<16xi32> to vector<16x1xi32>
      %gather3A_2868 = vector.shape_cast %broadcast_in_dim3A_2867 : vector<16x1xi32> to vector<16xi32>
      %gather3A_2869 = tpu.dynamic_gather %select_n3A_2857[%gather3A_2868] in [0] : vector<16xf32>, vector<16xi32> -> vector<16xf32>
      %max3A_2870 = arith.maximumf %select_n3A_2857, %gather3A_2869 : vector<16xf32>
      %select_n3A_2871 = arith.select %eq3A_2861, %max3A_2870, %select_n3A_2857 : vector<16xi1>, vector<16xf32>
      %broadcast_in_dim3A_2872 = vector.shape_cast %max3A_81 : vector<16xi32> to vector<16x1xi32>
      %gather3A_2873 = vector.shape_cast %broadcast_in_dim3A_2872 : vector<16x1xi32> to vector<16xi32>
      %gather3A_2874 = tpu.dynamic_gather %masked_sort3A_2824[%gather3A_2873] in [0] : vector<16xi32>, vector<16xi32> -> vector<16xi32>
      %eq3A_2875 = arith.cmpi eq, %gather3A_2874, %masked_sort3A_2824 : vector<16xi32>
      %broadcast_in_dim3A_2876 = vector.shape_cast %max3A_81 : vector<16xi32> to vector<16x1xi32>
      %gather3A_2877 = vector.shape_cast %broadcast_in_dim3A_2876 : vector<16x1xi32> to vector<16xi32>
      %gather3A_2878 = tpu.dynamic_gather %select_n3A_2866[%gather3A_2877] in [0] : vector<16xf32>, vector<16xi32> -> vector<16xf32>
      %max3A_2879 = arith.maximumf %select_n3A_2866, %gather3A_2878 : vector<16xf32>
      %select_n3A_2880 = arith.select %eq3A_2875, %max3A_2879, %select_n3A_2866 : vector<16xi1>, vector<16xf32>
      %broadcast_in_dim3A_2881 = vector.shape_cast %max3A_81 : vector<16xi32> to vector<16x1xi32>
      %gather3A_2882 = vector.shape_cast %broadcast_in_dim3A_2881 : vector<16x1xi32> to vector<16xi32>
      %gather3A_2883 = tpu.dynamic_gather %select_n3A_2871[%gather3A_2882] in [0] : vector<16xf32>, vector<16xi32> -> vector<16xf32>
      %max3A_2884 = arith.maximumf %select_n3A_2871, %gather3A_2883 : vector<16xf32>
      %select_n3A_2885 = arith.select %eq3A_2875, %max3A_2884, %select_n3A_2871 : vector<16xi1>, vector<16xf32>
      %broadcast_in_dim3A_2886 = vector.shape_cast %min3A_86 : vector<16xi32> to vector<16x1xi32>
      %gather3A_2887 = vector.shape_cast %broadcast_in_dim3A_2886 : vector<16x1xi32> to vector<16xi32>
      %gather3A_2888 = tpu.dynamic_gather %masked_sort3A_2824[%gather3A_2887] in [0] : vector<16xi32>, vector<16xi32> -> vector<16xi32>
      %ne3A_2889 = arith.cmpi ne, %gather3A_2888, %masked_sort3A_2824 : vector<16xi32>
      %or3A_2890 = arith.ori %ne3A_2889, %eq3A_59 : vector<16xi1>
      %gather3A_2891 = tpu.vector_load_idx %arg7[%masked_sort3A_2824] : memref<10240xf32, #tpu.memory_space<vmem>>[vector<16xi32>], vector<16xf32>,
      %gather3A_2892 = tpu.vector_load_idx %arg8[%masked_sort3A_2824] : memref<10240xf32, #tpu.memory_space<vmem>>[vector<16xi32>], vector<16xf32>,
      %max3A_2893 = arith.maximumf %gather3A_2891, %select_n3A_2880 : vector<16xf32>
      tpu.vector_store_idx %arg7[%masked_sort3A_2824], %max3A_2893 masked %or3A_2890 : memref<10240xf32, #tpu.memory_space<vmem>>[vector<16xi32>], vector<16xf32>, vector<16xi1>
      %max3A_2894 = arith.maximumf %gather3A_2892, %select_n3A_2885 : vector<16xf32>
      tpu.vector_store_idx %arg8[%masked_sort3A_2824], %max3A_2894 masked %or3A_2890 : memref<10240xf32, #tpu.memory_space<vmem>>[vector<16xi32>], vector<16xf32>, vector<16xi1>
      %mul3A_2895 = arith.constant 25 : i32
      %mul3A_2896 = arith.muli %scan3A_1009, %mul3A_2895 : i32
      %add3A_2897 = arith.constant 21 : i32
      %add3A_2898 = arith.addi %mul3A_2896, %add3A_2897 : i32
      %mul3A_2899 = arith.constant 16 : i32
      %mul3A_2900 = arith.muli %add3A_2898, %mul3A_2899 : i32
      %get3A_2901 = arith.index_cast %mul3A_2900 : i32 to index
      %get3A_2902 = tpu.vector_load %arg10[%get3A_2901] {strides = array<i32>} : memref<10000xi32, #tpu.memory_space<vmem>>, vector<16xi32>,
      %mul3A_2903 = arith.constant 16 : i32
      %mul3A_2904 = arith.muli %add3A_2898, %mul3A_2903 : i32
      %get3A_2905 = arith.index_cast %mul3A_2904 : i32 to index
      %get3A_2906 = tpu.vector_load %arg9[%get3A_2905] {strides = array<i32>} : memref<10000xi32, #tpu.memory_space<vmem>>, vector<16xi32>,
      %masked_sort3A_2907 = arith.constant dense<true> : vector<16xi1>
      %masked_sort3A_2908 = arith.constant -2147483648 : i32
      %masked_sort3A_2909 = vector.broadcast %masked_sort3A_2908 : i32 to vector<16xi32>
      %masked_sort3A_2910 = arith.xori %get3A_2902, %masked_sort3A_2909 : vector<16xi32>
      %masked_sort3A_2911, %masked_sort3A_2912, %masked_sort3A_2913 = tpu.sort %masked_sort3A_2910, %iota3A masked %masked_sort3A_2907 : (vector<16xi32>, vector<16xi32>, vector<16xi1>) -> (vector<16xi1>, vector<16xi32>, vector<16xi32>)
      %masked_sort3A_2914 = arith.xori %masked_sort3A_2912, %masked_sort3A_2909 : vector<16xi32>
      %broadcast_in_dim3A_2915 = vector.shape_cast %masked_sort3A_2913 : vector<16xi32> to vector<16x1xi32>
      %gather3A_2916 = vector.shape_cast %broadcast_in_dim3A_2915 : vector<16x1xi32> to vector<16xi32>
      %gather3A_2917 = tpu.dynamic_gather %get3A_2906[%gather3A_2916] in [0] : vector<16xi32>, vector<16xi32> -> vector<16xi32>
      %gather3A_2918 = tpu.vector_load_idx %arg5[%gather3A_2917] : memref<10240xf32, #tpu.memory_space<vmem>>[vector<16xi32>], vector<16xf32>,
      %gather3A_2919 = tpu.vector_load_idx %arg6[%gather3A_2917] : memref<10240xf32, #tpu.memory_space<vmem>>[vector<16xi32>], vector<16xf32>,
      %broadcast_in_dim3A_2920 = vector.shape_cast %max3A_63 : vector<16xi32> to vector<16x1xi32>
      %gather3A_2921 = vector.shape_cast %broadcast_in_dim3A_2920 : vector<16x1xi32> to vector<16xi32>
      %gather3A_2922 = tpu.dynamic_gather %masked_sort3A_2914[%gather3A_2921] in [0] : vector<16xi32>, vector<16xi32> -> vector<16xi32>
      %eq3A_2923 = arith.cmpi eq, %gather3A_2922, %masked_sort3A_2914 : vector<16xi32>
      %broadcast_in_dim3A_2924 = vector.shape_cast %max3A_63 : vector<16xi32> to vector<16x1xi32>
      %gather3A_2925 = vector.shape_cast %broadcast_in_dim3A_2924 : vector<16x1xi32> to vector<16xi32>
      %gather3A_2926 = tpu.dynamic_gather %gather3A_2918[%gather3A_2925] in [0] : vector<16xf32>, vector<16xi32> -> vector<16xf32>
      %max3A_2927 = arith.maximumf %gather3A_2918, %gather3A_2926 : vector<16xf32>
      %select_n3A_2928 = arith.select %eq3A_2923, %max3A_2927, %gather3A_2918 : vector<16xi1>, vector<16xf32>
      %broadcast_in_dim3A_2929 = vector.shape_cast %max3A_63 : vector<16xi32> to vector<16x1xi32>
      %gather3A_2930 = vector.shape_cast %broadcast_in_dim3A_2929 : vector<16x1xi32> to vector<16xi32>
      %gather3A_2931 = tpu.dynamic_gather %gather3A_2919[%gather3A_2930] in [0] : vector<16xf32>, vector<16xi32> -> vector<16xf32>
      %max3A_2932 = arith.maximumf %gather3A_2919, %gather3A_2931 : vector<16xf32>
      %select_n3A_2933 = arith.select %eq3A_2923, %max3A_2932, %gather3A_2919 : vector<16xi1>, vector<16xf32>
      %broadcast_in_dim3A_2934 = vector.shape_cast %max3A_69 : vector<16xi32> to vector<16x1xi32>
      %gather3A_2935 = vector.shape_cast %broadcast_in_dim3A_2934 : vector<16x1xi32> to vector<16xi32>
      %gather3A_2936 = tpu.dynamic_gather %masked_sort3A_2914[%gather3A_2935] in [0] : vector<16xi32>, vector<16xi32> -> vector<16xi32>
      %eq3A_2937 = arith.cmpi eq, %gather3A_2936, %masked_sort3A_2914 : vector<16xi32>
      %broadcast_in_dim3A_2938 = vector.shape_cast %max3A_69 : vector<16xi32> to vector<16x1xi32>
      %gather3A_2939 = vector.shape_cast %broadcast_in_dim3A_2938 : vector<16x1xi32> to vector<16xi32>
      %gather3A_2940 = tpu.dynamic_gather %select_n3A_2928[%gather3A_2939] in [0] : vector<16xf32>, vector<16xi32> -> vector<16xf32>
      %max3A_2941 = arith.maximumf %select_n3A_2928, %gather3A_2940 : vector<16xf32>
      %select_n3A_2942 = arith.select %eq3A_2937, %max3A_2941, %select_n3A_2928 : vector<16xi1>, vector<16xf32>
      %broadcast_in_dim3A_2943 = vector.shape_cast %max3A_69 : vector<16xi32> to vector<16x1xi32>
      %gather3A_2944 = vector.shape_cast %broadcast_in_dim3A_2943 : vector<16x1xi32> to vector<16xi32>
      %gather3A_2945 = tpu.dynamic_gather %select_n3A_2933[%gather3A_2944] in [0] : vector<16xf32>, vector<16xi32> -> vector<16xf32>
      %max3A_2946 = arith.maximumf %select_n3A_2933, %gather3A_2945 : vector<16xf32>
      %select_n3A_2947 = arith.select %eq3A_2937, %max3A_2946, %select_n3A_2933 : vector<16xi1>, vector<16xf32>
      %broadcast_in_dim3A_2948 = vector.shape_cast %max3A_75 : vector<16xi32> to vector<16x1xi32>
      %gather3A_2949 = vector.shape_cast %broadcast_in_dim3A_2948 : vector<16x1xi32> to vector<16xi32>
      %gather3A_2950 = tpu.dynamic_gather %masked_sort3A_2914[%gather3A_2949] in [0] : vector<16xi32>, vector<16xi32> -> vector<16xi32>
      %eq3A_2951 = arith.cmpi eq, %gather3A_2950, %masked_sort3A_2914 : vector<16xi32>
      %broadcast_in_dim3A_2952 = vector.shape_cast %max3A_75 : vector<16xi32> to vector<16x1xi32>
      %gather3A_2953 = vector.shape_cast %broadcast_in_dim3A_2952 : vector<16x1xi32> to vector<16xi32>
      %gather3A_2954 = tpu.dynamic_gather %select_n3A_2942[%gather3A_2953] in [0] : vector<16xf32>, vector<16xi32> -> vector<16xf32>
      %max3A_2955 = arith.maximumf %select_n3A_2942, %gather3A_2954 : vector<16xf32>
      %select_n3A_2956 = arith.select %eq3A_2951, %max3A_2955, %select_n3A_2942 : vector<16xi1>, vector<16xf32>
      %broadcast_in_dim3A_2957 = vector.shape_cast %max3A_75 : vector<16xi32> to vector<16x1xi32>
      %gather3A_2958 = vector.shape_cast %broadcast_in_dim3A_2957 : vector<16x1xi32> to vector<16xi32>
      %gather3A_2959 = tpu.dynamic_gather %select_n3A_2947[%gather3A_2958] in [0] : vector<16xf32>, vector<16xi32> -> vector<16xf32>
      %max3A_2960 = arith.maximumf %select_n3A_2947, %gather3A_2959 : vector<16xf32>
      %select_n3A_2961 = arith.select %eq3A_2951, %max3A_2960, %select_n3A_2947 : vector<16xi1>, vector<16xf32>
      %broadcast_in_dim3A_2962 = vector.shape_cast %max3A_81 : vector<16xi32> to vector<16x1xi32>
      %gather3A_2963 = vector.shape_cast %broadcast_in_dim3A_2962 : vector<16x1xi32> to vector<16xi32>
      %gather3A_2964 = tpu.dynamic_gather %masked_sort3A_2914[%gather3A_2963] in [0] : vector<16xi32>, vector<16xi32> -> vector<16xi32>
      %eq3A_2965 = arith.cmpi eq, %gather3A_2964, %masked_sort3A_2914 : vector<16xi32>
      %broadcast_in_dim3A_2966 = vector.shape_cast %max3A_81 : vector<16xi32> to vector<16x1xi32>
      %gather3A_2967 = vector.shape_cast %broadcast_in_dim3A_2966 : vector<16x1xi32> to vector<16xi32>
      %gather3A_2968 = tpu.dynamic_gather %select_n3A_2956[%gather3A_2967] in [0] : vector<16xf32>, vector<16xi32> -> vector<16xf32>
      %max3A_2969 = arith.maximumf %select_n3A_2956, %gather3A_2968 : vector<16xf32>
      %select_n3A_2970 = arith.select %eq3A_2965, %max3A_2969, %select_n3A_2956 : vector<16xi1>, vector<16xf32>
      %broadcast_in_dim3A_2971 = vector.shape_cast %max3A_81 : vector<16xi32> to vector<16x1xi32>
      %gather3A_2972 = vector.shape_cast %broadcast_in_dim3A_2971 : vector<16x1xi32> to vector<16xi32>
      %gather3A_2973 = tpu.dynamic_gather %select_n3A_2961[%gather3A_2972] in [0] : vector<16xf32>, vector<16xi32> -> vector<16xf32>
      %max3A_2974 = arith.maximumf %select_n3A_2961, %gather3A_2973 : vector<16xf32>
      %select_n3A_2975 = arith.select %eq3A_2965, %max3A_2974, %select_n3A_2961 : vector<16xi1>, vector<16xf32>
      %broadcast_in_dim3A_2976 = vector.shape_cast %min3A_86 : vector<16xi32> to vector<16x1xi32>
      %gather3A_2977 = vector.shape_cast %broadcast_in_dim3A_2976 : vector<16x1xi32> to vector<16xi32>
      %gather3A_2978 = tpu.dynamic_gather %masked_sort3A_2914[%gather3A_2977] in [0] : vector<16xi32>, vector<16xi32> -> vector<16xi32>
      %ne3A_2979 = arith.cmpi ne, %gather3A_2978, %masked_sort3A_2914 : vector<16xi32>
      %or3A_2980 = arith.ori %ne3A_2979, %eq3A_59 : vector<16xi1>
      %gather3A_2981 = tpu.vector_load_idx %arg7[%masked_sort3A_2914] : memref<10240xf32, #tpu.memory_space<vmem>>[vector<16xi32>], vector<16xf32>,
      %gather3A_2982 = tpu.vector_load_idx %arg8[%masked_sort3A_2914] : memref<10240xf32, #tpu.memory_space<vmem>>[vector<16xi32>], vector<16xf32>,
      %max3A_2983 = arith.maximumf %gather3A_2981, %select_n3A_2970 : vector<16xf32>
      tpu.vector_store_idx %arg7[%masked_sort3A_2914], %max3A_2983 masked %or3A_2980 : memref<10240xf32, #tpu.memory_space<vmem>>[vector<16xi32>], vector<16xf32>, vector<16xi1>
      %max3A_2984 = arith.maximumf %gather3A_2982, %select_n3A_2975 : vector<16xf32>
      tpu.vector_store_idx %arg8[%masked_sort3A_2914], %max3A_2984 masked %or3A_2980 : memref<10240xf32, #tpu.memory_space<vmem>>[vector<16xi32>], vector<16xf32>, vector<16xi1>
      %mul3A_2985 = arith.constant 25 : i32
      %mul3A_2986 = arith.muli %scan3A_1009, %mul3A_2985 : i32
      %add3A_2987 = arith.constant 22 : i32
      %add3A_2988 = arith.addi %mul3A_2986, %add3A_2987 : i32
      %mul3A_2989 = arith.constant 16 : i32
      %mul3A_2990 = arith.muli %add3A_2988, %mul3A_2989 : i32
      %get3A_2991 = arith.index_cast %mul3A_2990 : i32 to index
      %get3A_2992 = tpu.vector_load %arg10[%get3A_2991] {strides = array<i32>} : memref<10000xi32, #tpu.memory_space<vmem>>, vector<16xi32>,
      %mul3A_2993 = arith.constant 16 : i32
      %mul3A_2994 = arith.muli %add3A_2988, %mul3A_2993 : i32
      %get3A_2995 = arith.index_cast %mul3A_2994 : i32 to index
      %get3A_2996 = tpu.vector_load %arg9[%get3A_2995] {strides = array<i32>} : memref<10000xi32, #tpu.memory_space<vmem>>, vector<16xi32>,
      %masked_sort3A_2997 = arith.constant dense<true> : vector<16xi1>
      %masked_sort3A_2998 = arith.constant -2147483648 : i32
      %masked_sort3A_2999 = vector.broadcast %masked_sort3A_2998 : i32 to vector<16xi32>
      %masked_sort3A_3000 = arith.xori %get3A_2992, %masked_sort3A_2999 : vector<16xi32>
      %masked_sort3A_3001, %masked_sort3A_3002, %masked_sort3A_3003 = tpu.sort %masked_sort3A_3000, %iota3A masked %masked_sort3A_2997 : (vector<16xi32>, vector<16xi32>, vector<16xi1>) -> (vector<16xi1>, vector<16xi32>, vector<16xi32>)
      %masked_sort3A_3004 = arith.xori %masked_sort3A_3002, %masked_sort3A_2999 : vector<16xi32>
      %broadcast_in_dim3A_3005 = vector.shape_cast %masked_sort3A_3003 : vector<16xi32> to vector<16x1xi32>
      %gather3A_3006 = vector.shape_cast %broadcast_in_dim3A_3005 : vector<16x1xi32> to vector<16xi32>
      %gather3A_3007 = tpu.dynamic_gather %get3A_2996[%gather3A_3006] in [0] : vector<16xi32>, vector<16xi32> -> vector<16xi32>
      %gather3A_3008 = tpu.vector_load_idx %arg5[%gather3A_3007] : memref<10240xf32, #tpu.memory_space<vmem>>[vector<16xi32>], vector<16xf32>,
      %gather3A_3009 = tpu.vector_load_idx %arg6[%gather3A_3007] : memref<10240xf32, #tpu.memory_space<vmem>>[vector<16xi32>], vector<16xf32>,
      %broadcast_in_dim3A_3010 = vector.shape_cast %max3A_63 : vector<16xi32> to vector<16x1xi32>
      %gather3A_3011 = vector.shape_cast %broadcast_in_dim3A_3010 : vector<16x1xi32> to vector<16xi32>
      %gather3A_3012 = tpu.dynamic_gather %masked_sort3A_3004[%gather3A_3011] in [0] : vector<16xi32>, vector<16xi32> -> vector<16xi32>
      %eq3A_3013 = arith.cmpi eq, %gather3A_3012, %masked_sort3A_3004 : vector<16xi32>
      %broadcast_in_dim3A_3014 = vector.shape_cast %max3A_63 : vector<16xi32> to vector<16x1xi32>
      %gather3A_3015 = vector.shape_cast %broadcast_in_dim3A_3014 : vector<16x1xi32> to vector<16xi32>
      %gather3A_3016 = tpu.dynamic_gather %gather3A_3008[%gather3A_3015] in [0] : vector<16xf32>, vector<16xi32> -> vector<16xf32>
      %max3A_3017 = arith.maximumf %gather3A_3008, %gather3A_3016 : vector<16xf32>
      %select_n3A_3018 = arith.select %eq3A_3013, %max3A_3017, %gather3A_3008 : vector<16xi1>, vector<16xf32>
      %broadcast_in_dim3A_3019 = vector.shape_cast %max3A_63 : vector<16xi32> to vector<16x1xi32>
      %gather3A_3020 = vector.shape_cast %broadcast_in_dim3A_3019 : vector<16x1xi32> to vector<16xi32>
      %gather3A_3021 = tpu.dynamic_gather %gather3A_3009[%gather3A_3020] in [0] : vector<16xf32>, vector<16xi32> -> vector<16xf32>
      %max3A_3022 = arith.maximumf %gather3A_3009, %gather3A_3021 : vector<16xf32>
      %select_n3A_3023 = arith.select %eq3A_3013, %max3A_3022, %gather3A_3009 : vector<16xi1>, vector<16xf32>
      %broadcast_in_dim3A_3024 = vector.shape_cast %max3A_69 : vector<16xi32> to vector<16x1xi32>
      %gather3A_3025 = vector.shape_cast %broadcast_in_dim3A_3024 : vector<16x1xi32> to vector<16xi32>
      %gather3A_3026 = tpu.dynamic_gather %masked_sort3A_3004[%gather3A_3025] in [0] : vector<16xi32>, vector<16xi32> -> vector<16xi32>
      %eq3A_3027 = arith.cmpi eq, %gather3A_3026, %masked_sort3A_3004 : vector<16xi32>
      %broadcast_in_dim3A_3028 = vector.shape_cast %max3A_69 : vector<16xi32> to vector<16x1xi32>
      %gather3A_3029 = vector.shape_cast %broadcast_in_dim3A_3028 : vector<16x1xi32> to vector<16xi32>
      %gather3A_3030 = tpu.dynamic_gather %select_n3A_3018[%gather3A_3029] in [0] : vector<16xf32>, vector<16xi32> -> vector<16xf32>
      %max3A_3031 = arith.maximumf %select_n3A_3018, %gather3A_3030 : vector<16xf32>
      %select_n3A_3032 = arith.select %eq3A_3027, %max3A_3031, %select_n3A_3018 : vector<16xi1>, vector<16xf32>
      %broadcast_in_dim3A_3033 = vector.shape_cast %max3A_69 : vector<16xi32> to vector<16x1xi32>
      %gather3A_3034 = vector.shape_cast %broadcast_in_dim3A_3033 : vector<16x1xi32> to vector<16xi32>
      %gather3A_3035 = tpu.dynamic_gather %select_n3A_3023[%gather3A_3034] in [0] : vector<16xf32>, vector<16xi32> -> vector<16xf32>
      %max3A_3036 = arith.maximumf %select_n3A_3023, %gather3A_3035 : vector<16xf32>
      %select_n3A_3037 = arith.select %eq3A_3027, %max3A_3036, %select_n3A_3023 : vector<16xi1>, vector<16xf32>
      %broadcast_in_dim3A_3038 = vector.shape_cast %max3A_75 : vector<16xi32> to vector<16x1xi32>
      %gather3A_3039 = vector.shape_cast %broadcast_in_dim3A_3038 : vector<16x1xi32> to vector<16xi32>
      %gather3A_3040 = tpu.dynamic_gather %masked_sort3A_3004[%gather3A_3039] in [0] : vector<16xi32>, vector<16xi32> -> vector<16xi32>
      %eq3A_3041 = arith.cmpi eq, %gather3A_3040, %masked_sort3A_3004 : vector<16xi32>
      %broadcast_in_dim3A_3042 = vector.shape_cast %max3A_75 : vector<16xi32> to vector<16x1xi32>
      %gather3A_3043 = vector.shape_cast %broadcast_in_dim3A_3042 : vector<16x1xi32> to vector<16xi32>
      %gather3A_3044 = tpu.dynamic_gather %select_n3A_3032[%gather3A_3043] in [0] : vector<16xf32>, vector<16xi32> -> vector<16xf32>
      %max3A_3045 = arith.maximumf %select_n3A_3032, %gather3A_3044 : vector<16xf32>
      %select_n3A_3046 = arith.select %eq3A_3041, %max3A_3045, %select_n3A_3032 : vector<16xi1>, vector<16xf32>
      %broadcast_in_dim3A_3047 = vector.shape_cast %max3A_75 : vector<16xi32> to vector<16x1xi32>
      %gather3A_3048 = vector.shape_cast %broadcast_in_dim3A_3047 : vector<16x1xi32> to vector<16xi32>
      %gather3A_3049 = tpu.dynamic_gather %select_n3A_3037[%gather3A_3048] in [0] : vector<16xf32>, vector<16xi32> -> vector<16xf32>
      %max3A_3050 = arith.maximumf %select_n3A_3037, %gather3A_3049 : vector<16xf32>
      %select_n3A_3051 = arith.select %eq3A_3041, %max3A_3050, %select_n3A_3037 : vector<16xi1>, vector<16xf32>
      %broadcast_in_dim3A_3052 = vector.shape_cast %max3A_81 : vector<16xi32> to vector<16x1xi32>
      %gather3A_3053 = vector.shape_cast %broadcast_in_dim3A_3052 : vector<16x1xi32> to vector<16xi32>
      %gather3A_3054 = tpu.dynamic_gather %masked_sort3A_3004[%gather3A_3053] in [0] : vector<16xi32>, vector<16xi32> -> vector<16xi32>
      %eq3A_3055 = arith.cmpi eq, %gather3A_3054, %masked_sort3A_3004 : vector<16xi32>
      %broadcast_in_dim3A_3056 = vector.shape_cast %max3A_81 : vector<16xi32> to vector<16x1xi32>
      %gather3A_3057 = vector.shape_cast %broadcast_in_dim3A_3056 : vector<16x1xi32> to vector<16xi32>
      %gather3A_3058 = tpu.dynamic_gather %select_n3A_3046[%gather3A_3057] in [0] : vector<16xf32>, vector<16xi32> -> vector<16xf32>
      %max3A_3059 = arith.maximumf %select_n3A_3046, %gather3A_3058 : vector<16xf32>
      %select_n3A_3060 = arith.select %eq3A_3055, %max3A_3059, %select_n3A_3046 : vector<16xi1>, vector<16xf32>
      %broadcast_in_dim3A_3061 = vector.shape_cast %max3A_81 : vector<16xi32> to vector<16x1xi32>
      %gather3A_3062 = vector.shape_cast %broadcast_in_dim3A_3061 : vector<16x1xi32> to vector<16xi32>
      %gather3A_3063 = tpu.dynamic_gather %select_n3A_3051[%gather3A_3062] in [0] : vector<16xf32>, vector<16xi32> -> vector<16xf32>
      %max3A_3064 = arith.maximumf %select_n3A_3051, %gather3A_3063 : vector<16xf32>
      %select_n3A_3065 = arith.select %eq3A_3055, %max3A_3064, %select_n3A_3051 : vector<16xi1>, vector<16xf32>
      %broadcast_in_dim3A_3066 = vector.shape_cast %min3A_86 : vector<16xi32> to vector<16x1xi32>
      %gather3A_3067 = vector.shape_cast %broadcast_in_dim3A_3066 : vector<16x1xi32> to vector<16xi32>
      %gather3A_3068 = tpu.dynamic_gather %masked_sort3A_3004[%gather3A_3067] in [0] : vector<16xi32>, vector<16xi32> -> vector<16xi32>
      %ne3A_3069 = arith.cmpi ne, %gather3A_3068, %masked_sort3A_3004 : vector<16xi32>
      %or3A_3070 = arith.ori %ne3A_3069, %eq3A_59 : vector<16xi1>
      %gather3A_3071 = tpu.vector_load_idx %arg7[%masked_sort3A_3004] : memref<10240xf32, #tpu.memory_space<vmem>>[vector<16xi32>], vector<16xf32>,
      %gather3A_3072 = tpu.vector_load_idx %arg8[%masked_sort3A_3004] : memref<10240xf32, #tpu.memory_space<vmem>>[vector<16xi32>], vector<16xf32>,
      %max3A_3073 = arith.maximumf %gather3A_3071, %select_n3A_3060 : vector<16xf32>
      tpu.vector_store_idx %arg7[%masked_sort3A_3004], %max3A_3073 masked %or3A_3070 : memref<10240xf32, #tpu.memory_space<vmem>>[vector<16xi32>], vector<16xf32>, vector<16xi1>
      %max3A_3074 = arith.maximumf %gather3A_3072, %select_n3A_3065 : vector<16xf32>
      tpu.vector_store_idx %arg8[%masked_sort3A_3004], %max3A_3074 masked %or3A_3070 : memref<10240xf32, #tpu.memory_space<vmem>>[vector<16xi32>], vector<16xf32>, vector<16xi1>
      %mul3A_3075 = arith.constant 25 : i32
      %mul3A_3076 = arith.muli %scan3A_1009, %mul3A_3075 : i32
      %add3A_3077 = arith.constant 23 : i32
      %add3A_3078 = arith.addi %mul3A_3076, %add3A_3077 : i32
      %mul3A_3079 = arith.constant 16 : i32
      %mul3A_3080 = arith.muli %add3A_3078, %mul3A_3079 : i32
      %get3A_3081 = arith.index_cast %mul3A_3080 : i32 to index
      %get3A_3082 = tpu.vector_load %arg10[%get3A_3081] {strides = array<i32>} : memref<10000xi32, #tpu.memory_space<vmem>>, vector<16xi32>,
      %mul3A_3083 = arith.constant 16 : i32
      %mul3A_3084 = arith.muli %add3A_3078, %mul3A_3083 : i32
      %get3A_3085 = arith.index_cast %mul3A_3084 : i32 to index
      %get3A_3086 = tpu.vector_load %arg9[%get3A_3085] {strides = array<i32>} : memref<10000xi32, #tpu.memory_space<vmem>>, vector<16xi32>,
      %masked_sort3A_3087 = arith.constant dense<true> : vector<16xi1>
      %masked_sort3A_3088 = arith.constant -2147483648 : i32
      %masked_sort3A_3089 = vector.broadcast %masked_sort3A_3088 : i32 to vector<16xi32>
      %masked_sort3A_3090 = arith.xori %get3A_3082, %masked_sort3A_3089 : vector<16xi32>
      %masked_sort3A_3091, %masked_sort3A_3092, %masked_sort3A_3093 = tpu.sort %masked_sort3A_3090, %iota3A masked %masked_sort3A_3087 : (vector<16xi32>, vector<16xi32>, vector<16xi1>) -> (vector<16xi1>, vector<16xi32>, vector<16xi32>)
      %masked_sort3A_3094 = arith.xori %masked_sort3A_3092, %masked_sort3A_3089 : vector<16xi32>
      %broadcast_in_dim3A_3095 = vector.shape_cast %masked_sort3A_3093 : vector<16xi32> to vector<16x1xi32>
      %gather3A_3096 = vector.shape_cast %broadcast_in_dim3A_3095 : vector<16x1xi32> to vector<16xi32>
      %gather3A_3097 = tpu.dynamic_gather %get3A_3086[%gather3A_3096] in [0] : vector<16xi32>, vector<16xi32> -> vector<16xi32>
      %gather3A_3098 = tpu.vector_load_idx %arg5[%gather3A_3097] : memref<10240xf32, #tpu.memory_space<vmem>>[vector<16xi32>], vector<16xf32>,
      %gather3A_3099 = tpu.vector_load_idx %arg6[%gather3A_3097] : memref<10240xf32, #tpu.memory_space<vmem>>[vector<16xi32>], vector<16xf32>,
      %broadcast_in_dim3A_3100 = vector.shape_cast %max3A_63 : vector<16xi32> to vector<16x1xi32>
      %gather3A_3101 = vector.shape_cast %broadcast_in_dim3A_3100 : vector<16x1xi32> to vector<16xi32>
      %gather3A_3102 = tpu.dynamic_gather %masked_sort3A_3094[%gather3A_3101] in [0] : vector<16xi32>, vector<16xi32> -> vector<16xi32>
      %eq3A_3103 = arith.cmpi eq, %gather3A_3102, %masked_sort3A_3094 : vector<16xi32>
      %broadcast_in_dim3A_3104 = vector.shape_cast %max3A_63 : vector<16xi32> to vector<16x1xi32>
      %gather3A_3105 = vector.shape_cast %broadcast_in_dim3A_3104 : vector<16x1xi32> to vector<16xi32>
      %gather3A_3106 = tpu.dynamic_gather %gather3A_3098[%gather3A_3105] in [0] : vector<16xf32>, vector<16xi32> -> vector<16xf32>
      %max3A_3107 = arith.maximumf %gather3A_3098, %gather3A_3106 : vector<16xf32>
      %select_n3A_3108 = arith.select %eq3A_3103, %max3A_3107, %gather3A_3098 : vector<16xi1>, vector<16xf32>
      %broadcast_in_dim3A_3109 = vector.shape_cast %max3A_63 : vector<16xi32> to vector<16x1xi32>
      %gather3A_3110 = vector.shape_cast %broadcast_in_dim3A_3109 : vector<16x1xi32> to vector<16xi32>
      %gather3A_3111 = tpu.dynamic_gather %gather3A_3099[%gather3A_3110] in [0] : vector<16xf32>, vector<16xi32> -> vector<16xf32>
      %max3A_3112 = arith.maximumf %gather3A_3099, %gather3A_3111 : vector<16xf32>
      %select_n3A_3113 = arith.select %eq3A_3103, %max3A_3112, %gather3A_3099 : vector<16xi1>, vector<16xf32>
      %broadcast_in_dim3A_3114 = vector.shape_cast %max3A_69 : vector<16xi32> to vector<16x1xi32>
      %gather3A_3115 = vector.shape_cast %broadcast_in_dim3A_3114 : vector<16x1xi32> to vector<16xi32>
      %gather3A_3116 = tpu.dynamic_gather %masked_sort3A_3094[%gather3A_3115] in [0] : vector<16xi32>, vector<16xi32> -> vector<16xi32>
      %eq3A_3117 = arith.cmpi eq, %gather3A_3116, %masked_sort3A_3094 : vector<16xi32>
      %broadcast_in_dim3A_3118 = vector.shape_cast %max3A_69 : vector<16xi32> to vector<16x1xi32>
      %gather3A_3119 = vector.shape_cast %broadcast_in_dim3A_3118 : vector<16x1xi32> to vector<16xi32>
      %gather3A_3120 = tpu.dynamic_gather %select_n3A_3108[%gather3A_3119] in [0] : vector<16xf32>, vector<16xi32> -> vector<16xf32>
      %max3A_3121 = arith.maximumf %select_n3A_3108, %gather3A_3120 : vector<16xf32>
      %select_n3A_3122 = arith.select %eq3A_3117, %max3A_3121, %select_n3A_3108 : vector<16xi1>, vector<16xf32>
      %broadcast_in_dim3A_3123 = vector.shape_cast %max3A_69 : vector<16xi32> to vector<16x1xi32>
      %gather3A_3124 = vector.shape_cast %broadcast_in_dim3A_3123 : vector<16x1xi32> to vector<16xi32>
      %gather3A_3125 = tpu.dynamic_gather %select_n3A_3113[%gather3A_3124] in [0] : vector<16xf32>, vector<16xi32> -> vector<16xf32>
      %max3A_3126 = arith.maximumf %select_n3A_3113, %gather3A_3125 : vector<16xf32>
      %select_n3A_3127 = arith.select %eq3A_3117, %max3A_3126, %select_n3A_3113 : vector<16xi1>, vector<16xf32>
      %broadcast_in_dim3A_3128 = vector.shape_cast %max3A_75 : vector<16xi32> to vector<16x1xi32>
      %gather3A_3129 = vector.shape_cast %broadcast_in_dim3A_3128 : vector<16x1xi32> to vector<16xi32>
      %gather3A_3130 = tpu.dynamic_gather %masked_sort3A_3094[%gather3A_3129] in [0] : vector<16xi32>, vector<16xi32> -> vector<16xi32>
      %eq3A_3131 = arith.cmpi eq, %gather3A_3130, %masked_sort3A_3094 : vector<16xi32>
      %broadcast_in_dim3A_3132 = vector.shape_cast %max3A_75 : vector<16xi32> to vector<16x1xi32>
      %gather3A_3133 = vector.shape_cast %broadcast_in_dim3A_3132 : vector<16x1xi32> to vector<16xi32>
      %gather3A_3134 = tpu.dynamic_gather %select_n3A_3122[%gather3A_3133] in [0] : vector<16xf32>, vector<16xi32> -> vector<16xf32>
      %max3A_3135 = arith.maximumf %select_n3A_3122, %gather3A_3134 : vector<16xf32>
      %select_n3A_3136 = arith.select %eq3A_3131, %max3A_3135, %select_n3A_3122 : vector<16xi1>, vector<16xf32>
      %broadcast_in_dim3A_3137 = vector.shape_cast %max3A_75 : vector<16xi32> to vector<16x1xi32>
      %gather3A_3138 = vector.shape_cast %broadcast_in_dim3A_3137 : vector<16x1xi32> to vector<16xi32>
      %gather3A_3139 = tpu.dynamic_gather %select_n3A_3127[%gather3A_3138] in [0] : vector<16xf32>, vector<16xi32> -> vector<16xf32>
      %max3A_3140 = arith.maximumf %select_n3A_3127, %gather3A_3139 : vector<16xf32>
      %select_n3A_3141 = arith.select %eq3A_3131, %max3A_3140, %select_n3A_3127 : vector<16xi1>, vector<16xf32>
      %broadcast_in_dim3A_3142 = vector.shape_cast %max3A_81 : vector<16xi32> to vector<16x1xi32>
      %gather3A_3143 = vector.shape_cast %broadcast_in_dim3A_3142 : vector<16x1xi32> to vector<16xi32>
      %gather3A_3144 = tpu.dynamic_gather %masked_sort3A_3094[%gather3A_3143] in [0] : vector<16xi32>, vector<16xi32> -> vector<16xi32>
      %eq3A_3145 = arith.cmpi eq, %gather3A_3144, %masked_sort3A_3094 : vector<16xi32>
      %broadcast_in_dim3A_3146 = vector.shape_cast %max3A_81 : vector<16xi32> to vector<16x1xi32>
      %gather3A_3147 = vector.shape_cast %broadcast_in_dim3A_3146 : vector<16x1xi32> to vector<16xi32>
      %gather3A_3148 = tpu.dynamic_gather %select_n3A_3136[%gather3A_3147] in [0] : vector<16xf32>, vector<16xi32> -> vector<16xf32>
      %max3A_3149 = arith.maximumf %select_n3A_3136, %gather3A_3148 : vector<16xf32>
      %select_n3A_3150 = arith.select %eq3A_3145, %max3A_3149, %select_n3A_3136 : vector<16xi1>, vector<16xf32>
      %broadcast_in_dim3A_3151 = vector.shape_cast %max3A_81 : vector<16xi32> to vector<16x1xi32>
      %gather3A_3152 = vector.shape_cast %broadcast_in_dim3A_3151 : vector<16x1xi32> to vector<16xi32>
      %gather3A_3153 = tpu.dynamic_gather %select_n3A_3141[%gather3A_3152] in [0] : vector<16xf32>, vector<16xi32> -> vector<16xf32>
      %max3A_3154 = arith.maximumf %select_n3A_3141, %gather3A_3153 : vector<16xf32>
      %select_n3A_3155 = arith.select %eq3A_3145, %max3A_3154, %select_n3A_3141 : vector<16xi1>, vector<16xf32>
      %broadcast_in_dim3A_3156 = vector.shape_cast %min3A_86 : vector<16xi32> to vector<16x1xi32>
      %gather3A_3157 = vector.shape_cast %broadcast_in_dim3A_3156 : vector<16x1xi32> to vector<16xi32>
      %gather3A_3158 = tpu.dynamic_gather %masked_sort3A_3094[%gather3A_3157] in [0] : vector<16xi32>, vector<16xi32> -> vector<16xi32>
      %ne3A_3159 = arith.cmpi ne, %gather3A_3158, %masked_sort3A_3094 : vector<16xi32>
      %or3A_3160 = arith.ori %ne3A_3159, %eq3A_59 : vector<16xi1>
      %gather3A_3161 = tpu.vector_load_idx %arg7[%masked_sort3A_3094] : memref<10240xf32, #tpu.memory_space<vmem>>[vector<16xi32>], vector<16xf32>,
      %gather3A_3162 = tpu.vector_load_idx %arg8[%masked_sort3A_3094] : memref<10240xf32, #tpu.memory_space<vmem>>[vector<16xi32>], vector<16xf32>,
      %max3A_3163 = arith.maximumf %gather3A_3161, %select_n3A_3150 : vector<16xf32>
      tpu.vector_store_idx %arg7[%masked_sort3A_3094], %max3A_3163 masked %or3A_3160 : memref<10240xf32, #tpu.memory_space<vmem>>[vector<16xi32>], vector<16xf32>, vector<16xi1>
      %max3A_3164 = arith.maximumf %gather3A_3162, %select_n3A_3155 : vector<16xf32>
      tpu.vector_store_idx %arg8[%masked_sort3A_3094], %max3A_3164 masked %or3A_3160 : memref<10240xf32, #tpu.memory_space<vmem>>[vector<16xi32>], vector<16xf32>, vector<16xi1>
      %mul3A_3165 = arith.constant 25 : i32
      %mul3A_3166 = arith.muli %scan3A_1009, %mul3A_3165 : i32
      %add3A_3167 = arith.constant 24 : i32
      %add3A_3168 = arith.addi %mul3A_3166, %add3A_3167 : i32
      %mul3A_3169 = arith.constant 16 : i32
      %mul3A_3170 = arith.muli %add3A_3168, %mul3A_3169 : i32
      %get3A_3171 = arith.index_cast %mul3A_3170 : i32 to index
      %get3A_3172 = tpu.vector_load %arg10[%get3A_3171] {strides = array<i32>} : memref<10000xi32, #tpu.memory_space<vmem>>, vector<16xi32>,
      %mul3A_3173 = arith.constant 16 : i32
      %mul3A_3174 = arith.muli %add3A_3168, %mul3A_3173 : i32
      %get3A_3175 = arith.index_cast %mul3A_3174 : i32 to index
      %get3A_3176 = tpu.vector_load %arg9[%get3A_3175] {strides = array<i32>} : memref<10000xi32, #tpu.memory_space<vmem>>, vector<16xi32>,
      %masked_sort3A_3177 = arith.constant dense<true> : vector<16xi1>
      %masked_sort3A_3178 = arith.constant -2147483648 : i32
      %masked_sort3A_3179 = vector.broadcast %masked_sort3A_3178 : i32 to vector<16xi32>
      %masked_sort3A_3180 = arith.xori %get3A_3172, %masked_sort3A_3179 : vector<16xi32>
      %masked_sort3A_3181, %masked_sort3A_3182, %masked_sort3A_3183 = tpu.sort %masked_sort3A_3180, %iota3A masked %masked_sort3A_3177 : (vector<16xi32>, vector<16xi32>, vector<16xi1>) -> (vector<16xi1>, vector<16xi32>, vector<16xi32>)
      %masked_sort3A_3184 = arith.xori %masked_sort3A_3182, %masked_sort3A_3179 : vector<16xi32>
      %broadcast_in_dim3A_3185 = vector.shape_cast %masked_sort3A_3183 : vector<16xi32> to vector<16x1xi32>
      %gather3A_3186 = vector.shape_cast %broadcast_in_dim3A_3185 : vector<16x1xi32> to vector<16xi32>
      %gather3A_3187 = tpu.dynamic_gather %get3A_3176[%gather3A_3186] in [0] : vector<16xi32>, vector<16xi32> -> vector<16xi32>
      %gather3A_3188 = tpu.vector_load_idx %arg5[%gather3A_3187] : memref<10240xf32, #tpu.memory_space<vmem>>[vector<16xi32>], vector<16xf32>,
      %gather3A_3189 = tpu.vector_load_idx %arg6[%gather3A_3187] : memref<10240xf32, #tpu.memory_space<vmem>>[vector<16xi32>], vector<16xf32>,
      %broadcast_in_dim3A_3190 = vector.shape_cast %max3A_63 : vector<16xi32> to vector<16x1xi32>
      %gather3A_3191 = vector.shape_cast %broadcast_in_dim3A_3190 : vector<16x1xi32> to vector<16xi32>
      %gather3A_3192 = tpu.dynamic_gather %masked_sort3A_3184[%gather3A_3191] in [0] : vector<16xi32>, vector<16xi32> -> vector<16xi32>
      %eq3A_3193 = arith.cmpi eq, %gather3A_3192, %masked_sort3A_3184 : vector<16xi32>
      %broadcast_in_dim3A_3194 = vector.shape_cast %max3A_63 : vector<16xi32> to vector<16x1xi32>
      %gather3A_3195 = vector.shape_cast %broadcast_in_dim3A_3194 : vector<16x1xi32> to vector<16xi32>
      %gather3A_3196 = tpu.dynamic_gather %gather3A_3188[%gather3A_3195] in [0] : vector<16xf32>, vector<16xi32> -> vector<16xf32>
      %max3A_3197 = arith.maximumf %gather3A_3188, %gather3A_3196 : vector<16xf32>
      %select_n3A_3198 = arith.select %eq3A_3193, %max3A_3197, %gather3A_3188 : vector<16xi1>, vector<16xf32>
      %broadcast_in_dim3A_3199 = vector.shape_cast %max3A_63 : vector<16xi32> to vector<16x1xi32>
      %gather3A_3200 = vector.shape_cast %broadcast_in_dim3A_3199 : vector<16x1xi32> to vector<16xi32>
      %gather3A_3201 = tpu.dynamic_gather %gather3A_3189[%gather3A_3200] in [0] : vector<16xf32>, vector<16xi32> -> vector<16xf32>
      %max3A_3202 = arith.maximumf %gather3A_3189, %gather3A_3201 : vector<16xf32>
      %select_n3A_3203 = arith.select %eq3A_3193, %max3A_3202, %gather3A_3189 : vector<16xi1>, vector<16xf32>
      %broadcast_in_dim3A_3204 = vector.shape_cast %max3A_69 : vector<16xi32> to vector<16x1xi32>
      %gather3A_3205 = vector.shape_cast %broadcast_in_dim3A_3204 : vector<16x1xi32> to vector<16xi32>
      %gather3A_3206 = tpu.dynamic_gather %masked_sort3A_3184[%gather3A_3205] in [0] : vector<16xi32>, vector<16xi32> -> vector<16xi32>
      %eq3A_3207 = arith.cmpi eq, %gather3A_3206, %masked_sort3A_3184 : vector<16xi32>
      %broadcast_in_dim3A_3208 = vector.shape_cast %max3A_69 : vector<16xi32> to vector<16x1xi32>
      %gather3A_3209 = vector.shape_cast %broadcast_in_dim3A_3208 : vector<16x1xi32> to vector<16xi32>
      %gather3A_3210 = tpu.dynamic_gather %select_n3A_3198[%gather3A_3209] in [0] : vector<16xf32>, vector<16xi32> -> vector<16xf32>
      %max3A_3211 = arith.maximumf %select_n3A_3198, %gather3A_3210 : vector<16xf32>
      %select_n3A_3212 = arith.select %eq3A_3207, %max3A_3211, %select_n3A_3198 : vector<16xi1>, vector<16xf32>
      %broadcast_in_dim3A_3213 = vector.shape_cast %max3A_69 : vector<16xi32> to vector<16x1xi32>
      %gather3A_3214 = vector.shape_cast %broadcast_in_dim3A_3213 : vector<16x1xi32> to vector<16xi32>
      %gather3A_3215 = tpu.dynamic_gather %select_n3A_3203[%gather3A_3214] in [0] : vector<16xf32>, vector<16xi32> -> vector<16xf32>
      %max3A_3216 = arith.maximumf %select_n3A_3203, %gather3A_3215 : vector<16xf32>
      %select_n3A_3217 = arith.select %eq3A_3207, %max3A_3216, %select_n3A_3203 : vector<16xi1>, vector<16xf32>
      %broadcast_in_dim3A_3218 = vector.shape_cast %max3A_75 : vector<16xi32> to vector<16x1xi32>
      %gather3A_3219 = vector.shape_cast %broadcast_in_dim3A_3218 : vector<16x1xi32> to vector<16xi32>
      %gather3A_3220 = tpu.dynamic_gather %masked_sort3A_3184[%gather3A_3219] in [0] : vector<16xi32>, vector<16xi32> -> vector<16xi32>
      %eq3A_3221 = arith.cmpi eq, %gather3A_3220, %masked_sort3A_3184 : vector<16xi32>
      %broadcast_in_dim3A_3222 = vector.shape_cast %max3A_75 : vector<16xi32> to vector<16x1xi32>
      %gather3A_3223 = vector.shape_cast %broadcast_in_dim3A_3222 : vector<16x1xi32> to vector<16xi32>
      %gather3A_3224 = tpu.dynamic_gather %select_n3A_3212[%gather3A_3223] in [0] : vector<16xf32>, vector<16xi32> -> vector<16xf32>
      %max3A_3225 = arith.maximumf %select_n3A_3212, %gather3A_3224 : vector<16xf32>
      %select_n3A_3226 = arith.select %eq3A_3221, %max3A_3225, %select_n3A_3212 : vector<16xi1>, vector<16xf32>
      %broadcast_in_dim3A_3227 = vector.shape_cast %max3A_75 : vector<16xi32> to vector<16x1xi32>
      %gather3A_3228 = vector.shape_cast %broadcast_in_dim3A_3227 : vector<16x1xi32> to vector<16xi32>
      %gather3A_3229 = tpu.dynamic_gather %select_n3A_3217[%gather3A_3228] in [0] : vector<16xf32>, vector<16xi32> -> vector<16xf32>
      %max3A_3230 = arith.maximumf %select_n3A_3217, %gather3A_3229 : vector<16xf32>
      %select_n3A_3231 = arith.select %eq3A_3221, %max3A_3230, %select_n3A_3217 : vector<16xi1>, vector<16xf32>
      %broadcast_in_dim3A_3232 = vector.shape_cast %max3A_81 : vector<16xi32> to vector<16x1xi32>
      %gather3A_3233 = vector.shape_cast %broadcast_in_dim3A_3232 : vector<16x1xi32> to vector<16xi32>
      %gather3A_3234 = tpu.dynamic_gather %masked_sort3A_3184[%gather3A_3233] in [0] : vector<16xi32>, vector<16xi32> -> vector<16xi32>
      %eq3A_3235 = arith.cmpi eq, %gather3A_3234, %masked_sort3A_3184 : vector<16xi32>
      %broadcast_in_dim3A_3236 = vector.shape_cast %max3A_81 : vector<16xi32> to vector<16x1xi32>
      %gather3A_3237 = vector.shape_cast %broadcast_in_dim3A_3236 : vector<16x1xi32> to vector<16xi32>
      %gather3A_3238 = tpu.dynamic_gather %select_n3A_3226[%gather3A_3237] in [0] : vector<16xf32>, vector<16xi32> -> vector<16xf32>
      %max3A_3239 = arith.maximumf %select_n3A_3226, %gather3A_3238 : vector<16xf32>
      %select_n3A_3240 = arith.select %eq3A_3235, %max3A_3239, %select_n3A_3226 : vector<16xi1>, vector<16xf32>
      %broadcast_in_dim3A_3241 = vector.shape_cast %max3A_81 : vector<16xi32> to vector<16x1xi32>
      %gather3A_3242 = vector.shape_cast %broadcast_in_dim3A_3241 : vector<16x1xi32> to vector<16xi32>
      %gather3A_3243 = tpu.dynamic_gather %select_n3A_3231[%gather3A_3242] in [0] : vector<16xf32>, vector<16xi32> -> vector<16xf32>
      %max3A_3244 = arith.maximumf %select_n3A_3231, %gather3A_3243 : vector<16xf32>
      %select_n3A_3245 = arith.select %eq3A_3235, %max3A_3244, %select_n3A_3231 : vector<16xi1>, vector<16xf32>
      %broadcast_in_dim3A_3246 = vector.shape_cast %min3A_86 : vector<16xi32> to vector<16x1xi32>
      %gather3A_3247 = vector.shape_cast %broadcast_in_dim3A_3246 : vector<16x1xi32> to vector<16xi32>
      %gather3A_3248 = tpu.dynamic_gather %masked_sort3A_3184[%gather3A_3247] in [0] : vector<16xi32>, vector<16xi32> -> vector<16xi32>
      %ne3A_3249 = arith.cmpi ne, %gather3A_3248, %masked_sort3A_3184 : vector<16xi32>
      %or3A_3250 = arith.ori %ne3A_3249, %eq3A_59 : vector<16xi1>
      %gather3A_3251 = tpu.vector_load_idx %arg7[%masked_sort3A_3184] : memref<10240xf32, #tpu.memory_space<vmem>>[vector<16xi32>], vector<16xf32>,
      %gather3A_3252 = tpu.vector_load_idx %arg8[%masked_sort3A_3184] : memref<10240xf32, #tpu.memory_space<vmem>>[vector<16xi32>], vector<16xf32>,
      %max3A_3253 = arith.maximumf %gather3A_3251, %select_n3A_3240 : vector<16xf32>
      tpu.vector_store_idx %arg7[%masked_sort3A_3184], %max3A_3253 masked %or3A_3250 : memref<10240xf32, #tpu.memory_space<vmem>>[vector<16xi32>], vector<16xf32>, vector<16xi1>
      %max3A_3254 = arith.maximumf %gather3A_3252, %select_n3A_3245 : vector<16xf32>
      tpu.vector_store_idx %arg8[%masked_sort3A_3184], %max3A_3254 masked %or3A_3250 : memref<10240xf32, #tpu.memory_space<vmem>>[vector<16xi32>], vector<16xf32>, vector<16xi1>
      %scan3A_3255 = arith.constant 0 : i32
      scf.yield %scan3A_3255 : i32
    }
    %scan3A_93 = arith.constant 25 : i32
    %run_scoped3A = arith.constant 0 : i32
    "tpu.trace_stop"() : () -> ()
    "tpu.trace_start"() <{level = 10 : i32, message = "sc_merge"}> : () -> ()
    "tpu.region"() ({
      %run_scoped3A_1009 = tpu.sem_alloc : memref<!tpu.dma_semaphore, #tpu.memory_space<semaphore_mem>>
      %dma_start3A_1010 = arith.constant 0 : i32
      %dma_start3A_1011 = tpu.memref_slice %arg14[%arg1, %run_scoped3A, %dma_start3A_1010] : memref<16x2x10240xf32, #tpu.memory_space<vmem_shared>> -> memref<1x1x10240xf32, #tpu.memory_space<vmem_shared>>
      %dma_start3A_1012 = tpu.memref_squeeze %dma_start3A_1011 : memref<1x1x10240xf32, #tpu.memory_space<vmem_shared>> -> memref<10240xf32, #tpu.memory_space<vmem_shared>>
      %dma_start3A_1013 = arith.constant 0 : i32
      %dma_start3A_1014 = tpu.memref_slice %arg14[%arg1, %run_scoped3A, %dma_start3A_1013] : memref<16x2x10240xf32, #tpu.memory_space<vmem_shared>> -> memref<1x1x10240xf32, #tpu.memory_space<vmem_shared>>
      %dma_start3A_1015 = tpu.memref_squeeze %dma_start3A_1014 : memref<1x1x10240xf32, #tpu.memory_space<vmem_shared>> -> memref<10240xf32, #tpu.memory_space<vmem_shared>>
      tpu.enqueue_dma source(%arg7 : memref<10240xf32, #tpu.memory_space<vmem>>) target(%dma_start3A_1015 : memref<10240xf32, #tpu.memory_space<vmem_shared>>) target_semaphore(%run_scoped3A_1009 : memref<!tpu.dma_semaphore, #tpu.memory_space<semaphore_mem>>)
      %dma_wait3A_1016 = arith.constant 0 : i32
      %dma_wait3A_1017 = tpu.memref_slice %arg14[%arg1, %run_scoped3A, %dma_wait3A_1016] : memref<16x2x10240xf32, #tpu.memory_space<vmem_shared>> -> memref<1x1x10240xf32, #tpu.memory_space<vmem_shared>>
      %dma_wait3A_1018 = tpu.memref_squeeze %dma_wait3A_1017 : memref<1x1x10240xf32, #tpu.memory_space<vmem_shared>> -> memref<10240xf32, #tpu.memory_space<vmem_shared>>
      %dma_wait3A_1019 = arith.constant 0 : i32
      %dma_wait3A_1020 = tpu.memref_slice %arg14[%arg1, %run_scoped3A, %dma_wait3A_1019] : memref<16x2x10240xf32, #tpu.memory_space<vmem_shared>> -> memref<1x1x10240xf32, #tpu.memory_space<vmem_shared>>
      %dma_wait3A_1021 = tpu.memref_squeeze %dma_wait3A_1020 : memref<1x1x10240xf32, #tpu.memory_space<vmem_shared>> -> memref<10240xf32, #tpu.memory_space<vmem_shared>>
      tpu.wait_dma2 semaphore(%run_scoped3A_1009 : memref<!tpu.dma_semaphore, #tpu.memory_space<semaphore_mem>>) src(%arg7 : memref<10240xf32, #tpu.memory_space<vmem>>) dst(%dma_wait3A_1021 : memref<10240xf32, #tpu.memory_space<vmem_shared>>)
      tpu.yield
    }) : () -> ()
    %run_scoped3A_94 = arith.constant 1 : i32
    "tpu.region"() ({
      %run_scoped3A_1009 = tpu.sem_alloc : memref<!tpu.dma_semaphore, #tpu.memory_space<semaphore_mem>>
      %dma_start3A_1010 = arith.constant 0 : i32
      %dma_start3A_1011 = tpu.memref_slice %arg14[%arg1, %run_scoped3A_94, %dma_start3A_1010] : memref<16x2x10240xf32, #tpu.memory_space<vmem_shared>> -> memref<1x1x10240xf32, #tpu.memory_space<vmem_shared>>
      %dma_start3A_1012 = tpu.memref_squeeze %dma_start3A_1011 : memref<1x1x10240xf32, #tpu.memory_space<vmem_shared>> -> memref<10240xf32, #tpu.memory_space<vmem_shared>>
      %dma_start3A_1013 = arith.constant 0 : i32
      %dma_start3A_1014 = tpu.memref_slice %arg14[%arg1, %run_scoped3A_94, %dma_start3A_1013] : memref<16x2x10240xf32, #tpu.memory_space<vmem_shared>> -> memref<1x1x10240xf32, #tpu.memory_space<vmem_shared>>
      %dma_start3A_1015 = tpu.memref_squeeze %dma_start3A_1014 : memref<1x1x10240xf32, #tpu.memory_space<vmem_shared>> -> memref<10240xf32, #tpu.memory_space<vmem_shared>>
      tpu.enqueue_dma source(%arg8 : memref<10240xf32, #tpu.memory_space<vmem>>) target(%dma_start3A_1015 : memref<10240xf32, #tpu.memory_space<vmem_shared>>) target_semaphore(%run_scoped3A_1009 : memref<!tpu.dma_semaphore, #tpu.memory_space<semaphore_mem>>)
      %dma_wait3A_1016 = arith.constant 0 : i32
      %dma_wait3A_1017 = tpu.memref_slice %arg14[%arg1, %run_scoped3A_94, %dma_wait3A_1016] : memref<16x2x10240xf32, #tpu.memory_space<vmem_shared>> -> memref<1x1x10240xf32, #tpu.memory_space<vmem_shared>>
      %dma_wait3A_1018 = tpu.memref_squeeze %dma_wait3A_1017 : memref<1x1x10240xf32, #tpu.memory_space<vmem_shared>> -> memref<10240xf32, #tpu.memory_space<vmem_shared>>
      %dma_wait3A_1019 = arith.constant 0 : i32
      %dma_wait3A_1020 = tpu.memref_slice %arg14[%arg1, %run_scoped3A_94, %dma_wait3A_1019] : memref<16x2x10240xf32, #tpu.memory_space<vmem_shared>> -> memref<1x1x10240xf32, #tpu.memory_space<vmem_shared>>
      %dma_wait3A_1021 = tpu.memref_squeeze %dma_wait3A_1020 : memref<1x1x10240xf32, #tpu.memory_space<vmem_shared>> -> memref<10240xf32, #tpu.memory_space<vmem_shared>>
      tpu.wait_dma2 semaphore(%run_scoped3A_1009 : memref<!tpu.dma_semaphore, #tpu.memory_space<semaphore_mem>>) src(%arg8 : memref<10240xf32, #tpu.memory_space<vmem>>) dst(%dma_wait3A_1021 : memref<10240xf32, #tpu.memory_space<vmem_shared>>)
      tpu.yield
    }) : () -> ()
    %barrier3A = arith.constant 0 : index
    tpu.barrier barrier_id(%barrier3A)
    %mul3A_95 = arith.constant 640 : i32
    %mul3A_96 = arith.muli %arg1, %mul3A_95 : i32
    %dma_start3A_97 = arith.constant 0 : i32
    %dma_start3A_98 = arith.constant 0 : i32
    %dma_start3A_99 = arith.constant 0 : i32
    %dma_start3A_100 = arith.constant 0 : i32
    %dma_start3A_101 = arith.constant 0 : i32
    %dma_start3A_102 = tpu.memref_slice %arg11[%dma_start3A_99, %dma_start3A_100, %dma_start3A_101] : memref<2x16x640xf32, #tpu.memory_space<vmem>> -> memref<1x1x640xf32, #tpu.memory_space<vmem>>
    %dma_start3A_103 = tpu.memref_squeeze %dma_start3A_102 : memref<1x1x640xf32, #tpu.memory_space<vmem>> -> memref<640xf32, #tpu.memory_space<vmem>>
    %dma_start3A_104 = tpu.memref_slice %arg14[%dma_start3A_97, %dma_start3A_98, %mul3A_96] : memref<16x2x10240xf32, #tpu.memory_space<vmem_shared>> -> memref<1x1x640xf32, #tpu.memory_space<vmem_shared>>
    %dma_start3A_105 = tpu.memref_squeeze %dma_start3A_104 : memref<1x1x640xf32, #tpu.memory_space<vmem_shared>> -> memref<640xf32, #tpu.memory_space<vmem_shared>>
    %dma_start3A_106 = arith.constant 0 : i32
    %dma_start3A_107 = tpu.memref_slice %arg11[%dma_start3A_99, %dma_start3A_100, %dma_start3A_106] : memref<2x16x640xf32, #tpu.memory_space<vmem>> -> memref<1x1x640xf32, #tpu.memory_space<vmem>>
    %dma_start3A_108 = tpu.memref_squeeze %dma_start3A_107 : memref<1x1x640xf32, #tpu.memory_space<vmem>> -> memref<640xf32, #tpu.memory_space<vmem>>
    %dma_start3A_109 = tpu.memref_slice %arg14[%dma_start3A_97, %dma_start3A_98, %mul3A_96] : memref<16x2x10240xf32, #tpu.memory_space<vmem_shared>> -> memref<1x1x640xf32, #tpu.memory_space<vmem_shared>>
    %dma_start3A_110 = tpu.memref_squeeze %dma_start3A_109 : memref<1x1x640xf32, #tpu.memory_space<vmem_shared>> -> memref<640xf32, #tpu.memory_space<vmem_shared>>
    tpu.enqueue_dma source(%dma_start3A_110 : memref<640xf32, #tpu.memory_space<vmem_shared>>) target(%dma_start3A_108 : memref<640xf32, #tpu.memory_space<vmem>>) target_semaphore(%arg13 : memref<!tpu.dma_semaphore, #tpu.memory_space<semaphore_mem>>)
    %dma_start3A_111 = arith.constant 1 : i32
    %dma_start3A_112 = arith.constant 0 : i32
    %dma_start3A_113 = arith.constant 0 : i32
    %dma_start3A_114 = arith.constant 1 : i32
    %dma_start3A_115 = arith.constant 0 : i32
    %dma_start3A_116 = tpu.memref_slice %arg11[%dma_start3A_113, %dma_start3A_114, %dma_start3A_115] : memref<2x16x640xf32, #tpu.memory_space<vmem>> -> memref<1x1x640xf32, #tpu.memory_space<vmem>>
    %dma_start3A_117 = tpu.memref_squeeze %dma_start3A_116 : memref<1x1x640xf32, #tpu.memory_space<vmem>> -> memref<640xf32, #tpu.memory_space<vmem>>
    %dma_start3A_118 = tpu.memref_slice %arg14[%dma_start3A_111, %dma_start3A_112, %mul3A_96] : memref<16x2x10240xf32, #tpu.memory_space<vmem_shared>> -> memref<1x1x640xf32, #tpu.memory_space<vmem_shared>>
    %dma_start3A_119 = tpu.memref_squeeze %dma_start3A_118 : memref<1x1x640xf32, #tpu.memory_space<vmem_shared>> -> memref<640xf32, #tpu.memory_space<vmem_shared>>
    %dma_start3A_120 = arith.constant 0 : i32
    %dma_start3A_121 = tpu.memref_slice %arg11[%dma_start3A_113, %dma_start3A_114, %dma_start3A_120] : memref<2x16x640xf32, #tpu.memory_space<vmem>> -> memref<1x1x640xf32, #tpu.memory_space<vmem>>
    %dma_start3A_122 = tpu.memref_squeeze %dma_start3A_121 : memref<1x1x640xf32, #tpu.memory_space<vmem>> -> memref<640xf32, #tpu.memory_space<vmem>>
    %dma_start3A_123 = tpu.memref_slice %arg14[%dma_start3A_111, %dma_start3A_112, %mul3A_96] : memref<16x2x10240xf32, #tpu.memory_space<vmem_shared>> -> memref<1x1x640xf32, #tpu.memory_space<vmem_shared>>
    %dma_start3A_124 = tpu.memref_squeeze %dma_start3A_123 : memref<1x1x640xf32, #tpu.memory_space<vmem_shared>> -> memref<640xf32, #tpu.memory_space<vmem_shared>>
    tpu.enqueue_dma source(%dma_start3A_124 : memref<640xf32, #tpu.memory_space<vmem_shared>>) target(%dma_start3A_122 : memref<640xf32, #tpu.memory_space<vmem>>) target_semaphore(%arg13 : memref<!tpu.dma_semaphore, #tpu.memory_space<semaphore_mem>>)
    %dma_start3A_125 = arith.constant 2 : i32
    %dma_start3A_126 = arith.constant 0 : i32
    %dma_start3A_127 = arith.constant 0 : i32
    %dma_start3A_128 = arith.constant 2 : i32
    %dma_start3A_129 = arith.constant 0 : i32
    %dma_start3A_130 = tpu.memref_slice %arg11[%dma_start3A_127, %dma_start3A_128, %dma_start3A_129] : memref<2x16x640xf32, #tpu.memory_space<vmem>> -> memref<1x1x640xf32, #tpu.memory_space<vmem>>
    %dma_start3A_131 = tpu.memref_squeeze %dma_start3A_130 : memref<1x1x640xf32, #tpu.memory_space<vmem>> -> memref<640xf32, #tpu.memory_space<vmem>>
    %dma_start3A_132 = tpu.memref_slice %arg14[%dma_start3A_125, %dma_start3A_126, %mul3A_96] : memref<16x2x10240xf32, #tpu.memory_space<vmem_shared>> -> memref<1x1x640xf32, #tpu.memory_space<vmem_shared>>
    %dma_start3A_133 = tpu.memref_squeeze %dma_start3A_132 : memref<1x1x640xf32, #tpu.memory_space<vmem_shared>> -> memref<640xf32, #tpu.memory_space<vmem_shared>>
    %dma_start3A_134 = arith.constant 0 : i32
    %dma_start3A_135 = tpu.memref_slice %arg11[%dma_start3A_127, %dma_start3A_128, %dma_start3A_134] : memref<2x16x640xf32, #tpu.memory_space<vmem>> -> memref<1x1x640xf32, #tpu.memory_space<vmem>>
    %dma_start3A_136 = tpu.memref_squeeze %dma_start3A_135 : memref<1x1x640xf32, #tpu.memory_space<vmem>> -> memref<640xf32, #tpu.memory_space<vmem>>
    %dma_start3A_137 = tpu.memref_slice %arg14[%dma_start3A_125, %dma_start3A_126, %mul3A_96] : memref<16x2x10240xf32, #tpu.memory_space<vmem_shared>> -> memref<1x1x640xf32, #tpu.memory_space<vmem_shared>>
    %dma_start3A_138 = tpu.memref_squeeze %dma_start3A_137 : memref<1x1x640xf32, #tpu.memory_space<vmem_shared>> -> memref<640xf32, #tpu.memory_space<vmem_shared>>
    tpu.enqueue_dma source(%dma_start3A_138 : memref<640xf32, #tpu.memory_space<vmem_shared>>) target(%dma_start3A_136 : memref<640xf32, #tpu.memory_space<vmem>>) target_semaphore(%arg13 : memref<!tpu.dma_semaphore, #tpu.memory_space<semaphore_mem>>)
    %dma_start3A_139 = arith.constant 3 : i32
    %dma_start3A_140 = arith.constant 0 : i32
    %dma_start3A_141 = arith.constant 0 : i32
    %dma_start3A_142 = arith.constant 3 : i32
    %dma_start3A_143 = arith.constant 0 : i32
    %dma_start3A_144 = tpu.memref_slice %arg11[%dma_start3A_141, %dma_start3A_142, %dma_start3A_143] : memref<2x16x640xf32, #tpu.memory_space<vmem>> -> memref<1x1x640xf32, #tpu.memory_space<vmem>>
    %dma_start3A_145 = tpu.memref_squeeze %dma_start3A_144 : memref<1x1x640xf32, #tpu.memory_space<vmem>> -> memref<640xf32, #tpu.memory_space<vmem>>
    %dma_start3A_146 = tpu.memref_slice %arg14[%dma_start3A_139, %dma_start3A_140, %mul3A_96] : memref<16x2x10240xf32, #tpu.memory_space<vmem_shared>> -> memref<1x1x640xf32, #tpu.memory_space<vmem_shared>>
    %dma_start3A_147 = tpu.memref_squeeze %dma_start3A_146 : memref<1x1x640xf32, #tpu.memory_space<vmem_shared>> -> memref<640xf32, #tpu.memory_space<vmem_shared>>
    %dma_start3A_148 = arith.constant 0 : i32
    %dma_start3A_149 = tpu.memref_slice %arg11[%dma_start3A_141, %dma_start3A_142, %dma_start3A_148] : memref<2x16x640xf32, #tpu.memory_space<vmem>> -> memref<1x1x640xf32, #tpu.memory_space<vmem>>
    %dma_start3A_150 = tpu.memref_squeeze %dma_start3A_149 : memref<1x1x640xf32, #tpu.memory_space<vmem>> -> memref<640xf32, #tpu.memory_space<vmem>>
    %dma_start3A_151 = tpu.memref_slice %arg14[%dma_start3A_139, %dma_start3A_140, %mul3A_96] : memref<16x2x10240xf32, #tpu.memory_space<vmem_shared>> -> memref<1x1x640xf32, #tpu.memory_space<vmem_shared>>
    %dma_start3A_152 = tpu.memref_squeeze %dma_start3A_151 : memref<1x1x640xf32, #tpu.memory_space<vmem_shared>> -> memref<640xf32, #tpu.memory_space<vmem_shared>>
    tpu.enqueue_dma source(%dma_start3A_152 : memref<640xf32, #tpu.memory_space<vmem_shared>>) target(%dma_start3A_150 : memref<640xf32, #tpu.memory_space<vmem>>) target_semaphore(%arg13 : memref<!tpu.dma_semaphore, #tpu.memory_space<semaphore_mem>>)
    %dma_start3A_153 = arith.constant 4 : i32
    %dma_start3A_154 = arith.constant 0 : i32
    %dma_start3A_155 = arith.constant 0 : i32
    %dma_start3A_156 = arith.constant 4 : i32
    %dma_start3A_157 = arith.constant 0 : i32
    %dma_start3A_158 = tpu.memref_slice %arg11[%dma_start3A_155, %dma_start3A_156, %dma_start3A_157] : memref<2x16x640xf32, #tpu.memory_space<vmem>> -> memref<1x1x640xf32, #tpu.memory_space<vmem>>
    %dma_start3A_159 = tpu.memref_squeeze %dma_start3A_158 : memref<1x1x640xf32, #tpu.memory_space<vmem>> -> memref<640xf32, #tpu.memory_space<vmem>>
    %dma_start3A_160 = tpu.memref_slice %arg14[%dma_start3A_153, %dma_start3A_154, %mul3A_96] : memref<16x2x10240xf32, #tpu.memory_space<vmem_shared>> -> memref<1x1x640xf32, #tpu.memory_space<vmem_shared>>
    %dma_start3A_161 = tpu.memref_squeeze %dma_start3A_160 : memref<1x1x640xf32, #tpu.memory_space<vmem_shared>> -> memref<640xf32, #tpu.memory_space<vmem_shared>>
    %dma_start3A_162 = arith.constant 0 : i32
    %dma_start3A_163 = tpu.memref_slice %arg11[%dma_start3A_155, %dma_start3A_156, %dma_start3A_162] : memref<2x16x640xf32, #tpu.memory_space<vmem>> -> memref<1x1x640xf32, #tpu.memory_space<vmem>>
    %dma_start3A_164 = tpu.memref_squeeze %dma_start3A_163 : memref<1x1x640xf32, #tpu.memory_space<vmem>> -> memref<640xf32, #tpu.memory_space<vmem>>
    %dma_start3A_165 = tpu.memref_slice %arg14[%dma_start3A_153, %dma_start3A_154, %mul3A_96] : memref<16x2x10240xf32, #tpu.memory_space<vmem_shared>> -> memref<1x1x640xf32, #tpu.memory_space<vmem_shared>>
    %dma_start3A_166 = tpu.memref_squeeze %dma_start3A_165 : memref<1x1x640xf32, #tpu.memory_space<vmem_shared>> -> memref<640xf32, #tpu.memory_space<vmem_shared>>
    tpu.enqueue_dma source(%dma_start3A_166 : memref<640xf32, #tpu.memory_space<vmem_shared>>) target(%dma_start3A_164 : memref<640xf32, #tpu.memory_space<vmem>>) target_semaphore(%arg13 : memref<!tpu.dma_semaphore, #tpu.memory_space<semaphore_mem>>)
    %dma_start3A_167 = arith.constant 5 : i32
    %dma_start3A_168 = arith.constant 0 : i32
    %dma_start3A_169 = arith.constant 0 : i32
    %dma_start3A_170 = arith.constant 5 : i32
    %dma_start3A_171 = arith.constant 0 : i32
    %dma_start3A_172 = tpu.memref_slice %arg11[%dma_start3A_169, %dma_start3A_170, %dma_start3A_171] : memref<2x16x640xf32, #tpu.memory_space<vmem>> -> memref<1x1x640xf32, #tpu.memory_space<vmem>>
    %dma_start3A_173 = tpu.memref_squeeze %dma_start3A_172 : memref<1x1x640xf32, #tpu.memory_space<vmem>> -> memref<640xf32, #tpu.memory_space<vmem>>
    %dma_start3A_174 = tpu.memref_slice %arg14[%dma_start3A_167, %dma_start3A_168, %mul3A_96] : memref<16x2x10240xf32, #tpu.memory_space<vmem_shared>> -> memref<1x1x640xf32, #tpu.memory_space<vmem_shared>>
    %dma_start3A_175 = tpu.memref_squeeze %dma_start3A_174 : memref<1x1x640xf32, #tpu.memory_space<vmem_shared>> -> memref<640xf32, #tpu.memory_space<vmem_shared>>
    %dma_start3A_176 = arith.constant 0 : i32
    %dma_start3A_177 = tpu.memref_slice %arg11[%dma_start3A_169, %dma_start3A_170, %dma_start3A_176] : memref<2x16x640xf32, #tpu.memory_space<vmem>> -> memref<1x1x640xf32, #tpu.memory_space<vmem>>
    %dma_start3A_178 = tpu.memref_squeeze %dma_start3A_177 : memref<1x1x640xf32, #tpu.memory_space<vmem>> -> memref<640xf32, #tpu.memory_space<vmem>>
    %dma_start3A_179 = tpu.memref_slice %arg14[%dma_start3A_167, %dma_start3A_168, %mul3A_96] : memref<16x2x10240xf32, #tpu.memory_space<vmem_shared>> -> memref<1x1x640xf32, #tpu.memory_space<vmem_shared>>
    %dma_start3A_180 = tpu.memref_squeeze %dma_start3A_179 : memref<1x1x640xf32, #tpu.memory_space<vmem_shared>> -> memref<640xf32, #tpu.memory_space<vmem_shared>>
    tpu.enqueue_dma source(%dma_start3A_180 : memref<640xf32, #tpu.memory_space<vmem_shared>>) target(%dma_start3A_178 : memref<640xf32, #tpu.memory_space<vmem>>) target_semaphore(%arg13 : memref<!tpu.dma_semaphore, #tpu.memory_space<semaphore_mem>>)
    %dma_start3A_181 = arith.constant 6 : i32
    %dma_start3A_182 = arith.constant 0 : i32
    %dma_start3A_183 = arith.constant 0 : i32
    %dma_start3A_184 = arith.constant 6 : i32
    %dma_start3A_185 = arith.constant 0 : i32
    %dma_start3A_186 = tpu.memref_slice %arg11[%dma_start3A_183, %dma_start3A_184, %dma_start3A_185] : memref<2x16x640xf32, #tpu.memory_space<vmem>> -> memref<1x1x640xf32, #tpu.memory_space<vmem>>
    %dma_start3A_187 = tpu.memref_squeeze %dma_start3A_186 : memref<1x1x640xf32, #tpu.memory_space<vmem>> -> memref<640xf32, #tpu.memory_space<vmem>>
    %dma_start3A_188 = tpu.memref_slice %arg14[%dma_start3A_181, %dma_start3A_182, %mul3A_96] : memref<16x2x10240xf32, #tpu.memory_space<vmem_shared>> -> memref<1x1x640xf32, #tpu.memory_space<vmem_shared>>
    %dma_start3A_189 = tpu.memref_squeeze %dma_start3A_188 : memref<1x1x640xf32, #tpu.memory_space<vmem_shared>> -> memref<640xf32, #tpu.memory_space<vmem_shared>>
    %dma_start3A_190 = arith.constant 0 : i32
    %dma_start3A_191 = tpu.memref_slice %arg11[%dma_start3A_183, %dma_start3A_184, %dma_start3A_190] : memref<2x16x640xf32, #tpu.memory_space<vmem>> -> memref<1x1x640xf32, #tpu.memory_space<vmem>>
    %dma_start3A_192 = tpu.memref_squeeze %dma_start3A_191 : memref<1x1x640xf32, #tpu.memory_space<vmem>> -> memref<640xf32, #tpu.memory_space<vmem>>
    %dma_start3A_193 = tpu.memref_slice %arg14[%dma_start3A_181, %dma_start3A_182, %mul3A_96] : memref<16x2x10240xf32, #tpu.memory_space<vmem_shared>> -> memref<1x1x640xf32, #tpu.memory_space<vmem_shared>>
    %dma_start3A_194 = tpu.memref_squeeze %dma_start3A_193 : memref<1x1x640xf32, #tpu.memory_space<vmem_shared>> -> memref<640xf32, #tpu.memory_space<vmem_shared>>
    tpu.enqueue_dma source(%dma_start3A_194 : memref<640xf32, #tpu.memory_space<vmem_shared>>) target(%dma_start3A_192 : memref<640xf32, #tpu.memory_space<vmem>>) target_semaphore(%arg13 : memref<!tpu.dma_semaphore, #tpu.memory_space<semaphore_mem>>)
    %dma_start3A_195 = arith.constant 7 : i32
    %dma_start3A_196 = arith.constant 0 : i32
    %dma_start3A_197 = arith.constant 0 : i32
    %dma_start3A_198 = arith.constant 7 : i32
    %dma_start3A_199 = arith.constant 0 : i32
    %dma_start3A_200 = tpu.memref_slice %arg11[%dma_start3A_197, %dma_start3A_198, %dma_start3A_199] : memref<2x16x640xf32, #tpu.memory_space<vmem>> -> memref<1x1x640xf32, #tpu.memory_space<vmem>>
    %dma_start3A_201 = tpu.memref_squeeze %dma_start3A_200 : memref<1x1x640xf32, #tpu.memory_space<vmem>> -> memref<640xf32, #tpu.memory_space<vmem>>
    %dma_start3A_202 = tpu.memref_slice %arg14[%dma_start3A_195, %dma_start3A_196, %mul3A_96] : memref<16x2x10240xf32, #tpu.memory_space<vmem_shared>> -> memref<1x1x640xf32, #tpu.memory_space<vmem_shared>>
    %dma_start3A_203 = tpu.memref_squeeze %dma_start3A_202 : memref<1x1x640xf32, #tpu.memory_space<vmem_shared>> -> memref<640xf32, #tpu.memory_space<vmem_shared>>
    %dma_start3A_204 = arith.constant 0 : i32
    %dma_start3A_205 = tpu.memref_slice %arg11[%dma_start3A_197, %dma_start3A_198, %dma_start3A_204] : memref<2x16x640xf32, #tpu.memory_space<vmem>> -> memref<1x1x640xf32, #tpu.memory_space<vmem>>
    %dma_start3A_206 = tpu.memref_squeeze %dma_start3A_205 : memref<1x1x640xf32, #tpu.memory_space<vmem>> -> memref<640xf32, #tpu.memory_space<vmem>>
    %dma_start3A_207 = tpu.memref_slice %arg14[%dma_start3A_195, %dma_start3A_196, %mul3A_96] : memref<16x2x10240xf32, #tpu.memory_space<vmem_shared>> -> memref<1x1x640xf32, #tpu.memory_space<vmem_shared>>
    %dma_start3A_208 = tpu.memref_squeeze %dma_start3A_207 : memref<1x1x640xf32, #tpu.memory_space<vmem_shared>> -> memref<640xf32, #tpu.memory_space<vmem_shared>>
    tpu.enqueue_dma source(%dma_start3A_208 : memref<640xf32, #tpu.memory_space<vmem_shared>>) target(%dma_start3A_206 : memref<640xf32, #tpu.memory_space<vmem>>) target_semaphore(%arg13 : memref<!tpu.dma_semaphore, #tpu.memory_space<semaphore_mem>>)
    %dma_start3A_209 = arith.constant 8 : i32
    %dma_start3A_210 = arith.constant 0 : i32
    %dma_start3A_211 = arith.constant 0 : i32
    %dma_start3A_212 = arith.constant 8 : i32
    %dma_start3A_213 = arith.constant 0 : i32
    %dma_start3A_214 = tpu.memref_slice %arg11[%dma_start3A_211, %dma_start3A_212, %dma_start3A_213] : memref<2x16x640xf32, #tpu.memory_space<vmem>> -> memref<1x1x640xf32, #tpu.memory_space<vmem>>
    %dma_start3A_215 = tpu.memref_squeeze %dma_start3A_214 : memref<1x1x640xf32, #tpu.memory_space<vmem>> -> memref<640xf32, #tpu.memory_space<vmem>>
    %dma_start3A_216 = tpu.memref_slice %arg14[%dma_start3A_209, %dma_start3A_210, %mul3A_96] : memref<16x2x10240xf32, #tpu.memory_space<vmem_shared>> -> memref<1x1x640xf32, #tpu.memory_space<vmem_shared>>
    %dma_start3A_217 = tpu.memref_squeeze %dma_start3A_216 : memref<1x1x640xf32, #tpu.memory_space<vmem_shared>> -> memref<640xf32, #tpu.memory_space<vmem_shared>>
    %dma_start3A_218 = arith.constant 0 : i32
    %dma_start3A_219 = tpu.memref_slice %arg11[%dma_start3A_211, %dma_start3A_212, %dma_start3A_218] : memref<2x16x640xf32, #tpu.memory_space<vmem>> -> memref<1x1x640xf32, #tpu.memory_space<vmem>>
    %dma_start3A_220 = tpu.memref_squeeze %dma_start3A_219 : memref<1x1x640xf32, #tpu.memory_space<vmem>> -> memref<640xf32, #tpu.memory_space<vmem>>
    %dma_start3A_221 = tpu.memref_slice %arg14[%dma_start3A_209, %dma_start3A_210, %mul3A_96] : memref<16x2x10240xf32, #tpu.memory_space<vmem_shared>> -> memref<1x1x640xf32, #tpu.memory_space<vmem_shared>>
    %dma_start3A_222 = tpu.memref_squeeze %dma_start3A_221 : memref<1x1x640xf32, #tpu.memory_space<vmem_shared>> -> memref<640xf32, #tpu.memory_space<vmem_shared>>
    tpu.enqueue_dma source(%dma_start3A_222 : memref<640xf32, #tpu.memory_space<vmem_shared>>) target(%dma_start3A_220 : memref<640xf32, #tpu.memory_space<vmem>>) target_semaphore(%arg13 : memref<!tpu.dma_semaphore, #tpu.memory_space<semaphore_mem>>)
    %dma_start3A_223 = arith.constant 9 : i32
    %dma_start3A_224 = arith.constant 0 : i32
    %dma_start3A_225 = arith.constant 0 : i32
    %dma_start3A_226 = arith.constant 9 : i32
    %dma_start3A_227 = arith.constant 0 : i32
    %dma_start3A_228 = tpu.memref_slice %arg11[%dma_start3A_225, %dma_start3A_226, %dma_start3A_227] : memref<2x16x640xf32, #tpu.memory_space<vmem>> -> memref<1x1x640xf32, #tpu.memory_space<vmem>>
    %dma_start3A_229 = tpu.memref_squeeze %dma_start3A_228 : memref<1x1x640xf32, #tpu.memory_space<vmem>> -> memref<640xf32, #tpu.memory_space<vmem>>
    %dma_start3A_230 = tpu.memref_slice %arg14[%dma_start3A_223, %dma_start3A_224, %mul3A_96] : memref<16x2x10240xf32, #tpu.memory_space<vmem_shared>> -> memref<1x1x640xf32, #tpu.memory_space<vmem_shared>>
    %dma_start3A_231 = tpu.memref_squeeze %dma_start3A_230 : memref<1x1x640xf32, #tpu.memory_space<vmem_shared>> -> memref<640xf32, #tpu.memory_space<vmem_shared>>
    %dma_start3A_232 = arith.constant 0 : i32
    %dma_start3A_233 = tpu.memref_slice %arg11[%dma_start3A_225, %dma_start3A_226, %dma_start3A_232] : memref<2x16x640xf32, #tpu.memory_space<vmem>> -> memref<1x1x640xf32, #tpu.memory_space<vmem>>
    %dma_start3A_234 = tpu.memref_squeeze %dma_start3A_233 : memref<1x1x640xf32, #tpu.memory_space<vmem>> -> memref<640xf32, #tpu.memory_space<vmem>>
    %dma_start3A_235 = tpu.memref_slice %arg14[%dma_start3A_223, %dma_start3A_224, %mul3A_96] : memref<16x2x10240xf32, #tpu.memory_space<vmem_shared>> -> memref<1x1x640xf32, #tpu.memory_space<vmem_shared>>
    %dma_start3A_236 = tpu.memref_squeeze %dma_start3A_235 : memref<1x1x640xf32, #tpu.memory_space<vmem_shared>> -> memref<640xf32, #tpu.memory_space<vmem_shared>>
    tpu.enqueue_dma source(%dma_start3A_236 : memref<640xf32, #tpu.memory_space<vmem_shared>>) target(%dma_start3A_234 : memref<640xf32, #tpu.memory_space<vmem>>) target_semaphore(%arg13 : memref<!tpu.dma_semaphore, #tpu.memory_space<semaphore_mem>>)
    %dma_start3A_237 = arith.constant 10 : i32
    %dma_start3A_238 = arith.constant 0 : i32
    %dma_start3A_239 = arith.constant 0 : i32
    %dma_start3A_240 = arith.constant 10 : i32
    %dma_start3A_241 = arith.constant 0 : i32
    %dma_start3A_242 = tpu.memref_slice %arg11[%dma_start3A_239, %dma_start3A_240, %dma_start3A_241] : memref<2x16x640xf32, #tpu.memory_space<vmem>> -> memref<1x1x640xf32, #tpu.memory_space<vmem>>
    %dma_start3A_243 = tpu.memref_squeeze %dma_start3A_242 : memref<1x1x640xf32, #tpu.memory_space<vmem>> -> memref<640xf32, #tpu.memory_space<vmem>>
    %dma_start3A_244 = tpu.memref_slice %arg14[%dma_start3A_237, %dma_start3A_238, %mul3A_96] : memref<16x2x10240xf32, #tpu.memory_space<vmem_shared>> -> memref<1x1x640xf32, #tpu.memory_space<vmem_shared>>
    %dma_start3A_245 = tpu.memref_squeeze %dma_start3A_244 : memref<1x1x640xf32, #tpu.memory_space<vmem_shared>> -> memref<640xf32, #tpu.memory_space<vmem_shared>>
    %dma_start3A_246 = arith.constant 0 : i32
    %dma_start3A_247 = tpu.memref_slice %arg11[%dma_start3A_239, %dma_start3A_240, %dma_start3A_246] : memref<2x16x640xf32, #tpu.memory_space<vmem>> -> memref<1x1x640xf32, #tpu.memory_space<vmem>>
    %dma_start3A_248 = tpu.memref_squeeze %dma_start3A_247 : memref<1x1x640xf32, #tpu.memory_space<vmem>> -> memref<640xf32, #tpu.memory_space<vmem>>
    %dma_start3A_249 = tpu.memref_slice %arg14[%dma_start3A_237, %dma_start3A_238, %mul3A_96] : memref<16x2x10240xf32, #tpu.memory_space<vmem_shared>> -> memref<1x1x640xf32, #tpu.memory_space<vmem_shared>>
    %dma_start3A_250 = tpu.memref_squeeze %dma_start3A_249 : memref<1x1x640xf32, #tpu.memory_space<vmem_shared>> -> memref<640xf32, #tpu.memory_space<vmem_shared>>
    tpu.enqueue_dma source(%dma_start3A_250 : memref<640xf32, #tpu.memory_space<vmem_shared>>) target(%dma_start3A_248 : memref<640xf32, #tpu.memory_space<vmem>>) target_semaphore(%arg13 : memref<!tpu.dma_semaphore, #tpu.memory_space<semaphore_mem>>)
    %dma_start3A_251 = arith.constant 11 : i32
    %dma_start3A_252 = arith.constant 0 : i32
    %dma_start3A_253 = arith.constant 0 : i32
    %dma_start3A_254 = arith.constant 11 : i32
    %dma_start3A_255 = arith.constant 0 : i32
    %dma_start3A_256 = tpu.memref_slice %arg11[%dma_start3A_253, %dma_start3A_254, %dma_start3A_255] : memref<2x16x640xf32, #tpu.memory_space<vmem>> -> memref<1x1x640xf32, #tpu.memory_space<vmem>>
    %dma_start3A_257 = tpu.memref_squeeze %dma_start3A_256 : memref<1x1x640xf32, #tpu.memory_space<vmem>> -> memref<640xf32, #tpu.memory_space<vmem>>
    %dma_start3A_258 = tpu.memref_slice %arg14[%dma_start3A_251, %dma_start3A_252, %mul3A_96] : memref<16x2x10240xf32, #tpu.memory_space<vmem_shared>> -> memref<1x1x640xf32, #tpu.memory_space<vmem_shared>>
    %dma_start3A_259 = tpu.memref_squeeze %dma_start3A_258 : memref<1x1x640xf32, #tpu.memory_space<vmem_shared>> -> memref<640xf32, #tpu.memory_space<vmem_shared>>
    %dma_start3A_260 = arith.constant 0 : i32
    %dma_start3A_261 = tpu.memref_slice %arg11[%dma_start3A_253, %dma_start3A_254, %dma_start3A_260] : memref<2x16x640xf32, #tpu.memory_space<vmem>> -> memref<1x1x640xf32, #tpu.memory_space<vmem>>
    %dma_start3A_262 = tpu.memref_squeeze %dma_start3A_261 : memref<1x1x640xf32, #tpu.memory_space<vmem>> -> memref<640xf32, #tpu.memory_space<vmem>>
    %dma_start3A_263 = tpu.memref_slice %arg14[%dma_start3A_251, %dma_start3A_252, %mul3A_96] : memref<16x2x10240xf32, #tpu.memory_space<vmem_shared>> -> memref<1x1x640xf32, #tpu.memory_space<vmem_shared>>
    %dma_start3A_264 = tpu.memref_squeeze %dma_start3A_263 : memref<1x1x640xf32, #tpu.memory_space<vmem_shared>> -> memref<640xf32, #tpu.memory_space<vmem_shared>>
    tpu.enqueue_dma source(%dma_start3A_264 : memref<640xf32, #tpu.memory_space<vmem_shared>>) target(%dma_start3A_262 : memref<640xf32, #tpu.memory_space<vmem>>) target_semaphore(%arg13 : memref<!tpu.dma_semaphore, #tpu.memory_space<semaphore_mem>>)
    %dma_start3A_265 = arith.constant 12 : i32
    %dma_start3A_266 = arith.constant 0 : i32
    %dma_start3A_267 = arith.constant 0 : i32
    %dma_start3A_268 = arith.constant 12 : i32
    %dma_start3A_269 = arith.constant 0 : i32
    %dma_start3A_270 = tpu.memref_slice %arg11[%dma_start3A_267, %dma_start3A_268, %dma_start3A_269] : memref<2x16x640xf32, #tpu.memory_space<vmem>> -> memref<1x1x640xf32, #tpu.memory_space<vmem>>
    %dma_start3A_271 = tpu.memref_squeeze %dma_start3A_270 : memref<1x1x640xf32, #tpu.memory_space<vmem>> -> memref<640xf32, #tpu.memory_space<vmem>>
    %dma_start3A_272 = tpu.memref_slice %arg14[%dma_start3A_265, %dma_start3A_266, %mul3A_96] : memref<16x2x10240xf32, #tpu.memory_space<vmem_shared>> -> memref<1x1x640xf32, #tpu.memory_space<vmem_shared>>
    %dma_start3A_273 = tpu.memref_squeeze %dma_start3A_272 : memref<1x1x640xf32, #tpu.memory_space<vmem_shared>> -> memref<640xf32, #tpu.memory_space<vmem_shared>>
    %dma_start3A_274 = arith.constant 0 : i32
    %dma_start3A_275 = tpu.memref_slice %arg11[%dma_start3A_267, %dma_start3A_268, %dma_start3A_274] : memref<2x16x640xf32, #tpu.memory_space<vmem>> -> memref<1x1x640xf32, #tpu.memory_space<vmem>>
    %dma_start3A_276 = tpu.memref_squeeze %dma_start3A_275 : memref<1x1x640xf32, #tpu.memory_space<vmem>> -> memref<640xf32, #tpu.memory_space<vmem>>
    %dma_start3A_277 = tpu.memref_slice %arg14[%dma_start3A_265, %dma_start3A_266, %mul3A_96] : memref<16x2x10240xf32, #tpu.memory_space<vmem_shared>> -> memref<1x1x640xf32, #tpu.memory_space<vmem_shared>>
    %dma_start3A_278 = tpu.memref_squeeze %dma_start3A_277 : memref<1x1x640xf32, #tpu.memory_space<vmem_shared>> -> memref<640xf32, #tpu.memory_space<vmem_shared>>
    tpu.enqueue_dma source(%dma_start3A_278 : memref<640xf32, #tpu.memory_space<vmem_shared>>) target(%dma_start3A_276 : memref<640xf32, #tpu.memory_space<vmem>>) target_semaphore(%arg13 : memref<!tpu.dma_semaphore, #tpu.memory_space<semaphore_mem>>)
    %dma_start3A_279 = arith.constant 13 : i32
    %dma_start3A_280 = arith.constant 0 : i32
    %dma_start3A_281 = arith.constant 0 : i32
    %dma_start3A_282 = arith.constant 13 : i32
    %dma_start3A_283 = arith.constant 0 : i32
    %dma_start3A_284 = tpu.memref_slice %arg11[%dma_start3A_281, %dma_start3A_282, %dma_start3A_283] : memref<2x16x640xf32, #tpu.memory_space<vmem>> -> memref<1x1x640xf32, #tpu.memory_space<vmem>>
    %dma_start3A_285 = tpu.memref_squeeze %dma_start3A_284 : memref<1x1x640xf32, #tpu.memory_space<vmem>> -> memref<640xf32, #tpu.memory_space<vmem>>
    %dma_start3A_286 = tpu.memref_slice %arg14[%dma_start3A_279, %dma_start3A_280, %mul3A_96] : memref<16x2x10240xf32, #tpu.memory_space<vmem_shared>> -> memref<1x1x640xf32, #tpu.memory_space<vmem_shared>>
    %dma_start3A_287 = tpu.memref_squeeze %dma_start3A_286 : memref<1x1x640xf32, #tpu.memory_space<vmem_shared>> -> memref<640xf32, #tpu.memory_space<vmem_shared>>
    %dma_start3A_288 = arith.constant 0 : i32
    %dma_start3A_289 = tpu.memref_slice %arg11[%dma_start3A_281, %dma_start3A_282, %dma_start3A_288] : memref<2x16x640xf32, #tpu.memory_space<vmem>> -> memref<1x1x640xf32, #tpu.memory_space<vmem>>
    %dma_start3A_290 = tpu.memref_squeeze %dma_start3A_289 : memref<1x1x640xf32, #tpu.memory_space<vmem>> -> memref<640xf32, #tpu.memory_space<vmem>>
    %dma_start3A_291 = tpu.memref_slice %arg14[%dma_start3A_279, %dma_start3A_280, %mul3A_96] : memref<16x2x10240xf32, #tpu.memory_space<vmem_shared>> -> memref<1x1x640xf32, #tpu.memory_space<vmem_shared>>
    %dma_start3A_292 = tpu.memref_squeeze %dma_start3A_291 : memref<1x1x640xf32, #tpu.memory_space<vmem_shared>> -> memref<640xf32, #tpu.memory_space<vmem_shared>>
    tpu.enqueue_dma source(%dma_start3A_292 : memref<640xf32, #tpu.memory_space<vmem_shared>>) target(%dma_start3A_290 : memref<640xf32, #tpu.memory_space<vmem>>) target_semaphore(%arg13 : memref<!tpu.dma_semaphore, #tpu.memory_space<semaphore_mem>>)
    %dma_start3A_293 = arith.constant 14 : i32
    %dma_start3A_294 = arith.constant 0 : i32
    %dma_start3A_295 = arith.constant 0 : i32
    %dma_start3A_296 = arith.constant 14 : i32
    %dma_start3A_297 = arith.constant 0 : i32
    %dma_start3A_298 = tpu.memref_slice %arg11[%dma_start3A_295, %dma_start3A_296, %dma_start3A_297] : memref<2x16x640xf32, #tpu.memory_space<vmem>> -> memref<1x1x640xf32, #tpu.memory_space<vmem>>
    %dma_start3A_299 = tpu.memref_squeeze %dma_start3A_298 : memref<1x1x640xf32, #tpu.memory_space<vmem>> -> memref<640xf32, #tpu.memory_space<vmem>>
    %dma_start3A_300 = tpu.memref_slice %arg14[%dma_start3A_293, %dma_start3A_294, %mul3A_96] : memref<16x2x10240xf32, #tpu.memory_space<vmem_shared>> -> memref<1x1x640xf32, #tpu.memory_space<vmem_shared>>
    %dma_start3A_301 = tpu.memref_squeeze %dma_start3A_300 : memref<1x1x640xf32, #tpu.memory_space<vmem_shared>> -> memref<640xf32, #tpu.memory_space<vmem_shared>>
    %dma_start3A_302 = arith.constant 0 : i32
    %dma_start3A_303 = tpu.memref_slice %arg11[%dma_start3A_295, %dma_start3A_296, %dma_start3A_302] : memref<2x16x640xf32, #tpu.memory_space<vmem>> -> memref<1x1x640xf32, #tpu.memory_space<vmem>>
    %dma_start3A_304 = tpu.memref_squeeze %dma_start3A_303 : memref<1x1x640xf32, #tpu.memory_space<vmem>> -> memref<640xf32, #tpu.memory_space<vmem>>
    %dma_start3A_305 = tpu.memref_slice %arg14[%dma_start3A_293, %dma_start3A_294, %mul3A_96] : memref<16x2x10240xf32, #tpu.memory_space<vmem_shared>> -> memref<1x1x640xf32, #tpu.memory_space<vmem_shared>>
    %dma_start3A_306 = tpu.memref_squeeze %dma_start3A_305 : memref<1x1x640xf32, #tpu.memory_space<vmem_shared>> -> memref<640xf32, #tpu.memory_space<vmem_shared>>
    tpu.enqueue_dma source(%dma_start3A_306 : memref<640xf32, #tpu.memory_space<vmem_shared>>) target(%dma_start3A_304 : memref<640xf32, #tpu.memory_space<vmem>>) target_semaphore(%arg13 : memref<!tpu.dma_semaphore, #tpu.memory_space<semaphore_mem>>)
    %dma_start3A_307 = arith.constant 15 : i32
    %dma_start3A_308 = arith.constant 0 : i32
    %dma_start3A_309 = arith.constant 0 : i32
    %dma_start3A_310 = arith.constant 15 : i32
    %dma_start3A_311 = arith.constant 0 : i32
    %dma_start3A_312 = tpu.memref_slice %arg11[%dma_start3A_309, %dma_start3A_310, %dma_start3A_311] : memref<2x16x640xf32, #tpu.memory_space<vmem>> -> memref<1x1x640xf32, #tpu.memory_space<vmem>>
    %dma_start3A_313 = tpu.memref_squeeze %dma_start3A_312 : memref<1x1x640xf32, #tpu.memory_space<vmem>> -> memref<640xf32, #tpu.memory_space<vmem>>
    %dma_start3A_314 = tpu.memref_slice %arg14[%dma_start3A_307, %dma_start3A_308, %mul3A_96] : memref<16x2x10240xf32, #tpu.memory_space<vmem_shared>> -> memref<1x1x640xf32, #tpu.memory_space<vmem_shared>>
    %dma_start3A_315 = tpu.memref_squeeze %dma_start3A_314 : memref<1x1x640xf32, #tpu.memory_space<vmem_shared>> -> memref<640xf32, #tpu.memory_space<vmem_shared>>
    %dma_start3A_316 = arith.constant 0 : i32
    %dma_start3A_317 = tpu.memref_slice %arg11[%dma_start3A_309, %dma_start3A_310, %dma_start3A_316] : memref<2x16x640xf32, #tpu.memory_space<vmem>> -> memref<1x1x640xf32, #tpu.memory_space<vmem>>
    %dma_start3A_318 = tpu.memref_squeeze %dma_start3A_317 : memref<1x1x640xf32, #tpu.memory_space<vmem>> -> memref<640xf32, #tpu.memory_space<vmem>>
    %dma_start3A_319 = tpu.memref_slice %arg14[%dma_start3A_307, %dma_start3A_308, %mul3A_96] : memref<16x2x10240xf32, #tpu.memory_space<vmem_shared>> -> memref<1x1x640xf32, #tpu.memory_space<vmem_shared>>
    %dma_start3A_320 = tpu.memref_squeeze %dma_start3A_319 : memref<1x1x640xf32, #tpu.memory_space<vmem_shared>> -> memref<640xf32, #tpu.memory_space<vmem_shared>>
    tpu.enqueue_dma source(%dma_start3A_320 : memref<640xf32, #tpu.memory_space<vmem_shared>>) target(%dma_start3A_318 : memref<640xf32, #tpu.memory_space<vmem>>) target_semaphore(%arg13 : memref<!tpu.dma_semaphore, #tpu.memory_space<semaphore_mem>>)
    %dma_start3A_321 = arith.constant 0 : i32
    %dma_start3A_322 = arith.constant 1 : i32
    %dma_start3A_323 = arith.constant 1 : i32
    %dma_start3A_324 = arith.constant 0 : i32
    %dma_start3A_325 = arith.constant 0 : i32
    %dma_start3A_326 = tpu.memref_slice %arg11[%dma_start3A_323, %dma_start3A_324, %dma_start3A_325] : memref<2x16x640xf32, #tpu.memory_space<vmem>> -> memref<1x1x640xf32, #tpu.memory_space<vmem>>
    %dma_start3A_327 = tpu.memref_squeeze %dma_start3A_326 : memref<1x1x640xf32, #tpu.memory_space<vmem>> -> memref<640xf32, #tpu.memory_space<vmem>>
    %dma_start3A_328 = tpu.memref_slice %arg14[%dma_start3A_321, %dma_start3A_322, %mul3A_96] : memref<16x2x10240xf32, #tpu.memory_space<vmem_shared>> -> memref<1x1x640xf32, #tpu.memory_space<vmem_shared>>
    %dma_start3A_329 = tpu.memref_squeeze %dma_start3A_328 : memref<1x1x640xf32, #tpu.memory_space<vmem_shared>> -> memref<640xf32, #tpu.memory_space<vmem_shared>>
    %dma_start3A_330 = arith.constant 0 : i32
    %dma_start3A_331 = tpu.memref_slice %arg11[%dma_start3A_323, %dma_start3A_324, %dma_start3A_330] : memref<2x16x640xf32, #tpu.memory_space<vmem>> -> memref<1x1x640xf32, #tpu.memory_space<vmem>>
    %dma_start3A_332 = tpu.memref_squeeze %dma_start3A_331 : memref<1x1x640xf32, #tpu.memory_space<vmem>> -> memref<640xf32, #tpu.memory_space<vmem>>
    %dma_start3A_333 = tpu.memref_slice %arg14[%dma_start3A_321, %dma_start3A_322, %mul3A_96] : memref<16x2x10240xf32, #tpu.memory_space<vmem_shared>> -> memref<1x1x640xf32, #tpu.memory_space<vmem_shared>>
    %dma_start3A_334 = tpu.memref_squeeze %dma_start3A_333 : memref<1x1x640xf32, #tpu.memory_space<vmem_shared>> -> memref<640xf32, #tpu.memory_space<vmem_shared>>
    tpu.enqueue_dma source(%dma_start3A_334 : memref<640xf32, #tpu.memory_space<vmem_shared>>) target(%dma_start3A_332 : memref<640xf32, #tpu.memory_space<vmem>>) target_semaphore(%arg13 : memref<!tpu.dma_semaphore, #tpu.memory_space<semaphore_mem>>)
    %dma_start3A_335 = arith.constant 1 : i32
    %dma_start3A_336 = arith.constant 1 : i32
    %dma_start3A_337 = arith.constant 1 : i32
    %dma_start3A_338 = arith.constant 1 : i32
    %dma_start3A_339 = arith.constant 0 : i32
    %dma_start3A_340 = tpu.memref_slice %arg11[%dma_start3A_337, %dma_start3A_338, %dma_start3A_339] : memref<2x16x640xf32, #tpu.memory_space<vmem>> -> memref<1x1x640xf32, #tpu.memory_space<vmem>>
    %dma_start3A_341 = tpu.memref_squeeze %dma_start3A_340 : memref<1x1x640xf32, #tpu.memory_space<vmem>> -> memref<640xf32, #tpu.memory_space<vmem>>
    %dma_start3A_342 = tpu.memref_slice %arg14[%dma_start3A_335, %dma_start3A_336, %mul3A_96] : memref<16x2x10240xf32, #tpu.memory_space<vmem_shared>> -> memref<1x1x640xf32, #tpu.memory_space<vmem_shared>>
    %dma_start3A_343 = tpu.memref_squeeze %dma_start3A_342 : memref<1x1x640xf32, #tpu.memory_space<vmem_shared>> -> memref<640xf32, #tpu.memory_space<vmem_shared>>
    %dma_start3A_344 = arith.constant 0 : i32
    %dma_start3A_345 = tpu.memref_slice %arg11[%dma_start3A_337, %dma_start3A_338, %dma_start3A_344] : memref<2x16x640xf32, #tpu.memory_space<vmem>> -> memref<1x1x640xf32, #tpu.memory_space<vmem>>
    %dma_start3A_346 = tpu.memref_squeeze %dma_start3A_345 : memref<1x1x640xf32, #tpu.memory_space<vmem>> -> memref<640xf32, #tpu.memory_space<vmem>>
    %dma_start3A_347 = tpu.memref_slice %arg14[%dma_start3A_335, %dma_start3A_336, %mul3A_96] : memref<16x2x10240xf32, #tpu.memory_space<vmem_shared>> -> memref<1x1x640xf32, #tpu.memory_space<vmem_shared>>
    %dma_start3A_348 = tpu.memref_squeeze %dma_start3A_347 : memref<1x1x640xf32, #tpu.memory_space<vmem_shared>> -> memref<640xf32, #tpu.memory_space<vmem_shared>>
    tpu.enqueue_dma source(%dma_start3A_348 : memref<640xf32, #tpu.memory_space<vmem_shared>>) target(%dma_start3A_346 : memref<640xf32, #tpu.memory_space<vmem>>) target_semaphore(%arg13 : memref<!tpu.dma_semaphore, #tpu.memory_space<semaphore_mem>>)
    %dma_start3A_349 = arith.constant 2 : i32
    %dma_start3A_350 = arith.constant 1 : i32
    %dma_start3A_351 = arith.constant 1 : i32
    %dma_start3A_352 = arith.constant 2 : i32
    %dma_start3A_353 = arith.constant 0 : i32
    %dma_start3A_354 = tpu.memref_slice %arg11[%dma_start3A_351, %dma_start3A_352, %dma_start3A_353] : memref<2x16x640xf32, #tpu.memory_space<vmem>> -> memref<1x1x640xf32, #tpu.memory_space<vmem>>
    %dma_start3A_355 = tpu.memref_squeeze %dma_start3A_354 : memref<1x1x640xf32, #tpu.memory_space<vmem>> -> memref<640xf32, #tpu.memory_space<vmem>>
    %dma_start3A_356 = tpu.memref_slice %arg14[%dma_start3A_349, %dma_start3A_350, %mul3A_96] : memref<16x2x10240xf32, #tpu.memory_space<vmem_shared>> -> memref<1x1x640xf32, #tpu.memory_space<vmem_shared>>
    %dma_start3A_357 = tpu.memref_squeeze %dma_start3A_356 : memref<1x1x640xf32, #tpu.memory_space<vmem_shared>> -> memref<640xf32, #tpu.memory_space<vmem_shared>>
    %dma_start3A_358 = arith.constant 0 : i32
    %dma_start3A_359 = tpu.memref_slice %arg11[%dma_start3A_351, %dma_start3A_352, %dma_start3A_358] : memref<2x16x640xf32, #tpu.memory_space<vmem>> -> memref<1x1x640xf32, #tpu.memory_space<vmem>>
    %dma_start3A_360 = tpu.memref_squeeze %dma_start3A_359 : memref<1x1x640xf32, #tpu.memory_space<vmem>> -> memref<640xf32, #tpu.memory_space<vmem>>
    %dma_start3A_361 = tpu.memref_slice %arg14[%dma_start3A_349, %dma_start3A_350, %mul3A_96] : memref<16x2x10240xf32, #tpu.memory_space<vmem_shared>> -> memref<1x1x640xf32, #tpu.memory_space<vmem_shared>>
    %dma_start3A_362 = tpu.memref_squeeze %dma_start3A_361 : memref<1x1x640xf32, #tpu.memory_space<vmem_shared>> -> memref<640xf32, #tpu.memory_space<vmem_shared>>
    tpu.enqueue_dma source(%dma_start3A_362 : memref<640xf32, #tpu.memory_space<vmem_shared>>) target(%dma_start3A_360 : memref<640xf32, #tpu.memory_space<vmem>>) target_semaphore(%arg13 : memref<!tpu.dma_semaphore, #tpu.memory_space<semaphore_mem>>)
    %dma_start3A_363 = arith.constant 3 : i32
    %dma_start3A_364 = arith.constant 1 : i32
    %dma_start3A_365 = arith.constant 1 : i32
    %dma_start3A_366 = arith.constant 3 : i32
    %dma_start3A_367 = arith.constant 0 : i32
    %dma_start3A_368 = tpu.memref_slice %arg11[%dma_start3A_365, %dma_start3A_366, %dma_start3A_367] : memref<2x16x640xf32, #tpu.memory_space<vmem>> -> memref<1x1x640xf32, #tpu.memory_space<vmem>>
    %dma_start3A_369 = tpu.memref_squeeze %dma_start3A_368 : memref<1x1x640xf32, #tpu.memory_space<vmem>> -> memref<640xf32, #tpu.memory_space<vmem>>
    %dma_start3A_370 = tpu.memref_slice %arg14[%dma_start3A_363, %dma_start3A_364, %mul3A_96] : memref<16x2x10240xf32, #tpu.memory_space<vmem_shared>> -> memref<1x1x640xf32, #tpu.memory_space<vmem_shared>>
    %dma_start3A_371 = tpu.memref_squeeze %dma_start3A_370 : memref<1x1x640xf32, #tpu.memory_space<vmem_shared>> -> memref<640xf32, #tpu.memory_space<vmem_shared>>
    %dma_start3A_372 = arith.constant 0 : i32
    %dma_start3A_373 = tpu.memref_slice %arg11[%dma_start3A_365, %dma_start3A_366, %dma_start3A_372] : memref<2x16x640xf32, #tpu.memory_space<vmem>> -> memref<1x1x640xf32, #tpu.memory_space<vmem>>
    %dma_start3A_374 = tpu.memref_squeeze %dma_start3A_373 : memref<1x1x640xf32, #tpu.memory_space<vmem>> -> memref<640xf32, #tpu.memory_space<vmem>>
    %dma_start3A_375 = tpu.memref_slice %arg14[%dma_start3A_363, %dma_start3A_364, %mul3A_96] : memref<16x2x10240xf32, #tpu.memory_space<vmem_shared>> -> memref<1x1x640xf32, #tpu.memory_space<vmem_shared>>
    %dma_start3A_376 = tpu.memref_squeeze %dma_start3A_375 : memref<1x1x640xf32, #tpu.memory_space<vmem_shared>> -> memref<640xf32, #tpu.memory_space<vmem_shared>>
    tpu.enqueue_dma source(%dma_start3A_376 : memref<640xf32, #tpu.memory_space<vmem_shared>>) target(%dma_start3A_374 : memref<640xf32, #tpu.memory_space<vmem>>) target_semaphore(%arg13 : memref<!tpu.dma_semaphore, #tpu.memory_space<semaphore_mem>>)
    %dma_start3A_377 = arith.constant 4 : i32
    %dma_start3A_378 = arith.constant 1 : i32
    %dma_start3A_379 = arith.constant 1 : i32
    %dma_start3A_380 = arith.constant 4 : i32
    %dma_start3A_381 = arith.constant 0 : i32
    %dma_start3A_382 = tpu.memref_slice %arg11[%dma_start3A_379, %dma_start3A_380, %dma_start3A_381] : memref<2x16x640xf32, #tpu.memory_space<vmem>> -> memref<1x1x640xf32, #tpu.memory_space<vmem>>
    %dma_start3A_383 = tpu.memref_squeeze %dma_start3A_382 : memref<1x1x640xf32, #tpu.memory_space<vmem>> -> memref<640xf32, #tpu.memory_space<vmem>>
    %dma_start3A_384 = tpu.memref_slice %arg14[%dma_start3A_377, %dma_start3A_378, %mul3A_96] : memref<16x2x10240xf32, #tpu.memory_space<vmem_shared>> -> memref<1x1x640xf32, #tpu.memory_space<vmem_shared>>
    %dma_start3A_385 = tpu.memref_squeeze %dma_start3A_384 : memref<1x1x640xf32, #tpu.memory_space<vmem_shared>> -> memref<640xf32, #tpu.memory_space<vmem_shared>>
    %dma_start3A_386 = arith.constant 0 : i32
    %dma_start3A_387 = tpu.memref_slice %arg11[%dma_start3A_379, %dma_start3A_380, %dma_start3A_386] : memref<2x16x640xf32, #tpu.memory_space<vmem>> -> memref<1x1x640xf32, #tpu.memory_space<vmem>>
    %dma_start3A_388 = tpu.memref_squeeze %dma_start3A_387 : memref<1x1x640xf32, #tpu.memory_space<vmem>> -> memref<640xf32, #tpu.memory_space<vmem>>
    %dma_start3A_389 = tpu.memref_slice %arg14[%dma_start3A_377, %dma_start3A_378, %mul3A_96] : memref<16x2x10240xf32, #tpu.memory_space<vmem_shared>> -> memref<1x1x640xf32, #tpu.memory_space<vmem_shared>>
    %dma_start3A_390 = tpu.memref_squeeze %dma_start3A_389 : memref<1x1x640xf32, #tpu.memory_space<vmem_shared>> -> memref<640xf32, #tpu.memory_space<vmem_shared>>
    tpu.enqueue_dma source(%dma_start3A_390 : memref<640xf32, #tpu.memory_space<vmem_shared>>) target(%dma_start3A_388 : memref<640xf32, #tpu.memory_space<vmem>>) target_semaphore(%arg13 : memref<!tpu.dma_semaphore, #tpu.memory_space<semaphore_mem>>)
    %dma_start3A_391 = arith.constant 5 : i32
    %dma_start3A_392 = arith.constant 1 : i32
    %dma_start3A_393 = arith.constant 1 : i32
    %dma_start3A_394 = arith.constant 5 : i32
    %dma_start3A_395 = arith.constant 0 : i32
    %dma_start3A_396 = tpu.memref_slice %arg11[%dma_start3A_393, %dma_start3A_394, %dma_start3A_395] : memref<2x16x640xf32, #tpu.memory_space<vmem>> -> memref<1x1x640xf32, #tpu.memory_space<vmem>>
    %dma_start3A_397 = tpu.memref_squeeze %dma_start3A_396 : memref<1x1x640xf32, #tpu.memory_space<vmem>> -> memref<640xf32, #tpu.memory_space<vmem>>
    %dma_start3A_398 = tpu.memref_slice %arg14[%dma_start3A_391, %dma_start3A_392, %mul3A_96] : memref<16x2x10240xf32, #tpu.memory_space<vmem_shared>> -> memref<1x1x640xf32, #tpu.memory_space<vmem_shared>>
    %dma_start3A_399 = tpu.memref_squeeze %dma_start3A_398 : memref<1x1x640xf32, #tpu.memory_space<vmem_shared>> -> memref<640xf32, #tpu.memory_space<vmem_shared>>
    %dma_start3A_400 = arith.constant 0 : i32
    %dma_start3A_401 = tpu.memref_slice %arg11[%dma_start3A_393, %dma_start3A_394, %dma_start3A_400] : memref<2x16x640xf32, #tpu.memory_space<vmem>> -> memref<1x1x640xf32, #tpu.memory_space<vmem>>
    %dma_start3A_402 = tpu.memref_squeeze %dma_start3A_401 : memref<1x1x640xf32, #tpu.memory_space<vmem>> -> memref<640xf32, #tpu.memory_space<vmem>>
    %dma_start3A_403 = tpu.memref_slice %arg14[%dma_start3A_391, %dma_start3A_392, %mul3A_96] : memref<16x2x10240xf32, #tpu.memory_space<vmem_shared>> -> memref<1x1x640xf32, #tpu.memory_space<vmem_shared>>
    %dma_start3A_404 = tpu.memref_squeeze %dma_start3A_403 : memref<1x1x640xf32, #tpu.memory_space<vmem_shared>> -> memref<640xf32, #tpu.memory_space<vmem_shared>>
    tpu.enqueue_dma source(%dma_start3A_404 : memref<640xf32, #tpu.memory_space<vmem_shared>>) target(%dma_start3A_402 : memref<640xf32, #tpu.memory_space<vmem>>) target_semaphore(%arg13 : memref<!tpu.dma_semaphore, #tpu.memory_space<semaphore_mem>>)
    %dma_start3A_405 = arith.constant 6 : i32
    %dma_start3A_406 = arith.constant 1 : i32
    %dma_start3A_407 = arith.constant 1 : i32
    %dma_start3A_408 = arith.constant 6 : i32
    %dma_start3A_409 = arith.constant 0 : i32
    %dma_start3A_410 = tpu.memref_slice %arg11[%dma_start3A_407, %dma_start3A_408, %dma_start3A_409] : memref<2x16x640xf32, #tpu.memory_space<vmem>> -> memref<1x1x640xf32, #tpu.memory_space<vmem>>
    %dma_start3A_411 = tpu.memref_squeeze %dma_start3A_410 : memref<1x1x640xf32, #tpu.memory_space<vmem>> -> memref<640xf32, #tpu.memory_space<vmem>>
    %dma_start3A_412 = tpu.memref_slice %arg14[%dma_start3A_405, %dma_start3A_406, %mul3A_96] : memref<16x2x10240xf32, #tpu.memory_space<vmem_shared>> -> memref<1x1x640xf32, #tpu.memory_space<vmem_shared>>
    %dma_start3A_413 = tpu.memref_squeeze %dma_start3A_412 : memref<1x1x640xf32, #tpu.memory_space<vmem_shared>> -> memref<640xf32, #tpu.memory_space<vmem_shared>>
    %dma_start3A_414 = arith.constant 0 : i32
    %dma_start3A_415 = tpu.memref_slice %arg11[%dma_start3A_407, %dma_start3A_408, %dma_start3A_414] : memref<2x16x640xf32, #tpu.memory_space<vmem>> -> memref<1x1x640xf32, #tpu.memory_space<vmem>>
    %dma_start3A_416 = tpu.memref_squeeze %dma_start3A_415 : memref<1x1x640xf32, #tpu.memory_space<vmem>> -> memref<640xf32, #tpu.memory_space<vmem>>
    %dma_start3A_417 = tpu.memref_slice %arg14[%dma_start3A_405, %dma_start3A_406, %mul3A_96] : memref<16x2x10240xf32, #tpu.memory_space<vmem_shared>> -> memref<1x1x640xf32, #tpu.memory_space<vmem_shared>>
    %dma_start3A_418 = tpu.memref_squeeze %dma_start3A_417 : memref<1x1x640xf32, #tpu.memory_space<vmem_shared>> -> memref<640xf32, #tpu.memory_space<vmem_shared>>
    tpu.enqueue_dma source(%dma_start3A_418 : memref<640xf32, #tpu.memory_space<vmem_shared>>) target(%dma_start3A_416 : memref<640xf32, #tpu.memory_space<vmem>>) target_semaphore(%arg13 : memref<!tpu.dma_semaphore, #tpu.memory_space<semaphore_mem>>)
    %dma_start3A_419 = arith.constant 7 : i32
    %dma_start3A_420 = arith.constant 1 : i32
    %dma_start3A_421 = arith.constant 1 : i32
    %dma_start3A_422 = arith.constant 7 : i32
    %dma_start3A_423 = arith.constant 0 : i32
    %dma_start3A_424 = tpu.memref_slice %arg11[%dma_start3A_421, %dma_start3A_422, %dma_start3A_423] : memref<2x16x640xf32, #tpu.memory_space<vmem>> -> memref<1x1x640xf32, #tpu.memory_space<vmem>>
    %dma_start3A_425 = tpu.memref_squeeze %dma_start3A_424 : memref<1x1x640xf32, #tpu.memory_space<vmem>> -> memref<640xf32, #tpu.memory_space<vmem>>
    %dma_start3A_426 = tpu.memref_slice %arg14[%dma_start3A_419, %dma_start3A_420, %mul3A_96] : memref<16x2x10240xf32, #tpu.memory_space<vmem_shared>> -> memref<1x1x640xf32, #tpu.memory_space<vmem_shared>>
    %dma_start3A_427 = tpu.memref_squeeze %dma_start3A_426 : memref<1x1x640xf32, #tpu.memory_space<vmem_shared>> -> memref<640xf32, #tpu.memory_space<vmem_shared>>
    %dma_start3A_428 = arith.constant 0 : i32
    %dma_start3A_429 = tpu.memref_slice %arg11[%dma_start3A_421, %dma_start3A_422, %dma_start3A_428] : memref<2x16x640xf32, #tpu.memory_space<vmem>> -> memref<1x1x640xf32, #tpu.memory_space<vmem>>
    %dma_start3A_430 = tpu.memref_squeeze %dma_start3A_429 : memref<1x1x640xf32, #tpu.memory_space<vmem>> -> memref<640xf32, #tpu.memory_space<vmem>>
    %dma_start3A_431 = tpu.memref_slice %arg14[%dma_start3A_419, %dma_start3A_420, %mul3A_96] : memref<16x2x10240xf32, #tpu.memory_space<vmem_shared>> -> memref<1x1x640xf32, #tpu.memory_space<vmem_shared>>
    %dma_start3A_432 = tpu.memref_squeeze %dma_start3A_431 : memref<1x1x640xf32, #tpu.memory_space<vmem_shared>> -> memref<640xf32, #tpu.memory_space<vmem_shared>>
    tpu.enqueue_dma source(%dma_start3A_432 : memref<640xf32, #tpu.memory_space<vmem_shared>>) target(%dma_start3A_430 : memref<640xf32, #tpu.memory_space<vmem>>) target_semaphore(%arg13 : memref<!tpu.dma_semaphore, #tpu.memory_space<semaphore_mem>>)
    %dma_start3A_433 = arith.constant 8 : i32
    %dma_start3A_434 = arith.constant 1 : i32
    %dma_start3A_435 = arith.constant 1 : i32
    %dma_start3A_436 = arith.constant 8 : i32
    %dma_start3A_437 = arith.constant 0 : i32
    %dma_start3A_438 = tpu.memref_slice %arg11[%dma_start3A_435, %dma_start3A_436, %dma_start3A_437] : memref<2x16x640xf32, #tpu.memory_space<vmem>> -> memref<1x1x640xf32, #tpu.memory_space<vmem>>
    %dma_start3A_439 = tpu.memref_squeeze %dma_start3A_438 : memref<1x1x640xf32, #tpu.memory_space<vmem>> -> memref<640xf32, #tpu.memory_space<vmem>>
    %dma_start3A_440 = tpu.memref_slice %arg14[%dma_start3A_433, %dma_start3A_434, %mul3A_96] : memref<16x2x10240xf32, #tpu.memory_space<vmem_shared>> -> memref<1x1x640xf32, #tpu.memory_space<vmem_shared>>
    %dma_start3A_441 = tpu.memref_squeeze %dma_start3A_440 : memref<1x1x640xf32, #tpu.memory_space<vmem_shared>> -> memref<640xf32, #tpu.memory_space<vmem_shared>>
    %dma_start3A_442 = arith.constant 0 : i32
    %dma_start3A_443 = tpu.memref_slice %arg11[%dma_start3A_435, %dma_start3A_436, %dma_start3A_442] : memref<2x16x640xf32, #tpu.memory_space<vmem>> -> memref<1x1x640xf32, #tpu.memory_space<vmem>>
    %dma_start3A_444 = tpu.memref_squeeze %dma_start3A_443 : memref<1x1x640xf32, #tpu.memory_space<vmem>> -> memref<640xf32, #tpu.memory_space<vmem>>
    %dma_start3A_445 = tpu.memref_slice %arg14[%dma_start3A_433, %dma_start3A_434, %mul3A_96] : memref<16x2x10240xf32, #tpu.memory_space<vmem_shared>> -> memref<1x1x640xf32, #tpu.memory_space<vmem_shared>>
    %dma_start3A_446 = tpu.memref_squeeze %dma_start3A_445 : memref<1x1x640xf32, #tpu.memory_space<vmem_shared>> -> memref<640xf32, #tpu.memory_space<vmem_shared>>
    tpu.enqueue_dma source(%dma_start3A_446 : memref<640xf32, #tpu.memory_space<vmem_shared>>) target(%dma_start3A_444 : memref<640xf32, #tpu.memory_space<vmem>>) target_semaphore(%arg13 : memref<!tpu.dma_semaphore, #tpu.memory_space<semaphore_mem>>)
    %dma_start3A_447 = arith.constant 9 : i32
    %dma_start3A_448 = arith.constant 1 : i32
    %dma_start3A_449 = arith.constant 1 : i32
    %dma_start3A_450 = arith.constant 9 : i32
    %dma_start3A_451 = arith.constant 0 : i32
    %dma_start3A_452 = tpu.memref_slice %arg11[%dma_start3A_449, %dma_start3A_450, %dma_start3A_451] : memref<2x16x640xf32, #tpu.memory_space<vmem>> -> memref<1x1x640xf32, #tpu.memory_space<vmem>>
    %dma_start3A_453 = tpu.memref_squeeze %dma_start3A_452 : memref<1x1x640xf32, #tpu.memory_space<vmem>> -> memref<640xf32, #tpu.memory_space<vmem>>
    %dma_start3A_454 = tpu.memref_slice %arg14[%dma_start3A_447, %dma_start3A_448, %mul3A_96] : memref<16x2x10240xf32, #tpu.memory_space<vmem_shared>> -> memref<1x1x640xf32, #tpu.memory_space<vmem_shared>>
    %dma_start3A_455 = tpu.memref_squeeze %dma_start3A_454 : memref<1x1x640xf32, #tpu.memory_space<vmem_shared>> -> memref<640xf32, #tpu.memory_space<vmem_shared>>
    %dma_start3A_456 = arith.constant 0 : i32
    %dma_start3A_457 = tpu.memref_slice %arg11[%dma_start3A_449, %dma_start3A_450, %dma_start3A_456] : memref<2x16x640xf32, #tpu.memory_space<vmem>> -> memref<1x1x640xf32, #tpu.memory_space<vmem>>
    %dma_start3A_458 = tpu.memref_squeeze %dma_start3A_457 : memref<1x1x640xf32, #tpu.memory_space<vmem>> -> memref<640xf32, #tpu.memory_space<vmem>>
    %dma_start3A_459 = tpu.memref_slice %arg14[%dma_start3A_447, %dma_start3A_448, %mul3A_96] : memref<16x2x10240xf32, #tpu.memory_space<vmem_shared>> -> memref<1x1x640xf32, #tpu.memory_space<vmem_shared>>
    %dma_start3A_460 = tpu.memref_squeeze %dma_start3A_459 : memref<1x1x640xf32, #tpu.memory_space<vmem_shared>> -> memref<640xf32, #tpu.memory_space<vmem_shared>>
    tpu.enqueue_dma source(%dma_start3A_460 : memref<640xf32, #tpu.memory_space<vmem_shared>>) target(%dma_start3A_458 : memref<640xf32, #tpu.memory_space<vmem>>) target_semaphore(%arg13 : memref<!tpu.dma_semaphore, #tpu.memory_space<semaphore_mem>>)
    %dma_start3A_461 = arith.constant 10 : i32
    %dma_start3A_462 = arith.constant 1 : i32
    %dma_start3A_463 = arith.constant 1 : i32
    %dma_start3A_464 = arith.constant 10 : i32
    %dma_start3A_465 = arith.constant 0 : i32
    %dma_start3A_466 = tpu.memref_slice %arg11[%dma_start3A_463, %dma_start3A_464, %dma_start3A_465] : memref<2x16x640xf32, #tpu.memory_space<vmem>> -> memref<1x1x640xf32, #tpu.memory_space<vmem>>
    %dma_start3A_467 = tpu.memref_squeeze %dma_start3A_466 : memref<1x1x640xf32, #tpu.memory_space<vmem>> -> memref<640xf32, #tpu.memory_space<vmem>>
    %dma_start3A_468 = tpu.memref_slice %arg14[%dma_start3A_461, %dma_start3A_462, %mul3A_96] : memref<16x2x10240xf32, #tpu.memory_space<vmem_shared>> -> memref<1x1x640xf32, #tpu.memory_space<vmem_shared>>
    %dma_start3A_469 = tpu.memref_squeeze %dma_start3A_468 : memref<1x1x640xf32, #tpu.memory_space<vmem_shared>> -> memref<640xf32, #tpu.memory_space<vmem_shared>>
    %dma_start3A_470 = arith.constant 0 : i32
    %dma_start3A_471 = tpu.memref_slice %arg11[%dma_start3A_463, %dma_start3A_464, %dma_start3A_470] : memref<2x16x640xf32, #tpu.memory_space<vmem>> -> memref<1x1x640xf32, #tpu.memory_space<vmem>>
    %dma_start3A_472 = tpu.memref_squeeze %dma_start3A_471 : memref<1x1x640xf32, #tpu.memory_space<vmem>> -> memref<640xf32, #tpu.memory_space<vmem>>
    %dma_start3A_473 = tpu.memref_slice %arg14[%dma_start3A_461, %dma_start3A_462, %mul3A_96] : memref<16x2x10240xf32, #tpu.memory_space<vmem_shared>> -> memref<1x1x640xf32, #tpu.memory_space<vmem_shared>>
    %dma_start3A_474 = tpu.memref_squeeze %dma_start3A_473 : memref<1x1x640xf32, #tpu.memory_space<vmem_shared>> -> memref<640xf32, #tpu.memory_space<vmem_shared>>
    tpu.enqueue_dma source(%dma_start3A_474 : memref<640xf32, #tpu.memory_space<vmem_shared>>) target(%dma_start3A_472 : memref<640xf32, #tpu.memory_space<vmem>>) target_semaphore(%arg13 : memref<!tpu.dma_semaphore, #tpu.memory_space<semaphore_mem>>)
    %dma_start3A_475 = arith.constant 11 : i32
    %dma_start3A_476 = arith.constant 1 : i32
    %dma_start3A_477 = arith.constant 1 : i32
    %dma_start3A_478 = arith.constant 11 : i32
    %dma_start3A_479 = arith.constant 0 : i32
    %dma_start3A_480 = tpu.memref_slice %arg11[%dma_start3A_477, %dma_start3A_478, %dma_start3A_479] : memref<2x16x640xf32, #tpu.memory_space<vmem>> -> memref<1x1x640xf32, #tpu.memory_space<vmem>>
    %dma_start3A_481 = tpu.memref_squeeze %dma_start3A_480 : memref<1x1x640xf32, #tpu.memory_space<vmem>> -> memref<640xf32, #tpu.memory_space<vmem>>
    %dma_start3A_482 = tpu.memref_slice %arg14[%dma_start3A_475, %dma_start3A_476, %mul3A_96] : memref<16x2x10240xf32, #tpu.memory_space<vmem_shared>> -> memref<1x1x640xf32, #tpu.memory_space<vmem_shared>>
    %dma_start3A_483 = tpu.memref_squeeze %dma_start3A_482 : memref<1x1x640xf32, #tpu.memory_space<vmem_shared>> -> memref<640xf32, #tpu.memory_space<vmem_shared>>
    %dma_start3A_484 = arith.constant 0 : i32
    %dma_start3A_485 = tpu.memref_slice %arg11[%dma_start3A_477, %dma_start3A_478, %dma_start3A_484] : memref<2x16x640xf32, #tpu.memory_space<vmem>> -> memref<1x1x640xf32, #tpu.memory_space<vmem>>
    %dma_start3A_486 = tpu.memref_squeeze %dma_start3A_485 : memref<1x1x640xf32, #tpu.memory_space<vmem>> -> memref<640xf32, #tpu.memory_space<vmem>>
    %dma_start3A_487 = tpu.memref_slice %arg14[%dma_start3A_475, %dma_start3A_476, %mul3A_96] : memref<16x2x10240xf32, #tpu.memory_space<vmem_shared>> -> memref<1x1x640xf32, #tpu.memory_space<vmem_shared>>
    %dma_start3A_488 = tpu.memref_squeeze %dma_start3A_487 : memref<1x1x640xf32, #tpu.memory_space<vmem_shared>> -> memref<640xf32, #tpu.memory_space<vmem_shared>>
    tpu.enqueue_dma source(%dma_start3A_488 : memref<640xf32, #tpu.memory_space<vmem_shared>>) target(%dma_start3A_486 : memref<640xf32, #tpu.memory_space<vmem>>) target_semaphore(%arg13 : memref<!tpu.dma_semaphore, #tpu.memory_space<semaphore_mem>>)
    %dma_start3A_489 = arith.constant 12 : i32
    %dma_start3A_490 = arith.constant 1 : i32
    %dma_start3A_491 = arith.constant 1 : i32
    %dma_start3A_492 = arith.constant 12 : i32
    %dma_start3A_493 = arith.constant 0 : i32
    %dma_start3A_494 = tpu.memref_slice %arg11[%dma_start3A_491, %dma_start3A_492, %dma_start3A_493] : memref<2x16x640xf32, #tpu.memory_space<vmem>> -> memref<1x1x640xf32, #tpu.memory_space<vmem>>
    %dma_start3A_495 = tpu.memref_squeeze %dma_start3A_494 : memref<1x1x640xf32, #tpu.memory_space<vmem>> -> memref<640xf32, #tpu.memory_space<vmem>>
    %dma_start3A_496 = tpu.memref_slice %arg14[%dma_start3A_489, %dma_start3A_490, %mul3A_96] : memref<16x2x10240xf32, #tpu.memory_space<vmem_shared>> -> memref<1x1x640xf32, #tpu.memory_space<vmem_shared>>
    %dma_start3A_497 = tpu.memref_squeeze %dma_start3A_496 : memref<1x1x640xf32, #tpu.memory_space<vmem_shared>> -> memref<640xf32, #tpu.memory_space<vmem_shared>>
    %dma_start3A_498 = arith.constant 0 : i32
    %dma_start3A_499 = tpu.memref_slice %arg11[%dma_start3A_491, %dma_start3A_492, %dma_start3A_498] : memref<2x16x640xf32, #tpu.memory_space<vmem>> -> memref<1x1x640xf32, #tpu.memory_space<vmem>>
    %dma_start3A_500 = tpu.memref_squeeze %dma_start3A_499 : memref<1x1x640xf32, #tpu.memory_space<vmem>> -> memref<640xf32, #tpu.memory_space<vmem>>
    %dma_start3A_501 = tpu.memref_slice %arg14[%dma_start3A_489, %dma_start3A_490, %mul3A_96] : memref<16x2x10240xf32, #tpu.memory_space<vmem_shared>> -> memref<1x1x640xf32, #tpu.memory_space<vmem_shared>>
    %dma_start3A_502 = tpu.memref_squeeze %dma_start3A_501 : memref<1x1x640xf32, #tpu.memory_space<vmem_shared>> -> memref<640xf32, #tpu.memory_space<vmem_shared>>
    tpu.enqueue_dma source(%dma_start3A_502 : memref<640xf32, #tpu.memory_space<vmem_shared>>) target(%dma_start3A_500 : memref<640xf32, #tpu.memory_space<vmem>>) target_semaphore(%arg13 : memref<!tpu.dma_semaphore, #tpu.memory_space<semaphore_mem>>)
    %dma_start3A_503 = arith.constant 13 : i32
    %dma_start3A_504 = arith.constant 1 : i32
    %dma_start3A_505 = arith.constant 1 : i32
    %dma_start3A_506 = arith.constant 13 : i32
    %dma_start3A_507 = arith.constant 0 : i32
    %dma_start3A_508 = tpu.memref_slice %arg11[%dma_start3A_505, %dma_start3A_506, %dma_start3A_507] : memref<2x16x640xf32, #tpu.memory_space<vmem>> -> memref<1x1x640xf32, #tpu.memory_space<vmem>>
    %dma_start3A_509 = tpu.memref_squeeze %dma_start3A_508 : memref<1x1x640xf32, #tpu.memory_space<vmem>> -> memref<640xf32, #tpu.memory_space<vmem>>
    %dma_start3A_510 = tpu.memref_slice %arg14[%dma_start3A_503, %dma_start3A_504, %mul3A_96] : memref<16x2x10240xf32, #tpu.memory_space<vmem_shared>> -> memref<1x1x640xf32, #tpu.memory_space<vmem_shared>>
    %dma_start3A_511 = tpu.memref_squeeze %dma_start3A_510 : memref<1x1x640xf32, #tpu.memory_space<vmem_shared>> -> memref<640xf32, #tpu.memory_space<vmem_shared>>
    %dma_start3A_512 = arith.constant 0 : i32
    %dma_start3A_513 = tpu.memref_slice %arg11[%dma_start3A_505, %dma_start3A_506, %dma_start3A_512] : memref<2x16x640xf32, #tpu.memory_space<vmem>> -> memref<1x1x640xf32, #tpu.memory_space<vmem>>
    %dma_start3A_514 = tpu.memref_squeeze %dma_start3A_513 : memref<1x1x640xf32, #tpu.memory_space<vmem>> -> memref<640xf32, #tpu.memory_space<vmem>>
    %dma_start3A_515 = tpu.memref_slice %arg14[%dma_start3A_503, %dma_start3A_504, %mul3A_96] : memref<16x2x10240xf32, #tpu.memory_space<vmem_shared>> -> memref<1x1x640xf32, #tpu.memory_space<vmem_shared>>
    %dma_start3A_516 = tpu.memref_squeeze %dma_start3A_515 : memref<1x1x640xf32, #tpu.memory_space<vmem_shared>> -> memref<640xf32, #tpu.memory_space<vmem_shared>>
    tpu.enqueue_dma source(%dma_start3A_516 : memref<640xf32, #tpu.memory_space<vmem_shared>>) target(%dma_start3A_514 : memref<640xf32, #tpu.memory_space<vmem>>) target_semaphore(%arg13 : memref<!tpu.dma_semaphore, #tpu.memory_space<semaphore_mem>>)
    %dma_start3A_517 = arith.constant 14 : i32
    %dma_start3A_518 = arith.constant 1 : i32
    %dma_start3A_519 = arith.constant 1 : i32
    %dma_start3A_520 = arith.constant 14 : i32
    %dma_start3A_521 = arith.constant 0 : i32
    %dma_start3A_522 = tpu.memref_slice %arg11[%dma_start3A_519, %dma_start3A_520, %dma_start3A_521] : memref<2x16x640xf32, #tpu.memory_space<vmem>> -> memref<1x1x640xf32, #tpu.memory_space<vmem>>
    %dma_start3A_523 = tpu.memref_squeeze %dma_start3A_522 : memref<1x1x640xf32, #tpu.memory_space<vmem>> -> memref<640xf32, #tpu.memory_space<vmem>>
    %dma_start3A_524 = tpu.memref_slice %arg14[%dma_start3A_517, %dma_start3A_518, %mul3A_96] : memref<16x2x10240xf32, #tpu.memory_space<vmem_shared>> -> memref<1x1x640xf32, #tpu.memory_space<vmem_shared>>
    %dma_start3A_525 = tpu.memref_squeeze %dma_start3A_524 : memref<1x1x640xf32, #tpu.memory_space<vmem_shared>> -> memref<640xf32, #tpu.memory_space<vmem_shared>>
    %dma_start3A_526 = arith.constant 0 : i32
    %dma_start3A_527 = tpu.memref_slice %arg11[%dma_start3A_519, %dma_start3A_520, %dma_start3A_526] : memref<2x16x640xf32, #tpu.memory_space<vmem>> -> memref<1x1x640xf32, #tpu.memory_space<vmem>>
    %dma_start3A_528 = tpu.memref_squeeze %dma_start3A_527 : memref<1x1x640xf32, #tpu.memory_space<vmem>> -> memref<640xf32, #tpu.memory_space<vmem>>
    %dma_start3A_529 = tpu.memref_slice %arg14[%dma_start3A_517, %dma_start3A_518, %mul3A_96] : memref<16x2x10240xf32, #tpu.memory_space<vmem_shared>> -> memref<1x1x640xf32, #tpu.memory_space<vmem_shared>>
    %dma_start3A_530 = tpu.memref_squeeze %dma_start3A_529 : memref<1x1x640xf32, #tpu.memory_space<vmem_shared>> -> memref<640xf32, #tpu.memory_space<vmem_shared>>
    tpu.enqueue_dma source(%dma_start3A_530 : memref<640xf32, #tpu.memory_space<vmem_shared>>) target(%dma_start3A_528 : memref<640xf32, #tpu.memory_space<vmem>>) target_semaphore(%arg13 : memref<!tpu.dma_semaphore, #tpu.memory_space<semaphore_mem>>)
    %dma_start3A_531 = arith.constant 15 : i32
    %dma_start3A_532 = arith.constant 1 : i32
    %dma_start3A_533 = arith.constant 1 : i32
    %dma_start3A_534 = arith.constant 15 : i32
    %dma_start3A_535 = arith.constant 0 : i32
    %dma_start3A_536 = tpu.memref_slice %arg11[%dma_start3A_533, %dma_start3A_534, %dma_start3A_535] : memref<2x16x640xf32, #tpu.memory_space<vmem>> -> memref<1x1x640xf32, #tpu.memory_space<vmem>>
    %dma_start3A_537 = tpu.memref_squeeze %dma_start3A_536 : memref<1x1x640xf32, #tpu.memory_space<vmem>> -> memref<640xf32, #tpu.memory_space<vmem>>
    %dma_start3A_538 = tpu.memref_slice %arg14[%dma_start3A_531, %dma_start3A_532, %mul3A_96] : memref<16x2x10240xf32, #tpu.memory_space<vmem_shared>> -> memref<1x1x640xf32, #tpu.memory_space<vmem_shared>>
    %dma_start3A_539 = tpu.memref_squeeze %dma_start3A_538 : memref<1x1x640xf32, #tpu.memory_space<vmem_shared>> -> memref<640xf32, #tpu.memory_space<vmem_shared>>
    %dma_start3A_540 = arith.constant 0 : i32
    %dma_start3A_541 = tpu.memref_slice %arg11[%dma_start3A_533, %dma_start3A_534, %dma_start3A_540] : memref<2x16x640xf32, #tpu.memory_space<vmem>> -> memref<1x1x640xf32, #tpu.memory_space<vmem>>
    %dma_start3A_542 = tpu.memref_squeeze %dma_start3A_541 : memref<1x1x640xf32, #tpu.memory_space<vmem>> -> memref<640xf32, #tpu.memory_space<vmem>>
    %dma_start3A_543 = tpu.memref_slice %arg14[%dma_start3A_531, %dma_start3A_532, %mul3A_96] : memref<16x2x10240xf32, #tpu.memory_space<vmem_shared>> -> memref<1x1x640xf32, #tpu.memory_space<vmem_shared>>
    %dma_start3A_544 = tpu.memref_squeeze %dma_start3A_543 : memref<1x1x640xf32, #tpu.memory_space<vmem_shared>> -> memref<640xf32, #tpu.memory_space<vmem_shared>>
    tpu.enqueue_dma source(%dma_start3A_544 : memref<640xf32, #tpu.memory_space<vmem_shared>>) target(%dma_start3A_542 : memref<640xf32, #tpu.memory_space<vmem>>) target_semaphore(%arg13 : memref<!tpu.dma_semaphore, #tpu.memory_space<semaphore_mem>>)
    %dma_wait3A_545 = arith.constant 0 : i32
    %dma_wait3A_546 = arith.constant 0 : i32
    %dma_wait3A_547 = arith.constant 0 : i32
    %dma_wait3A_548 = arith.constant 0 : i32
    %dma_wait3A_549 = arith.constant 0 : i32
    %dma_wait3A_550 = tpu.memref_slice %arg11[%dma_wait3A_547, %dma_wait3A_548, %dma_wait3A_549] : memref<2x16x640xf32, #tpu.memory_space<vmem>> -> memref<1x1x640xf32, #tpu.memory_space<vmem>>
    %dma_wait3A_551 = tpu.memref_squeeze %dma_wait3A_550 : memref<1x1x640xf32, #tpu.memory_space<vmem>> -> memref<640xf32, #tpu.memory_space<vmem>>
    %dma_wait3A_552 = tpu.memref_slice %arg14[%dma_wait3A_545, %dma_wait3A_546, %mul3A_96] : memref<16x2x10240xf32, #tpu.memory_space<vmem_shared>> -> memref<1x1x640xf32, #tpu.memory_space<vmem_shared>>
    %dma_wait3A_553 = tpu.memref_squeeze %dma_wait3A_552 : memref<1x1x640xf32, #tpu.memory_space<vmem_shared>> -> memref<640xf32, #tpu.memory_space<vmem_shared>>
    %dma_wait3A_554 = arith.constant 0 : i32
    %dma_wait3A_555 = tpu.memref_slice %arg11[%dma_wait3A_547, %dma_wait3A_548, %dma_wait3A_554] : memref<2x16x640xf32, #tpu.memory_space<vmem>> -> memref<1x1x640xf32, #tpu.memory_space<vmem>>
    %dma_wait3A_556 = tpu.memref_squeeze %dma_wait3A_555 : memref<1x1x640xf32, #tpu.memory_space<vmem>> -> memref<640xf32, #tpu.memory_space<vmem>>
    %dma_wait3A_557 = tpu.memref_slice %arg14[%dma_wait3A_545, %dma_wait3A_546, %mul3A_96] : memref<16x2x10240xf32, #tpu.memory_space<vmem_shared>> -> memref<1x1x640xf32, #tpu.memory_space<vmem_shared>>
    %dma_wait3A_558 = tpu.memref_squeeze %dma_wait3A_557 : memref<1x1x640xf32, #tpu.memory_space<vmem_shared>> -> memref<640xf32, #tpu.memory_space<vmem_shared>>
    tpu.wait_dma2 semaphore(%arg13 : memref<!tpu.dma_semaphore, #tpu.memory_space<semaphore_mem>>) src(%dma_wait3A_558 : memref<640xf32, #tpu.memory_space<vmem_shared>>) dst(%dma_wait3A_556 : memref<640xf32, #tpu.memory_space<vmem>>)
    %dma_wait3A_559 = arith.constant 1 : i32
    %dma_wait3A_560 = arith.constant 0 : i32
    %dma_wait3A_561 = arith.constant 0 : i32
    %dma_wait3A_562 = arith.constant 1 : i32
    %dma_wait3A_563 = arith.constant 0 : i32
    %dma_wait3A_564 = tpu.memref_slice %arg11[%dma_wait3A_561, %dma_wait3A_562, %dma_wait3A_563] : memref<2x16x640xf32, #tpu.memory_space<vmem>> -> memref<1x1x640xf32, #tpu.memory_space<vmem>>
    %dma_wait3A_565 = tpu.memref_squeeze %dma_wait3A_564 : memref<1x1x640xf32, #tpu.memory_space<vmem>> -> memref<640xf32, #tpu.memory_space<vmem>>
    %dma_wait3A_566 = tpu.memref_slice %arg14[%dma_wait3A_559, %dma_wait3A_560, %mul3A_96] : memref<16x2x10240xf32, #tpu.memory_space<vmem_shared>> -> memref<1x1x640xf32, #tpu.memory_space<vmem_shared>>
    %dma_wait3A_567 = tpu.memref_squeeze %dma_wait3A_566 : memref<1x1x640xf32, #tpu.memory_space<vmem_shared>> -> memref<640xf32, #tpu.memory_space<vmem_shared>>
    %dma_wait3A_568 = arith.constant 0 : i32
    %dma_wait3A_569 = tpu.memref_slice %arg11[%dma_wait3A_561, %dma_wait3A_562, %dma_wait3A_568] : memref<2x16x640xf32, #tpu.memory_space<vmem>> -> memref<1x1x640xf32, #tpu.memory_space<vmem>>
    %dma_wait3A_570 = tpu.memref_squeeze %dma_wait3A_569 : memref<1x1x640xf32, #tpu.memory_space<vmem>> -> memref<640xf32, #tpu.memory_space<vmem>>
    %dma_wait3A_571 = tpu.memref_slice %arg14[%dma_wait3A_559, %dma_wait3A_560, %mul3A_96] : memref<16x2x10240xf32, #tpu.memory_space<vmem_shared>> -> memref<1x1x640xf32, #tpu.memory_space<vmem_shared>>
    %dma_wait3A_572 = tpu.memref_squeeze %dma_wait3A_571 : memref<1x1x640xf32, #tpu.memory_space<vmem_shared>> -> memref<640xf32, #tpu.memory_space<vmem_shared>>
    tpu.wait_dma2 semaphore(%arg13 : memref<!tpu.dma_semaphore, #tpu.memory_space<semaphore_mem>>) src(%dma_wait3A_572 : memref<640xf32, #tpu.memory_space<vmem_shared>>) dst(%dma_wait3A_570 : memref<640xf32, #tpu.memory_space<vmem>>)
    %dma_wait3A_573 = arith.constant 2 : i32
    %dma_wait3A_574 = arith.constant 0 : i32
    %dma_wait3A_575 = arith.constant 0 : i32
    %dma_wait3A_576 = arith.constant 2 : i32
    %dma_wait3A_577 = arith.constant 0 : i32
    %dma_wait3A_578 = tpu.memref_slice %arg11[%dma_wait3A_575, %dma_wait3A_576, %dma_wait3A_577] : memref<2x16x640xf32, #tpu.memory_space<vmem>> -> memref<1x1x640xf32, #tpu.memory_space<vmem>>
    %dma_wait3A_579 = tpu.memref_squeeze %dma_wait3A_578 : memref<1x1x640xf32, #tpu.memory_space<vmem>> -> memref<640xf32, #tpu.memory_space<vmem>>
    %dma_wait3A_580 = tpu.memref_slice %arg14[%dma_wait3A_573, %dma_wait3A_574, %mul3A_96] : memref<16x2x10240xf32, #tpu.memory_space<vmem_shared>> -> memref<1x1x640xf32, #tpu.memory_space<vmem_shared>>
    %dma_wait3A_581 = tpu.memref_squeeze %dma_wait3A_580 : memref<1x1x640xf32, #tpu.memory_space<vmem_shared>> -> memref<640xf32, #tpu.memory_space<vmem_shared>>
    %dma_wait3A_582 = arith.constant 0 : i32
    %dma_wait3A_583 = tpu.memref_slice %arg11[%dma_wait3A_575, %dma_wait3A_576, %dma_wait3A_582] : memref<2x16x640xf32, #tpu.memory_space<vmem>> -> memref<1x1x640xf32, #tpu.memory_space<vmem>>
    %dma_wait3A_584 = tpu.memref_squeeze %dma_wait3A_583 : memref<1x1x640xf32, #tpu.memory_space<vmem>> -> memref<640xf32, #tpu.memory_space<vmem>>
    %dma_wait3A_585 = tpu.memref_slice %arg14[%dma_wait3A_573, %dma_wait3A_574, %mul3A_96] : memref<16x2x10240xf32, #tpu.memory_space<vmem_shared>> -> memref<1x1x640xf32, #tpu.memory_space<vmem_shared>>
    %dma_wait3A_586 = tpu.memref_squeeze %dma_wait3A_585 : memref<1x1x640xf32, #tpu.memory_space<vmem_shared>> -> memref<640xf32, #tpu.memory_space<vmem_shared>>
    tpu.wait_dma2 semaphore(%arg13 : memref<!tpu.dma_semaphore, #tpu.memory_space<semaphore_mem>>) src(%dma_wait3A_586 : memref<640xf32, #tpu.memory_space<vmem_shared>>) dst(%dma_wait3A_584 : memref<640xf32, #tpu.memory_space<vmem>>)
    %dma_wait3A_587 = arith.constant 3 : i32
    %dma_wait3A_588 = arith.constant 0 : i32
    %dma_wait3A_589 = arith.constant 0 : i32
    %dma_wait3A_590 = arith.constant 3 : i32
    %dma_wait3A_591 = arith.constant 0 : i32
    %dma_wait3A_592 = tpu.memref_slice %arg11[%dma_wait3A_589, %dma_wait3A_590, %dma_wait3A_591] : memref<2x16x640xf32, #tpu.memory_space<vmem>> -> memref<1x1x640xf32, #tpu.memory_space<vmem>>
    %dma_wait3A_593 = tpu.memref_squeeze %dma_wait3A_592 : memref<1x1x640xf32, #tpu.memory_space<vmem>> -> memref<640xf32, #tpu.memory_space<vmem>>
    %dma_wait3A_594 = tpu.memref_slice %arg14[%dma_wait3A_587, %dma_wait3A_588, %mul3A_96] : memref<16x2x10240xf32, #tpu.memory_space<vmem_shared>> -> memref<1x1x640xf32, #tpu.memory_space<vmem_shared>>
    %dma_wait3A_595 = tpu.memref_squeeze %dma_wait3A_594 : memref<1x1x640xf32, #tpu.memory_space<vmem_shared>> -> memref<640xf32, #tpu.memory_space<vmem_shared>>
    %dma_wait3A_596 = arith.constant 0 : i32
    %dma_wait3A_597 = tpu.memref_slice %arg11[%dma_wait3A_589, %dma_wait3A_590, %dma_wait3A_596] : memref<2x16x640xf32, #tpu.memory_space<vmem>> -> memref<1x1x640xf32, #tpu.memory_space<vmem>>
    %dma_wait3A_598 = tpu.memref_squeeze %dma_wait3A_597 : memref<1x1x640xf32, #tpu.memory_space<vmem>> -> memref<640xf32, #tpu.memory_space<vmem>>
    %dma_wait3A_599 = tpu.memref_slice %arg14[%dma_wait3A_587, %dma_wait3A_588, %mul3A_96] : memref<16x2x10240xf32, #tpu.memory_space<vmem_shared>> -> memref<1x1x640xf32, #tpu.memory_space<vmem_shared>>
    %dma_wait3A_600 = tpu.memref_squeeze %dma_wait3A_599 : memref<1x1x640xf32, #tpu.memory_space<vmem_shared>> -> memref<640xf32, #tpu.memory_space<vmem_shared>>
    tpu.wait_dma2 semaphore(%arg13 : memref<!tpu.dma_semaphore, #tpu.memory_space<semaphore_mem>>) src(%dma_wait3A_600 : memref<640xf32, #tpu.memory_space<vmem_shared>>) dst(%dma_wait3A_598 : memref<640xf32, #tpu.memory_space<vmem>>)
    %dma_wait3A_601 = arith.constant 4 : i32
    %dma_wait3A_602 = arith.constant 0 : i32
    %dma_wait3A_603 = arith.constant 0 : i32
    %dma_wait3A_604 = arith.constant 4 : i32
    %dma_wait3A_605 = arith.constant 0 : i32
    %dma_wait3A_606 = tpu.memref_slice %arg11[%dma_wait3A_603, %dma_wait3A_604, %dma_wait3A_605] : memref<2x16x640xf32, #tpu.memory_space<vmem>> -> memref<1x1x640xf32, #tpu.memory_space<vmem>>
    %dma_wait3A_607 = tpu.memref_squeeze %dma_wait3A_606 : memref<1x1x640xf32, #tpu.memory_space<vmem>> -> memref<640xf32, #tpu.memory_space<vmem>>
    %dma_wait3A_608 = tpu.memref_slice %arg14[%dma_wait3A_601, %dma_wait3A_602, %mul3A_96] : memref<16x2x10240xf32, #tpu.memory_space<vmem_shared>> -> memref<1x1x640xf32, #tpu.memory_space<vmem_shared>>
    %dma_wait3A_609 = tpu.memref_squeeze %dma_wait3A_608 : memref<1x1x640xf32, #tpu.memory_space<vmem_shared>> -> memref<640xf32, #tpu.memory_space<vmem_shared>>
    %dma_wait3A_610 = arith.constant 0 : i32
    %dma_wait3A_611 = tpu.memref_slice %arg11[%dma_wait3A_603, %dma_wait3A_604, %dma_wait3A_610] : memref<2x16x640xf32, #tpu.memory_space<vmem>> -> memref<1x1x640xf32, #tpu.memory_space<vmem>>
    %dma_wait3A_612 = tpu.memref_squeeze %dma_wait3A_611 : memref<1x1x640xf32, #tpu.memory_space<vmem>> -> memref<640xf32, #tpu.memory_space<vmem>>
    %dma_wait3A_613 = tpu.memref_slice %arg14[%dma_wait3A_601, %dma_wait3A_602, %mul3A_96] : memref<16x2x10240xf32, #tpu.memory_space<vmem_shared>> -> memref<1x1x640xf32, #tpu.memory_space<vmem_shared>>
    %dma_wait3A_614 = tpu.memref_squeeze %dma_wait3A_613 : memref<1x1x640xf32, #tpu.memory_space<vmem_shared>> -> memref<640xf32, #tpu.memory_space<vmem_shared>>
    tpu.wait_dma2 semaphore(%arg13 : memref<!tpu.dma_semaphore, #tpu.memory_space<semaphore_mem>>) src(%dma_wait3A_614 : memref<640xf32, #tpu.memory_space<vmem_shared>>) dst(%dma_wait3A_612 : memref<640xf32, #tpu.memory_space<vmem>>)
    %dma_wait3A_615 = arith.constant 5 : i32
    %dma_wait3A_616 = arith.constant 0 : i32
    %dma_wait3A_617 = arith.constant 0 : i32
    %dma_wait3A_618 = arith.constant 5 : i32
    %dma_wait3A_619 = arith.constant 0 : i32
    %dma_wait3A_620 = tpu.memref_slice %arg11[%dma_wait3A_617, %dma_wait3A_618, %dma_wait3A_619] : memref<2x16x640xf32, #tpu.memory_space<vmem>> -> memref<1x1x640xf32, #tpu.memory_space<vmem>>
    %dma_wait3A_621 = tpu.memref_squeeze %dma_wait3A_620 : memref<1x1x640xf32, #tpu.memory_space<vmem>> -> memref<640xf32, #tpu.memory_space<vmem>>
    %dma_wait3A_622 = tpu.memref_slice %arg14[%dma_wait3A_615, %dma_wait3A_616, %mul3A_96] : memref<16x2x10240xf32, #tpu.memory_space<vmem_shared>> -> memref<1x1x640xf32, #tpu.memory_space<vmem_shared>>
    %dma_wait3A_623 = tpu.memref_squeeze %dma_wait3A_622 : memref<1x1x640xf32, #tpu.memory_space<vmem_shared>> -> memref<640xf32, #tpu.memory_space<vmem_shared>>
    %dma_wait3A_624 = arith.constant 0 : i32
    %dma_wait3A_625 = tpu.memref_slice %arg11[%dma_wait3A_617, %dma_wait3A_618, %dma_wait3A_624] : memref<2x16x640xf32, #tpu.memory_space<vmem>> -> memref<1x1x640xf32, #tpu.memory_space<vmem>>
    %dma_wait3A_626 = tpu.memref_squeeze %dma_wait3A_625 : memref<1x1x640xf32, #tpu.memory_space<vmem>> -> memref<640xf32, #tpu.memory_space<vmem>>
    %dma_wait3A_627 = tpu.memref_slice %arg14[%dma_wait3A_615, %dma_wait3A_616, %mul3A_96] : memref<16x2x10240xf32, #tpu.memory_space<vmem_shared>> -> memref<1x1x640xf32, #tpu.memory_space<vmem_shared>>
    %dma_wait3A_628 = tpu.memref_squeeze %dma_wait3A_627 : memref<1x1x640xf32, #tpu.memory_space<vmem_shared>> -> memref<640xf32, #tpu.memory_space<vmem_shared>>
    tpu.wait_dma2 semaphore(%arg13 : memref<!tpu.dma_semaphore, #tpu.memory_space<semaphore_mem>>) src(%dma_wait3A_628 : memref<640xf32, #tpu.memory_space<vmem_shared>>) dst(%dma_wait3A_626 : memref<640xf32, #tpu.memory_space<vmem>>)
    %dma_wait3A_629 = arith.constant 6 : i32
    %dma_wait3A_630 = arith.constant 0 : i32
    %dma_wait3A_631 = arith.constant 0 : i32
    %dma_wait3A_632 = arith.constant 6 : i32
    %dma_wait3A_633 = arith.constant 0 : i32
    %dma_wait3A_634 = tpu.memref_slice %arg11[%dma_wait3A_631, %dma_wait3A_632, %dma_wait3A_633] : memref<2x16x640xf32, #tpu.memory_space<vmem>> -> memref<1x1x640xf32, #tpu.memory_space<vmem>>
    %dma_wait3A_635 = tpu.memref_squeeze %dma_wait3A_634 : memref<1x1x640xf32, #tpu.memory_space<vmem>> -> memref<640xf32, #tpu.memory_space<vmem>>
    %dma_wait3A_636 = tpu.memref_slice %arg14[%dma_wait3A_629, %dma_wait3A_630, %mul3A_96] : memref<16x2x10240xf32, #tpu.memory_space<vmem_shared>> -> memref<1x1x640xf32, #tpu.memory_space<vmem_shared>>
    %dma_wait3A_637 = tpu.memref_squeeze %dma_wait3A_636 : memref<1x1x640xf32, #tpu.memory_space<vmem_shared>> -> memref<640xf32, #tpu.memory_space<vmem_shared>>
    %dma_wait3A_638 = arith.constant 0 : i32
    %dma_wait3A_639 = tpu.memref_slice %arg11[%dma_wait3A_631, %dma_wait3A_632, %dma_wait3A_638] : memref<2x16x640xf32, #tpu.memory_space<vmem>> -> memref<1x1x640xf32, #tpu.memory_space<vmem>>
    %dma_wait3A_640 = tpu.memref_squeeze %dma_wait3A_639 : memref<1x1x640xf32, #tpu.memory_space<vmem>> -> memref<640xf32, #tpu.memory_space<vmem>>
    %dma_wait3A_641 = tpu.memref_slice %arg14[%dma_wait3A_629, %dma_wait3A_630, %mul3A_96] : memref<16x2x10240xf32, #tpu.memory_space<vmem_shared>> -> memref<1x1x640xf32, #tpu.memory_space<vmem_shared>>
    %dma_wait3A_642 = tpu.memref_squeeze %dma_wait3A_641 : memref<1x1x640xf32, #tpu.memory_space<vmem_shared>> -> memref<640xf32, #tpu.memory_space<vmem_shared>>
    tpu.wait_dma2 semaphore(%arg13 : memref<!tpu.dma_semaphore, #tpu.memory_space<semaphore_mem>>) src(%dma_wait3A_642 : memref<640xf32, #tpu.memory_space<vmem_shared>>) dst(%dma_wait3A_640 : memref<640xf32, #tpu.memory_space<vmem>>)
    %dma_wait3A_643 = arith.constant 7 : i32
    %dma_wait3A_644 = arith.constant 0 : i32
    %dma_wait3A_645 = arith.constant 0 : i32
    %dma_wait3A_646 = arith.constant 7 : i32
    %dma_wait3A_647 = arith.constant 0 : i32
    %dma_wait3A_648 = tpu.memref_slice %arg11[%dma_wait3A_645, %dma_wait3A_646, %dma_wait3A_647] : memref<2x16x640xf32, #tpu.memory_space<vmem>> -> memref<1x1x640xf32, #tpu.memory_space<vmem>>
    %dma_wait3A_649 = tpu.memref_squeeze %dma_wait3A_648 : memref<1x1x640xf32, #tpu.memory_space<vmem>> -> memref<640xf32, #tpu.memory_space<vmem>>
    %dma_wait3A_650 = tpu.memref_slice %arg14[%dma_wait3A_643, %dma_wait3A_644, %mul3A_96] : memref<16x2x10240xf32, #tpu.memory_space<vmem_shared>> -> memref<1x1x640xf32, #tpu.memory_space<vmem_shared>>
    %dma_wait3A_651 = tpu.memref_squeeze %dma_wait3A_650 : memref<1x1x640xf32, #tpu.memory_space<vmem_shared>> -> memref<640xf32, #tpu.memory_space<vmem_shared>>
    %dma_wait3A_652 = arith.constant 0 : i32
    %dma_wait3A_653 = tpu.memref_slice %arg11[%dma_wait3A_645, %dma_wait3A_646, %dma_wait3A_652] : memref<2x16x640xf32, #tpu.memory_space<vmem>> -> memref<1x1x640xf32, #tpu.memory_space<vmem>>
    %dma_wait3A_654 = tpu.memref_squeeze %dma_wait3A_653 : memref<1x1x640xf32, #tpu.memory_space<vmem>> -> memref<640xf32, #tpu.memory_space<vmem>>
    %dma_wait3A_655 = tpu.memref_slice %arg14[%dma_wait3A_643, %dma_wait3A_644, %mul3A_96] : memref<16x2x10240xf32, #tpu.memory_space<vmem_shared>> -> memref<1x1x640xf32, #tpu.memory_space<vmem_shared>>
    %dma_wait3A_656 = tpu.memref_squeeze %dma_wait3A_655 : memref<1x1x640xf32, #tpu.memory_space<vmem_shared>> -> memref<640xf32, #tpu.memory_space<vmem_shared>>
    tpu.wait_dma2 semaphore(%arg13 : memref<!tpu.dma_semaphore, #tpu.memory_space<semaphore_mem>>) src(%dma_wait3A_656 : memref<640xf32, #tpu.memory_space<vmem_shared>>) dst(%dma_wait3A_654 : memref<640xf32, #tpu.memory_space<vmem>>)
    %dma_wait3A_657 = arith.constant 8 : i32
    %dma_wait3A_658 = arith.constant 0 : i32
    %dma_wait3A_659 = arith.constant 0 : i32
    %dma_wait3A_660 = arith.constant 8 : i32
    %dma_wait3A_661 = arith.constant 0 : i32
    %dma_wait3A_662 = tpu.memref_slice %arg11[%dma_wait3A_659, %dma_wait3A_660, %dma_wait3A_661] : memref<2x16x640xf32, #tpu.memory_space<vmem>> -> memref<1x1x640xf32, #tpu.memory_space<vmem>>
    %dma_wait3A_663 = tpu.memref_squeeze %dma_wait3A_662 : memref<1x1x640xf32, #tpu.memory_space<vmem>> -> memref<640xf32, #tpu.memory_space<vmem>>
    %dma_wait3A_664 = tpu.memref_slice %arg14[%dma_wait3A_657, %dma_wait3A_658, %mul3A_96] : memref<16x2x10240xf32, #tpu.memory_space<vmem_shared>> -> memref<1x1x640xf32, #tpu.memory_space<vmem_shared>>
    %dma_wait3A_665 = tpu.memref_squeeze %dma_wait3A_664 : memref<1x1x640xf32, #tpu.memory_space<vmem_shared>> -> memref<640xf32, #tpu.memory_space<vmem_shared>>
    %dma_wait3A_666 = arith.constant 0 : i32
    %dma_wait3A_667 = tpu.memref_slice %arg11[%dma_wait3A_659, %dma_wait3A_660, %dma_wait3A_666] : memref<2x16x640xf32, #tpu.memory_space<vmem>> -> memref<1x1x640xf32, #tpu.memory_space<vmem>>
    %dma_wait3A_668 = tpu.memref_squeeze %dma_wait3A_667 : memref<1x1x640xf32, #tpu.memory_space<vmem>> -> memref<640xf32, #tpu.memory_space<vmem>>
    %dma_wait3A_669 = tpu.memref_slice %arg14[%dma_wait3A_657, %dma_wait3A_658, %mul3A_96] : memref<16x2x10240xf32, #tpu.memory_space<vmem_shared>> -> memref<1x1x640xf32, #tpu.memory_space<vmem_shared>>
    %dma_wait3A_670 = tpu.memref_squeeze %dma_wait3A_669 : memref<1x1x640xf32, #tpu.memory_space<vmem_shared>> -> memref<640xf32, #tpu.memory_space<vmem_shared>>
    tpu.wait_dma2 semaphore(%arg13 : memref<!tpu.dma_semaphore, #tpu.memory_space<semaphore_mem>>) src(%dma_wait3A_670 : memref<640xf32, #tpu.memory_space<vmem_shared>>) dst(%dma_wait3A_668 : memref<640xf32, #tpu.memory_space<vmem>>)
    %dma_wait3A_671 = arith.constant 9 : i32
    %dma_wait3A_672 = arith.constant 0 : i32
    %dma_wait3A_673 = arith.constant 0 : i32
    %dma_wait3A_674 = arith.constant 9 : i32
    %dma_wait3A_675 = arith.constant 0 : i32
    %dma_wait3A_676 = tpu.memref_slice %arg11[%dma_wait3A_673, %dma_wait3A_674, %dma_wait3A_675] : memref<2x16x640xf32, #tpu.memory_space<vmem>> -> memref<1x1x640xf32, #tpu.memory_space<vmem>>
    %dma_wait3A_677 = tpu.memref_squeeze %dma_wait3A_676 : memref<1x1x640xf32, #tpu.memory_space<vmem>> -> memref<640xf32, #tpu.memory_space<vmem>>
    %dma_wait3A_678 = tpu.memref_slice %arg14[%dma_wait3A_671, %dma_wait3A_672, %mul3A_96] : memref<16x2x10240xf32, #tpu.memory_space<vmem_shared>> -> memref<1x1x640xf32, #tpu.memory_space<vmem_shared>>
    %dma_wait3A_679 = tpu.memref_squeeze %dma_wait3A_678 : memref<1x1x640xf32, #tpu.memory_space<vmem_shared>> -> memref<640xf32, #tpu.memory_space<vmem_shared>>
    %dma_wait3A_680 = arith.constant 0 : i32
    %dma_wait3A_681 = tpu.memref_slice %arg11[%dma_wait3A_673, %dma_wait3A_674, %dma_wait3A_680] : memref<2x16x640xf32, #tpu.memory_space<vmem>> -> memref<1x1x640xf32, #tpu.memory_space<vmem>>
    %dma_wait3A_682 = tpu.memref_squeeze %dma_wait3A_681 : memref<1x1x640xf32, #tpu.memory_space<vmem>> -> memref<640xf32, #tpu.memory_space<vmem>>
    %dma_wait3A_683 = tpu.memref_slice %arg14[%dma_wait3A_671, %dma_wait3A_672, %mul3A_96] : memref<16x2x10240xf32, #tpu.memory_space<vmem_shared>> -> memref<1x1x640xf32, #tpu.memory_space<vmem_shared>>
    %dma_wait3A_684 = tpu.memref_squeeze %dma_wait3A_683 : memref<1x1x640xf32, #tpu.memory_space<vmem_shared>> -> memref<640xf32, #tpu.memory_space<vmem_shared>>
    tpu.wait_dma2 semaphore(%arg13 : memref<!tpu.dma_semaphore, #tpu.memory_space<semaphore_mem>>) src(%dma_wait3A_684 : memref<640xf32, #tpu.memory_space<vmem_shared>>) dst(%dma_wait3A_682 : memref<640xf32, #tpu.memory_space<vmem>>)
    %dma_wait3A_685 = arith.constant 10 : i32
    %dma_wait3A_686 = arith.constant 0 : i32
    %dma_wait3A_687 = arith.constant 0 : i32
    %dma_wait3A_688 = arith.constant 10 : i32
    %dma_wait3A_689 = arith.constant 0 : i32
    %dma_wait3A_690 = tpu.memref_slice %arg11[%dma_wait3A_687, %dma_wait3A_688, %dma_wait3A_689] : memref<2x16x640xf32, #tpu.memory_space<vmem>> -> memref<1x1x640xf32, #tpu.memory_space<vmem>>
    %dma_wait3A_691 = tpu.memref_squeeze %dma_wait3A_690 : memref<1x1x640xf32, #tpu.memory_space<vmem>> -> memref<640xf32, #tpu.memory_space<vmem>>
    %dma_wait3A_692 = tpu.memref_slice %arg14[%dma_wait3A_685, %dma_wait3A_686, %mul3A_96] : memref<16x2x10240xf32, #tpu.memory_space<vmem_shared>> -> memref<1x1x640xf32, #tpu.memory_space<vmem_shared>>
    %dma_wait3A_693 = tpu.memref_squeeze %dma_wait3A_692 : memref<1x1x640xf32, #tpu.memory_space<vmem_shared>> -> memref<640xf32, #tpu.memory_space<vmem_shared>>
    %dma_wait3A_694 = arith.constant 0 : i32
    %dma_wait3A_695 = tpu.memref_slice %arg11[%dma_wait3A_687, %dma_wait3A_688, %dma_wait3A_694] : memref<2x16x640xf32, #tpu.memory_space<vmem>> -> memref<1x1x640xf32, #tpu.memory_space<vmem>>
    %dma_wait3A_696 = tpu.memref_squeeze %dma_wait3A_695 : memref<1x1x640xf32, #tpu.memory_space<vmem>> -> memref<640xf32, #tpu.memory_space<vmem>>
    %dma_wait3A_697 = tpu.memref_slice %arg14[%dma_wait3A_685, %dma_wait3A_686, %mul3A_96] : memref<16x2x10240xf32, #tpu.memory_space<vmem_shared>> -> memref<1x1x640xf32, #tpu.memory_space<vmem_shared>>
    %dma_wait3A_698 = tpu.memref_squeeze %dma_wait3A_697 : memref<1x1x640xf32, #tpu.memory_space<vmem_shared>> -> memref<640xf32, #tpu.memory_space<vmem_shared>>
    tpu.wait_dma2 semaphore(%arg13 : memref<!tpu.dma_semaphore, #tpu.memory_space<semaphore_mem>>) src(%dma_wait3A_698 : memref<640xf32, #tpu.memory_space<vmem_shared>>) dst(%dma_wait3A_696 : memref<640xf32, #tpu.memory_space<vmem>>)
    %dma_wait3A_699 = arith.constant 11 : i32
    %dma_wait3A_700 = arith.constant 0 : i32
    %dma_wait3A_701 = arith.constant 0 : i32
    %dma_wait3A_702 = arith.constant 11 : i32
    %dma_wait3A_703 = arith.constant 0 : i32
    %dma_wait3A_704 = tpu.memref_slice %arg11[%dma_wait3A_701, %dma_wait3A_702, %dma_wait3A_703] : memref<2x16x640xf32, #tpu.memory_space<vmem>> -> memref<1x1x640xf32, #tpu.memory_space<vmem>>
    %dma_wait3A_705 = tpu.memref_squeeze %dma_wait3A_704 : memref<1x1x640xf32, #tpu.memory_space<vmem>> -> memref<640xf32, #tpu.memory_space<vmem>>
    %dma_wait3A_706 = tpu.memref_slice %arg14[%dma_wait3A_699, %dma_wait3A_700, %mul3A_96] : memref<16x2x10240xf32, #tpu.memory_space<vmem_shared>> -> memref<1x1x640xf32, #tpu.memory_space<vmem_shared>>
    %dma_wait3A_707 = tpu.memref_squeeze %dma_wait3A_706 : memref<1x1x640xf32, #tpu.memory_space<vmem_shared>> -> memref<640xf32, #tpu.memory_space<vmem_shared>>
    %dma_wait3A_708 = arith.constant 0 : i32
    %dma_wait3A_709 = tpu.memref_slice %arg11[%dma_wait3A_701, %dma_wait3A_702, %dma_wait3A_708] : memref<2x16x640xf32, #tpu.memory_space<vmem>> -> memref<1x1x640xf32, #tpu.memory_space<vmem>>
    %dma_wait3A_710 = tpu.memref_squeeze %dma_wait3A_709 : memref<1x1x640xf32, #tpu.memory_space<vmem>> -> memref<640xf32, #tpu.memory_space<vmem>>
    %dma_wait3A_711 = tpu.memref_slice %arg14[%dma_wait3A_699, %dma_wait3A_700, %mul3A_96] : memref<16x2x10240xf32, #tpu.memory_space<vmem_shared>> -> memref<1x1x640xf32, #tpu.memory_space<vmem_shared>>
    %dma_wait3A_712 = tpu.memref_squeeze %dma_wait3A_711 : memref<1x1x640xf32, #tpu.memory_space<vmem_shared>> -> memref<640xf32, #tpu.memory_space<vmem_shared>>
    tpu.wait_dma2 semaphore(%arg13 : memref<!tpu.dma_semaphore, #tpu.memory_space<semaphore_mem>>) src(%dma_wait3A_712 : memref<640xf32, #tpu.memory_space<vmem_shared>>) dst(%dma_wait3A_710 : memref<640xf32, #tpu.memory_space<vmem>>)
    %dma_wait3A_713 = arith.constant 12 : i32
    %dma_wait3A_714 = arith.constant 0 : i32
    %dma_wait3A_715 = arith.constant 0 : i32
    %dma_wait3A_716 = arith.constant 12 : i32
    %dma_wait3A_717 = arith.constant 0 : i32
    %dma_wait3A_718 = tpu.memref_slice %arg11[%dma_wait3A_715, %dma_wait3A_716, %dma_wait3A_717] : memref<2x16x640xf32, #tpu.memory_space<vmem>> -> memref<1x1x640xf32, #tpu.memory_space<vmem>>
    %dma_wait3A_719 = tpu.memref_squeeze %dma_wait3A_718 : memref<1x1x640xf32, #tpu.memory_space<vmem>> -> memref<640xf32, #tpu.memory_space<vmem>>
    %dma_wait3A_720 = tpu.memref_slice %arg14[%dma_wait3A_713, %dma_wait3A_714, %mul3A_96] : memref<16x2x10240xf32, #tpu.memory_space<vmem_shared>> -> memref<1x1x640xf32, #tpu.memory_space<vmem_shared>>
    %dma_wait3A_721 = tpu.memref_squeeze %dma_wait3A_720 : memref<1x1x640xf32, #tpu.memory_space<vmem_shared>> -> memref<640xf32, #tpu.memory_space<vmem_shared>>
    %dma_wait3A_722 = arith.constant 0 : i32
    %dma_wait3A_723 = tpu.memref_slice %arg11[%dma_wait3A_715, %dma_wait3A_716, %dma_wait3A_722] : memref<2x16x640xf32, #tpu.memory_space<vmem>> -> memref<1x1x640xf32, #tpu.memory_space<vmem>>
    %dma_wait3A_724 = tpu.memref_squeeze %dma_wait3A_723 : memref<1x1x640xf32, #tpu.memory_space<vmem>> -> memref<640xf32, #tpu.memory_space<vmem>>
    %dma_wait3A_725 = tpu.memref_slice %arg14[%dma_wait3A_713, %dma_wait3A_714, %mul3A_96] : memref<16x2x10240xf32, #tpu.memory_space<vmem_shared>> -> memref<1x1x640xf32, #tpu.memory_space<vmem_shared>>
    %dma_wait3A_726 = tpu.memref_squeeze %dma_wait3A_725 : memref<1x1x640xf32, #tpu.memory_space<vmem_shared>> -> memref<640xf32, #tpu.memory_space<vmem_shared>>
    tpu.wait_dma2 semaphore(%arg13 : memref<!tpu.dma_semaphore, #tpu.memory_space<semaphore_mem>>) src(%dma_wait3A_726 : memref<640xf32, #tpu.memory_space<vmem_shared>>) dst(%dma_wait3A_724 : memref<640xf32, #tpu.memory_space<vmem>>)
    %dma_wait3A_727 = arith.constant 13 : i32
    %dma_wait3A_728 = arith.constant 0 : i32
    %dma_wait3A_729 = arith.constant 0 : i32
    %dma_wait3A_730 = arith.constant 13 : i32
    %dma_wait3A_731 = arith.constant 0 : i32
    %dma_wait3A_732 = tpu.memref_slice %arg11[%dma_wait3A_729, %dma_wait3A_730, %dma_wait3A_731] : memref<2x16x640xf32, #tpu.memory_space<vmem>> -> memref<1x1x640xf32, #tpu.memory_space<vmem>>
    %dma_wait3A_733 = tpu.memref_squeeze %dma_wait3A_732 : memref<1x1x640xf32, #tpu.memory_space<vmem>> -> memref<640xf32, #tpu.memory_space<vmem>>
    %dma_wait3A_734 = tpu.memref_slice %arg14[%dma_wait3A_727, %dma_wait3A_728, %mul3A_96] : memref<16x2x10240xf32, #tpu.memory_space<vmem_shared>> -> memref<1x1x640xf32, #tpu.memory_space<vmem_shared>>
    %dma_wait3A_735 = tpu.memref_squeeze %dma_wait3A_734 : memref<1x1x640xf32, #tpu.memory_space<vmem_shared>> -> memref<640xf32, #tpu.memory_space<vmem_shared>>
    %dma_wait3A_736 = arith.constant 0 : i32
    %dma_wait3A_737 = tpu.memref_slice %arg11[%dma_wait3A_729, %dma_wait3A_730, %dma_wait3A_736] : memref<2x16x640xf32, #tpu.memory_space<vmem>> -> memref<1x1x640xf32, #tpu.memory_space<vmem>>
    %dma_wait3A_738 = tpu.memref_squeeze %dma_wait3A_737 : memref<1x1x640xf32, #tpu.memory_space<vmem>> -> memref<640xf32, #tpu.memory_space<vmem>>
    %dma_wait3A_739 = tpu.memref_slice %arg14[%dma_wait3A_727, %dma_wait3A_728, %mul3A_96] : memref<16x2x10240xf32, #tpu.memory_space<vmem_shared>> -> memref<1x1x640xf32, #tpu.memory_space<vmem_shared>>
    %dma_wait3A_740 = tpu.memref_squeeze %dma_wait3A_739 : memref<1x1x640xf32, #tpu.memory_space<vmem_shared>> -> memref<640xf32, #tpu.memory_space<vmem_shared>>
    tpu.wait_dma2 semaphore(%arg13 : memref<!tpu.dma_semaphore, #tpu.memory_space<semaphore_mem>>) src(%dma_wait3A_740 : memref<640xf32, #tpu.memory_space<vmem_shared>>) dst(%dma_wait3A_738 : memref<640xf32, #tpu.memory_space<vmem>>)
    %dma_wait3A_741 = arith.constant 14 : i32
    %dma_wait3A_742 = arith.constant 0 : i32
    %dma_wait3A_743 = arith.constant 0 : i32
    %dma_wait3A_744 = arith.constant 14 : i32
    %dma_wait3A_745 = arith.constant 0 : i32
    %dma_wait3A_746 = tpu.memref_slice %arg11[%dma_wait3A_743, %dma_wait3A_744, %dma_wait3A_745] : memref<2x16x640xf32, #tpu.memory_space<vmem>> -> memref<1x1x640xf32, #tpu.memory_space<vmem>>
    %dma_wait3A_747 = tpu.memref_squeeze %dma_wait3A_746 : memref<1x1x640xf32, #tpu.memory_space<vmem>> -> memref<640xf32, #tpu.memory_space<vmem>>
    %dma_wait3A_748 = tpu.memref_slice %arg14[%dma_wait3A_741, %dma_wait3A_742, %mul3A_96] : memref<16x2x10240xf32, #tpu.memory_space<vmem_shared>> -> memref<1x1x640xf32, #tpu.memory_space<vmem_shared>>
    %dma_wait3A_749 = tpu.memref_squeeze %dma_wait3A_748 : memref<1x1x640xf32, #tpu.memory_space<vmem_shared>> -> memref<640xf32, #tpu.memory_space<vmem_shared>>
    %dma_wait3A_750 = arith.constant 0 : i32
    %dma_wait3A_751 = tpu.memref_slice %arg11[%dma_wait3A_743, %dma_wait3A_744, %dma_wait3A_750] : memref<2x16x640xf32, #tpu.memory_space<vmem>> -> memref<1x1x640xf32, #tpu.memory_space<vmem>>
    %dma_wait3A_752 = tpu.memref_squeeze %dma_wait3A_751 : memref<1x1x640xf32, #tpu.memory_space<vmem>> -> memref<640xf32, #tpu.memory_space<vmem>>
    %dma_wait3A_753 = tpu.memref_slice %arg14[%dma_wait3A_741, %dma_wait3A_742, %mul3A_96] : memref<16x2x10240xf32, #tpu.memory_space<vmem_shared>> -> memref<1x1x640xf32, #tpu.memory_space<vmem_shared>>
    %dma_wait3A_754 = tpu.memref_squeeze %dma_wait3A_753 : memref<1x1x640xf32, #tpu.memory_space<vmem_shared>> -> memref<640xf32, #tpu.memory_space<vmem_shared>>
    tpu.wait_dma2 semaphore(%arg13 : memref<!tpu.dma_semaphore, #tpu.memory_space<semaphore_mem>>) src(%dma_wait3A_754 : memref<640xf32, #tpu.memory_space<vmem_shared>>) dst(%dma_wait3A_752 : memref<640xf32, #tpu.memory_space<vmem>>)
    %dma_wait3A_755 = arith.constant 15 : i32
    %dma_wait3A_756 = arith.constant 0 : i32
    %dma_wait3A_757 = arith.constant 0 : i32
    %dma_wait3A_758 = arith.constant 15 : i32
    %dma_wait3A_759 = arith.constant 0 : i32
    %dma_wait3A_760 = tpu.memref_slice %arg11[%dma_wait3A_757, %dma_wait3A_758, %dma_wait3A_759] : memref<2x16x640xf32, #tpu.memory_space<vmem>> -> memref<1x1x640xf32, #tpu.memory_space<vmem>>
    %dma_wait3A_761 = tpu.memref_squeeze %dma_wait3A_760 : memref<1x1x640xf32, #tpu.memory_space<vmem>> -> memref<640xf32, #tpu.memory_space<vmem>>
    %dma_wait3A_762 = tpu.memref_slice %arg14[%dma_wait3A_755, %dma_wait3A_756, %mul3A_96] : memref<16x2x10240xf32, #tpu.memory_space<vmem_shared>> -> memref<1x1x640xf32, #tpu.memory_space<vmem_shared>>
    %dma_wait3A_763 = tpu.memref_squeeze %dma_wait3A_762 : memref<1x1x640xf32, #tpu.memory_space<vmem_shared>> -> memref<640xf32, #tpu.memory_space<vmem_shared>>
    %dma_wait3A_764 = arith.constant 0 : i32
    %dma_wait3A_765 = tpu.memref_slice %arg11[%dma_wait3A_757, %dma_wait3A_758, %dma_wait3A_764] : memref<2x16x640xf32, #tpu.memory_space<vmem>> -> memref<1x1x640xf32, #tpu.memory_space<vmem>>
    %dma_wait3A_766 = tpu.memref_squeeze %dma_wait3A_765 : memref<1x1x640xf32, #tpu.memory_space<vmem>> -> memref<640xf32, #tpu.memory_space<vmem>>
    %dma_wait3A_767 = tpu.memref_slice %arg14[%dma_wait3A_755, %dma_wait3A_756, %mul3A_96] : memref<16x2x10240xf32, #tpu.memory_space<vmem_shared>> -> memref<1x1x640xf32, #tpu.memory_space<vmem_shared>>
    %dma_wait3A_768 = tpu.memref_squeeze %dma_wait3A_767 : memref<1x1x640xf32, #tpu.memory_space<vmem_shared>> -> memref<640xf32, #tpu.memory_space<vmem_shared>>
    tpu.wait_dma2 semaphore(%arg13 : memref<!tpu.dma_semaphore, #tpu.memory_space<semaphore_mem>>) src(%dma_wait3A_768 : memref<640xf32, #tpu.memory_space<vmem_shared>>) dst(%dma_wait3A_766 : memref<640xf32, #tpu.memory_space<vmem>>)
    %dma_wait3A_769 = arith.constant 0 : i32
    %dma_wait3A_770 = arith.constant 1 : i32
    %dma_wait3A_771 = arith.constant 1 : i32
    %dma_wait3A_772 = arith.constant 0 : i32
    %dma_wait3A_773 = arith.constant 0 : i32
    %dma_wait3A_774 = tpu.memref_slice %arg11[%dma_wait3A_771, %dma_wait3A_772, %dma_wait3A_773] : memref<2x16x640xf32, #tpu.memory_space<vmem>> -> memref<1x1x640xf32, #tpu.memory_space<vmem>>
    %dma_wait3A_775 = tpu.memref_squeeze %dma_wait3A_774 : memref<1x1x640xf32, #tpu.memory_space<vmem>> -> memref<640xf32, #tpu.memory_space<vmem>>
    %dma_wait3A_776 = tpu.memref_slice %arg14[%dma_wait3A_769, %dma_wait3A_770, %mul3A_96] : memref<16x2x10240xf32, #tpu.memory_space<vmem_shared>> -> memref<1x1x640xf32, #tpu.memory_space<vmem_shared>>
    %dma_wait3A_777 = tpu.memref_squeeze %dma_wait3A_776 : memref<1x1x640xf32, #tpu.memory_space<vmem_shared>> -> memref<640xf32, #tpu.memory_space<vmem_shared>>
    %dma_wait3A_778 = arith.constant 0 : i32
    %dma_wait3A_779 = tpu.memref_slice %arg11[%dma_wait3A_771, %dma_wait3A_772, %dma_wait3A_778] : memref<2x16x640xf32, #tpu.memory_space<vmem>> -> memref<1x1x640xf32, #tpu.memory_space<vmem>>
    %dma_wait3A_780 = tpu.memref_squeeze %dma_wait3A_779 : memref<1x1x640xf32, #tpu.memory_space<vmem>> -> memref<640xf32, #tpu.memory_space<vmem>>
    %dma_wait3A_781 = tpu.memref_slice %arg14[%dma_wait3A_769, %dma_wait3A_770, %mul3A_96] : memref<16x2x10240xf32, #tpu.memory_space<vmem_shared>> -> memref<1x1x640xf32, #tpu.memory_space<vmem_shared>>
    %dma_wait3A_782 = tpu.memref_squeeze %dma_wait3A_781 : memref<1x1x640xf32, #tpu.memory_space<vmem_shared>> -> memref<640xf32, #tpu.memory_space<vmem_shared>>
    tpu.wait_dma2 semaphore(%arg13 : memref<!tpu.dma_semaphore, #tpu.memory_space<semaphore_mem>>) src(%dma_wait3A_782 : memref<640xf32, #tpu.memory_space<vmem_shared>>) dst(%dma_wait3A_780 : memref<640xf32, #tpu.memory_space<vmem>>)
    %dma_wait3A_783 = arith.constant 1 : i32
    %dma_wait3A_784 = arith.constant 1 : i32
    %dma_wait3A_785 = arith.constant 1 : i32
    %dma_wait3A_786 = arith.constant 1 : i32
    %dma_wait3A_787 = arith.constant 0 : i32
    %dma_wait3A_788 = tpu.memref_slice %arg11[%dma_wait3A_785, %dma_wait3A_786, %dma_wait3A_787] : memref<2x16x640xf32, #tpu.memory_space<vmem>> -> memref<1x1x640xf32, #tpu.memory_space<vmem>>
    %dma_wait3A_789 = tpu.memref_squeeze %dma_wait3A_788 : memref<1x1x640xf32, #tpu.memory_space<vmem>> -> memref<640xf32, #tpu.memory_space<vmem>>
    %dma_wait3A_790 = tpu.memref_slice %arg14[%dma_wait3A_783, %dma_wait3A_784, %mul3A_96] : memref<16x2x10240xf32, #tpu.memory_space<vmem_shared>> -> memref<1x1x640xf32, #tpu.memory_space<vmem_shared>>
    %dma_wait3A_791 = tpu.memref_squeeze %dma_wait3A_790 : memref<1x1x640xf32, #tpu.memory_space<vmem_shared>> -> memref<640xf32, #tpu.memory_space<vmem_shared>>
    %dma_wait3A_792 = arith.constant 0 : i32
    %dma_wait3A_793 = tpu.memref_slice %arg11[%dma_wait3A_785, %dma_wait3A_786, %dma_wait3A_792] : memref<2x16x640xf32, #tpu.memory_space<vmem>> -> memref<1x1x640xf32, #tpu.memory_space<vmem>>
    %dma_wait3A_794 = tpu.memref_squeeze %dma_wait3A_793 : memref<1x1x640xf32, #tpu.memory_space<vmem>> -> memref<640xf32, #tpu.memory_space<vmem>>
    %dma_wait3A_795 = tpu.memref_slice %arg14[%dma_wait3A_783, %dma_wait3A_784, %mul3A_96] : memref<16x2x10240xf32, #tpu.memory_space<vmem_shared>> -> memref<1x1x640xf32, #tpu.memory_space<vmem_shared>>
    %dma_wait3A_796 = tpu.memref_squeeze %dma_wait3A_795 : memref<1x1x640xf32, #tpu.memory_space<vmem_shared>> -> memref<640xf32, #tpu.memory_space<vmem_shared>>
    tpu.wait_dma2 semaphore(%arg13 : memref<!tpu.dma_semaphore, #tpu.memory_space<semaphore_mem>>) src(%dma_wait3A_796 : memref<640xf32, #tpu.memory_space<vmem_shared>>) dst(%dma_wait3A_794 : memref<640xf32, #tpu.memory_space<vmem>>)
    %dma_wait3A_797 = arith.constant 2 : i32
    %dma_wait3A_798 = arith.constant 1 : i32
    %dma_wait3A_799 = arith.constant 1 : i32
    %dma_wait3A_800 = arith.constant 2 : i32
    %dma_wait3A_801 = arith.constant 0 : i32
    %dma_wait3A_802 = tpu.memref_slice %arg11[%dma_wait3A_799, %dma_wait3A_800, %dma_wait3A_801] : memref<2x16x640xf32, #tpu.memory_space<vmem>> -> memref<1x1x640xf32, #tpu.memory_space<vmem>>
    %dma_wait3A_803 = tpu.memref_squeeze %dma_wait3A_802 : memref<1x1x640xf32, #tpu.memory_space<vmem>> -> memref<640xf32, #tpu.memory_space<vmem>>
    %dma_wait3A_804 = tpu.memref_slice %arg14[%dma_wait3A_797, %dma_wait3A_798, %mul3A_96] : memref<16x2x10240xf32, #tpu.memory_space<vmem_shared>> -> memref<1x1x640xf32, #tpu.memory_space<vmem_shared>>
    %dma_wait3A_805 = tpu.memref_squeeze %dma_wait3A_804 : memref<1x1x640xf32, #tpu.memory_space<vmem_shared>> -> memref<640xf32, #tpu.memory_space<vmem_shared>>
    %dma_wait3A_806 = arith.constant 0 : i32
    %dma_wait3A_807 = tpu.memref_slice %arg11[%dma_wait3A_799, %dma_wait3A_800, %dma_wait3A_806] : memref<2x16x640xf32, #tpu.memory_space<vmem>> -> memref<1x1x640xf32, #tpu.memory_space<vmem>>
    %dma_wait3A_808 = tpu.memref_squeeze %dma_wait3A_807 : memref<1x1x640xf32, #tpu.memory_space<vmem>> -> memref<640xf32, #tpu.memory_space<vmem>>
    %dma_wait3A_809 = tpu.memref_slice %arg14[%dma_wait3A_797, %dma_wait3A_798, %mul3A_96] : memref<16x2x10240xf32, #tpu.memory_space<vmem_shared>> -> memref<1x1x640xf32, #tpu.memory_space<vmem_shared>>
    %dma_wait3A_810 = tpu.memref_squeeze %dma_wait3A_809 : memref<1x1x640xf32, #tpu.memory_space<vmem_shared>> -> memref<640xf32, #tpu.memory_space<vmem_shared>>
    tpu.wait_dma2 semaphore(%arg13 : memref<!tpu.dma_semaphore, #tpu.memory_space<semaphore_mem>>) src(%dma_wait3A_810 : memref<640xf32, #tpu.memory_space<vmem_shared>>) dst(%dma_wait3A_808 : memref<640xf32, #tpu.memory_space<vmem>>)
    %dma_wait3A_811 = arith.constant 3 : i32
    %dma_wait3A_812 = arith.constant 1 : i32
    %dma_wait3A_813 = arith.constant 1 : i32
    %dma_wait3A_814 = arith.constant 3 : i32
    %dma_wait3A_815 = arith.constant 0 : i32
    %dma_wait3A_816 = tpu.memref_slice %arg11[%dma_wait3A_813, %dma_wait3A_814, %dma_wait3A_815] : memref<2x16x640xf32, #tpu.memory_space<vmem>> -> memref<1x1x640xf32, #tpu.memory_space<vmem>>
    %dma_wait3A_817 = tpu.memref_squeeze %dma_wait3A_816 : memref<1x1x640xf32, #tpu.memory_space<vmem>> -> memref<640xf32, #tpu.memory_space<vmem>>
    %dma_wait3A_818 = tpu.memref_slice %arg14[%dma_wait3A_811, %dma_wait3A_812, %mul3A_96] : memref<16x2x10240xf32, #tpu.memory_space<vmem_shared>> -> memref<1x1x640xf32, #tpu.memory_space<vmem_shared>>
    %dma_wait3A_819 = tpu.memref_squeeze %dma_wait3A_818 : memref<1x1x640xf32, #tpu.memory_space<vmem_shared>> -> memref<640xf32, #tpu.memory_space<vmem_shared>>
    %dma_wait3A_820 = arith.constant 0 : i32
    %dma_wait3A_821 = tpu.memref_slice %arg11[%dma_wait3A_813, %dma_wait3A_814, %dma_wait3A_820] : memref<2x16x640xf32, #tpu.memory_space<vmem>> -> memref<1x1x640xf32, #tpu.memory_space<vmem>>
    %dma_wait3A_822 = tpu.memref_squeeze %dma_wait3A_821 : memref<1x1x640xf32, #tpu.memory_space<vmem>> -> memref<640xf32, #tpu.memory_space<vmem>>
    %dma_wait3A_823 = tpu.memref_slice %arg14[%dma_wait3A_811, %dma_wait3A_812, %mul3A_96] : memref<16x2x10240xf32, #tpu.memory_space<vmem_shared>> -> memref<1x1x640xf32, #tpu.memory_space<vmem_shared>>
    %dma_wait3A_824 = tpu.memref_squeeze %dma_wait3A_823 : memref<1x1x640xf32, #tpu.memory_space<vmem_shared>> -> memref<640xf32, #tpu.memory_space<vmem_shared>>
    tpu.wait_dma2 semaphore(%arg13 : memref<!tpu.dma_semaphore, #tpu.memory_space<semaphore_mem>>) src(%dma_wait3A_824 : memref<640xf32, #tpu.memory_space<vmem_shared>>) dst(%dma_wait3A_822 : memref<640xf32, #tpu.memory_space<vmem>>)
    %dma_wait3A_825 = arith.constant 4 : i32
    %dma_wait3A_826 = arith.constant 1 : i32
    %dma_wait3A_827 = arith.constant 1 : i32
    %dma_wait3A_828 = arith.constant 4 : i32
    %dma_wait3A_829 = arith.constant 0 : i32
    %dma_wait3A_830 = tpu.memref_slice %arg11[%dma_wait3A_827, %dma_wait3A_828, %dma_wait3A_829] : memref<2x16x640xf32, #tpu.memory_space<vmem>> -> memref<1x1x640xf32, #tpu.memory_space<vmem>>
    %dma_wait3A_831 = tpu.memref_squeeze %dma_wait3A_830 : memref<1x1x640xf32, #tpu.memory_space<vmem>> -> memref<640xf32, #tpu.memory_space<vmem>>
    %dma_wait3A_832 = tpu.memref_slice %arg14[%dma_wait3A_825, %dma_wait3A_826, %mul3A_96] : memref<16x2x10240xf32, #tpu.memory_space<vmem_shared>> -> memref<1x1x640xf32, #tpu.memory_space<vmem_shared>>
    %dma_wait3A_833 = tpu.memref_squeeze %dma_wait3A_832 : memref<1x1x640xf32, #tpu.memory_space<vmem_shared>> -> memref<640xf32, #tpu.memory_space<vmem_shared>>
    %dma_wait3A_834 = arith.constant 0 : i32
    %dma_wait3A_835 = tpu.memref_slice %arg11[%dma_wait3A_827, %dma_wait3A_828, %dma_wait3A_834] : memref<2x16x640xf32, #tpu.memory_space<vmem>> -> memref<1x1x640xf32, #tpu.memory_space<vmem>>
    %dma_wait3A_836 = tpu.memref_squeeze %dma_wait3A_835 : memref<1x1x640xf32, #tpu.memory_space<vmem>> -> memref<640xf32, #tpu.memory_space<vmem>>
    %dma_wait3A_837 = tpu.memref_slice %arg14[%dma_wait3A_825, %dma_wait3A_826, %mul3A_96] : memref<16x2x10240xf32, #tpu.memory_space<vmem_shared>> -> memref<1x1x640xf32, #tpu.memory_space<vmem_shared>>
    %dma_wait3A_838 = tpu.memref_squeeze %dma_wait3A_837 : memref<1x1x640xf32, #tpu.memory_space<vmem_shared>> -> memref<640xf32, #tpu.memory_space<vmem_shared>>
    tpu.wait_dma2 semaphore(%arg13 : memref<!tpu.dma_semaphore, #tpu.memory_space<semaphore_mem>>) src(%dma_wait3A_838 : memref<640xf32, #tpu.memory_space<vmem_shared>>) dst(%dma_wait3A_836 : memref<640xf32, #tpu.memory_space<vmem>>)
    %dma_wait3A_839 = arith.constant 5 : i32
    %dma_wait3A_840 = arith.constant 1 : i32
    %dma_wait3A_841 = arith.constant 1 : i32
    %dma_wait3A_842 = arith.constant 5 : i32
    %dma_wait3A_843 = arith.constant 0 : i32
    %dma_wait3A_844 = tpu.memref_slice %arg11[%dma_wait3A_841, %dma_wait3A_842, %dma_wait3A_843] : memref<2x16x640xf32, #tpu.memory_space<vmem>> -> memref<1x1x640xf32, #tpu.memory_space<vmem>>
    %dma_wait3A_845 = tpu.memref_squeeze %dma_wait3A_844 : memref<1x1x640xf32, #tpu.memory_space<vmem>> -> memref<640xf32, #tpu.memory_space<vmem>>
    %dma_wait3A_846 = tpu.memref_slice %arg14[%dma_wait3A_839, %dma_wait3A_840, %mul3A_96] : memref<16x2x10240xf32, #tpu.memory_space<vmem_shared>> -> memref<1x1x640xf32, #tpu.memory_space<vmem_shared>>
    %dma_wait3A_847 = tpu.memref_squeeze %dma_wait3A_846 : memref<1x1x640xf32, #tpu.memory_space<vmem_shared>> -> memref<640xf32, #tpu.memory_space<vmem_shared>>
    %dma_wait3A_848 = arith.constant 0 : i32
    %dma_wait3A_849 = tpu.memref_slice %arg11[%dma_wait3A_841, %dma_wait3A_842, %dma_wait3A_848] : memref<2x16x640xf32, #tpu.memory_space<vmem>> -> memref<1x1x640xf32, #tpu.memory_space<vmem>>
    %dma_wait3A_850 = tpu.memref_squeeze %dma_wait3A_849 : memref<1x1x640xf32, #tpu.memory_space<vmem>> -> memref<640xf32, #tpu.memory_space<vmem>>
    %dma_wait3A_851 = tpu.memref_slice %arg14[%dma_wait3A_839, %dma_wait3A_840, %mul3A_96] : memref<16x2x10240xf32, #tpu.memory_space<vmem_shared>> -> memref<1x1x640xf32, #tpu.memory_space<vmem_shared>>
    %dma_wait3A_852 = tpu.memref_squeeze %dma_wait3A_851 : memref<1x1x640xf32, #tpu.memory_space<vmem_shared>> -> memref<640xf32, #tpu.memory_space<vmem_shared>>
    tpu.wait_dma2 semaphore(%arg13 : memref<!tpu.dma_semaphore, #tpu.memory_space<semaphore_mem>>) src(%dma_wait3A_852 : memref<640xf32, #tpu.memory_space<vmem_shared>>) dst(%dma_wait3A_850 : memref<640xf32, #tpu.memory_space<vmem>>)
    %dma_wait3A_853 = arith.constant 6 : i32
    %dma_wait3A_854 = arith.constant 1 : i32
    %dma_wait3A_855 = arith.constant 1 : i32
    %dma_wait3A_856 = arith.constant 6 : i32
    %dma_wait3A_857 = arith.constant 0 : i32
    %dma_wait3A_858 = tpu.memref_slice %arg11[%dma_wait3A_855, %dma_wait3A_856, %dma_wait3A_857] : memref<2x16x640xf32, #tpu.memory_space<vmem>> -> memref<1x1x640xf32, #tpu.memory_space<vmem>>
    %dma_wait3A_859 = tpu.memref_squeeze %dma_wait3A_858 : memref<1x1x640xf32, #tpu.memory_space<vmem>> -> memref<640xf32, #tpu.memory_space<vmem>>
    %dma_wait3A_860 = tpu.memref_slice %arg14[%dma_wait3A_853, %dma_wait3A_854, %mul3A_96] : memref<16x2x10240xf32, #tpu.memory_space<vmem_shared>> -> memref<1x1x640xf32, #tpu.memory_space<vmem_shared>>
    %dma_wait3A_861 = tpu.memref_squeeze %dma_wait3A_860 : memref<1x1x640xf32, #tpu.memory_space<vmem_shared>> -> memref<640xf32, #tpu.memory_space<vmem_shared>>
    %dma_wait3A_862 = arith.constant 0 : i32
    %dma_wait3A_863 = tpu.memref_slice %arg11[%dma_wait3A_855, %dma_wait3A_856, %dma_wait3A_862] : memref<2x16x640xf32, #tpu.memory_space<vmem>> -> memref<1x1x640xf32, #tpu.memory_space<vmem>>
    %dma_wait3A_864 = tpu.memref_squeeze %dma_wait3A_863 : memref<1x1x640xf32, #tpu.memory_space<vmem>> -> memref<640xf32, #tpu.memory_space<vmem>>
    %dma_wait3A_865 = tpu.memref_slice %arg14[%dma_wait3A_853, %dma_wait3A_854, %mul3A_96] : memref<16x2x10240xf32, #tpu.memory_space<vmem_shared>> -> memref<1x1x640xf32, #tpu.memory_space<vmem_shared>>
    %dma_wait3A_866 = tpu.memref_squeeze %dma_wait3A_865 : memref<1x1x640xf32, #tpu.memory_space<vmem_shared>> -> memref<640xf32, #tpu.memory_space<vmem_shared>>
    tpu.wait_dma2 semaphore(%arg13 : memref<!tpu.dma_semaphore, #tpu.memory_space<semaphore_mem>>) src(%dma_wait3A_866 : memref<640xf32, #tpu.memory_space<vmem_shared>>) dst(%dma_wait3A_864 : memref<640xf32, #tpu.memory_space<vmem>>)
    %dma_wait3A_867 = arith.constant 7 : i32
    %dma_wait3A_868 = arith.constant 1 : i32
    %dma_wait3A_869 = arith.constant 1 : i32
    %dma_wait3A_870 = arith.constant 7 : i32
    %dma_wait3A_871 = arith.constant 0 : i32
    %dma_wait3A_872 = tpu.memref_slice %arg11[%dma_wait3A_869, %dma_wait3A_870, %dma_wait3A_871] : memref<2x16x640xf32, #tpu.memory_space<vmem>> -> memref<1x1x640xf32, #tpu.memory_space<vmem>>
    %dma_wait3A_873 = tpu.memref_squeeze %dma_wait3A_872 : memref<1x1x640xf32, #tpu.memory_space<vmem>> -> memref<640xf32, #tpu.memory_space<vmem>>
    %dma_wait3A_874 = tpu.memref_slice %arg14[%dma_wait3A_867, %dma_wait3A_868, %mul3A_96] : memref<16x2x10240xf32, #tpu.memory_space<vmem_shared>> -> memref<1x1x640xf32, #tpu.memory_space<vmem_shared>>
    %dma_wait3A_875 = tpu.memref_squeeze %dma_wait3A_874 : memref<1x1x640xf32, #tpu.memory_space<vmem_shared>> -> memref<640xf32, #tpu.memory_space<vmem_shared>>
    %dma_wait3A_876 = arith.constant 0 : i32
    %dma_wait3A_877 = tpu.memref_slice %arg11[%dma_wait3A_869, %dma_wait3A_870, %dma_wait3A_876] : memref<2x16x640xf32, #tpu.memory_space<vmem>> -> memref<1x1x640xf32, #tpu.memory_space<vmem>>
    %dma_wait3A_878 = tpu.memref_squeeze %dma_wait3A_877 : memref<1x1x640xf32, #tpu.memory_space<vmem>> -> memref<640xf32, #tpu.memory_space<vmem>>
    %dma_wait3A_879 = tpu.memref_slice %arg14[%dma_wait3A_867, %dma_wait3A_868, %mul3A_96] : memref<16x2x10240xf32, #tpu.memory_space<vmem_shared>> -> memref<1x1x640xf32, #tpu.memory_space<vmem_shared>>
    %dma_wait3A_880 = tpu.memref_squeeze %dma_wait3A_879 : memref<1x1x640xf32, #tpu.memory_space<vmem_shared>> -> memref<640xf32, #tpu.memory_space<vmem_shared>>
    tpu.wait_dma2 semaphore(%arg13 : memref<!tpu.dma_semaphore, #tpu.memory_space<semaphore_mem>>) src(%dma_wait3A_880 : memref<640xf32, #tpu.memory_space<vmem_shared>>) dst(%dma_wait3A_878 : memref<640xf32, #tpu.memory_space<vmem>>)
    %dma_wait3A_881 = arith.constant 8 : i32
    %dma_wait3A_882 = arith.constant 1 : i32
    %dma_wait3A_883 = arith.constant 1 : i32
    %dma_wait3A_884 = arith.constant 8 : i32
    %dma_wait3A_885 = arith.constant 0 : i32
    %dma_wait3A_886 = tpu.memref_slice %arg11[%dma_wait3A_883, %dma_wait3A_884, %dma_wait3A_885] : memref<2x16x640xf32, #tpu.memory_space<vmem>> -> memref<1x1x640xf32, #tpu.memory_space<vmem>>
    %dma_wait3A_887 = tpu.memref_squeeze %dma_wait3A_886 : memref<1x1x640xf32, #tpu.memory_space<vmem>> -> memref<640xf32, #tpu.memory_space<vmem>>
    %dma_wait3A_888 = tpu.memref_slice %arg14[%dma_wait3A_881, %dma_wait3A_882, %mul3A_96] : memref<16x2x10240xf32, #tpu.memory_space<vmem_shared>> -> memref<1x1x640xf32, #tpu.memory_space<vmem_shared>>
    %dma_wait3A_889 = tpu.memref_squeeze %dma_wait3A_888 : memref<1x1x640xf32, #tpu.memory_space<vmem_shared>> -> memref<640xf32, #tpu.memory_space<vmem_shared>>
    %dma_wait3A_890 = arith.constant 0 : i32
    %dma_wait3A_891 = tpu.memref_slice %arg11[%dma_wait3A_883, %dma_wait3A_884, %dma_wait3A_890] : memref<2x16x640xf32, #tpu.memory_space<vmem>> -> memref<1x1x640xf32, #tpu.memory_space<vmem>>
    %dma_wait3A_892 = tpu.memref_squeeze %dma_wait3A_891 : memref<1x1x640xf32, #tpu.memory_space<vmem>> -> memref<640xf32, #tpu.memory_space<vmem>>
    %dma_wait3A_893 = tpu.memref_slice %arg14[%dma_wait3A_881, %dma_wait3A_882, %mul3A_96] : memref<16x2x10240xf32, #tpu.memory_space<vmem_shared>> -> memref<1x1x640xf32, #tpu.memory_space<vmem_shared>>
    %dma_wait3A_894 = tpu.memref_squeeze %dma_wait3A_893 : memref<1x1x640xf32, #tpu.memory_space<vmem_shared>> -> memref<640xf32, #tpu.memory_space<vmem_shared>>
    tpu.wait_dma2 semaphore(%arg13 : memref<!tpu.dma_semaphore, #tpu.memory_space<semaphore_mem>>) src(%dma_wait3A_894 : memref<640xf32, #tpu.memory_space<vmem_shared>>) dst(%dma_wait3A_892 : memref<640xf32, #tpu.memory_space<vmem>>)
    %dma_wait3A_895 = arith.constant 9 : i32
    %dma_wait3A_896 = arith.constant 1 : i32
    %dma_wait3A_897 = arith.constant 1 : i32
    %dma_wait3A_898 = arith.constant 9 : i32
    %dma_wait3A_899 = arith.constant 0 : i32
    %dma_wait3A_900 = tpu.memref_slice %arg11[%dma_wait3A_897, %dma_wait3A_898, %dma_wait3A_899] : memref<2x16x640xf32, #tpu.memory_space<vmem>> -> memref<1x1x640xf32, #tpu.memory_space<vmem>>
    %dma_wait3A_901 = tpu.memref_squeeze %dma_wait3A_900 : memref<1x1x640xf32, #tpu.memory_space<vmem>> -> memref<640xf32, #tpu.memory_space<vmem>>
    %dma_wait3A_902 = tpu.memref_slice %arg14[%dma_wait3A_895, %dma_wait3A_896, %mul3A_96] : memref<16x2x10240xf32, #tpu.memory_space<vmem_shared>> -> memref<1x1x640xf32, #tpu.memory_space<vmem_shared>>
    %dma_wait3A_903 = tpu.memref_squeeze %dma_wait3A_902 : memref<1x1x640xf32, #tpu.memory_space<vmem_shared>> -> memref<640xf32, #tpu.memory_space<vmem_shared>>
    %dma_wait3A_904 = arith.constant 0 : i32
    %dma_wait3A_905 = tpu.memref_slice %arg11[%dma_wait3A_897, %dma_wait3A_898, %dma_wait3A_904] : memref<2x16x640xf32, #tpu.memory_space<vmem>> -> memref<1x1x640xf32, #tpu.memory_space<vmem>>
    %dma_wait3A_906 = tpu.memref_squeeze %dma_wait3A_905 : memref<1x1x640xf32, #tpu.memory_space<vmem>> -> memref<640xf32, #tpu.memory_space<vmem>>
    %dma_wait3A_907 = tpu.memref_slice %arg14[%dma_wait3A_895, %dma_wait3A_896, %mul3A_96] : memref<16x2x10240xf32, #tpu.memory_space<vmem_shared>> -> memref<1x1x640xf32, #tpu.memory_space<vmem_shared>>
    %dma_wait3A_908 = tpu.memref_squeeze %dma_wait3A_907 : memref<1x1x640xf32, #tpu.memory_space<vmem_shared>> -> memref<640xf32, #tpu.memory_space<vmem_shared>>
    tpu.wait_dma2 semaphore(%arg13 : memref<!tpu.dma_semaphore, #tpu.memory_space<semaphore_mem>>) src(%dma_wait3A_908 : memref<640xf32, #tpu.memory_space<vmem_shared>>) dst(%dma_wait3A_906 : memref<640xf32, #tpu.memory_space<vmem>>)
    %dma_wait3A_909 = arith.constant 10 : i32
    %dma_wait3A_910 = arith.constant 1 : i32
    %dma_wait3A_911 = arith.constant 1 : i32
    %dma_wait3A_912 = arith.constant 10 : i32
    %dma_wait3A_913 = arith.constant 0 : i32
    %dma_wait3A_914 = tpu.memref_slice %arg11[%dma_wait3A_911, %dma_wait3A_912, %dma_wait3A_913] : memref<2x16x640xf32, #tpu.memory_space<vmem>> -> memref<1x1x640xf32, #tpu.memory_space<vmem>>
    %dma_wait3A_915 = tpu.memref_squeeze %dma_wait3A_914 : memref<1x1x640xf32, #tpu.memory_space<vmem>> -> memref<640xf32, #tpu.memory_space<vmem>>
    %dma_wait3A_916 = tpu.memref_slice %arg14[%dma_wait3A_909, %dma_wait3A_910, %mul3A_96] : memref<16x2x10240xf32, #tpu.memory_space<vmem_shared>> -> memref<1x1x640xf32, #tpu.memory_space<vmem_shared>>
    %dma_wait3A_917 = tpu.memref_squeeze %dma_wait3A_916 : memref<1x1x640xf32, #tpu.memory_space<vmem_shared>> -> memref<640xf32, #tpu.memory_space<vmem_shared>>
    %dma_wait3A_918 = arith.constant 0 : i32
    %dma_wait3A_919 = tpu.memref_slice %arg11[%dma_wait3A_911, %dma_wait3A_912, %dma_wait3A_918] : memref<2x16x640xf32, #tpu.memory_space<vmem>> -> memref<1x1x640xf32, #tpu.memory_space<vmem>>
    %dma_wait3A_920 = tpu.memref_squeeze %dma_wait3A_919 : memref<1x1x640xf32, #tpu.memory_space<vmem>> -> memref<640xf32, #tpu.memory_space<vmem>>
    %dma_wait3A_921 = tpu.memref_slice %arg14[%dma_wait3A_909, %dma_wait3A_910, %mul3A_96] : memref<16x2x10240xf32, #tpu.memory_space<vmem_shared>> -> memref<1x1x640xf32, #tpu.memory_space<vmem_shared>>
    %dma_wait3A_922 = tpu.memref_squeeze %dma_wait3A_921 : memref<1x1x640xf32, #tpu.memory_space<vmem_shared>> -> memref<640xf32, #tpu.memory_space<vmem_shared>>
    tpu.wait_dma2 semaphore(%arg13 : memref<!tpu.dma_semaphore, #tpu.memory_space<semaphore_mem>>) src(%dma_wait3A_922 : memref<640xf32, #tpu.memory_space<vmem_shared>>) dst(%dma_wait3A_920 : memref<640xf32, #tpu.memory_space<vmem>>)
    %dma_wait3A_923 = arith.constant 11 : i32
    %dma_wait3A_924 = arith.constant 1 : i32
    %dma_wait3A_925 = arith.constant 1 : i32
    %dma_wait3A_926 = arith.constant 11 : i32
    %dma_wait3A_927 = arith.constant 0 : i32
    %dma_wait3A_928 = tpu.memref_slice %arg11[%dma_wait3A_925, %dma_wait3A_926, %dma_wait3A_927] : memref<2x16x640xf32, #tpu.memory_space<vmem>> -> memref<1x1x640xf32, #tpu.memory_space<vmem>>
    %dma_wait3A_929 = tpu.memref_squeeze %dma_wait3A_928 : memref<1x1x640xf32, #tpu.memory_space<vmem>> -> memref<640xf32, #tpu.memory_space<vmem>>
    %dma_wait3A_930 = tpu.memref_slice %arg14[%dma_wait3A_923, %dma_wait3A_924, %mul3A_96] : memref<16x2x10240xf32, #tpu.memory_space<vmem_shared>> -> memref<1x1x640xf32, #tpu.memory_space<vmem_shared>>
    %dma_wait3A_931 = tpu.memref_squeeze %dma_wait3A_930 : memref<1x1x640xf32, #tpu.memory_space<vmem_shared>> -> memref<640xf32, #tpu.memory_space<vmem_shared>>
    %dma_wait3A_932 = arith.constant 0 : i32
    %dma_wait3A_933 = tpu.memref_slice %arg11[%dma_wait3A_925, %dma_wait3A_926, %dma_wait3A_932] : memref<2x16x640xf32, #tpu.memory_space<vmem>> -> memref<1x1x640xf32, #tpu.memory_space<vmem>>
    %dma_wait3A_934 = tpu.memref_squeeze %dma_wait3A_933 : memref<1x1x640xf32, #tpu.memory_space<vmem>> -> memref<640xf32, #tpu.memory_space<vmem>>
    %dma_wait3A_935 = tpu.memref_slice %arg14[%dma_wait3A_923, %dma_wait3A_924, %mul3A_96] : memref<16x2x10240xf32, #tpu.memory_space<vmem_shared>> -> memref<1x1x640xf32, #tpu.memory_space<vmem_shared>>
    %dma_wait3A_936 = tpu.memref_squeeze %dma_wait3A_935 : memref<1x1x640xf32, #tpu.memory_space<vmem_shared>> -> memref<640xf32, #tpu.memory_space<vmem_shared>>
    tpu.wait_dma2 semaphore(%arg13 : memref<!tpu.dma_semaphore, #tpu.memory_space<semaphore_mem>>) src(%dma_wait3A_936 : memref<640xf32, #tpu.memory_space<vmem_shared>>) dst(%dma_wait3A_934 : memref<640xf32, #tpu.memory_space<vmem>>)
    %dma_wait3A_937 = arith.constant 12 : i32
    %dma_wait3A_938 = arith.constant 1 : i32
    %dma_wait3A_939 = arith.constant 1 : i32
    %dma_wait3A_940 = arith.constant 12 : i32
    %dma_wait3A_941 = arith.constant 0 : i32
    %dma_wait3A_942 = tpu.memref_slice %arg11[%dma_wait3A_939, %dma_wait3A_940, %dma_wait3A_941] : memref<2x16x640xf32, #tpu.memory_space<vmem>> -> memref<1x1x640xf32, #tpu.memory_space<vmem>>
    %dma_wait3A_943 = tpu.memref_squeeze %dma_wait3A_942 : memref<1x1x640xf32, #tpu.memory_space<vmem>> -> memref<640xf32, #tpu.memory_space<vmem>>
    %dma_wait3A_944 = tpu.memref_slice %arg14[%dma_wait3A_937, %dma_wait3A_938, %mul3A_96] : memref<16x2x10240xf32, #tpu.memory_space<vmem_shared>> -> memref<1x1x640xf32, #tpu.memory_space<vmem_shared>>
    %dma_wait3A_945 = tpu.memref_squeeze %dma_wait3A_944 : memref<1x1x640xf32, #tpu.memory_space<vmem_shared>> -> memref<640xf32, #tpu.memory_space<vmem_shared>>
    %dma_wait3A_946 = arith.constant 0 : i32
    %dma_wait3A_947 = tpu.memref_slice %arg11[%dma_wait3A_939, %dma_wait3A_940, %dma_wait3A_946] : memref<2x16x640xf32, #tpu.memory_space<vmem>> -> memref<1x1x640xf32, #tpu.memory_space<vmem>>
    %dma_wait3A_948 = tpu.memref_squeeze %dma_wait3A_947 : memref<1x1x640xf32, #tpu.memory_space<vmem>> -> memref<640xf32, #tpu.memory_space<vmem>>
    %dma_wait3A_949 = tpu.memref_slice %arg14[%dma_wait3A_937, %dma_wait3A_938, %mul3A_96] : memref<16x2x10240xf32, #tpu.memory_space<vmem_shared>> -> memref<1x1x640xf32, #tpu.memory_space<vmem_shared>>
    %dma_wait3A_950 = tpu.memref_squeeze %dma_wait3A_949 : memref<1x1x640xf32, #tpu.memory_space<vmem_shared>> -> memref<640xf32, #tpu.memory_space<vmem_shared>>
    tpu.wait_dma2 semaphore(%arg13 : memref<!tpu.dma_semaphore, #tpu.memory_space<semaphore_mem>>) src(%dma_wait3A_950 : memref<640xf32, #tpu.memory_space<vmem_shared>>) dst(%dma_wait3A_948 : memref<640xf32, #tpu.memory_space<vmem>>)
    %dma_wait3A_951 = arith.constant 13 : i32
    %dma_wait3A_952 = arith.constant 1 : i32
    %dma_wait3A_953 = arith.constant 1 : i32
    %dma_wait3A_954 = arith.constant 13 : i32
    %dma_wait3A_955 = arith.constant 0 : i32
    %dma_wait3A_956 = tpu.memref_slice %arg11[%dma_wait3A_953, %dma_wait3A_954, %dma_wait3A_955] : memref<2x16x640xf32, #tpu.memory_space<vmem>> -> memref<1x1x640xf32, #tpu.memory_space<vmem>>
    %dma_wait3A_957 = tpu.memref_squeeze %dma_wait3A_956 : memref<1x1x640xf32, #tpu.memory_space<vmem>> -> memref<640xf32, #tpu.memory_space<vmem>>
    %dma_wait3A_958 = tpu.memref_slice %arg14[%dma_wait3A_951, %dma_wait3A_952, %mul3A_96] : memref<16x2x10240xf32, #tpu.memory_space<vmem_shared>> -> memref<1x1x640xf32, #tpu.memory_space<vmem_shared>>
    %dma_wait3A_959 = tpu.memref_squeeze %dma_wait3A_958 : memref<1x1x640xf32, #tpu.memory_space<vmem_shared>> -> memref<640xf32, #tpu.memory_space<vmem_shared>>
    %dma_wait3A_960 = arith.constant 0 : i32
    %dma_wait3A_961 = tpu.memref_slice %arg11[%dma_wait3A_953, %dma_wait3A_954, %dma_wait3A_960] : memref<2x16x640xf32, #tpu.memory_space<vmem>> -> memref<1x1x640xf32, #tpu.memory_space<vmem>>
    %dma_wait3A_962 = tpu.memref_squeeze %dma_wait3A_961 : memref<1x1x640xf32, #tpu.memory_space<vmem>> -> memref<640xf32, #tpu.memory_space<vmem>>
    %dma_wait3A_963 = tpu.memref_slice %arg14[%dma_wait3A_951, %dma_wait3A_952, %mul3A_96] : memref<16x2x10240xf32, #tpu.memory_space<vmem_shared>> -> memref<1x1x640xf32, #tpu.memory_space<vmem_shared>>
    %dma_wait3A_964 = tpu.memref_squeeze %dma_wait3A_963 : memref<1x1x640xf32, #tpu.memory_space<vmem_shared>> -> memref<640xf32, #tpu.memory_space<vmem_shared>>
    tpu.wait_dma2 semaphore(%arg13 : memref<!tpu.dma_semaphore, #tpu.memory_space<semaphore_mem>>) src(%dma_wait3A_964 : memref<640xf32, #tpu.memory_space<vmem_shared>>) dst(%dma_wait3A_962 : memref<640xf32, #tpu.memory_space<vmem>>)
    %dma_wait3A_965 = arith.constant 14 : i32
    %dma_wait3A_966 = arith.constant 1 : i32
    %dma_wait3A_967 = arith.constant 1 : i32
    %dma_wait3A_968 = arith.constant 14 : i32
    %dma_wait3A_969 = arith.constant 0 : i32
    %dma_wait3A_970 = tpu.memref_slice %arg11[%dma_wait3A_967, %dma_wait3A_968, %dma_wait3A_969] : memref<2x16x640xf32, #tpu.memory_space<vmem>> -> memref<1x1x640xf32, #tpu.memory_space<vmem>>
    %dma_wait3A_971 = tpu.memref_squeeze %dma_wait3A_970 : memref<1x1x640xf32, #tpu.memory_space<vmem>> -> memref<640xf32, #tpu.memory_space<vmem>>
    %dma_wait3A_972 = tpu.memref_slice %arg14[%dma_wait3A_965, %dma_wait3A_966, %mul3A_96] : memref<16x2x10240xf32, #tpu.memory_space<vmem_shared>> -> memref<1x1x640xf32, #tpu.memory_space<vmem_shared>>
    %dma_wait3A_973 = tpu.memref_squeeze %dma_wait3A_972 : memref<1x1x640xf32, #tpu.memory_space<vmem_shared>> -> memref<640xf32, #tpu.memory_space<vmem_shared>>
    %dma_wait3A_974 = arith.constant 0 : i32
    %dma_wait3A_975 = tpu.memref_slice %arg11[%dma_wait3A_967, %dma_wait3A_968, %dma_wait3A_974] : memref<2x16x640xf32, #tpu.memory_space<vmem>> -> memref<1x1x640xf32, #tpu.memory_space<vmem>>
    %dma_wait3A_976 = tpu.memref_squeeze %dma_wait3A_975 : memref<1x1x640xf32, #tpu.memory_space<vmem>> -> memref<640xf32, #tpu.memory_space<vmem>>
    %dma_wait3A_977 = tpu.memref_slice %arg14[%dma_wait3A_965, %dma_wait3A_966, %mul3A_96] : memref<16x2x10240xf32, #tpu.memory_space<vmem_shared>> -> memref<1x1x640xf32, #tpu.memory_space<vmem_shared>>
    %dma_wait3A_978 = tpu.memref_squeeze %dma_wait3A_977 : memref<1x1x640xf32, #tpu.memory_space<vmem_shared>> -> memref<640xf32, #tpu.memory_space<vmem_shared>>
    tpu.wait_dma2 semaphore(%arg13 : memref<!tpu.dma_semaphore, #tpu.memory_space<semaphore_mem>>) src(%dma_wait3A_978 : memref<640xf32, #tpu.memory_space<vmem_shared>>) dst(%dma_wait3A_976 : memref<640xf32, #tpu.memory_space<vmem>>)
    %dma_wait3A_979 = arith.constant 15 : i32
    %dma_wait3A_980 = arith.constant 1 : i32
    %dma_wait3A_981 = arith.constant 1 : i32
    %dma_wait3A_982 = arith.constant 15 : i32
    %dma_wait3A_983 = arith.constant 0 : i32
    %dma_wait3A_984 = tpu.memref_slice %arg11[%dma_wait3A_981, %dma_wait3A_982, %dma_wait3A_983] : memref<2x16x640xf32, #tpu.memory_space<vmem>> -> memref<1x1x640xf32, #tpu.memory_space<vmem>>
    %dma_wait3A_985 = tpu.memref_squeeze %dma_wait3A_984 : memref<1x1x640xf32, #tpu.memory_space<vmem>> -> memref<640xf32, #tpu.memory_space<vmem>>
    %dma_wait3A_986 = tpu.memref_slice %arg14[%dma_wait3A_979, %dma_wait3A_980, %mul3A_96] : memref<16x2x10240xf32, #tpu.memory_space<vmem_shared>> -> memref<1x1x640xf32, #tpu.memory_space<vmem_shared>>
    %dma_wait3A_987 = tpu.memref_squeeze %dma_wait3A_986 : memref<1x1x640xf32, #tpu.memory_space<vmem_shared>> -> memref<640xf32, #tpu.memory_space<vmem_shared>>
    %dma_wait3A_988 = arith.constant 0 : i32
    %dma_wait3A_989 = tpu.memref_slice %arg11[%dma_wait3A_981, %dma_wait3A_982, %dma_wait3A_988] : memref<2x16x640xf32, #tpu.memory_space<vmem>> -> memref<1x1x640xf32, #tpu.memory_space<vmem>>
    %dma_wait3A_990 = tpu.memref_squeeze %dma_wait3A_989 : memref<1x1x640xf32, #tpu.memory_space<vmem>> -> memref<640xf32, #tpu.memory_space<vmem>>
    %dma_wait3A_991 = tpu.memref_slice %arg14[%dma_wait3A_979, %dma_wait3A_980, %mul3A_96] : memref<16x2x10240xf32, #tpu.memory_space<vmem_shared>> -> memref<1x1x640xf32, #tpu.memory_space<vmem_shared>>
    %dma_wait3A_992 = tpu.memref_squeeze %dma_wait3A_991 : memref<1x1x640xf32, #tpu.memory_space<vmem_shared>> -> memref<640xf32, #tpu.memory_space<vmem_shared>>
    tpu.wait_dma2 semaphore(%arg13 : memref<!tpu.dma_semaphore, #tpu.memory_space<semaphore_mem>>) src(%dma_wait3A_992 : memref<640xf32, #tpu.memory_space<vmem_shared>>) dst(%dma_wait3A_990 : memref<640xf32, #tpu.memory_space<vmem>>)
    %scan3A_993 = arith.constant 0 : i32
    %scan3A_994 = arith.constant 0 : i32
    %scan3A_995 = arith.constant 40 : i32
    %scan3A_996 = arith.addi %scan3A_994, %scan3A_995 : i32
    %scan3A_997 = arith.constant 1 : i32
    %scan3A_998 = scf.for %scan3A_1009 = %scan3A_994 to %scan3A_996 step %scan3A_997 iter_args(%scan3A_1010 = %scan3A_993) -> (i32)  : i32 {
      %mul3A_1011 = arith.constant 16 : i32
      %mul3A_1012 = arith.muli %scan3A_1009, %mul3A_1011 : i32
      %get3A = arith.constant 0 : i32
      %get3A_1013 = arith.constant 0 : i32
      %get3A_1014 = arith.index_cast %get3A : i32 to index
      %get3A_1015 = arith.index_cast %get3A_1013 : i32 to index
      %get3A_1016 = arith.index_cast %mul3A_1012 : i32 to index
      %get3A_1017 = tpu.vector_load %arg11[%get3A_1014, %get3A_1015, %get3A_1016] {strides = array<i32>} : memref<2x16x640xf32, #tpu.memory_space<vmem>>, vector<16xf32>,
      %mul3A_1018 = arith.constant 16 : i32
      %mul3A_1019 = arith.muli %scan3A_1009, %mul3A_1018 : i32
      %get3A_1020 = arith.constant 0 : i32
      %get3A_1021 = arith.constant 1 : i32
      %get3A_1022 = arith.index_cast %get3A_1020 : i32 to index
      %get3A_1023 = arith.index_cast %get3A_1021 : i32 to index
      %get3A_1024 = arith.index_cast %mul3A_1019 : i32 to index
      %get3A_1025 = tpu.vector_load %arg11[%get3A_1022, %get3A_1023, %get3A_1024] {strides = array<i32>} : memref<2x16x640xf32, #tpu.memory_space<vmem>>, vector<16xf32>,
      %max3A_1026 = arith.maximumf %get3A_1017, %get3A_1025 : vector<16xf32>
      %mul3A_1027 = arith.constant 16 : i32
      %mul3A_1028 = arith.muli %scan3A_1009, %mul3A_1027 : i32
      %get3A_1029 = arith.constant 0 : i32
      %get3A_1030 = arith.constant 2 : i32
      %get3A_1031 = arith.index_cast %get3A_1029 : i32 to index
      %get3A_1032 = arith.index_cast %get3A_1030 : i32 to index
      %get3A_1033 = arith.index_cast %mul3A_1028 : i32 to index
      %get3A_1034 = tpu.vector_load %arg11[%get3A_1031, %get3A_1032, %get3A_1033] {strides = array<i32>} : memref<2x16x640xf32, #tpu.memory_space<vmem>>, vector<16xf32>,
      %max3A_1035 = arith.maximumf %max3A_1026, %get3A_1034 : vector<16xf32>
      %mul3A_1036 = arith.constant 16 : i32
      %mul3A_1037 = arith.muli %scan3A_1009, %mul3A_1036 : i32
      %get3A_1038 = arith.constant 0 : i32
      %get3A_1039 = arith.constant 3 : i32
      %get3A_1040 = arith.index_cast %get3A_1038 : i32 to index
      %get3A_1041 = arith.index_cast %get3A_1039 : i32 to index
      %get3A_1042 = arith.index_cast %mul3A_1037 : i32 to index
      %get3A_1043 = tpu.vector_load %arg11[%get3A_1040, %get3A_1041, %get3A_1042] {strides = array<i32>} : memref<2x16x640xf32, #tpu.memory_space<vmem>>, vector<16xf32>,
      %max3A_1044 = arith.maximumf %max3A_1035, %get3A_1043 : vector<16xf32>
      %mul3A_1045 = arith.constant 16 : i32
      %mul3A_1046 = arith.muli %scan3A_1009, %mul3A_1045 : i32
      %get3A_1047 = arith.constant 0 : i32
      %get3A_1048 = arith.constant 4 : i32
      %get3A_1049 = arith.index_cast %get3A_1047 : i32 to index
      %get3A_1050 = arith.index_cast %get3A_1048 : i32 to index
      %get3A_1051 = arith.index_cast %mul3A_1046 : i32 to index
      %get3A_1052 = tpu.vector_load %arg11[%get3A_1049, %get3A_1050, %get3A_1051] {strides = array<i32>} : memref<2x16x640xf32, #tpu.memory_space<vmem>>, vector<16xf32>,
      %max3A_1053 = arith.maximumf %max3A_1044, %get3A_1052 : vector<16xf32>
      %mul3A_1054 = arith.constant 16 : i32
      %mul3A_1055 = arith.muli %scan3A_1009, %mul3A_1054 : i32
      %get3A_1056 = arith.constant 0 : i32
      %get3A_1057 = arith.constant 5 : i32
      %get3A_1058 = arith.index_cast %get3A_1056 : i32 to index
      %get3A_1059 = arith.index_cast %get3A_1057 : i32 to index
      %get3A_1060 = arith.index_cast %mul3A_1055 : i32 to index
      %get3A_1061 = tpu.vector_load %arg11[%get3A_1058, %get3A_1059, %get3A_1060] {strides = array<i32>} : memref<2x16x640xf32, #tpu.memory_space<vmem>>, vector<16xf32>,
      %max3A_1062 = arith.maximumf %max3A_1053, %get3A_1061 : vector<16xf32>
      %mul3A_1063 = arith.constant 16 : i32
      %mul3A_1064 = arith.muli %scan3A_1009, %mul3A_1063 : i32
      %get3A_1065 = arith.constant 0 : i32
      %get3A_1066 = arith.constant 6 : i32
      %get3A_1067 = arith.index_cast %get3A_1065 : i32 to index
      %get3A_1068 = arith.index_cast %get3A_1066 : i32 to index
      %get3A_1069 = arith.index_cast %mul3A_1064 : i32 to index
      %get3A_1070 = tpu.vector_load %arg11[%get3A_1067, %get3A_1068, %get3A_1069] {strides = array<i32>} : memref<2x16x640xf32, #tpu.memory_space<vmem>>, vector<16xf32>,
      %max3A_1071 = arith.maximumf %max3A_1062, %get3A_1070 : vector<16xf32>
      %mul3A_1072 = arith.constant 16 : i32
      %mul3A_1073 = arith.muli %scan3A_1009, %mul3A_1072 : i32
      %get3A_1074 = arith.constant 0 : i32
      %get3A_1075 = arith.constant 7 : i32
      %get3A_1076 = arith.index_cast %get3A_1074 : i32 to index
      %get3A_1077 = arith.index_cast %get3A_1075 : i32 to index
      %get3A_1078 = arith.index_cast %mul3A_1073 : i32 to index
      %get3A_1079 = tpu.vector_load %arg11[%get3A_1076, %get3A_1077, %get3A_1078] {strides = array<i32>} : memref<2x16x640xf32, #tpu.memory_space<vmem>>, vector<16xf32>,
      %max3A_1080 = arith.maximumf %max3A_1071, %get3A_1079 : vector<16xf32>
      %mul3A_1081 = arith.constant 16 : i32
      %mul3A_1082 = arith.muli %scan3A_1009, %mul3A_1081 : i32
      %get3A_1083 = arith.constant 0 : i32
      %get3A_1084 = arith.constant 8 : i32
      %get3A_1085 = arith.index_cast %get3A_1083 : i32 to index
      %get3A_1086 = arith.index_cast %get3A_1084 : i32 to index
      %get3A_1087 = arith.index_cast %mul3A_1082 : i32 to index
      %get3A_1088 = tpu.vector_load %arg11[%get3A_1085, %get3A_1086, %get3A_1087] {strides = array<i32>} : memref<2x16x640xf32, #tpu.memory_space<vmem>>, vector<16xf32>,
      %max3A_1089 = arith.maximumf %max3A_1080, %get3A_1088 : vector<16xf32>
      %mul3A_1090 = arith.constant 16 : i32
      %mul3A_1091 = arith.muli %scan3A_1009, %mul3A_1090 : i32
      %get3A_1092 = arith.constant 0 : i32
      %get3A_1093 = arith.constant 9 : i32
      %get3A_1094 = arith.index_cast %get3A_1092 : i32 to index
      %get3A_1095 = arith.index_cast %get3A_1093 : i32 to index
      %get3A_1096 = arith.index_cast %mul3A_1091 : i32 to index
      %get3A_1097 = tpu.vector_load %arg11[%get3A_1094, %get3A_1095, %get3A_1096] {strides = array<i32>} : memref<2x16x640xf32, #tpu.memory_space<vmem>>, vector<16xf32>,
      %max3A_1098 = arith.maximumf %max3A_1089, %get3A_1097 : vector<16xf32>
      %mul3A_1099 = arith.constant 16 : i32
      %mul3A_1100 = arith.muli %scan3A_1009, %mul3A_1099 : i32
      %get3A_1101 = arith.constant 0 : i32
      %get3A_1102 = arith.constant 10 : i32
      %get3A_1103 = arith.index_cast %get3A_1101 : i32 to index
      %get3A_1104 = arith.index_cast %get3A_1102 : i32 to index
      %get3A_1105 = arith.index_cast %mul3A_1100 : i32 to index
      %get3A_1106 = tpu.vector_load %arg11[%get3A_1103, %get3A_1104, %get3A_1105] {strides = array<i32>} : memref<2x16x640xf32, #tpu.memory_space<vmem>>, vector<16xf32>,
      %max3A_1107 = arith.maximumf %max3A_1098, %get3A_1106 : vector<16xf32>
      %mul3A_1108 = arith.constant 16 : i32
      %mul3A_1109 = arith.muli %scan3A_1009, %mul3A_1108 : i32
      %get3A_1110 = arith.constant 0 : i32
      %get3A_1111 = arith.constant 11 : i32
      %get3A_1112 = arith.index_cast %get3A_1110 : i32 to index
      %get3A_1113 = arith.index_cast %get3A_1111 : i32 to index
      %get3A_1114 = arith.index_cast %mul3A_1109 : i32 to index
      %get3A_1115 = tpu.vector_load %arg11[%get3A_1112, %get3A_1113, %get3A_1114] {strides = array<i32>} : memref<2x16x640xf32, #tpu.memory_space<vmem>>, vector<16xf32>,
      %max3A_1116 = arith.maximumf %max3A_1107, %get3A_1115 : vector<16xf32>
      %mul3A_1117 = arith.constant 16 : i32
      %mul3A_1118 = arith.muli %scan3A_1009, %mul3A_1117 : i32
      %get3A_1119 = arith.constant 0 : i32
      %get3A_1120 = arith.constant 12 : i32
      %get3A_1121 = arith.index_cast %get3A_1119 : i32 to index
      %get3A_1122 = arith.index_cast %get3A_1120 : i32 to index
      %get3A_1123 = arith.index_cast %mul3A_1118 : i32 to index
      %get3A_1124 = tpu.vector_load %arg11[%get3A_1121, %get3A_1122, %get3A_1123] {strides = array<i32>} : memref<2x16x640xf32, #tpu.memory_space<vmem>>, vector<16xf32>,
      %max3A_1125 = arith.maximumf %max3A_1116, %get3A_1124 : vector<16xf32>
      %mul3A_1126 = arith.constant 16 : i32
      %mul3A_1127 = arith.muli %scan3A_1009, %mul3A_1126 : i32
      %get3A_1128 = arith.constant 0 : i32
      %get3A_1129 = arith.constant 13 : i32
      %get3A_1130 = arith.index_cast %get3A_1128 : i32 to index
      %get3A_1131 = arith.index_cast %get3A_1129 : i32 to index
      %get3A_1132 = arith.index_cast %mul3A_1127 : i32 to index
      %get3A_1133 = tpu.vector_load %arg11[%get3A_1130, %get3A_1131, %get3A_1132] {strides = array<i32>} : memref<2x16x640xf32, #tpu.memory_space<vmem>>, vector<16xf32>,
      %max3A_1134 = arith.maximumf %max3A_1125, %get3A_1133 : vector<16xf32>
      %mul3A_1135 = arith.constant 16 : i32
      %mul3A_1136 = arith.muli %scan3A_1009, %mul3A_1135 : i32
      %get3A_1137 = arith.constant 0 : i32
      %get3A_1138 = arith.constant 14 : i32
      %get3A_1139 = arith.index_cast %get3A_1137 : i32 to index
      %get3A_1140 = arith.index_cast %get3A_1138 : i32 to index
      %get3A_1141 = arith.index_cast %mul3A_1136 : i32 to index
      %get3A_1142 = tpu.vector_load %arg11[%get3A_1139, %get3A_1140, %get3A_1141] {strides = array<i32>} : memref<2x16x640xf32, #tpu.memory_space<vmem>>, vector<16xf32>,
      %max3A_1143 = arith.maximumf %max3A_1134, %get3A_1142 : vector<16xf32>
      %mul3A_1144 = arith.constant 16 : i32
      %mul3A_1145 = arith.muli %scan3A_1009, %mul3A_1144 : i32
      %get3A_1146 = arith.constant 0 : i32
      %get3A_1147 = arith.constant 15 : i32
      %get3A_1148 = arith.index_cast %get3A_1146 : i32 to index
      %get3A_1149 = arith.index_cast %get3A_1147 : i32 to index
      %get3A_1150 = arith.index_cast %mul3A_1145 : i32 to index
      %get3A_1151 = tpu.vector_load %arg11[%get3A_1148, %get3A_1149, %get3A_1150] {strides = array<i32>} : memref<2x16x640xf32, #tpu.memory_space<vmem>>, vector<16xf32>,
      %max3A_1152 = arith.maximumf %max3A_1143, %get3A_1151 : vector<16xf32>
      %mul3A_1153 = arith.constant 16 : i32
      %mul3A_1154 = arith.muli %scan3A_1009, %mul3A_1153 : i32
      %swap3A = arith.index_cast %mul3A_1154 : i32 to index
      %swap3A_1155 = tpu.vector_load %arg12[%swap3A] {strides = array<i32>} : memref<640xf32, #tpu.memory_space<vmem>>, vector<16xf32>,
      tpu.vector_store %arg12[%swap3A], %max3A_1152 {strides = array<i32>} : memref<640xf32, #tpu.memory_space<vmem>>, vector<16xf32>,
      %scan3A_1156 = arith.constant 0 : i32
      scf.yield %scan3A_1156 : i32
    }
    %scan3A_999 = arith.constant 40 : i32
    %run_scoped3A_1000 = arith.constant 0 : i32
    "tpu.region"() ({
      %run_scoped3A_1009 = tpu.sem_alloc : memref<!tpu.dma_semaphore, #tpu.memory_space<semaphore_mem>>
      %dma_start3A_1010 = tpu.memref_slice %arg4[%arg0, %run_scoped3A_1000, %mul3A_96] : memref<2x2x10240xf32, #tpu.memory_space<hbm>> -> memref<1x1x640xf32, #tpu.memory_space<hbm>>
      %dma_start3A_1011 = tpu.memref_squeeze %dma_start3A_1010 : memref<1x1x640xf32, #tpu.memory_space<hbm>> -> memref<640xf32, #tpu.memory_space<hbm>>
      %dma_start3A_1012 = tpu.memref_slice %arg4[%arg0, %run_scoped3A_1000, %mul3A_96] : memref<2x2x10240xf32, #tpu.memory_space<hbm>> -> memref<1x1x640xf32, #tpu.memory_space<hbm>>
      %dma_start3A_1013 = tpu.memref_squeeze %dma_start3A_1012 : memref<1x1x640xf32, #tpu.memory_space<hbm>> -> memref<640xf32, #tpu.memory_space<hbm>>
      tpu.enqueue_dma source(%arg12 : memref<640xf32, #tpu.memory_space<vmem>>) target(%dma_start3A_1013 : memref<640xf32, #tpu.memory_space<hbm>>) target_semaphore(%run_scoped3A_1009 : memref<!tpu.dma_semaphore, #tpu.memory_space<semaphore_mem>>)
      %dma_wait3A_1014 = tpu.memref_slice %arg4[%arg0, %run_scoped3A_1000, %mul3A_96] : memref<2x2x10240xf32, #tpu.memory_space<hbm>> -> memref<1x1x640xf32, #tpu.memory_space<hbm>>
      %dma_wait3A_1015 = tpu.memref_squeeze %dma_wait3A_1014 : memref<1x1x640xf32, #tpu.memory_space<hbm>> -> memref<640xf32, #tpu.memory_space<hbm>>
      %dma_wait3A_1016 = tpu.memref_slice %arg4[%arg0, %run_scoped3A_1000, %mul3A_96] : memref<2x2x10240xf32, #tpu.memory_space<hbm>> -> memref<1x1x640xf32, #tpu.memory_space<hbm>>
      %dma_wait3A_1017 = tpu.memref_squeeze %dma_wait3A_1016 : memref<1x1x640xf32, #tpu.memory_space<hbm>> -> memref<640xf32, #tpu.memory_space<hbm>>
      tpu.wait_dma2 semaphore(%run_scoped3A_1009 : memref<!tpu.dma_semaphore, #tpu.memory_space<semaphore_mem>>) src(%arg12 : memref<640xf32, #tpu.memory_space<vmem>>) dst(%dma_wait3A_1017 : memref<640xf32, #tpu.memory_space<hbm>>)
      tpu.yield
    }) : () -> ()
    %scan3A_1001 = arith.constant 0 : i32
    %scan3A_1002 = arith.constant 0 : i32
    %scan3A_1003 = arith.constant 40 : i32
    %scan3A_1004 = arith.addi %scan3A_1002, %scan3A_1003 : i32
    %scan3A_1005 = arith.constant 1 : i32
    %scan3A_1006 = scf.for %scan3A_1009 = %scan3A_1002 to %scan3A_1004 step %scan3A_1005 iter_args(%scan3A_1010 = %scan3A_1001) -> (i32)  : i32 {
      %mul3A_1011 = arith.constant 16 : i32
      %mul3A_1012 = arith.muli %scan3A_1009, %mul3A_1011 : i32
      %get3A = arith.constant 1 : i32
      %get3A_1013 = arith.constant 0 : i32
      %get3A_1014 = arith.index_cast %get3A : i32 to index
      %get3A_1015 = arith.index_cast %get3A_1013 : i32 to index
      %get3A_1016 = arith.index_cast %mul3A_1012 : i32 to index
      %get3A_1017 = tpu.vector_load %arg11[%get3A_1014, %get3A_1015, %get3A_1016] {strides = array<i32>} : memref<2x16x640xf32, #tpu.memory_space<vmem>>, vector<16xf32>,
      %mul3A_1018 = arith.constant 16 : i32
      %mul3A_1019 = arith.muli %scan3A_1009, %mul3A_1018 : i32
      %get3A_1020 = arith.constant 1 : i32
      %get3A_1021 = arith.constant 1 : i32
      %get3A_1022 = arith.index_cast %get3A_1020 : i32 to index
      %get3A_1023 = arith.index_cast %get3A_1021 : i32 to index
      %get3A_1024 = arith.index_cast %mul3A_1019 : i32 to index
      %get3A_1025 = tpu.vector_load %arg11[%get3A_1022, %get3A_1023, %get3A_1024] {strides = array<i32>} : memref<2x16x640xf32, #tpu.memory_space<vmem>>, vector<16xf32>,
      %max3A_1026 = arith.maximumf %get3A_1017, %get3A_1025 : vector<16xf32>
      %mul3A_1027 = arith.constant 16 : i32
      %mul3A_1028 = arith.muli %scan3A_1009, %mul3A_1027 : i32
      %get3A_1029 = arith.constant 1 : i32
      %get3A_1030 = arith.constant 2 : i32
      %get3A_1031 = arith.index_cast %get3A_1029 : i32 to index
      %get3A_1032 = arith.index_cast %get3A_1030 : i32 to index
      %get3A_1033 = arith.index_cast %mul3A_1028 : i32 to index
      %get3A_1034 = tpu.vector_load %arg11[%get3A_1031, %get3A_1032, %get3A_1033] {strides = array<i32>} : memref<2x16x640xf32, #tpu.memory_space<vmem>>, vector<16xf32>,
      %max3A_1035 = arith.maximumf %max3A_1026, %get3A_1034 : vector<16xf32>
      %mul3A_1036 = arith.constant 16 : i32
      %mul3A_1037 = arith.muli %scan3A_1009, %mul3A_1036 : i32
      %get3A_1038 = arith.constant 1 : i32
      %get3A_1039 = arith.constant 3 : i32
      %get3A_1040 = arith.index_cast %get3A_1038 : i32 to index
      %get3A_1041 = arith.index_cast %get3A_1039 : i32 to index
      %get3A_1042 = arith.index_cast %mul3A_1037 : i32 to index
      %get3A_1043 = tpu.vector_load %arg11[%get3A_1040, %get3A_1041, %get3A_1042] {strides = array<i32>} : memref<2x16x640xf32, #tpu.memory_space<vmem>>, vector<16xf32>,
      %max3A_1044 = arith.maximumf %max3A_1035, %get3A_1043 : vector<16xf32>
      %mul3A_1045 = arith.constant 16 : i32
      %mul3A_1046 = arith.muli %scan3A_1009, %mul3A_1045 : i32
      %get3A_1047 = arith.constant 1 : i32
      %get3A_1048 = arith.constant 4 : i32
      %get3A_1049 = arith.index_cast %get3A_1047 : i32 to index
      %get3A_1050 = arith.index_cast %get3A_1048 : i32 to index
      %get3A_1051 = arith.index_cast %mul3A_1046 : i32 to index
      %get3A_1052 = tpu.vector_load %arg11[%get3A_1049, %get3A_1050, %get3A_1051] {strides = array<i32>} : memref<2x16x640xf32, #tpu.memory_space<vmem>>, vector<16xf32>,
      %max3A_1053 = arith.maximumf %max3A_1044, %get3A_1052 : vector<16xf32>
      %mul3A_1054 = arith.constant 16 : i32
      %mul3A_1055 = arith.muli %scan3A_1009, %mul3A_1054 : i32
      %get3A_1056 = arith.constant 1 : i32
      %get3A_1057 = arith.constant 5 : i32
      %get3A_1058 = arith.index_cast %get3A_1056 : i32 to index
      %get3A_1059 = arith.index_cast %get3A_1057 : i32 to index
      %get3A_1060 = arith.index_cast %mul3A_1055 : i32 to index
      %get3A_1061 = tpu.vector_load %arg11[%get3A_1058, %get3A_1059, %get3A_1060] {strides = array<i32>} : memref<2x16x640xf32, #tpu.memory_space<vmem>>, vector<16xf32>,
      %max3A_1062 = arith.maximumf %max3A_1053, %get3A_1061 : vector<16xf32>
      %mul3A_1063 = arith.constant 16 : i32
      %mul3A_1064 = arith.muli %scan3A_1009, %mul3A_1063 : i32
      %get3A_1065 = arith.constant 1 : i32
      %get3A_1066 = arith.constant 6 : i32
      %get3A_1067 = arith.index_cast %get3A_1065 : i32 to index
      %get3A_1068 = arith.index_cast %get3A_1066 : i32 to index
      %get3A_1069 = arith.index_cast %mul3A_1064 : i32 to index
      %get3A_1070 = tpu.vector_load %arg11[%get3A_1067, %get3A_1068, %get3A_1069] {strides = array<i32>} : memref<2x16x640xf32, #tpu.memory_space<vmem>>, vector<16xf32>,
      %max3A_1071 = arith.maximumf %max3A_1062, %get3A_1070 : vector<16xf32>
      %mul3A_1072 = arith.constant 16 : i32
      %mul3A_1073 = arith.muli %scan3A_1009, %mul3A_1072 : i32
      %get3A_1074 = arith.constant 1 : i32
      %get3A_1075 = arith.constant 7 : i32
      %get3A_1076 = arith.index_cast %get3A_1074 : i32 to index
      %get3A_1077 = arith.index_cast %get3A_1075 : i32 to index
      %get3A_1078 = arith.index_cast %mul3A_1073 : i32 to index
      %get3A_1079 = tpu.vector_load %arg11[%get3A_1076, %get3A_1077, %get3A_1078] {strides = array<i32>} : memref<2x16x640xf32, #tpu.memory_space<vmem>>, vector<16xf32>,
      %max3A_1080 = arith.maximumf %max3A_1071, %get3A_1079 : vector<16xf32>
      %mul3A_1081 = arith.constant 16 : i32
      %mul3A_1082 = arith.muli %scan3A_1009, %mul3A_1081 : i32
      %get3A_1083 = arith.constant 1 : i32
      %get3A_1084 = arith.constant 8 : i32
      %get3A_1085 = arith.index_cast %get3A_1083 : i32 to index
      %get3A_1086 = arith.index_cast %get3A_1084 : i32 to index
      %get3A_1087 = arith.index_cast %mul3A_1082 : i32 to index
      %get3A_1088 = tpu.vector_load %arg11[%get3A_1085, %get3A_1086, %get3A_1087] {strides = array<i32>} : memref<2x16x640xf32, #tpu.memory_space<vmem>>, vector<16xf32>,
      %max3A_1089 = arith.maximumf %max3A_1080, %get3A_1088 : vector<16xf32>
      %mul3A_1090 = arith.constant 16 : i32
      %mul3A_1091 = arith.muli %scan3A_1009, %mul3A_1090 : i32
      %get3A_1092 = arith.constant 1 : i32
      %get3A_1093 = arith.constant 9 : i32
      %get3A_1094 = arith.index_cast %get3A_1092 : i32 to index
      %get3A_1095 = arith.index_cast %get3A_1093 : i32 to index
      %get3A_1096 = arith.index_cast %mul3A_1091 : i32 to index
      %get3A_1097 = tpu.vector_load %arg11[%get3A_1094, %get3A_1095, %get3A_1096] {strides = array<i32>} : memref<2x16x640xf32, #tpu.memory_space<vmem>>, vector<16xf32>,
      %max3A_1098 = arith.maximumf %max3A_1089, %get3A_1097 : vector<16xf32>
      %mul3A_1099 = arith.constant 16 : i32
      %mul3A_1100 = arith.muli %scan3A_1009, %mul3A_1099 : i32
      %get3A_1101 = arith.constant 1 : i32
      %get3A_1102 = arith.constant 10 : i32
      %get3A_1103 = arith.index_cast %get3A_1101 : i32 to index
      %get3A_1104 = arith.index_cast %get3A_1102 : i32 to index
      %get3A_1105 = arith.index_cast %mul3A_1100 : i32 to index
      %get3A_1106 = tpu.vector_load %arg11[%get3A_1103, %get3A_1104, %get3A_1105] {strides = array<i32>} : memref<2x16x640xf32, #tpu.memory_space<vmem>>, vector<16xf32>,
      %max3A_1107 = arith.maximumf %max3A_1098, %get3A_1106 : vector<16xf32>
      %mul3A_1108 = arith.constant 16 : i32
      %mul3A_1109 = arith.muli %scan3A_1009, %mul3A_1108 : i32
      %get3A_1110 = arith.constant 1 : i32
      %get3A_1111 = arith.constant 11 : i32
      %get3A_1112 = arith.index_cast %get3A_1110 : i32 to index
      %get3A_1113 = arith.index_cast %get3A_1111 : i32 to index
      %get3A_1114 = arith.index_cast %mul3A_1109 : i32 to index
      %get3A_1115 = tpu.vector_load %arg11[%get3A_1112, %get3A_1113, %get3A_1114] {strides = array<i32>} : memref<2x16x640xf32, #tpu.memory_space<vmem>>, vector<16xf32>,
      %max3A_1116 = arith.maximumf %max3A_1107, %get3A_1115 : vector<16xf32>
      %mul3A_1117 = arith.constant 16 : i32
      %mul3A_1118 = arith.muli %scan3A_1009, %mul3A_1117 : i32
      %get3A_1119 = arith.constant 1 : i32
      %get3A_1120 = arith.constant 12 : i32
      %get3A_1121 = arith.index_cast %get3A_1119 : i32 to index
      %get3A_1122 = arith.index_cast %get3A_1120 : i32 to index
      %get3A_1123 = arith.index_cast %mul3A_1118 : i32 to index
      %get3A_1124 = tpu.vector_load %arg11[%get3A_1121, %get3A_1122, %get3A_1123] {strides = array<i32>} : memref<2x16x640xf32, #tpu.memory_space<vmem>>, vector<16xf32>,
      %max3A_1125 = arith.maximumf %max3A_1116, %get3A_1124 : vector<16xf32>
      %mul3A_1126 = arith.constant 16 : i32
      %mul3A_1127 = arith.muli %scan3A_1009, %mul3A_1126 : i32
      %get3A_1128 = arith.constant 1 : i32
      %get3A_1129 = arith.constant 13 : i32
      %get3A_1130 = arith.index_cast %get3A_1128 : i32 to index
      %get3A_1131 = arith.index_cast %get3A_1129 : i32 to index
      %get3A_1132 = arith.index_cast %mul3A_1127 : i32 to index
      %get3A_1133 = tpu.vector_load %arg11[%get3A_1130, %get3A_1131, %get3A_1132] {strides = array<i32>} : memref<2x16x640xf32, #tpu.memory_space<vmem>>, vector<16xf32>,
      %max3A_1134 = arith.maximumf %max3A_1125, %get3A_1133 : vector<16xf32>
      %mul3A_1135 = arith.constant 16 : i32
      %mul3A_1136 = arith.muli %scan3A_1009, %mul3A_1135 : i32
      %get3A_1137 = arith.constant 1 : i32
      %get3A_1138 = arith.constant 14 : i32
      %get3A_1139 = arith.index_cast %get3A_1137 : i32 to index
      %get3A_1140 = arith.index_cast %get3A_1138 : i32 to index
      %get3A_1141 = arith.index_cast %mul3A_1136 : i32 to index
      %get3A_1142 = tpu.vector_load %arg11[%get3A_1139, %get3A_1140, %get3A_1141] {strides = array<i32>} : memref<2x16x640xf32, #tpu.memory_space<vmem>>, vector<16xf32>,
      %max3A_1143 = arith.maximumf %max3A_1134, %get3A_1142 : vector<16xf32>
      %mul3A_1144 = arith.constant 16 : i32
      %mul3A_1145 = arith.muli %scan3A_1009, %mul3A_1144 : i32
      %get3A_1146 = arith.constant 1 : i32
      %get3A_1147 = arith.constant 15 : i32
      %get3A_1148 = arith.index_cast %get3A_1146 : i32 to index
      %get3A_1149 = arith.index_cast %get3A_1147 : i32 to index
      %get3A_1150 = arith.index_cast %mul3A_1145 : i32 to index
      %get3A_1151 = tpu.vector_load %arg11[%get3A_1148, %get3A_1149, %get3A_1150] {strides = array<i32>} : memref<2x16x640xf32, #tpu.memory_space<vmem>>, vector<16xf32>,
      %max3A_1152 = arith.maximumf %max3A_1143, %get3A_1151 : vector<16xf32>
      %mul3A_1153 = arith.constant 16 : i32
      %mul3A_1154 = arith.muli %scan3A_1009, %mul3A_1153 : i32
      %swap3A = arith.index_cast %mul3A_1154 : i32 to index
      %swap3A_1155 = tpu.vector_load %arg12[%swap3A] {strides = array<i32>} : memref<640xf32, #tpu.memory_space<vmem>>, vector<16xf32>,
      tpu.vector_store %arg12[%swap3A], %max3A_1152 {strides = array<i32>} : memref<640xf32, #tpu.memory_space<vmem>>, vector<16xf32>,
      %scan3A_1156 = arith.constant 0 : i32
      scf.yield %scan3A_1156 : i32
    }
    %scan3A_1007 = arith.constant 40 : i32
    %run_scoped3A_1008 = arith.constant 1 : i32
    "tpu.region"() ({
      %run_scoped3A_1009 = tpu.sem_alloc : memref<!tpu.dma_semaphore, #tpu.memory_space<semaphore_mem>>
      %dma_start3A_1010 = tpu.memref_slice %arg4[%arg0, %run_scoped3A_1008, %mul3A_96] : memref<2x2x10240xf32, #tpu.memory_space<hbm>> -> memref<1x1x640xf32, #tpu.memory_space<hbm>>
      %dma_start3A_1011 = tpu.memref_squeeze %dma_start3A_1010 : memref<1x1x640xf32, #tpu.memory_space<hbm>> -> memref<640xf32, #tpu.memory_space<hbm>>
      %dma_start3A_1012 = tpu.memref_slice %arg4[%arg0, %run_scoped3A_1008, %mul3A_96] : memref<2x2x10240xf32, #tpu.memory_space<hbm>> -> memref<1x1x640xf32, #tpu.memory_space<hbm>>
      %dma_start3A_1013 = tpu.memref_squeeze %dma_start3A_1012 : memref<1x1x640xf32, #tpu.memory_space<hbm>> -> memref<640xf32, #tpu.memory_space<hbm>>
      tpu.enqueue_dma source(%arg12 : memref<640xf32, #tpu.memory_space<vmem>>) target(%dma_start3A_1013 : memref<640xf32, #tpu.memory_space<hbm>>) target_semaphore(%run_scoped3A_1009 : memref<!tpu.dma_semaphore, #tpu.memory_space<semaphore_mem>>)
      %dma_wait3A_1014 = tpu.memref_slice %arg4[%arg0, %run_scoped3A_1008, %mul3A_96] : memref<2x2x10240xf32, #tpu.memory_space<hbm>> -> memref<1x1x640xf32, #tpu.memory_space<hbm>>
      %dma_wait3A_1015 = tpu.memref_squeeze %dma_wait3A_1014 : memref<1x1x640xf32, #tpu.memory_space<hbm>> -> memref<640xf32, #tpu.memory_space<hbm>>
      %dma_wait3A_1016 = tpu.memref_slice %arg4[%arg0, %run_scoped3A_1008, %mul3A_96] : memref<2x2x10240xf32, #tpu.memory_space<hbm>> -> memref<1x1x640xf32, #tpu.memory_space<hbm>>
      %dma_wait3A_1017 = tpu.memref_squeeze %dma_wait3A_1016 : memref<1x1x640xf32, #tpu.memory_space<hbm>> -> memref<640xf32, #tpu.memory_space<hbm>>
      tpu.wait_dma2 semaphore(%run_scoped3A_1009 : memref<!tpu.dma_semaphore, #tpu.memory_space<semaphore_mem>>) src(%arg12 : memref<640xf32, #tpu.memory_space<vmem>>) dst(%dma_wait3A_1017 : memref<640xf32, #tpu.memory_space<hbm>>)
      tpu.yield
    }) : () -> ()
    "tpu.trace_stop"() : () -> ()
    return
  }
}

module attributes {stable_mosaic.version = 14 : i64} {
  func.func @_tc1_body(%arg0: i32, %arg1: memref<2048x128xf32, #tpu.memory_space<vmem>>, %arg2: memref<16x2048xf32, #tpu.memory_space<vmem>>, %arg3: memref<16x2048xf32, #tpu.memory_space<vmem>>, %arg4: memref<128x64xf32, #tpu.memory_space<vmem>>, %arg5: memref<16x64xf32, #tpu.memory_space<vmem>>, %arg6: memref<16x64xf32, #tpu.memory_space<vmem>>, %arg7: memref<2x128xf32, #tpu.memory_space<vmem>>, %arg8: memref<1x64xf32, #tpu.memory_space<vmem>>, %arg9: memref<2x1xf32, #tpu.memory_space<vmem>>, %arg10: memref<4x2048xf32, #tpu.memory_space<vmem>>) attributes {dimension_semantics = [#tpu.dimension_semantics<parallel>], iteration_bounds = array<i64: 5>, scalar_prefetch = 0 : i64, scratch_operands = 0 : i64, tpu.core_type = #tpu.core_type<tc>, window_params = [{transform_indices = @transform_0, window_bounds = array<i64: 2048, 128>}, {transform_indices = @transform_1, window_bounds = array<i64: 16, 2048>}, {transform_indices = @transform_2, window_bounds = array<i64: 16, 2048>}, {pipeline_mode = #tpu.pipeline_mode<synchronous>, transform_indices = @transform_3, window_bounds = array<i64: 128, 64>}, {pipeline_mode = #tpu.pipeline_mode<synchronous>, transform_indices = @transform_4, window_bounds = array<i64: 16, 64>}, {pipeline_mode = #tpu.pipeline_mode<synchronous>, transform_indices = @transform_5, window_bounds = array<i64: 16, 64>}, {pipeline_mode = #tpu.pipeline_mode<synchronous>, transform_indices = @transform_6, window_bounds = array<i64: 2, 128>}, {pipeline_mode = #tpu.pipeline_mode<synchronous>, transform_indices = @transform_7, window_bounds = array<i64: 1, 64>}, {pipeline_mode = #tpu.pipeline_mode<synchronous>, transform_indices = @transform_8, window_bounds = array<i64: 2, 1>}, {transform_indices = @transform_9, window_bounds = array<i64: 4, 2048>}]} {
    %get3A = arith.constant 0 : index
    %get3A_0 = arith.constant 0 : index
    %get3A_1 = vector.load %arg1[%get3A, %get3A_0] : memref<2048x128xf32, #tpu.memory_space<vmem>>, vector<2048x128xf32>
    %get3A_2 = arith.constant 0 : index
    %get3A_3 = arith.constant 0 : index
    %get3A_4 = vector.load %arg4[%get3A_2, %get3A_3] : memref<128x64xf32, #tpu.memory_space<vmem>>, vector<128x64xf32>
    %dot_general3A = arith.constant dense<0.000000e+00> : vector<2048x64xf32>
    %dot_general3A_5 = tpu.matmul %get3A_1, %get3A_4, %dot_general3A {dimension_numbers = #tpu.dot_dimension_numbers<[1], [0], [0], [1], [0, 0, 1, 1], [], []>, transpose_lhs_hint = false} : vector<2048x128xf32>, vector<128x64xf32>, vector<2048x64xf32> -> vector<2048x64xf32>
    %get3A_6 = arith.constant 0 : index
    %get3A_7 = arith.constant 0 : index
    %get3A_8 = vector.load %arg2[%get3A_6, %get3A_7] : memref<16x2048xf32, #tpu.memory_space<vmem>>, vector<16x2048xf32>
    %get3A_9 = arith.constant 0 : index
    %get3A_10 = arith.constant 0 : index
    %get3A_11 = vector.load %arg5[%get3A_9, %get3A_10] : memref<16x64xf32, #tpu.memory_space<vmem>>, vector<16x64xf32>
    %dot_general3A_12 = arith.constant dense<0.000000e+00> : vector<2048x64xf32>
    %dot_general3A_13 = tpu.matmul %get3A_8, %get3A_11, %dot_general3A_12 {dimension_numbers = #tpu.dot_dimension_numbers<[0], [0], [1], [1], [0, 1, 1, 1], [], []>, transpose_lhs_hint = false} : vector<16x2048xf32>, vector<16x64xf32>, vector<2048x64xf32> -> vector<2048x64xf32>
    %add3A = arith.addf %dot_general3A_5, %dot_general3A_13 : vector<2048x64xf32>
    %get3A_14 = arith.constant 0 : index
    %get3A_15 = arith.constant 0 : index
    %get3A_16 = vector.load %arg3[%get3A_14, %get3A_15] : memref<16x2048xf32, #tpu.memory_space<vmem>>, vector<16x2048xf32>
    %get3A_17 = arith.constant 0 : index
    %get3A_18 = arith.constant 0 : index
    %get3A_19 = vector.load %arg6[%get3A_17, %get3A_18] : memref<16x64xf32, #tpu.memory_space<vmem>>, vector<16x64xf32>
    %dot_general3A_20 = arith.constant dense<0.000000e+00> : vector<2048x64xf32>
    %dot_general3A_21 = tpu.matmul %get3A_16, %get3A_19, %dot_general3A_20 {dimension_numbers = #tpu.dot_dimension_numbers<[0], [0], [1], [1], [0, 1, 1, 1], [], []>, transpose_lhs_hint = false} : vector<16x2048xf32>, vector<16x64xf32>, vector<2048x64xf32> -> vector<2048x64xf32>
    %add3A_22 = arith.addf %add3A, %dot_general3A_21 : vector<2048x64xf32>
    %get3A_23 = arith.constant 0 : index
    %get3A_24 = arith.constant 0 : index
    %get3A_25 = vector.load %arg8[%get3A_23, %get3A_24] : memref<1x64xf32, #tpu.memory_space<vmem>>, vector<1x64xf32>
    %add3A_26 = vector.broadcast %get3A_25 : vector<1x64xf32> to vector<2048x64xf32>
    %add3A_27 = arith.addf %add3A_22, %add3A_26 : vector<2048x64xf32>
    %get3A_28 = arith.constant 0 : index
    %get3A_29 = arith.constant 64 : index
    %get3A_30 = vector.load %arg7[%get3A_28, %get3A_29] : memref<2x128xf32, #tpu.memory_space<vmem>>, vector<2x64xf32>
    %get3A_31 = arith.constant 0 : index
    %get3A_32 = arith.constant 0 : index
    %get3A_33 = vector.load %arg7[%get3A_31, %get3A_32] : memref<2x128xf32, #tpu.memory_space<vmem>>, vector<2x64xf32>
    %sub3A = arith.subf %get3A_33, %get3A_30 : vector<2x64xf32>
    %concatenate3A = tpu.concatenate %get3A_30, %sub3A in 0 : vector<2x64xf32>, vector<2x64xf32> -> vector<4x64xf32>
    %broadcast_in_dim3A = arith.constant 0.000000e+00 : f32
    %broadcast_in_dim3A_34 = vector.broadcast %broadcast_in_dim3A : f32 to vector<2x1xf32>
    %get3A_35 = arith.constant 0 : index
    %get3A_36 = arith.constant 0 : index
    %get3A_37 = vector.load %arg9[%get3A_35, %get3A_36] : memref<2x1xf32, #tpu.memory_space<vmem>>, vector<2x1xf32>
    %concatenate3A_38 = tpu.concatenate %broadcast_in_dim3A_34, %get3A_37 in 0 : vector<2x1xf32>, vector<2x1xf32> -> vector<4x1xf32>
    %dot_general3A_39 = arith.constant dense<0.000000e+00> : vector<4x2048xf32>
    %dot_general3A_40 = tpu.matmul %concatenate3A, %add3A_27, %dot_general3A_39 {dimension_numbers = #tpu.dot_dimension_numbers<[1], [1], [0], [0], [0, 0, 1, 0], [], []>, transpose_lhs_hint = false} : vector<4x64xf32>, vector<2048x64xf32>, vector<4x2048xf32> -> vector<4x2048xf32>
    %add3A_41 = vector.broadcast %concatenate3A_38 : vector<4x1xf32> to vector<4x2048xf32>
    %add3A_42 = arith.addf %dot_general3A_40, %add3A_41 : vector<4x2048xf32>
    %swap3A = arith.constant 0 : index
    %swap3A_43 = arith.constant 0 : index
    %swap3A_44 = vector.load %arg10[%swap3A, %swap3A_43] : memref<4x2048xf32, #tpu.memory_space<vmem>>, vector<4x2048xf32>
    tpu.vector_store %arg10[%swap3A, %swap3A_43], %add3A_42 {strides = array<i32>} : memref<4x2048xf32, #tpu.memory_space<vmem>>, vector<4x2048xf32>,
    return
  }
  func.func @transform_0(%arg0: i32) -> (i32, i32) {
    %c0_i32 = arith.constant 0 : i32
    %c0_i32_0 = arith.constant 0 : i32
    return %arg0, %c0_i32 : i32, i32
  }
  func.func @transform_1(%arg0: i32) -> (i32, i32) {
    %c0_i32 = arith.constant 0 : i32
    %c0_i32_0 = arith.constant 0 : i32
    return %c0_i32, %arg0 : i32, i32
  }
  func.func @transform_2(%arg0: i32) -> (i32, i32) {
    %c0_i32 = arith.constant 0 : i32
    %c0_i32_0 = arith.constant 0 : i32
    return %c0_i32, %arg0 : i32, i32
  }
  func.func @transform_3(%arg0: i32) -> (i32, i32) {
    %c0_i32 = arith.constant 0 : i32
    %c0_i32_0 = arith.constant 0 : i32
    %c0_i32_1 = arith.constant 0 : i32
    return %c0_i32, %c0_i32_0 : i32, i32
  }
  func.func @transform_4(%arg0: i32) -> (i32, i32) {
    %c0_i32 = arith.constant 0 : i32
    %c0_i32_0 = arith.constant 0 : i32
    %c0_i32_1 = arith.constant 0 : i32
    return %c0_i32, %c0_i32_0 : i32, i32
  }
  func.func @transform_5(%arg0: i32) -> (i32, i32) {
    %c0_i32 = arith.constant 0 : i32
    %c0_i32_0 = arith.constant 0 : i32
    %c0_i32_1 = arith.constant 0 : i32
    return %c0_i32, %c0_i32_0 : i32, i32
  }
  func.func @transform_6(%arg0: i32) -> (i32, i32) {
    %c0_i32 = arith.constant 0 : i32
    %c0_i32_0 = arith.constant 0 : i32
    %c0_i32_1 = arith.constant 0 : i32
    return %c0_i32, %c0_i32_0 : i32, i32
  }
  func.func @transform_7(%arg0: i32) -> (i32, i32) {
    %c0_i32 = arith.constant 0 : i32
    %c0_i32_0 = arith.constant 0 : i32
    %c0_i32_1 = arith.constant 0 : i32
    return %c0_i32, %c0_i32_0 : i32, i32
  }
  func.func @transform_8(%arg0: i32) -> (i32, i32) {
    %c0_i32 = arith.constant 0 : i32
    %c0_i32_0 = arith.constant 0 : i32
    %c0_i32_1 = arith.constant 0 : i32
    return %c0_i32, %c0_i32_0 : i32, i32
  }
  func.func @transform_9(%arg0: i32) -> (i32, i32) {
    %c0_i32 = arith.constant 0 : i32
    %c0_i32_0 = arith.constant 0 : i32
    return %c0_i32, %arg0 : i32, i32
  }
}

module attributes {stable_mosaic.version = 14 : i64} {
  func.func @_tc2_body(%arg0: memref<2x2x10240xf32, #tpu.memory_space<vmem>>, %arg1: memref<2x10000xf32, #tpu.memory_space<vmem>>, %arg2: memref<2x10000xf32, #tpu.memory_space<vmem>>) attributes {dimension_semantics = [], scalar_prefetch = 0 : i64, scratch_operands = 0 : i64, tpu.core_type = #tpu.core_type<tc>} {
    %get3A = arith.constant 0 : index
    %get3A_0 = arith.constant 0 : index
    %get3A_1 = arith.constant 0 : index
    %get3A_2 = vector.load %arg0[%get3A, %get3A_0, %get3A_1] : memref<2x2x10240xf32, #tpu.memory_space<vmem>>, vector<1x2x10000xf32>
    %get3A_3 = vector.shape_cast %get3A_2 : vector<1x2x10000xf32> to vector<2x10000xf32>
    %get3A_4 = arith.constant 1 : index
    %get3A_5 = arith.constant 0 : index
    %get3A_6 = arith.constant 0 : index
    %get3A_7 = vector.load %arg0[%get3A_4, %get3A_5, %get3A_6] : memref<2x2x10240xf32, #tpu.memory_space<vmem>>, vector<1x2x10000xf32>
    %get3A_8 = vector.shape_cast %get3A_7 : vector<1x2x10000xf32> to vector<2x10000xf32>
    %max3A = arith.maximumf %get3A_3, %get3A_8 : vector<2x10000xf32>
    %eq3A = arith.constant 0xFF800000 : f32
    %eq3A_9 = vector.broadcast %eq3A : f32 to vector<2x10000xf32>
    %eq3A_10 = arith.cmpf oeq, %max3A, %eq3A_9 : vector<2x10000xf32>
    %get3A_11 = arith.constant 0 : index
    %get3A_12 = arith.constant 0 : index
    %get3A_13 = vector.load %arg1[%get3A_11, %get3A_12] : memref<2x10000xf32, #tpu.memory_space<vmem>>, vector<2x10000xf32>
    %add3A = arith.addf %get3A_13, %max3A : vector<2x10000xf32>
    %jit3A = arith.constant 0.000000e+00 : f32
    %broadcast_in_dim3A = vector.broadcast %jit3A : f32 to vector<2x10000xf32>
    %select_n3A = arith.select %eq3A_10, %broadcast_in_dim3A, %add3A : vector<2x10000xi1>, vector<2x10000xf32>
    %swap3A = arith.constant 0 : index
    %swap3A_14 = arith.constant 0 : index
    %swap3A_15 = vector.load %arg2[%swap3A, %swap3A_14] : memref<2x10000xf32, #tpu.memory_space<vmem>>, vector<2x10000xf32>
    tpu.vector_store %arg2[%swap3A, %swap3A_14], %select_n3A {strides = array<i32>} : memref<2x10000xf32, #tpu.memory_space<vmem>>, vector<2x10000xf32>,
    return
  }
}

</mosaic_0001>

<sc_bundles>
// kernel: kernel.5.cloned.1.call-start
scs
__scs_entry_jumppad:
0x0: {  	(pc) =	sbr.rel $0x88, $3  }
0x1: {  	(tag) =	ssettag $0x0;
	lr =	simm.s32 $0x1  }
0x2: {  	[smem:$0x3F97] =	sst lr;
	_ =	strace $0xD0000000  }
0x3: {  	_ = 	snop  }
0x4: {  	_ = 	snop  }
0x5: {  	_ = 	snop  }
0x6: {  	_ = 	snop  }
0x7: {  	_ = 	snop  }
__scs_overlays_trampoline_lowered:
0x8: {  	[smem:$0x3FA6] =	sst s0  }
0x9: {  	[smem:$0x3FA7] =	sst s1  }
0xa: {  	[smem:$0x3FA8] =	sst s2  }
0xb: {  	[smem:$0x3FA9] =	sst s3  }
0xc: {  	[smem:$0x3FAA] =	sst s4  }
0xd: {  	[smem:$0x3FAB] =	sst s5  }
0xe: {  	[smem:$0x3FAC] =	sst s6  }
0xf: {  	[smem:$0x3FAD] =	sst s7  }
0x10: {  	[smem:$0x3FAE] =	sst s8  }
0x11: {  	[smem:$0x3FAF] =	sst s9;
	s0 =	simm.s32 @!p0 $0x0  }
0x12: {  	s1 =	sld [smem:$0x3F95];
	s0 =	simm.s32 @p0 $0x1  }
0x13: {  	[smem:$0x3FB0] =	sst s0;
	s0 =	simm.s32 @!p1 $0x0  }
0x14: {  	s2 =	sld [smem:$0x3F94];
	s0 =	simm.s32 @p1 $0x1  }
0x15: {  	[smem:$0x3FB1] =	sst s0;
	s0 =	simm.s32 @!p2 $0x0  }
0x16: {  	s3 =	sld [smem:$0x3FDB];
	s0 =	simm.s32 @p2 $0x1  }
0x17: {  	s4 =	simm.s32 $0x1BF5;
	[smem:$0x3FB3] =	sst s0  }
0x18: {  	s0 =	sld [smem:$0x3F96];
	_ =	swait.ge [sflag:s4], $0x0  }
0x19: {  	s7 =	sld [smem:$0x3F97]  }
0x1a: {  	s8 =	sadd.s32 $0xFFFFE003, lr  }
0x1b: {  	s9 =	sadd.s32 $0xFFFFFEF7, lr;
	s5 =	simm.s32 $0xFFFFFFFF;
	p2 =	slt.u32 s8, $0xFFFFF086  }
0x1c: {  	p1 =	slt.u32 s9, $0xF7A;
	s5 =	simm.s32 @!p2 $0x0  }
0x1d: {  	s5 =	simm.s32 @p1 $0x1;
	p0 =	seq.s32 s7, s2  }
0x1e: {  	s7 =	smul.u32 @!p0 $0xF7A, s2;
	p2 =	seq.s32 @!p0 s5, $0x0  }
0x1f: {  	s9 =	smul.u32 $0xF7A, s1;
	s8 =	simm.s32 @!p0 $0x1BF5;
	p2 =	por !p2, p0  }
0x20: {  	[sflag:s8] =	ssyncset.s32 @!p0 $0xFFFFF086;
	s6 =	sadd.s32 @!p0 s3, s7;
	s7 =	simm.s32 @!p0 $0x108  }
0x21: {  	s3 =	sadd.s32 s3, s9;
	s6 =	sadd.s32 @!p0 $0x88, s6;
	s7 =	simm.s32 @p2 $0x1082  }
0x22: {  	[simem:s7], [sflag:s8] =	dma.local @!p0 [hbm:s6], $0xF7A  }
0x23: {  	s9 =	sor.u32 $0xD0000000, s2;
	s6 =	simm.s32 $0x108;
	_ =	swait.ge @!p0 [sflag:s8], $0x0  }
0x24: {  	s3 =	sadd.s32 $0x88, s3;
	s6 =	simm.s32 @!p1 $0x1082;
	[sflag:s4] =	ssyncset.s32 $0xFFFFF086  }
0x25: {  	[simem:s6], [sflag:s4] =	dma.local [hbm:s3], $0xF7A  }
0x26: {  	[smem:$0x3F97] =	sst s1;
	(tag) =	ssettag s2;
	_ =	strace s9  }
0x27: {  	s1 =	sld [smem:$0x3FA7]  }
0x28: {  	s2 =	sld [smem:$0x3FA8]  }
0x29: {  	s4 =	sld [smem:$0x3FAA]  }
0x2a: {  	p0 =	seq.s32 s5, $0x0;
	s5 =	sld [smem:$0x3FAB]  }
0x2b: {  	s6 =	sld [smem:$0x3FAC]  }
0x2c: {  	s7 =	sld [smem:$0x3FAD]  }
0x2d: {  	s3 =	simm.s32 $0x108;
	s8 =	sld [smem:$0x3FAE]  }
0x2e: {  	s3 =	simm.s32 @!p0 $0x1082;
	s9 =	sld [smem:$0x3FAF]  }
0x2f: {  	lr =	sadd.s32 s0, s3;
	s0 =	sld [smem:$0x3FA6]  }
0x30: {  	s3 =	sld [smem:$0x3FA9]  }
0x31: {  	[smem:$0x3FB2] =	sst s10  }
0x32: {  	s10 =	sld [smem:$0x3FB0];
	_ =	sdelay $0x3  }
0x33: {  	p0 =	seq.s32 s10, $0x1;
	s10 =	sld [smem:$0x3FB2];
	_ =	sdelay $0x3  }
0x34: {  	[smem:$0x3FB2] =	sst s10  }
0x35: {  	s10 =	sld [smem:$0x3FB1];
	_ =	sdelay $0x3  }
0x36: {  	p1 =	seq.s32 s10, $0x1;
	s10 =	sld [smem:$0x3FB2];
	_ =	sdelay $0x3  }
0x37: {  	[smem:$0x3FB2] =	sst s10  }
0x38: {  	s10 =	sld [smem:$0x3FB3]  }
0x39: {  	_ = 	snop;
	(pc) =	sbr.ind lr, $3  }
0x3a: {  	_ = 	snop  }
0x3b: {  	_ = 	snop  }
0x3c: {  	p2 =	seq.s32 s10, $0x1;
	s10 =	sld [smem:$0x3FB2]  }
0x3d: {  	_ =	shalt  }
0x3e: {  	_ =	shalt  }
0x3f: {  	_ =	shalt  }
0x40: {  	_ =	shalt  }
0x41: {  	_ =	shalt  }
0x42: {  	_ =	shalt  }
0x43: {  	_ =	shalt  }
0x44: {  	_ =	shalt  }
0x45: {  	_ =	shalt  }
0x46: {  	_ =	shalt  }
0x47: {  	_ =	shalt  }
0x48: {  	_ =	shalt  }
0x49: {  	_ =	shalt  }
0x4a: {  	_ =	shalt  }
0x4b: {  	_ =	shalt  }
0x4c: {  	_ =	shalt  }
0x4d: {  	_ =	shalt  }
0x4e: {  	_ =	shalt  }
0x4f: {  	_ =	shalt  }
0x50: {  	_ =	shalt  }
0x51: {  	_ =	shalt  }
0x52: {  	_ =	shalt  }
0x53: {  	_ =	shalt  }
0x54: {  	_ =	shalt  }
0x55: {  	_ =	shalt  }
0x56: {  	_ =	shalt  }
0x57: {  	_ =	shalt  }
0x58: {  	_ =	shalt  }
0x59: {  	_ =	shalt  }
0x5a: {  	_ =	shalt  }
0x5b: {  	_ =	shalt  }
0x5c: {  	_ =	shalt  }
0x5d: {  	_ =	shalt  }
0x5e: {  	_ =	shalt  }
0x5f: {  	_ =	shalt  }
0x60: {  	_ =	shalt  }
0x61: {  	_ =	shalt  }
0x62: {  	_ =	shalt  }
0x63: {  	_ =	shalt  }
0x64: {  	_ =	shalt  }
0x65: {  	_ =	shalt  }
0x66: {  	_ =	shalt  }
0x67: {  	_ =	shalt  }
0x68: {  	_ =	shalt  }
0x69: {  	_ =	shalt  }
0x6a: {  	_ =	shalt  }
0x6b: {  	_ =	shalt  }
0x6c: {  	_ =	shalt  }
0x6d: {  	_ =	shalt  }
0x6e: {  	_ =	shalt  }
0x6f: {  	_ =	shalt  }
0x70: {  	_ =	shalt  }
0x71: {  	_ =	shalt  }
0x72: {  	_ =	shalt  }
0x73: {  	_ =	shalt  }
0x74: {  	_ =	shalt  }
0x75: {  	_ =	shalt  }
0x76: {  	_ =	shalt  }
0x77: {  	_ =	shalt  }
0x78: {  	_ =	shalt  }
0x79: {  	_ =	shalt  }
0x7a: {  	_ =	shalt  }
0x7b: {  	_ =	shalt  }
0x7c: {  	_ =	shalt  }
0x7d: {  	_ =	shalt  }
0x7e: {  	_ =	shalt  }
0x7f: {  	_ =	shalt  }
0x80: {  	_ =	shalt  }
0x81: {  	_ =	shalt  }
0x82: {  	_ =	shalt  }
0x83: {  	_ =	shalt  }
0x84: {  	_ =	shalt  }
0x85: {  	_ =	shalt  }
0x86: {  	_ =	shalt  }
0x87: {  	_ =	shalt  }
.Lfunc_end0:
.L_simem_size_0:
called_computation_lowered:
.L_overlay_start_0:
0x88: {  	s2 =	sld [smem:$0x3FD9]  }
0x89: {  	s3 =	sld [smem:$0x3FFE];
	_ =	sdelay $0x1  }
0x8a: {  	s1 =	srdreg.scid  }
0x8b: {  	s0 =	sand.u32 $0x1, s1  }
0x8c: {  	s16 =	sshll.u32 s0, $0xA;
	s2 =	sadd.s32 s3, s2  }
0x8d: {  	s2 =	sadd.s32 s2, s16  }
0x8e: {  	[smem:$0x3FBE] =	sst s2  }
0x8f: {  	_ = 	snop  }
0x90: {  	(tm) =	ssettm $0x1  }
0x91: {  	s17 =	sld [smem:$0x3FFB];
	_ =	sdelay $0x3  }
0x92: {  	_ =	strace s17  }
0x93: {  	s2 =	sld [smem:$0x3FFC];
	_ =	sdelay $0x3  }
0x94: {  	_ =	strace s2  }
0x95: {  	s2 =	sld [smem:$0x3FFD];
	_ =	sdelay $0x3  }
0x96: {  	_ =	strace s2  }
0x97: {  	_ =	strace $0x8FFFFFFF  }
0x98: {  	s18 =	sld [smem:$0x3FDB];
	_ =	sdelay $0x1  }
0x99: {  	s19 =	simm.s32 $_scs_section_size  }
0x9a: {  	s4 =	simm.s32 $_size__tile_overlayer_lowered;
	s5 =	simm.s32 $_tile_overlayer_lowered  }
0x9b: {  	s22 =	simm.s32 $0x1BFF;
	s21 =	sshll.u32 s5, $0x1;
	s2 =	sadd.s32 s19, s18  }
0x9c: {  	s6 =	simm.s32 $0x0;
	s20 =	sshll.u32 s4, $0x1;
	s4 =	sadd.s32 s21, s2  }
0x9d: {  	[timem:s6], [sflag:s22] =	dma.local [hbm:s4], s20  }
0x9e: {  	_ =	swait.ge [sflag:s22], s20  }
0x9f: {  	s3 =	ssub.s32 $0x0, s20;
	[sflag:s22] =	ssyncset.done $0x0  }
0xa0: {  	[sflag:s22] =	ssyncadd.s32 s3;
	_ =	sdelay $0x1  }
0xa1: {  	s23 =	simm.s32 $0x1B8B  }
0xa2: {  	_ =	swait.ge [sflag:s23], $0x1  }
0xa3: {  	[sflag:s23] =	ssyncset.done $0x0  }
0xa4: {  	s25 =	simm.s32 $0x1B8E;
	s24 =	sld [smem:$0x3FFE];
	[sflag:s23] =	ssyncadd.s32 $0xFFFFFFFF  }
0xa5: {  	s26 =	simm.s32 $execute0_lowered;
	[smem:$0x3FD2] =	sst s25  }
0xa6: {  	s4 =	sshll.u32 s26, $0x1;
	_ =	strace $0x80000046;
	[dreg:$0x1] =	wrdreg $0xFFFFFFFF  }
0xa7: {  	s28 =	simm.s32 $_size_execute0_lowered;
	s2 =	sadd.s32 s2, s4;
	[dreg:$0x0] =	wrdreg $0x0  }
0xa8: {  	s4 =	sshll.u32 s28, $0x1;
	[dreg:$0x2] =	wrdreg s2  }
0xa9: {  	[dreg:$0x3] =	wrdreg s4  }
0xaa: {  	[dreg:$0x4] =	wrdreg $0xC0  }
0xab: {  	_ =	task [dreg:s6], $0x5FFFF  }
0xac: {  	[dreg:$0x1] =	wrdreg $0xFFFFFFFF  }
0xad: {  	[dreg:$0x0] =	wrdreg $0x60  }
0xae: {  	[dreg:$0x2] =	wrdreg s24  }
0xaf: {  	[dreg:$0x3] =	wrdreg $0x140A00  }
0xb0: {  	[dreg:$0x4] =	wrdreg $0x9  }
0xb1: {  	_ =	task.clear_ibuf [dreg:s6], $0x5FFFF;
	_ =	strace $0x90000046  }
0xb2: {  	s29 =	simm.s32 $0x9;
	_ =	strace $0x8000004B  }
0xb3: {  	_ =	swait.ge [sflag:s29], $0x1  }
0xb4: {  	[sflag:s29] =	ssyncadd.s32 $0xFFFFFFFF  }
0xb5: {  	_ =	strace $0x9000004B  }
0xb6: {  	_ =	sfence  }
0xb7: {  	s30 =	sld [smem:$0x0];
	_ =	sdelay $0x2  }
0xb8: {  	s31 =	sshll.u32 s1, $0xD;
	s1 =	sshrl.u32 s1, $0x2  }
0xb9: {  	s3 =	sand.u32 $0x4000, s31;
	s1 =	sadd.s32 s1, s30  }
0xba: {  	s0 =	sor.u32 s3, s0;
	s1 =	sshll.u32 s1, $0x11  }
0xbb: {  	s0 =	sor.u32 s1, s0  }
0xbc: {  	s0 =	sadd.s32 $0x8F2B, s0  }
0xbd: {  	[sflag:s0] =	ssyncadd.remote.s32 $0x1  }
0xbe: {  	_ =	sfence.sel $0xFFFF  }
0xbf: {  	[dreg:$0x0] =	wrdreg $0xFFFFFFFF;
	(pc) =	sbr.abs _section_cstart, $3  }
0xc0: {  	[dreg:$0x1] =	wrdreg $0xFFFFFFFF  }
0xc1: {  	_ =	task.clear_ibuf [dreg:s6], $0x2FFFF;
	_ =	strace $0x9FFFFFFF  }
0xc2: {  	(tm) =	ssettm $0x7FFFFFFF  }
0xc3: {  	_ =	shalt  }
tec
execute0_lowered:
.L_overlay_start_1:
0x0: {  	(tag) =	ssettag $0x1  }
0x1: {  	s0 =	srdreg.scid;
	s3 =	rddreg [dreg:$0x0]  }
0x2: {  	s7 =	stileid.u32;
	s4 =	rddreg [dreg:$0x1];
	s2 =	simm.s32 $0x0  }
0x3: {  	s0 =	sand.u32 $0x1, s0;
	s5 =	smul.u32 $0x280, s7;
	[smem:$0x7FF] =	sst s2  }
0x4: {  	s8 =	sadd.s32 $0x1000, s3;
	s1 =	sshll.u32 s0, $0x4;
	s6 =	smul.u32 $0x5000, s0  }
0x5: {  	_ =	strace $0x80000047;
	[dreg:$0x3] =	wrdreg s8;
	s0 =	ssub.s32 $0x2, s0  }
0x6: {  	s1 =	sor.u32 s7, s1;
	s7 =	smul.u32 $0x14000, s7;
	s26 =	sshrl.u32 s0, $0x1  }
0x7: {  	s1 =	smul.u32 $0x2710, s1;
	s6 =	sadd.s32 s5, s6;
	s0 =	ssub.s32 s0, s26  }
0x8: {  	s6 =	sshrl.u32 s6, $0x3;
	s8 =	sshrl.u32 s7, $0x2;
	s0 =	smax.u32 s0, $0x1  }
0x9: {  	s1 =	sshrl.u32 s1, $0x3;
	s10 =	sadd.s32 s6, s3;
	s6 =	sadd.s32 s8, s4  }
0xa: {  	[dreg:$0x17] =	wrdreg s0;
	s1 =	sadd.s32 s1, s3;
	s3 =	sadd.s32 $0x1500, s3  }
0xb: {  	s11 =	sadd.s32 $0x2800, s6;
	[dreg:$0x4] =	wrdreg s3  }
0xc: {  	s25 =	sadd.s32 $0x15E00, s10;
	[dreg:$0x7] =	wrdreg s11  }
0xd: {  	s26 =	sadd.s32 $0x16300, s10;
	[dreg:$0x15] =	wrdreg s25  }
0xe: {  	s9 =	sadd.s32 $0x2400, s1;
	[dreg:$0x16] =	wrdreg s26  }
0xf: {  	s1 =	sadd.s32 $0xC040, s1;
	[dreg:$0x5] =	wrdreg s9  }
0x10: {  	[dreg:$0x6] =	wrdreg s1;
	s9 =	sadd.s32 s5, s4  }
0x11: {  	s12 =	sadd.s32 $0x5000, s9;
	s13 =	sadd.s32 $0xA000, s9;
	s14 =	sadd.s32 $0xF000, s9  }
0x12: {  	s15 =	sadd.s32 $0x14000, s9;
	s16 =	sadd.s32 $0x19000, s9;
	[dreg:$0x8] =	wrdreg s12  }
0x13: {  	v0 =	vimm.s32 $0xEDCBA987;
	v1 =	vimm.s32 $0x65432100;
	s17 =	sadd.s32 $0x1E000, s9;
	s18 =	sadd.s32 $0x23000, s9;
	[dreg:$0x9] =	wrdreg s13  }
0x14: {  	v2 =	vimm.s32 $0xE40000;
	v3 =	vimm.s32 $0x54321000;
	v0 =	vunpack.c.l.s4.s8 v0;
	s19 =	sadd.s32 $0x28000, s9;
	s20 =	sadd.s32 $0x2D000, s9;
	[dreg:$0xa] =	wrdreg s14  }
0x15: {  	v4 =	vimm.s32 $0xBA987654;
	v6 =	vimm.s32 $0x32100000;
	v1 =	vunpack.c.l.s4.s8 v1;
	s21 =	sadd.s32 $0x32000, s9;
	s22 =	sadd.s32 $0x37000, s9;
	[dreg:$0xb] =	wrdreg s15  }
0x16: {  	v7 =	vimm.s32 $0x87654321;
	v8 =	vimm.s32 $0x7060504;
	v0 =	vunpack.c.0.s8.s32 v0;
	s23 =	sadd.s32 $0x3C000, s9;
	s24 =	sadd.s32 $0x41000, s9;
	[dreg:$0xc] =	wrdreg s16  }
0x17: {  	vm0 =	vcmask $0x3F30;
	v2 =	vunpack.c.l.s2.s4 v2;
	v1 =	vunpack.c.0.s8.s32 v1;
	s26 =	sadd.s32 $0x46000, s9;
	s28 =	sadd.s32 $0x4B000, s9;
	[dreg:$0xd] =	wrdreg s17  }
0x18: {  	v3 =	vunpack.c.l.s4.s8 v3;
	v7 =	vunpack.c.l.s4.s8 v7;
	v0 =	vand.u32 $0xF, v0;
	s29 =	sadd.s32 $0x2800, s9;
	s30 =	sadd.s32 $0x7800, s9;
	[dreg:$0xe] =	wrdreg s18  }
0x19: {  	v2 =	vunpack.c.l.s4.s8 v2;
	v0 =	vcombine.low v1, v0;
	v1 =	vimm.s32 $0xDCBA9876;
	s31 =	sadd.s32 $0xC800, s9;
	s1 =	sadd.s32 $0x11800, s9;
	[dreg:$0xf] =	wrdreg s19  }
0x1a: {  	v4 =	vunpack.c.l.s4.s8 v4;
	v5 =	vunpack.c.l.s4.s8 v1;
	v1 =	vimm.s32 $0xFFEDCBA9;
	s0 =	sadd.s32 $0x16800, s9;
	s3 =	sadd.s32 $0x1B800, s9;
	[dreg:$0x10] =	wrdreg s20  }
0x1b: {  	v8 =	vunpack.c.0.s8.s32 v8;
	v2 =	vunpack.c.0.s8.s32 v2;
	v1 =	vunpack.c.l.s4.s8 v1;
	s4 =	sadd.s32 $0x20800, s9;
	s5 =	sadd.s32 $0x25800, s9;
	[dreg:$0x11] =	wrdreg s21  }
0x1c: {  	v6 =	vunpack.c.l.s4.s8 v6;
	v7 =	vunpack.c.0.s8.s32 v7;
	v3 =	vunpack.c.0.s8.s32 v3;
	s7 =	sadd.s32 $0x2A800, s9;
	s8 =	sadd.s32 $0x2F800, s9;
	[dreg:$0x12] =	wrdreg s22  }
0x1d: {  	v2 =	vand.u32 $0x3, v2;
	v5 =	vunpack.c.0.s8.s32 v5;
	s10 =	sadd.s32 $0x34800, s9;
	s11 =	sadd.s32 $0x39800, s9;
	v9 =	vunpack.c.0.s8.s32 v1;
	[dreg:$0x13] =	wrdreg s23  }
0x1e: {  	v1 =	vsel vm0, v8, v2;
	v8 =	vunpack.c.0.s8.s32 v4;
	v2 =	vimm.f32 $-Inf;
	[dreg:$0x14] =	wrdreg s24;
	s12 =	sadd.s32 $0x3E800, s9;
	s13 =	sadd.s32 $0x43800, s9  }
0x1f: {  	s14 =	sadd.s32 $0x48800, s9;
	s15 =	sadd.s32 $0x4D800, s9;
	s16 =	simm.s32 $0x2800;
	v4 =	vand.u32 $0xF, v5;
	v5 =	vunpack.c.0.s8.s32 v6;
	v7 =	vcombine.low v7, v9  }
0x20: {  	vm0 =	vcmask $0x3F3C;
	s17 =	simm.s32 $0x1;
	s18 =	simm.s32 $0x5000;
	s19 =	simm.s32 $0x7800;
	v3 =	vcombine.low v3, v4;
	v6 =	vand.u32 $0xF, v8  }
0x21: {  	s20 =	simm.s32 $0x2;
	s21 =	simm.s32 $0x13E20;
	s22 =	simm.s32 $0x0;
	v4 =	vlaneseq.u32;
	v5 =	vcombine.low v5, v6;
	v6 =	vand.u32 $0xF, v7  }
.LBB2_1:
0x22: {  	s23 =	rddreg [dreg:$0x3]  }
0x23: {  	[tilespmem:s2], [sflag:$0x1] =	stream.linear.gather [hbm4b:s23+s2], $0x2800, $0x38;
	[tilespmem:$0x190A0] =	vst v63  }
0x24: {  	s24 =	rddreg [dreg:$0x4]  }
0x25: {  	[tilespmem:s16], [sflag:$0x1] =	stream.linear.gather [hbm4b:s24+s2], $0x2800, $0x38;
	[tilespmem:$0x190A0] =	vst v63  }
0x26: {  	s25 =	rddreg [dreg:$0x5];
	s24 =	simm.s32 $0xA000  }
0x27: {  	[tilespmem:s24], [sflag:$0x1] =	stream.linear.gather [hbm4b:s25+s2], $0x2710, $0x38;
	[tilespmem:$0x190A0] =	vst v63  }
0x28: {  	s24 =	rddreg [dreg:$0x6];
	s25 =	simm.s32 $0xC710  }
0x29: {  	[tilespmem:s25], [sflag:$0x1] =	stream.linear.gather [hbm4b:s24+s2], $0x2710, $0x38;
	[tilespmem:$0x190A0] =	vst v63  }
0x2a: {  	s23 =	simm.s32 $0x40;
	s24 =	simm.s32 $0x0;
	_ =	strace $0x80000048  }
.LBB2_2:
0x2b: {  	p0 =	sne.s32 s23, $0x9FC0;
	[tilespmem:s24+$0x5000] =	vst v2;
	s25 =	smov.u32 s23;
	s23 =	sadd.s32 $0x40, s23  }
.Ltmp0:
0x2c: {  	[tilespmem:s24+$0x7800] =	vst v2;
	(pc) =	sbr.rel @p0 .LBB2_2-.Ltmp0, $2  }
0x2d: {  	_ =	sdelay $0x2  }
0x2e: {  	s24 =	sshra.s32 s25, $0x2  }
0x2f: {  	[tilespmem:s24+$0x5000] =	vst v2  }
0x30: {  	[tilespmem:s24+$0x7800] =	vst v2  }
0x31: {  	_ =	swait.ge [sflag:s17], $0x2800  }
0x32: {  	[sflag:s17] =	ssyncset.done $0x0  }
0x33: {  	[sflag:s17] =	ssyncadd.s32 $0xFFFFD800  }
0x34: {  	_ =	swait.ge [sflag:s17], $0x2800  }
0x35: {  	[sflag:s17] =	ssyncset.done $0x0  }
0x36: {  	[sflag:s17] =	ssyncadd.s32 $0xFFFFD800  }
0x37: {  	_ =	swait.ge [sflag:s17], $0x2710  }
0x38: {  	[sflag:s17] =	ssyncset.done $0x0  }
0x39: {  	[sflag:s17] =	ssyncadd.s32 $0xFFFFD8F0  }
0x3a: {  	_ =	swait.ge [sflag:s17], $0x2710  }
0x3b: {  	[sflag:s17] =	ssyncset.done $0x0  }
0x3c: {  	[sflag:s17] =	ssyncadd.s32 $0xFFFFD8F0  }
0x3d: {  	_ =	strace $0x90000048  }
0x3e: {  	s23 =	simm.s32 $0x0;
	_ =	strace $0x80000049  }
.LBB2_4:
0x3f: {  	s24 =	sshra.s32 s23, $0x2  }
0x40: {  	v7 =	vld [tilespmem:s24+$0xC710];
	_ =	sdelay $0x4  }
0x41: {  	v7 =	vxor.u32 $0x80000000, v7  }
0x42: {  	(xrf1) =	vsort.ascd.msk.u32 $0xffff, v7, v4;
	_ =	sdelay $0x9  }
0x43: {  	v7 =	vld [tilespmem:s24+$0xA000];
	_ =	sdelay $0x3  }
0x44: {  	v8, v9, _ =	vpop (xrf1)  }
0x45: {  	v7 =	vperm.xlane v7, v9;
	_ =	sdelay $0x5  }
0x46: {  	v9 =	vld.idx.msk [tilespmem:v7+s2+$0x0], $0xffff  }
0x47: {  	v7 =	vld.idx.msk [tilespmem:v7+s16+$0x0], $0xffff;
	_ =	sdelay $0x2  }
0x48: {  	v8 =	vxor.u32 $0x80000000, v8  }
0x49: {  	v10 =	vperm.xlane v8, v0;
	v11 =	vperm.xlane v9, v0  }
0x4a: {  	v12 =	vperm.xlane v7, v0  }
0x4b: {  	vm1 =	veq.s32 v10, v8;
	v54 =	vmax.f32 v9, v11  }
0x4c: {  	v55 =	vmax.f32 v7, v12;
	v9 =	vsel vm1, v54, v9  }
0x4d: {  	v56 =	vperm.xlane v8, v3;
	v7 =	vsel vm1, v55, v7;
	v57 =	vperm.xlane v9, v3  }
0x4e: {  	v58 =	vperm.xlane v7, v3  }
0x4f: {  	vm1 =	veq.s32 v56, v8;
	v59 =	vmax.f32 v9, v57  }
0x50: {  	v61 =	vperm.xlane v8, v5;
	v60 =	vmax.f32 v7, v58;
	v9 =	vsel vm1, v59, v9  }
0x51: {  	v63 =	vperm.xlane v8, v6;
	v7 =	vsel vm1, v60, v7;
	v62 =	vperm.xlane v9, v5  }
0x52: {  	v13 =	vperm.xlane v7, v5  }
0x53: {  	vm2 =	vne.s32 v63, v8;
	vm1 =	veq.s32 v61, v8;
	v10 =	vmax.f32 v9, v62  }
0x54: {  	vm2 =	vmor vm2, vm0;
	v16 =	vld.idx.msk [tilespmem:v8+s18+$0x0], $0xffff;
	v15 =	vmax.f32 v7, v13;
	v9 =	vsel vm1, v10, v9  }
0x55: {  	v17 =	vperm.xlane v8, v1;
	v19 =	vld.idx.msk [tilespmem:v8+s19+$0x0], $0xffff;
	v7 =	vsel vm1, v15, v7;
	v18 =	vperm.xlane v9, v1  }
0x56: {  	v14 =	vperm.xlane v7, v1  }
0x57: {  	vm1 =	veq.s32 v17, v8;
	v20 =	vmax.f32 v9, v18  }
0x58: {  	v21 =	vmax.f32 v7, v14;
	v9 =	vsel vm1, v20, v9  }
0x59: {  	v7 =	vsel vm1, v21, v7;
	v9 =	vmax.f32 v16, v9  }
0x5a: {  	v7 =	vmax.f32 v19, v7;
	[tilespmem:v8+s18+$0x0] =	vst.idx.msk vm2, v9  }
0x5b: {  	[tilespmem:v8+s19+$0x0] =	vst.idx.msk vm2, v7  }
0x5c: {  	v7 =	vld [tilespmem:s24+$0xC720];
	_ =	sdelay $0x4  }
0x5d: {  	v7 =	vxor.u32 $0x80000000, v7  }
0x5e: {  	(xrf1) =	vsort.ascd.msk.u32 $0xffff, v7, v4;
	_ =	sdelay $0x9  }
0x5f: {  	v7 =	vld [tilespmem:s24+$0xA010];
	_ =	sdelay $0x3  }
0x60: {  	v8, v9, _ =	vpop (xrf1)  }
0x61: {  	v7 =	vperm.xlane v7, v9;
	_ =	sdelay $0x5  }
0x62: {  	v9 =	vld.idx.msk [tilespmem:v7+s2+$0x0], $0xffff  }
0x63: {  	v7 =	vld.idx.msk [tilespmem:v7+s16+$0x0], $0xffff;
	_ =	sdelay $0x2  }
0x64: {  	v8 =	vxor.u32 $0x80000000, v8  }
0x65: {  	v22 =	vperm.xlane v8, v0;
	v23 =	vperm.xlane v9, v0  }
0x66: {  	v24 =	vperm.xlane v7, v0  }
0x67: {  	vm1 =	veq.s32 v22, v8;
	v25 =	vmax.f32 v9, v23  }
0x68: {  	v26 =	vmax.f32 v7, v24;
	v9 =	vsel vm1, v25, v9  }
0x69: {  	v27 =	vperm.xlane v8, v3;
	v7 =	vsel vm1, v26, v7;
	v28 =	vperm.xlane v9, v3  }
0x6a: {  	v29 =	vperm.xlane v7, v3  }
0x6b: {  	vm1 =	veq.s32 v27, v8;
	v30 =	vmax.f32 v9, v28  }
0x6c: {  	v32 =	vperm.xlane v8, v5;
	v31 =	vmax.f32 v7, v29;
	v9 =	vsel vm1, v30, v9  }
0x6d: {  	v34 =	vperm.xlane v8, v6;
	v7 =	vsel vm1, v31, v7;
	v33 =	vperm.xlane v9, v5  }
0x6e: {  	v35 =	vperm.xlane v7, v5  }
0x6f: {  	vm2 =	vne.s32 v34, v8;
	vm1 =	veq.s32 v32, v8;
	v10 =	vmax.f32 v9, v33  }
0x70: {  	vm2 =	vmor vm2, vm0;
	v37 =	vld.idx.msk [tilespmem:v8+s18+$0x0], $0xffff;
	v36 =	vmax.f32 v7, v35;
	v9 =	vsel vm1, v10, v9  }
0x71: {  	v38 =	vperm.xlane v8, v1;
	v40 =	vld.idx.msk [tilespmem:v8+s19+$0x0], $0xffff;
	v7 =	vsel vm1, v36, v7;
	v39 =	vperm.xlane v9, v1  }
0x72: {  	v41 =	vperm.xlane v7, v1  }
0x73: {  	vm1 =	veq.s32 v38, v8;
	v42 =	vmax.f32 v9, v39  }
0x74: {  	v43 =	vmax.f32 v7, v41;
	v9 =	vsel vm1, v42, v9  }
0x75: {  	v7 =	vsel vm1, v43, v7;
	v9 =	vmax.f32 v37, v9  }
0x76: {  	v7 =	vmax.f32 v40, v7;
	[tilespmem:v8+s18+$0x0] =	vst.idx.msk vm2, v9  }
0x77: {  	[tilespmem:v8+s19+$0x0] =	vst.idx.msk vm2, v7  }
0x78: {  	v7 =	vld [tilespmem:s24+$0xC730];
	_ =	sdelay $0x4  }
0x79: {  	v7 =	vxor.u32 $0x80000000, v7  }
0x7a: {  	(xrf1) =	vsort.ascd.msk.u32 $0xffff, v7, v4;
	_ =	sdelay $0x9  }
0x7b: {  	v7 =	vld [tilespmem:s24+$0xA020];
	_ =	sdelay $0x3  }
0x7c: {  	v8, v9, _ =	vpop (xrf1)  }
0x7d: {  	v7 =	vperm.xlane v7, v9;
	_ =	sdelay $0x5  }
0x7e: {  	v9 =	vld.idx.msk [tilespmem:v7+s2+$0x0], $0xffff  }
0x7f: {  	v7 =	vld.idx.msk [tilespmem:v7+s16+$0x0], $0xffff;
	_ =	sdelay $0x2  }
0x80: {  	v8 =	vxor.u32 $0x80000000, v8  }
0x81: {  	v44 =	vperm.xlane v8, v0;
	v45 =	vperm.xlane v9, v0  }
0x82: {  	v46 =	vperm.xlane v7, v0  }
0x83: {  	vm1 =	veq.s32 v44, v8;
	v47 =	vmax.f32 v9, v45  }
0x84: {  	v48 =	vmax.f32 v7, v46;
	v9 =	vsel vm1, v47, v9  }
0x85: {  	v49 =	vperm.xlane v8, v3;
	v7 =	vsel vm1, v48, v7;
	v50 =	vperm.xlane v9, v3  }
0x86: {  	v51 =	vperm.xlane v7, v3  }
0x87: {  	vm1 =	veq.s32 v49, v8;
	v52 =	vmax.f32 v9, v50  }
0x88: {  	v54 =	vperm.xlane v8, v5;
	v53 =	vmax.f32 v7, v51;
	v9 =	vsel vm1, v52, v9  }
0x89: {  	v56 =	vperm.xlane v8, v6;
	v7 =	vsel vm1, v53, v7;
	v55 =	vperm.xlane v9, v5  }
0x8a: {  	v57 =	vperm.xlane v7, v5  }
0x8b: {  	vm2 =	vne.s32 v56, v8;
	vm1 =	veq.s32 v54, v8;
	v10 =	vmax.f32 v9, v55  }
0x8c: {  	vm2 =	vmor vm2, vm0;
	v59 =	vld.idx.msk [tilespmem:v8+s18+$0x0], $0xffff;
	v58 =	vmax.f32 v7, v57;
	v9 =	vsel vm1, v10, v9  }
0x8d: {  	v60 =	vperm.xlane v8, v1;
	v62 =	vld.idx.msk [tilespmem:v8+s19+$0x0], $0xffff;
	v7 =	vsel vm1, v58, v7;
	v61 =	vperm.xlane v9, v1  }
0x8e: {  	v63 =	vperm.xlane v7, v1  }
0x8f: {  	vm1 =	veq.s32 v60, v8;
	v15 =	vmax.f32 v9, v61  }
0x90: {  	v16 =	vmax.f32 v7, v63;
	v9 =	vsel vm1, v15, v9  }
0x91: {  	v7 =	vsel vm1, v16, v7;
	v9 =	vmax.f32 v59, v9  }
0x92: {  	v7 =	vmax.f32 v62, v7;
	[tilespmem:v8+s18+$0x0] =	vst.idx.msk vm2, v9  }
0x93: {  	[tilespmem:v8+s19+$0x0] =	vst.idx.msk vm2, v7  }
0x94: {  	v7 =	vld [tilespmem:s24+$0xC740];
	_ =	sdelay $0x4  }
0x95: {  	v7 =	vxor.u32 $0x80000000, v7  }
0x96: {  	(xrf1) =	vsort.ascd.msk.u32 $0xffff, v7, v4;
	_ =	sdelay $0x9  }
0x97: {  	v7 =	vld [tilespmem:s24+$0xA030];
	_ =	sdelay $0x3  }
0x98: {  	v8, v9, _ =	vpop (xrf1)  }
0x99: {  	v7 =	vperm.xlane v7, v9;
	_ =	sdelay $0x5  }
0x9a: {  	v9 =	vld.idx.msk [tilespmem:v7+s2+$0x0], $0xffff  }
0x9b: {  	v7 =	vld.idx.msk [tilespmem:v7+s16+$0x0], $0xffff;
	_ =	sdelay $0x2  }
0x9c: {  	v8 =	vxor.u32 $0x80000000, v8  }
0x9d: {  	v17 =	vperm.xlane v8, v0;
	v18 =	vperm.xlane v9, v0  }
0x9e: {  	v19 =	vperm.xlane v7, v0  }
0x9f: {  	vm1 =	veq.s32 v17, v8;
	v20 =	vmax.f32 v9, v18  }
0xa0: {  	v21 =	vmax.f32 v7, v19;
	v9 =	vsel vm1, v20, v9  }
0xa1: {  	v22 =	vperm.xlane v8, v3;
	v7 =	vsel vm1, v21, v7;
	v23 =	vperm.xlane v9, v3  }
0xa2: {  	v24 =	vperm.xlane v7, v3  }
0xa3: {  	vm1 =	veq.s32 v22, v8;
	v25 =	vmax.f32 v9, v23  }
0xa4: {  	v27 =	vperm.xlane v8, v5;
	v26 =	vmax.f32 v7, v24;
	v9 =	vsel vm1, v25, v9  }
0xa5: {  	v29 =	vperm.xlane v8, v6;
	v7 =	vsel vm1, v26, v7;
	v28 =	vperm.xlane v9, v5  }
0xa6: {  	v30 =	vperm.xlane v7, v5  }
0xa7: {  	vm2 =	vne.s32 v29, v8;
	vm1 =	veq.s32 v27, v8;
	v10 =	vmax.f32 v9, v28  }
0xa8: {  	vm2 =	vmor vm2, vm0;
	v32 =	vld.idx.msk [tilespmem:v8+s18+$0x0], $0xffff;
	v31 =	vmax.f32 v7, v30;
	v9 =	vsel vm1, v10, v9  }
0xa9: {  	v33 =	vperm.xlane v8, v1;
	v35 =	vld.idx.msk [tilespmem:v8+s19+$0x0], $0xffff;
	v7 =	vsel vm1, v31, v7;
	v34 =	vperm.xlane v9, v1  }
0xaa: {  	v36 =	vperm.xlane v7, v1  }
0xab: {  	vm1 =	veq.s32 v33, v8;
	v37 =	vmax.f32 v9, v34  }
0xac: {  	v38 =	vmax.f32 v7, v36;
	v9 =	vsel vm1, v37, v9  }
0xad: {  	v7 =	vsel vm1, v38, v7;
	v9 =	vmax.f32 v32, v9  }
0xae: {  	v7 =	vmax.f32 v35, v7;
	[tilespmem:v8+s18+$0x0] =	vst.idx.msk vm2, v9  }
0xaf: {  	[tilespmem:v8+s19+$0x0] =	vst.idx.msk vm2, v7  }
0xb0: {  	v7 =	vld [tilespmem:s24+$0xC750];
	_ =	sdelay $0x4  }
0xb1: {  	v7 =	vxor.u32 $0x80000000, v7  }
0xb2: {  	(xrf1) =	vsort.ascd.msk.u32 $0xffff, v7, v4;
	_ =	sdelay $0x9  }
0xb3: {  	v7 =	vld [tilespmem:s24+$0xA040];
	_ =	sdelay $0x3  }
0xb4: {  	v8, v9, _ =	vpop (xrf1)  }
0xb5: {  	v7 =	vperm.xlane v7, v9;
	_ =	sdelay $0x5  }
0xb6: {  	v9 =	vld.idx.msk [tilespmem:v7+s2+$0x0], $0xffff  }
0xb7: {  	v7 =	vld.idx.msk [tilespmem:v7+s16+$0x0], $0xffff;
	_ =	sdelay $0x2  }
0xb8: {  	v8 =	vxor.u32 $0x80000000, v8  }
0xb9: {  	v39 =	vperm.xlane v8, v0;
	v40 =	vperm.xlane v9, v0  }
0xba: {  	v41 =	vperm.xlane v7, v0  }
0xbb: {  	vm1 =	veq.s32 v39, v8;
	v42 =	vmax.f32 v9, v40  }
0xbc: {  	v43 =	vmax.f32 v7, v41;
	v9 =	vsel vm1, v42, v9  }
0xbd: {  	v44 =	vperm.xlane v8, v3;
	v7 =	vsel vm1, v43, v7;
	v45 =	vperm.xlane v9, v3  }
0xbe: {  	v46 =	vperm.xlane v7, v3  }
0xbf: {  	vm1 =	veq.s32 v44, v8;
	v47 =	vmax.f32 v9, v45  }
0xc0: {  	v49 =	vperm.xlane v8, v5;
	v48 =	vmax.f32 v7, v46;
	v9 =	vsel vm1, v47, v9  }
0xc1: {  	v51 =	vperm.xlane v8, v6;
	v7 =	vsel vm1, v48, v7;
	v50 =	vperm.xlane v9, v5  }
0xc2: {  	v52 =	vperm.xlane v7, v5  }
0xc3: {  	vm2 =	vne.s32 v51, v8;
	vm1 =	veq.s32 v49, v8;
	v10 =	vmax.f32 v9, v50  }
0xc4: {  	vm2 =	vmor vm2, vm0;
	v54 =	vld.idx.msk [tilespmem:v8+s18+$0x0], $0xffff;
	v53 =	vmax.f32 v7, v52;
	v9 =	vsel vm1, v10, v9  }
0xc5: {  	v55 =	vperm.xlane v8, v1;
	v57 =	vld.idx.msk [tilespmem:v8+s19+$0x0], $0xffff;
	v7 =	vsel vm1, v53, v7;
	v56 =	vperm.xlane v9, v1  }
0xc6: {  	v58 =	vperm.xlane v7, v1  }
0xc7: {  	vm1 =	veq.s32 v55, v8;
	v59 =	vmax.f32 v9, v56  }
0xc8: {  	v60 =	vmax.f32 v7, v58;
	v9 =	vsel vm1, v59, v9  }
0xc9: {  	v7 =	vsel vm1, v60, v7;
	v9 =	vmax.f32 v54, v9  }
0xca: {  	v7 =	vmax.f32 v57, v7;
	[tilespmem:v8+s18+$0x0] =	vst.idx.msk vm2, v9  }
0xcb: {  	[tilespmem:v8+s19+$0x0] =	vst.idx.msk vm2, v7  }
0xcc: {  	v7 =	vld [tilespmem:s24+$0xC760];
	_ =	sdelay $0x4  }
0xcd: {  	v7 =	vxor.u32 $0x80000000, v7  }
0xce: {  	(xrf1) =	vsort.ascd.msk.u32 $0xffff, v7, v4;
	_ =	sdelay $0x9  }
0xcf: {  	v7 =	vld [tilespmem:s24+$0xA050];
	_ =	sdelay $0x3  }
0xd0: {  	v8, v9, _ =	vpop (xrf1)  }
0xd1: {  	v7 =	vperm.xlane v7, v9;
	_ =	sdelay $0x5  }
0xd2: {  	v9 =	vld.idx.msk [tilespmem:v7+s2+$0x0], $0xffff  }
0xd3: {  	v7 =	vld.idx.msk [tilespmem:v7+s16+$0x0], $0xffff;
	_ =	sdelay $0x2  }
0xd4: {  	v8 =	vxor.u32 $0x80000000, v8  }
0xd5: {  	v61 =	vperm.xlane v8, v0;
	v62 =	vperm.xlane v9, v0  }
0xd6: {  	v63 =	vperm.xlane v7, v0  }
0xd7: {  	vm1 =	veq.s32 v61, v8;
	v15 =	vmax.f32 v9, v62  }
0xd8: {  	v16 =	vmax.f32 v7, v63;
	v9 =	vsel vm1, v15, v9  }
0xd9: {  	v17 =	vperm.xlane v8, v3;
	v7 =	vsel vm1, v16, v7;
	v18 =	vperm.xlane v9, v3  }
0xda: {  	v19 =	vperm.xlane v7, v3  }
0xdb: {  	vm1 =	veq.s32 v17, v8;
	v20 =	vmax.f32 v9, v18  }
0xdc: {  	v22 =	vperm.xlane v8, v5;
	v21 =	vmax.f32 v7, v19;
	v9 =	vsel vm1, v20, v9  }
0xdd: {  	v24 =	vperm.xlane v8, v6;
	v7 =	vsel vm1, v21, v7;
	v23 =	vperm.xlane v9, v5  }
0xde: {  	v25 =	vperm.xlane v7, v5  }
0xdf: {  	vm2 =	vne.s32 v24, v8;
	vm1 =	veq.s32 v22, v8;
	v10 =	vmax.f32 v9, v23  }
0xe0: {  	vm2 =	vmor vm2, vm0;
	v27 =	vld.idx.msk [tilespmem:v8+s18+$0x0], $0xffff;
	v26 =	vmax.f32 v7, v25;
	v9 =	vsel vm1, v10, v9  }
0xe1: {  	v28 =	vperm.xlane v8, v1;
	v30 =	vld.idx.msk [tilespmem:v8+s19+$0x0], $0xffff;
	v7 =	vsel vm1, v26, v7;
	v29 =	vperm.xlane v9, v1  }
0xe2: {  	v31 =	vperm.xlane v7, v1  }
0xe3: {  	vm1 =	veq.s32 v28, v8;
	v32 =	vmax.f32 v9, v29  }
0xe4: {  	v33 =	vmax.f32 v7, v31;
	v9 =	vsel vm1, v32, v9  }
0xe5: {  	v7 =	vsel vm1, v33, v7;
	v9 =	vmax.f32 v27, v9  }
0xe6: {  	v7 =	vmax.f32 v30, v7;
	[tilespmem:v8+s18+$0x0] =	vst.idx.msk vm2, v9  }
0xe7: {  	[tilespmem:v8+s19+$0x0] =	vst.idx.msk vm2, v7  }
0xe8: {  	v7 =	vld [tilespmem:s24+$0xC770];
	_ =	sdelay $0x4  }
0xe9: {  	v7 =	vxor.u32 $0x80000000, v7  }
0xea: {  	(xrf1) =	vsort.ascd.msk.u32 $0xffff, v7, v4;
	_ =	sdelay $0x9  }
0xeb: {  	v7 =	vld [tilespmem:s24+$0xA060];
	_ =	sdelay $0x3  }
0xec: {  	v8, v9, _ =	vpop (xrf1)  }
0xed: {  	v7 =	vperm.xlane v7, v9;
	_ =	sdelay $0x5  }
0xee: {  	v9 =	vld.idx.msk [tilespmem:v7+s2+$0x0], $0xffff  }
0xef: {  	v7 =	vld.idx.msk [tilespmem:v7+s16+$0x0], $0xffff;
	_ =	sdelay $0x2  }
0xf0: {  	v8 =	vxor.u32 $0x80000000, v8  }
0xf1: {  	v34 =	vperm.xlane v8, v0;
	v35 =	vperm.xlane v9, v0  }
0xf2: {  	v36 =	vperm.xlane v7, v0  }
0xf3: {  	vm1 =	veq.s32 v34, v8;
	v37 =	vmax.f32 v9, v35  }
0xf4: {  	v38 =	vmax.f32 v7, v36;
	v9 =	vsel vm1, v37, v9  }
0xf5: {  	v39 =	vperm.xlane v8, v3;
	v7 =	vsel vm1, v38, v7;
	v40 =	vperm.xlane v9, v3  }
0xf6: {  	v41 =	vperm.xlane v7, v3  }
0xf7: {  	vm1 =	veq.s32 v39, v8;
	v42 =	vmax.f32 v9, v40  }
0xf8: {  	v44 =	vperm.xlane v8, v5;
	v43 =	vmax.f32 v7, v41;
	v9 =	vsel vm1, v42, v9  }
0xf9: {  	v46 =	vperm.xlane v8, v6;
	v7 =	vsel vm1, v43, v7;
	v45 =	vperm.xlane v9, v5  }
0xfa: {  	v47 =	vperm.xlane v7, v5  }
0xfb: {  	vm2 =	vne.s32 v46, v8;
	vm1 =	veq.s32 v44, v8;
	v10 =	vmax.f32 v9, v45  }
0xfc: {  	vm2 =	vmor vm2, vm0;
	v49 =	vld.idx.msk [tilespmem:v8+s18+$0x0], $0xffff;
	v48 =	vmax.f32 v7, v47;
	v9 =	vsel vm1, v10, v9  }
0xfd: {  	v50 =	vperm.xlane v8, v1;
	v52 =	vld.idx.msk [tilespmem:v8+s19+$0x0], $0xffff;
	v7 =	vsel vm1, v48, v7;
	v51 =	vperm.xlane v9, v1  }
0xfe: {  	v53 =	vperm.xlane v7, v1  }
0xff: {  	vm1 =	veq.s32 v50, v8;
	v54 =	vmax.f32 v9, v51  }
0x100: {  	v55 =	vmax.f32 v7, v53;
	v9 =	vsel vm1, v54, v9  }
0x101: {  	v7 =	vsel vm1, v55, v7;
	v9 =	vmax.f32 v49, v9  }
0x102: {  	v7 =	vmax.f32 v52, v7;
	[tilespmem:v8+s18+$0x0] =	vst.idx.msk vm2, v9  }
0x103: {  	[tilespmem:v8+s19+$0x0] =	vst.idx.msk vm2, v7  }
0x104: {  	v7 =	vld [tilespmem:s24+$0xC780];
	_ =	sdelay $0x4  }
0x105: {  	v7 =	vxor.u32 $0x80000000, v7  }
0x106: {  	(xrf1) =	vsort.ascd.msk.u32 $0xffff, v7, v4;
	_ =	sdelay $0x9  }
0x107: {  	v7 =	vld [tilespmem:s24+$0xA070];
	_ =	sdelay $0x3  }
0x108: {  	v8, v9, _ =	vpop (xrf1)  }
0x109: {  	v7 =	vperm.xlane v7, v9;
	_ =	sdelay $0x5  }
0x10a: {  	v9 =	vld.idx.msk [tilespmem:v7+s2+$0x0], $0xffff  }
0x10b: {  	v7 =	vld.idx.msk [tilespmem:v7+s16+$0x0], $0xffff;
	_ =	sdelay $0x2  }
0x10c: {  	v8 =	vxor.u32 $0x80000000, v8  }
0x10d: {  	v56 =	vperm.xlane v8, v0;
	v57 =	vperm.xlane v9, v0  }
0x10e: {  	v58 =	vperm.xlane v7, v0  }
0x10f: {  	vm1 =	veq.s32 v56, v8;
	v59 =	vmax.f32 v9, v57  }
0x110: {  	v60 =	vmax.f32 v7, v58;
	v9 =	vsel vm1, v59, v9  }
0x111: {  	v61 =	vperm.xlane v8, v3;
	v7 =	vsel vm1, v60, v7;
	v62 =	vperm.xlane v9, v3  }
0x112: {  	v63 =	vperm.xlane v7, v3  }
0x113: {  	vm1 =	veq.s32 v61, v8;
	v16 =	vmax.f32 v9, v62  }
0x114: {  	v18 =	vperm.xlane v8, v5;
	v17 =	vmax.f32 v7, v63;
	v9 =	vsel vm1, v16, v9  }
0x115: {  	v20 =	vperm.xlane v8, v6;
	v7 =	vsel vm1, v17, v7;
	v19 =	vperm.xlane v9, v5  }
0x116: {  	v21 =	vperm.xlane v7, v5  }
0x117: {  	vm2 =	vne.s32 v20, v8;
	vm1 =	veq.s32 v18, v8;
	v10 =	vmax.f32 v9, v19  }
0x118: {  	vm2 =	vmor vm2, vm0;
	v23 =	vld.idx.msk [tilespmem:v8+s18+$0x0], $0xffff;
	v22 =	vmax.f32 v7, v21;
	v9 =	vsel vm1, v10, v9  }
0x119: {  	v24 =	vperm.xlane v8, v1;
	v26 =	vld.idx.msk [tilespmem:v8+s19+$0x0], $0xffff;
	v7 =	vsel vm1, v22, v7;
	v25 =	vperm.xlane v9, v1  }
0x11a: {  	v27 =	vperm.xlane v7, v1  }
0x11b: {  	vm1 =	veq.s32 v24, v8;
	v28 =	vmax.f32 v9, v25  }
0x11c: {  	v29 =	vmax.f32 v7, v27;
	v9 =	vsel vm1, v28, v9  }
0x11d: {  	v7 =	vsel vm1, v29, v7;
	v9 =	vmax.f32 v23, v9  }
0x11e: {  	v7 =	vmax.f32 v26, v7;
	[tilespmem:v8+s18+$0x0] =	vst.idx.msk vm2, v9  }
0x11f: {  	[tilespmem:v8+s19+$0x0] =	vst.idx.msk vm2, v7  }
0x120: {  	v7 =	vld [tilespmem:s24+$0xC790];
	_ =	sdelay $0x4  }
0x121: {  	v7 =	vxor.u32 $0x80000000, v7  }
0x122: {  	(xrf1) =	vsort.ascd.msk.u32 $0xffff, v7, v4;
	_ =	sdelay $0x9  }
0x123: {  	v7 =	vld [tilespmem:s24+$0xA080];
	_ =	sdelay $0x3  }
0x124: {  	v8, v9, _ =	vpop (xrf1)  }
0x125: {  	v7 =	vperm.xlane v7, v9;
	_ =	sdelay $0x5  }
0x126: {  	v9 =	vld.idx.msk [tilespmem:v7+s2+$0x0], $0xffff  }
0x127: {  	v7 =	vld.idx.msk [tilespmem:v7+s16+$0x0], $0xffff;
	_ =	sdelay $0x2  }
0x128: {  	v8 =	vxor.u32 $0x80000000, v8  }
0x129: {  	v30 =	vperm.xlane v8, v0;
	v31 =	vperm.xlane v9, v0  }
0x12a: {  	v32 =	vperm.xlane v7, v0  }
0x12b: {  	vm1 =	veq.s32 v30, v8;
	v33 =	vmax.f32 v9, v31  }
0x12c: {  	v34 =	vmax.f32 v7, v32;
	v9 =	vsel vm1, v33, v9  }
0x12d: {  	v35 =	vperm.xlane v8, v3;
	v7 =	vsel vm1, v34, v7;
	v36 =	vperm.xlane v9, v3  }
0x12e: {  	v37 =	vperm.xlane v7, v3  }
0x12f: {  	vm1 =	veq.s32 v35, v8;
	v38 =	vmax.f32 v9, v36  }
0x130: {  	v40 =	vperm.xlane v8, v5;
	v39 =	vmax.f32 v7, v37;
	v9 =	vsel vm1, v38, v9  }
0x131: {  	v42 =	vperm.xlane v8, v6;
	v7 =	vsel vm1, v39, v7;
	v41 =	vperm.xlane v9, v5  }
0x132: {  	v43 =	vperm.xlane v7, v5  }
0x133: {  	vm2 =	vne.s32 v42, v8;
	vm1 =	veq.s32 v40, v8;
	v10 =	vmax.f32 v9, v41  }
0x134: {  	vm2 =	vmor vm2, vm0;
	v45 =	vld.idx.msk [tilespmem:v8+s18+$0x0], $0xffff;
	v44 =	vmax.f32 v7, v43;
	v9 =	vsel vm1, v10, v9  }
0x135: {  	v46 =	vperm.xlane v8, v1;
	v48 =	vld.idx.msk [tilespmem:v8+s19+$0x0], $0xffff;
	v7 =	vsel vm1, v44, v7;
	v47 =	vperm.xlane v9, v1  }
0x136: {  	v49 =	vperm.xlane v7, v1  }
0x137: {  	vm1 =	veq.s32 v46, v8;
	v50 =	vmax.f32 v9, v47  }
0x138: {  	v51 =	vmax.f32 v7, v49;
	v9 =	vsel vm1, v50, v9  }
0x139: {  	v7 =	vsel vm1, v51, v7;
	v9 =	vmax.f32 v45, v9  }
0x13a: {  	v7 =	vmax.f32 v48, v7;
	[tilespmem:v8+s18+$0x0] =	vst.idx.msk vm2, v9  }
0x13b: {  	[tilespmem:v8+s19+$0x0] =	vst.idx.msk vm2, v7  }
0x13c: {  	v7 =	vld [tilespmem:s24+$0xC7A0];
	_ =	sdelay $0x4  }
0x13d: {  	v7 =	vxor.u32 $0x80000000, v7  }
0x13e: {  	(xrf1) =	vsort.ascd.msk.u32 $0xffff, v7, v4;
	_ =	sdelay $0x9  }
0x13f: {  	v7 =	vld [tilespmem:s24+$0xA090];
	_ =	sdelay $0x3  }
0x140: {  	v8, v9, _ =	vpop (xrf1)  }
0x141: {  	v7 =	vperm.xlane v7, v9;
	_ =	sdelay $0x5  }
0x142: {  	v9 =	vld.idx.msk [tilespmem:v7+s2+$0x0], $0xffff  }
0x143: {  	v7 =	vld.idx.msk [tilespmem:v7+s16+$0x0], $0xffff;
	_ =	sdelay $0x2  }
0x144: {  	v8 =	vxor.u32 $0x80000000, v8  }
0x145: {  	v52 =	vperm.xlane v8, v0;
	v53 =	vperm.xlane v9, v0  }
0x146: {  	v54 =	vperm.xlane v7, v0  }
0x147: {  	vm1 =	veq.s32 v52, v8;
	v55 =	vmax.f32 v9, v53  }
0x148: {  	v56 =	vmax.f32 v7, v54;
	v9 =	vsel vm1, v55, v9  }
0x149: {  	v57 =	vperm.xlane v8, v3;
	v7 =	vsel vm1, v56, v7;
	v58 =	vperm.xlane v9, v3  }
0x14a: {  	v59 =	vperm.xlane v7, v3  }
0x14b: {  	vm1 =	veq.s32 v57, v8;
	v60 =	vmax.f32 v9, v58  }
0x14c: {  	v62 =	vperm.xlane v8, v5;
	v61 =	vmax.f32 v7, v59;
	v9 =	vsel vm1, v60, v9  }
0x14d: {  	v16 =	vperm.xlane v8, v6;
	v7 =	vsel vm1, v61, v7;
	v63 =	vperm.xlane v9, v5  }
0x14e: {  	v17 =	vperm.xlane v7, v5  }
0x14f: {  	vm2 =	vne.s32 v16, v8;
	vm1 =	veq.s32 v62, v8;
	v10 =	vmax.f32 v9, v63  }
0x150: {  	vm2 =	vmor vm2, vm0;
	v19 =	vld.idx.msk [tilespmem:v8+s18+$0x0], $0xffff;
	v18 =	vmax.f32 v7, v17;
	v9 =	vsel vm1, v10, v9  }
0x151: {  	v20 =	vperm.xlane v8, v1;
	v22 =	vld.idx.msk [tilespmem:v8+s19+$0x0], $0xffff;
	v7 =	vsel vm1, v18, v7;
	v21 =	vperm.xlane v9, v1  }
0x152: {  	v23 =	vperm.xlane v7, v1  }
0x153: {  	vm1 =	veq.s32 v20, v8;
	v24 =	vmax.f32 v9, v21  }
0x154: {  	v25 =	vmax.f32 v7, v23;
	v9 =	vsel vm1, v24, v9  }
0x155: {  	v7 =	vsel vm1, v25, v7;
	v9 =	vmax.f32 v19, v9  }
0x156: {  	v7 =	vmax.f32 v22, v7;
	[tilespmem:v8+s18+$0x0] =	vst.idx.msk vm2, v9  }
0x157: {  	[tilespmem:v8+s19+$0x0] =	vst.idx.msk vm2, v7  }
0x158: {  	v7 =	vld [tilespmem:s24+$0xC7B0];
	_ =	sdelay $0x4  }
0x159: {  	v7 =	vxor.u32 $0x80000000, v7  }
0x15a: {  	(xrf1) =	vsort.ascd.msk.u32 $0xffff, v7, v4;
	_ =	sdelay $0x9  }
0x15b: {  	v7 =	vld [tilespmem:s24+$0xA0A0];
	_ =	sdelay $0x3  }
0x15c: {  	v8, v9, _ =	vpop (xrf1)  }
0x15d: {  	v7 =	vperm.xlane v7, v9;
	_ =	sdelay $0x5  }
0x15e: {  	v9 =	vld.idx.msk [tilespmem:v7+s2+$0x0], $0xffff  }
0x15f: {  	v7 =	vld.idx.msk [tilespmem:v7+s16+$0x0], $0xffff;
	_ =	sdelay $0x2  }
0x160: {  	v8 =	vxor.u32 $0x80000000, v8  }
0x161: {  	v26 =	vperm.xlane v8, v0;
	v27 =	vperm.xlane v9, v0  }
0x162: {  	v28 =	vperm.xlane v7, v0  }
0x163: {  	vm1 =	veq.s32 v26, v8;
	v29 =	vmax.f32 v9, v27  }
0x164: {  	v30 =	vmax.f32 v7, v28;
	v9 =	vsel vm1, v29, v9  }
0x165: {  	v31 =	vperm.xlane v8, v3;
	v7 =	vsel vm1, v30, v7;
	v32 =	vperm.xlane v9, v3  }
0x166: {  	v33 =	vperm.xlane v7, v3  }
0x167: {  	vm1 =	veq.s32 v31, v8;
	v34 =	vmax.f32 v9, v32  }
0x168: {  	v36 =	vperm.xlane v8, v5;
	v35 =	vmax.f32 v7, v33;
	v9 =	vsel vm1, v34, v9  }
0x169: {  	v38 =	vperm.xlane v8, v6;
	v7 =	vsel vm1, v35, v7;
	v37 =	vperm.xlane v9, v5  }
0x16a: {  	v39 =	vperm.xlane v7, v5  }
0x16b: {  	vm2 =	vne.s32 v38, v8;
	vm1 =	veq.s32 v36, v8;
	v10 =	vmax.f32 v9, v37  }
0x16c: {  	vm2 =	vmor vm2, vm0;
	v41 =	vld.idx.msk [tilespmem:v8+s18+$0x0], $0xffff;
	v40 =	vmax.f32 v7, v39;
	v9 =	vsel vm1, v10, v9  }
0x16d: {  	v42 =	vperm.xlane v8, v1;
	v44 =	vld.idx.msk [tilespmem:v8+s19+$0x0], $0xffff;
	v7 =	vsel vm1, v40, v7;
	v43 =	vperm.xlane v9, v1  }
0x16e: {  	v45 =	vperm.xlane v7, v1  }
0x16f: {  	vm1 =	veq.s32 v42, v8;
	v46 =	vmax.f32 v9, v43  }
0x170: {  	v47 =	vmax.f32 v7, v45;
	v9 =	vsel vm1, v46, v9  }
0x171: {  	v7 =	vsel vm1, v47, v7;
	v9 =	vmax.f32 v41, v9  }
0x172: {  	v7 =	vmax.f32 v44, v7;
	[tilespmem:v8+s18+$0x0] =	vst.idx.msk vm2, v9  }
0x173: {  	[tilespmem:v8+s19+$0x0] =	vst.idx.msk vm2, v7  }
0x174: {  	v7 =	vld [tilespmem:s24+$0xC7C0];
	_ =	sdelay $0x4  }
0x175: {  	v7 =	vxor.u32 $0x80000000, v7  }
0x176: {  	(xrf1) =	vsort.ascd.msk.u32 $0xffff, v7, v4;
	_ =	sdelay $0x9  }
0x177: {  	v7 =	vld [tilespmem:s24+$0xA0B0];
	_ =	sdelay $0x3  }
0x178: {  	v8, v9, _ =	vpop (xrf1)  }
0x179: {  	v7 =	vperm.xlane v7, v9;
	_ =	sdelay $0x5  }
0x17a: {  	v9 =	vld.idx.msk [tilespmem:v7+s2+$0x0], $0xffff  }
0x17b: {  	v7 =	vld.idx.msk [tilespmem:v7+s16+$0x0], $0xffff;
	_ =	sdelay $0x2  }
0x17c: {  	v8 =	vxor.u32 $0x80000000, v8  }
0x17d: {  	v48 =	vperm.xlane v8, v0;
	v49 =	vperm.xlane v9, v0  }
0x17e: {  	v50 =	vperm.xlane v7, v0  }
0x17f: {  	vm1 =	veq.s32 v48, v8;
	v51 =	vmax.f32 v9, v49  }
0x180: {  	v52 =	vmax.f32 v7, v50;
	v9 =	vsel vm1, v51, v9  }
0x181: {  	v53 =	vperm.xlane v8, v3;
	v7 =	vsel vm1, v52, v7;
	v54 =	vperm.xlane v9, v3  }
0x182: {  	v55 =	vperm.xlane v7, v3  }
0x183: {  	vm1 =	veq.s32 v53, v8;
	v56 =	vmax.f32 v9, v54  }
0x184: {  	v58 =	vperm.xlane v8, v5;
	v57 =	vmax.f32 v7, v55;
	v9 =	vsel vm1, v56, v9  }
0x185: {  	v60 =	vperm.xlane v8, v6;
	v7 =	vsel vm1, v57, v7;
	v59 =	vperm.xlane v9, v5  }
0x186: {  	v61 =	vperm.xlane v7, v5  }
0x187: {  	vm2 =	vne.s32 v60, v8;
	vm1 =	veq.s32 v58, v8;
	v10 =	vmax.f32 v9, v59  }
0x188: {  	vm2 =	vmor vm2, vm0;
	v63 =	vld.idx.msk [tilespmem:v8+s18+$0x0], $0xffff;
	v62 =	vmax.f32 v7, v61;
	v9 =	vsel vm1, v10, v9  }
0x189: {  	v16 =	vperm.xlane v8, v1;
	v18 =	vld.idx.msk [tilespmem:v8+s19+$0x0], $0xffff;
	v7 =	vsel vm1, v62, v7;
	v17 =	vperm.xlane v9, v1  }
0x18a: {  	v19 =	vperm.xlane v7, v1  }
0x18b: {  	vm1 =	veq.s32 v16, v8;
	v20 =	vmax.f32 v9, v17  }
0x18c: {  	v21 =	vmax.f32 v7, v19;
	v9 =	vsel vm1, v20, v9  }
0x18d: {  	v7 =	vsel vm1, v21, v7;
	v9 =	vmax.f32 v63, v9  }
0x18e: {  	v7 =	vmax.f32 v18, v7;
	[tilespmem:v8+s18+$0x0] =	vst.idx.msk vm2, v9  }
0x18f: {  	[tilespmem:v8+s19+$0x0] =	vst.idx.msk vm2, v7  }
0x190: {  	v7 =	vld [tilespmem:s24+$0xC7D0];
	_ =	sdelay $0x4  }
0x191: {  	v7 =	vxor.u32 $0x80000000, v7  }
0x192: {  	(xrf1) =	vsort.ascd.msk.u32 $0xffff, v7, v4;
	_ =	sdelay $0x9  }
0x193: {  	v7 =	vld [tilespmem:s24+$0xA0C0];
	_ =	sdelay $0x3  }
0x194: {  	v8, v9, _ =	vpop (xrf1)  }
0x195: {  	v7 =	vperm.xlane v7, v9;
	_ =	sdelay $0x5  }
0x196: {  	v9 =	vld.idx.msk [tilespmem:v7+s2+$0x0], $0xffff  }
0x197: {  	v7 =	vld.idx.msk [tilespmem:v7+s16+$0x0], $0xffff;
	_ =	sdelay $0x2  }
0x198: {  	v8 =	vxor.u32 $0x80000000, v8  }
0x199: {  	v22 =	vperm.xlane v8, v0;
	v23 =	vperm.xlane v9, v0  }
0x19a: {  	v24 =	vperm.xlane v7, v0  }
0x19b: {  	vm1 =	veq.s32 v22, v8;
	v25 =	vmax.f32 v9, v23  }
0x19c: {  	v26 =	vmax.f32 v7, v24;
	v9 =	vsel vm1, v25, v9  }
0x19d: {  	v27 =	vperm.xlane v8, v3;
	v7 =	vsel vm1, v26, v7;
	v28 =	vperm.xlane v9, v3  }
0x19e: {  	v29 =	vperm.xlane v7, v3  }
0x19f: {  	vm1 =	veq.s32 v27, v8;
	v30 =	vmax.f32 v9, v28  }
0x1a0: {  	v32 =	vperm.xlane v8, v5;
	v31 =	vmax.f32 v7, v29;
	v9 =	vsel vm1, v30, v9  }
0x1a1: {  	v34 =	vperm.xlane v8, v6;
	v7 =	vsel vm1, v31, v7;
	v33 =	vperm.xlane v9, v5  }
0x1a2: {  	v35 =	vperm.xlane v7, v5  }
0x1a3: {  	vm2 =	vne.s32 v34, v8;
	vm1 =	veq.s32 v32, v8;
	v10 =	vmax.f32 v9, v33  }
0x1a4: {  	vm2 =	vmor vm2, vm0;
	v37 =	vld.idx.msk [tilespmem:v8+s18+$0x0], $0xffff;
	v36 =	vmax.f32 v7, v35;
	v9 =	vsel vm1, v10, v9  }
0x1a5: {  	v38 =	vperm.xlane v8, v1;
	v40 =	vld.idx.msk [tilespmem:v8+s19+$0x0], $0xffff;
	v7 =	vsel vm1, v36, v7;
	v39 =	vperm.xlane v9, v1  }
0x1a6: {  	v41 =	vperm.xlane v7, v1  }
0x1a7: {  	vm1 =	veq.s32 v38, v8;
	v42 =	vmax.f32 v9, v39  }
0x1a8: {  	v43 =	vmax.f32 v7, v41;
	v9 =	vsel vm1, v42, v9  }
0x1a9: {  	v7 =	vsel vm1, v43, v7;
	v9 =	vmax.f32 v37, v9  }
0x1aa: {  	v7 =	vmax.f32 v40, v7;
	[tilespmem:v8+s18+$0x0] =	vst.idx.msk vm2, v9  }
0x1ab: {  	[tilespmem:v8+s19+$0x0] =	vst.idx.msk vm2, v7  }
0x1ac: {  	v7 =	vld [tilespmem:s24+$0xC7E0];
	_ =	sdelay $0x4  }
0x1ad: {  	v7 =	vxor.u32 $0x80000000, v7  }
0x1ae: {  	(xrf1) =	vsort.ascd.msk.u32 $0xffff, v7, v4;
	_ =	sdelay $0x9  }
0x1af: {  	v7 =	vld [tilespmem:s24+$0xA0D0];
	_ =	sdelay $0x3  }
0x1b0: {  	v8, v9, _ =	vpop (xrf1)  }
0x1b1: {  	v7 =	vperm.xlane v7, v9;
	_ =	sdelay $0x5  }
0x1b2: {  	v9 =	vld.idx.msk [tilespmem:v7+s2+$0x0], $0xffff  }
0x1b3: {  	v7 =	vld.idx.msk [tilespmem:v7+s16+$0x0], $0xffff;
	_ =	sdelay $0x2  }
0x1b4: {  	v8 =	vxor.u32 $0x80000000, v8  }
0x1b5: {  	v44 =	vperm.xlane v8, v0;
	v45 =	vperm.xlane v9, v0  }
0x1b6: {  	v46 =	vperm.xlane v7, v0  }
0x1b7: {  	vm1 =	veq.s32 v44, v8;
	v47 =	vmax.f32 v9, v45  }
0x1b8: {  	v48 =	vmax.f32 v7, v46;
	v9 =	vsel vm1, v47, v9  }
0x1b9: {  	v49 =	vperm.xlane v8, v3;
	v7 =	vsel vm1, v48, v7;
	v50 =	vperm.xlane v9, v3  }
0x1ba: {  	v51 =	vperm.xlane v7, v3  }
0x1bb: {  	vm1 =	veq.s32 v49, v8;
	v52 =	vmax.f32 v9, v50  }
0x1bc: {  	v54 =	vperm.xlane v8, v5;
	v53 =	vmax.f32 v7, v51;
	v9 =	vsel vm1, v52, v9  }
0x1bd: {  	v56 =	vperm.xlane v8, v6;
	v7 =	vsel vm1, v53, v7;
	v55 =	vperm.xlane v9, v5  }
0x1be: {  	v57 =	vperm.xlane v7, v5  }
0x1bf: {  	vm2 =	vne.s32 v56, v8;
	vm1 =	veq.s32 v54, v8;
	v10 =	vmax.f32 v9, v55  }
0x1c0: {  	vm2 =	vmor vm2, vm0;
	v59 =	vld.idx.msk [tilespmem:v8+s18+$0x0], $0xffff;
	v58 =	vmax.f32 v7, v57;
	v9 =	vsel vm1, v10, v9  }
0x1c1: {  	v60 =	vperm.xlane v8, v1;
	v62 =	vld.idx.msk [tilespmem:v8+s19+$0x0], $0xffff;
	v7 =	vsel vm1, v58, v7;
	v61 =	vperm.xlane v9, v1  }
0x1c2: {  	v63 =	vperm.xlane v7, v1  }
0x1c3: {  	vm1 =	veq.s32 v60, v8;
	v15 =	vmax.f32 v9, v61  }
0x1c4: {  	v16 =	vmax.f32 v7, v63;
	v9 =	vsel vm1, v15, v9  }
0x1c5: {  	v7 =	vsel vm1, v16, v7;
	v9 =	vmax.f32 v59, v9  }
0x1c6: {  	v7 =	vmax.f32 v62, v7;
	[tilespmem:v8+s18+$0x0] =	vst.idx.msk vm2, v9  }
0x1c7: {  	[tilespmem:v8+s19+$0x0] =	vst.idx.msk vm2, v7  }
0x1c8: {  	v7 =	vld [tilespmem:s24+$0xC7F0];
	_ =	sdelay $0x4  }
0x1c9: {  	v7 =	vxor.u32 $0x80000000, v7  }
0x1ca: {  	(xrf1) =	vsort.ascd.msk.u32 $0xffff, v7, v4;
	_ =	sdelay $0x9  }
0x1cb: {  	v7 =	vld [tilespmem:s24+$0xA0E0];
	_ =	sdelay $0x3  }
0x1cc: {  	v8, v9, _ =	vpop (xrf1)  }
0x1cd: {  	v7 =	vperm.xlane v7, v9;
	_ =	sdelay $0x5  }
0x1ce: {  	v9 =	vld.idx.msk [tilespmem:v7+s2+$0x0], $0xffff  }
0x1cf: {  	v7 =	vld.idx.msk [tilespmem:v7+s16+$0x0], $0xffff;
	_ =	sdelay $0x2  }
0x1d0: {  	v8 =	vxor.u32 $0x80000000, v8  }
0x1d1: {  	v17 =	vperm.xlane v8, v0;
	v18 =	vperm.xlane v9, v0  }
0x1d2: {  	v19 =	vperm.xlane v7, v0  }
0x1d3: {  	vm1 =	veq.s32 v17, v8;
	v20 =	vmax.f32 v9, v18  }
0x1d4: {  	v21 =	vmax.f32 v7, v19;
	v9 =	vsel vm1, v20, v9  }
0x1d5: {  	v22 =	vperm.xlane v8, v3;
	v7 =	vsel vm1, v21, v7;
	v23 =	vperm.xlane v9, v3  }
0x1d6: {  	v24 =	vperm.xlane v7, v3  }
0x1d7: {  	vm1 =	veq.s32 v22, v8;
	v25 =	vmax.f32 v9, v23  }
0x1d8: {  	v27 =	vperm.xlane v8, v5;
	v26 =	vmax.f32 v7, v24;
	v9 =	vsel vm1, v25, v9  }
0x1d9: {  	v29 =	vperm.xlane v8, v6;
	v7 =	vsel vm1, v26, v7;
	v28 =	vperm.xlane v9, v5  }
0x1da: {  	v30 =	vperm.xlane v7, v5  }
0x1db: {  	vm2 =	vne.s32 v29, v8;
	vm1 =	veq.s32 v27, v8;
	v10 =	vmax.f32 v9, v28  }
0x1dc: {  	vm2 =	vmor vm2, vm0;
	v32 =	vld.idx.msk [tilespmem:v8+s18+$0x0], $0xffff;
	v31 =	vmax.f32 v7, v30;
	v9 =	vsel vm1, v10, v9  }
0x1dd: {  	v33 =	vperm.xlane v8, v1;
	v35 =	vld.idx.msk [tilespmem:v8+s19+$0x0], $0xffff;
	v7 =	vsel vm1, v31, v7;
	v34 =	vperm.xlane v9, v1  }
0x1de: {  	v36 =	vperm.xlane v7, v1  }
0x1df: {  	vm1 =	veq.s32 v33, v8;
	v37 =	vmax.f32 v9, v34  }
0x1e0: {  	v38 =	vmax.f32 v7, v36;
	v9 =	vsel vm1, v37, v9  }
0x1e1: {  	v7 =	vsel vm1, v38, v7;
	v9 =	vmax.f32 v32, v9  }
0x1e2: {  	v7 =	vmax.f32 v35, v7;
	[tilespmem:v8+s18+$0x0] =	vst.idx.msk vm2, v9  }
0x1e3: {  	[tilespmem:v8+s19+$0x0] =	vst.idx.msk vm2, v7  }
0x1e4: {  	v7 =	vld [tilespmem:s24+$0xC800];
	_ =	sdelay $0x4  }
0x1e5: {  	v7 =	vxor.u32 $0x80000000, v7  }
0x1e6: {  	(xrf1) =	vsort.ascd.msk.u32 $0xffff, v7, v4;
	_ =	sdelay $0x9  }
0x1e7: {  	v7 =	vld [tilespmem:s24+$0xA0F0];
	_ =	sdelay $0x3  }
0x1e8: {  	v8, v9, _ =	vpop (xrf1)  }
0x1e9: {  	v7 =	vperm.xlane v7, v9;
	_ =	sdelay $0x5  }
0x1ea: {  	v9 =	vld.idx.msk [tilespmem:v7+s2+$0x0], $0xffff  }
0x1eb: {  	v7 =	vld.idx.msk [tilespmem:v7+s16+$0x0], $0xffff;
	_ =	sdelay $0x2  }
0x1ec: {  	v8 =	vxor.u32 $0x80000000, v8  }
0x1ed: {  	v39 =	vperm.xlane v8, v0;
	v40 =	vperm.xlane v9, v0  }
0x1ee: {  	v41 =	vperm.xlane v7, v0  }
0x1ef: {  	vm1 =	veq.s32 v39, v8;
	v42 =	vmax.f32 v9, v40  }
0x1f0: {  	v43 =	vmax.f32 v7, v41;
	v9 =	vsel vm1, v42, v9  }
0x1f1: {  	v44 =	vperm.xlane v8, v3;
	v7 =	vsel vm1, v43, v7;
	v45 =	vperm.xlane v9, v3  }
0x1f2: {  	v46 =	vperm.xlane v7, v3  }
0x1f3: {  	vm1 =	veq.s32 v44, v8;
	v47 =	vmax.f32 v9, v45  }
0x1f4: {  	v49 =	vperm.xlane v8, v5;
	v48 =	vmax.f32 v7, v46;
	v9 =	vsel vm1, v47, v9  }
0x1f5: {  	v51 =	vperm.xlane v8, v6;
	v7 =	vsel vm1, v48, v7;
	v50 =	vperm.xlane v9, v5  }
0x1f6: {  	v52 =	vperm.xlane v7, v5  }
0x1f7: {  	vm2 =	vne.s32 v51, v8;
	vm1 =	veq.s32 v49, v8;
	v10 =	vmax.f32 v9, v50  }
0x1f8: {  	vm2 =	vmor vm2, vm0;
	v54 =	vld.idx.msk [tilespmem:v8+s18+$0x0], $0xffff;
	v53 =	vmax.f32 v7, v52;
	v9 =	vsel vm1, v10, v9  }
0x1f9: {  	v55 =	vperm.xlane v8, v1;
	v57 =	vld.idx.msk [tilespmem:v8+s19+$0x0], $0xffff;
	v7 =	vsel vm1, v53, v7;
	v56 =	vperm.xlane v9, v1  }
0x1fa: {  	v58 =	vperm.xlane v7, v1  }
0x1fb: {  	vm1 =	veq.s32 v55, v8;
	v59 =	vmax.f32 v9, v56  }
0x1fc: {  	v60 =	vmax.f32 v7, v58;
	v9 =	vsel vm1, v59, v9  }
0x1fd: {  	v7 =	vsel vm1, v60, v7;
	v9 =	vmax.f32 v54, v9  }
0x1fe: {  	v7 =	vmax.f32 v57, v7;
	[tilespmem:v8+s18+$0x0] =	vst.idx.msk vm2, v9  }
0x1ff: {  	[tilespmem:v8+s19+$0x0] =	vst.idx.msk vm2, v7  }
0x200: {  	v7 =	vld [tilespmem:s24+$0xC810];
	_ =	sdelay $0x4  }
0x201: {  	v7 =	vxor.u32 $0x80000000, v7  }
0x202: {  	(xrf1) =	vsort.ascd.msk.u32 $0xffff, v7, v4;
	_ =	sdelay $0x9  }
0x203: {  	v7 =	vld [tilespmem:s24+$0xA100];
	_ =	sdelay $0x3  }
0x204: {  	v8, v9, _ =	vpop (xrf1)  }
0x205: {  	v7 =	vperm.xlane v7, v9;
	_ =	sdelay $0x5  }
0x206: {  	v9 =	vld.idx.msk [tilespmem:v7+s2+$0x0], $0xffff  }
0x207: {  	v7 =	vld.idx.msk [tilespmem:v7+s16+$0x0], $0xffff;
	_ =	sdelay $0x2  }
0x208: {  	v8 =	vxor.u32 $0x80000000, v8  }
0x209: {  	v61 =	vperm.xlane v8, v0;
	v62 =	vperm.xlane v9, v0  }
0x20a: {  	v63 =	vperm.xlane v7, v0  }
0x20b: {  	vm1 =	veq.s32 v61, v8;
	v15 =	vmax.f32 v9, v62  }
0x20c: {  	v16 =	vmax.f32 v7, v63;
	v9 =	vsel vm1, v15, v9  }
0x20d: {  	v17 =	vperm.xlane v8, v3;
	v7 =	vsel vm1, v16, v7;
	v18 =	vperm.xlane v9, v3  }
0x20e: {  	v19 =	vperm.xlane v7, v3  }
0x20f: {  	vm1 =	veq.s32 v17, v8;
	v20 =	vmax.f32 v9, v18  }
0x210: {  	v22 =	vperm.xlane v8, v5;
	v21 =	vmax.f32 v7, v19;
	v9 =	vsel vm1, v20, v9  }
0x211: {  	v24 =	vperm.xlane v8, v6;
	v7 =	vsel vm1, v21, v7;
	v23 =	vperm.xlane v9, v5  }
0x212: {  	v25 =	vperm.xlane v7, v5  }
0x213: {  	vm2 =	vne.s32 v24, v8;
	vm1 =	veq.s32 v22, v8;
	v10 =	vmax.f32 v9, v23  }
0x214: {  	vm2 =	vmor vm2, vm0;
	v27 =	vld.idx.msk [tilespmem:v8+s18+$0x0], $0xffff;
	v26 =	vmax.f32 v7, v25;
	v9 =	vsel vm1, v10, v9  }
0x215: {  	v28 =	vperm.xlane v8, v1;
	v30 =	vld.idx.msk [tilespmem:v8+s19+$0x0], $0xffff;
	v7 =	vsel vm1, v26, v7;
	v29 =	vperm.xlane v9, v1  }
0x216: {  	v31 =	vperm.xlane v7, v1  }
0x217: {  	vm1 =	veq.s32 v28, v8;
	v32 =	vmax.f32 v9, v29  }
0x218: {  	v33 =	vmax.f32 v7, v31;
	v9 =	vsel vm1, v32, v9  }
0x219: {  	v7 =	vsel vm1, v33, v7;
	v9 =	vmax.f32 v27, v9  }
0x21a: {  	v7 =	vmax.f32 v30, v7;
	[tilespmem:v8+s18+$0x0] =	vst.idx.msk vm2, v9  }
0x21b: {  	[tilespmem:v8+s19+$0x0] =	vst.idx.msk vm2, v7  }
0x21c: {  	v7 =	vld [tilespmem:s24+$0xC820];
	_ =	sdelay $0x4  }
0x21d: {  	v7 =	vxor.u32 $0x80000000, v7  }
0x21e: {  	(xrf1) =	vsort.ascd.msk.u32 $0xffff, v7, v4;
	_ =	sdelay $0x9  }
0x21f: {  	v7 =	vld [tilespmem:s24+$0xA110];
	_ =	sdelay $0x3  }
0x220: {  	v8, v9, _ =	vpop (xrf1)  }
0x221: {  	v7 =	vperm.xlane v7, v9;
	_ =	sdelay $0x5  }
0x222: {  	v9 =	vld.idx.msk [tilespmem:v7+s2+$0x0], $0xffff  }
0x223: {  	v7 =	vld.idx.msk [tilespmem:v7+s16+$0x0], $0xffff;
	_ =	sdelay $0x2  }
0x224: {  	v8 =	vxor.u32 $0x80000000, v8  }
0x225: {  	v34 =	vperm.xlane v8, v0;
	v35 =	vperm.xlane v9, v0  }
0x226: {  	v36 =	vperm.xlane v7, v0  }
0x227: {  	vm1 =	veq.s32 v34, v8;
	v37 =	vmax.f32 v9, v35  }
0x228: {  	v38 =	vmax.f32 v7, v36;
	v9 =	vsel vm1, v37, v9  }
0x229: {  	v39 =	vperm.xlane v8, v3;
	v7 =	vsel vm1, v38, v7;
	v40 =	vperm.xlane v9, v3  }
0x22a: {  	v41 =	vperm.xlane v7, v3  }
0x22b: {  	vm1 =	veq.s32 v39, v8;
	v42 =	vmax.f32 v9, v40  }
0x22c: {  	v44 =	vperm.xlane v8, v5;
	v43 =	vmax.f32 v7, v41;
	v9 =	vsel vm1, v42, v9  }
0x22d: {  	v46 =	vperm.xlane v8, v6;
	v7 =	vsel vm1, v43, v7;
	v45 =	vperm.xlane v9, v5  }
0x22e: {  	v47 =	vperm.xlane v7, v5  }
0x22f: {  	vm2 =	vne.s32 v46, v8;
	vm1 =	veq.s32 v44, v8;
	v10 =	vmax.f32 v9, v45  }
0x230: {  	vm2 =	vmor vm2, vm0;
	v49 =	vld.idx.msk [tilespmem:v8+s18+$0x0], $0xffff;
	v48 =	vmax.f32 v7, v47;
	v9 =	vsel vm1, v10, v9  }
0x231: {  	v50 =	vperm.xlane v8, v1;
	v52 =	vld.idx.msk [tilespmem:v8+s19+$0x0], $0xffff;
	v7 =	vsel vm1, v48, v7;
	v51 =	vperm.xlane v9, v1  }
0x232: {  	v53 =	vperm.xlane v7, v1  }
0x233: {  	vm1 =	veq.s32 v50, v8;
	v54 =	vmax.f32 v9, v51  }
0x234: {  	v55 =	vmax.f32 v7, v53;
	v9 =	vsel vm1, v54, v9  }
0x235: {  	v7 =	vsel vm1, v55, v7;
	v9 =	vmax.f32 v49, v9  }
0x236: {  	v7 =	vmax.f32 v52, v7;
	[tilespmem:v8+s18+$0x0] =	vst.idx.msk vm2, v9  }
0x237: {  	[tilespmem:v8+s19+$0x0] =	vst.idx.msk vm2, v7  }
0x238: {  	v7 =	vld [tilespmem:s24+$0xC830];
	_ =	sdelay $0x4  }
0x239: {  	v7 =	vxor.u32 $0x80000000, v7  }
0x23a: {  	(xrf1) =	vsort.ascd.msk.u32 $0xffff, v7, v4;
	_ =	sdelay $0x9  }
0x23b: {  	v7 =	vld [tilespmem:s24+$0xA120];
	_ =	sdelay $0x3  }
0x23c: {  	v8, v9, _ =	vpop (xrf1)  }
0x23d: {  	v7 =	vperm.xlane v7, v9;
	_ =	sdelay $0x5  }
0x23e: {  	v9 =	vld.idx.msk [tilespmem:v7+s2+$0x0], $0xffff  }
0x23f: {  	v7 =	vld.idx.msk [tilespmem:v7+s16+$0x0], $0xffff;
	_ =	sdelay $0x2  }
0x240: {  	v8 =	vxor.u32 $0x80000000, v8  }
0x241: {  	v56 =	vperm.xlane v8, v0;
	v57 =	vperm.xlane v9, v0  }
0x242: {  	v58 =	vperm.xlane v7, v0  }
0x243: {  	vm1 =	veq.s32 v56, v8;
	v59 =	vmax.f32 v9, v57  }
0x244: {  	v60 =	vmax.f32 v7, v58;
	v9 =	vsel vm1, v59, v9  }
0x245: {  	v61 =	vperm.xlane v8, v3;
	v7 =	vsel vm1, v60, v7;
	v62 =	vperm.xlane v9, v3  }
0x246: {  	v63 =	vperm.xlane v7, v3  }
0x247: {  	vm1 =	veq.s32 v61, v8;
	v14 =	vmax.f32 v9, v62  }
0x248: {  	v16 =	vperm.xlane v8, v5;
	v15 =	vmax.f32 v7, v63;
	v9 =	vsel vm1, v14, v9  }
0x249: {  	v18 =	vperm.xlane v8, v6;
	v7 =	vsel vm1, v15, v7;
	v17 =	vperm.xlane v9, v5  }
0x24a: {  	v19 =	vperm.xlane v7, v5  }
0x24b: {  	vm2 =	vne.s32 v18, v8;
	vm1 =	veq.s32 v16, v8;
	v10 =	vmax.f32 v9, v17  }
0x24c: {  	vm2 =	vmor vm2, vm0;
	v21 =	vld.idx.msk [tilespmem:v8+s18+$0x0], $0xffff;
	v20 =	vmax.f32 v7, v19;
	v9 =	vsel vm1, v10, v9  }
0x24d: {  	v22 =	vperm.xlane v8, v1;
	v24 =	vld.idx.msk [tilespmem:v8+s19+$0x0], $0xffff;
	v7 =	vsel vm1, v20, v7;
	v23 =	vperm.xlane v9, v1  }
0x24e: {  	v25 =	vperm.xlane v7, v1  }
0x24f: {  	vm1 =	veq.s32 v22, v8;
	v26 =	vmax.f32 v9, v23  }
0x250: {  	v27 =	vmax.f32 v7, v25;
	v9 =	vsel vm1, v26, v9  }
0x251: {  	v7 =	vsel vm1, v27, v7;
	v9 =	vmax.f32 v21, v9  }
0x252: {  	v7 =	vmax.f32 v24, v7;
	[tilespmem:v8+s18+$0x0] =	vst.idx.msk vm2, v9  }
0x253: {  	[tilespmem:v8+s19+$0x0] =	vst.idx.msk vm2, v7  }
0x254: {  	v7 =	vld [tilespmem:s24+$0xC840];
	_ =	sdelay $0x4  }
0x255: {  	v7 =	vxor.u32 $0x80000000, v7  }
0x256: {  	(xrf1) =	vsort.ascd.msk.u32 $0xffff, v7, v4;
	_ =	sdelay $0x9  }
0x257: {  	v7 =	vld [tilespmem:s24+$0xA130];
	_ =	sdelay $0x3  }
0x258: {  	v8, v9, _ =	vpop (xrf1)  }
0x259: {  	v7 =	vperm.xlane v7, v9;
	_ =	sdelay $0x5  }
0x25a: {  	v9 =	vld.idx.msk [tilespmem:v7+s2+$0x0], $0xffff  }
0x25b: {  	v7 =	vld.idx.msk [tilespmem:v7+s16+$0x0], $0xffff;
	_ =	sdelay $0x2  }
0x25c: {  	v8 =	vxor.u32 $0x80000000, v8  }
0x25d: {  	v28 =	vperm.xlane v8, v0;
	v29 =	vperm.xlane v9, v0  }
0x25e: {  	v30 =	vperm.xlane v7, v0  }
0x25f: {  	vm1 =	veq.s32 v28, v8;
	v31 =	vmax.f32 v9, v29  }
0x260: {  	v32 =	vmax.f32 v7, v30;
	v9 =	vsel vm1, v31, v9  }
0x261: {  	v33 =	vperm.xlane v8, v3;
	v7 =	vsel vm1, v32, v7;
	v34 =	vperm.xlane v9, v3  }
0x262: {  	v35 =	vperm.xlane v7, v3  }
0x263: {  	vm1 =	veq.s32 v33, v8;
	v36 =	vmax.f32 v9, v34  }
0x264: {  	v38 =	vperm.xlane v8, v5;
	v37 =	vmax.f32 v7, v35;
	v9 =	vsel vm1, v36, v9  }
0x265: {  	v40 =	vperm.xlane v8, v6;
	v7 =	vsel vm1, v37, v7;
	v39 =	vperm.xlane v9, v5  }
0x266: {  	v41 =	vperm.xlane v7, v5  }
0x267: {  	vm2 =	vne.s32 v40, v8;
	vm1 =	veq.s32 v38, v8;
	v10 =	vmax.f32 v9, v39  }
0x268: {  	vm2 =	vmor vm2, vm0;
	v43 =	vld.idx.msk [tilespmem:v8+s18+$0x0], $0xffff;
	v42 =	vmax.f32 v7, v41;
	v9 =	vsel vm1, v10, v9  }
0x269: {  	v44 =	vperm.xlane v8, v1;
	v46 =	vld.idx.msk [tilespmem:v8+s19+$0x0], $0xffff;
	v7 =	vsel vm1, v42, v7;
	v45 =	vperm.xlane v9, v1  }
0x26a: {  	v47 =	vperm.xlane v7, v1  }
0x26b: {  	vm1 =	veq.s32 v44, v8;
	v48 =	vmax.f32 v9, v45  }
0x26c: {  	v49 =	vmax.f32 v7, v47;
	v9 =	vsel vm1, v48, v9  }
0x26d: {  	v7 =	vsel vm1, v49, v7;
	v9 =	vmax.f32 v43, v9  }
0x26e: {  	v7 =	vmax.f32 v46, v7;
	[tilespmem:v8+s18+$0x0] =	vst.idx.msk vm2, v9  }
0x26f: {  	[tilespmem:v8+s19+$0x0] =	vst.idx.msk vm2, v7  }
0x270: {  	v7 =	vld [tilespmem:s24+$0xC850];
	_ =	sdelay $0x4  }
0x271: {  	v7 =	vxor.u32 $0x80000000, v7  }
0x272: {  	(xrf1) =	vsort.ascd.msk.u32 $0xffff, v7, v4;
	_ =	sdelay $0x9  }
0x273: {  	v7 =	vld [tilespmem:s24+$0xA140];
	_ =	sdelay $0x3  }
0x274: {  	v8, v9, _ =	vpop (xrf1)  }
0x275: {  	v7 =	vperm.xlane v7, v9;
	_ =	sdelay $0x5  }
0x276: {  	v9 =	vld.idx.msk [tilespmem:v7+s2+$0x0], $0xffff  }
0x277: {  	v7 =	vld.idx.msk [tilespmem:v7+s16+$0x0], $0xffff;
	_ =	sdelay $0x2  }
0x278: {  	v8 =	vxor.u32 $0x80000000, v8  }
0x279: {  	v50 =	vperm.xlane v8, v0;
	v51 =	vperm.xlane v9, v0  }
0x27a: {  	v52 =	vperm.xlane v7, v0  }
0x27b: {  	vm1 =	veq.s32 v50, v8;
	v53 =	vmax.f32 v9, v51  }
0x27c: {  	v54 =	vmax.f32 v7, v52;
	v9 =	vsel vm1, v53, v9  }
0x27d: {  	v55 =	vperm.xlane v8, v3;
	v7 =	vsel vm1, v54, v7;
	v56 =	vperm.xlane v9, v3  }
0x27e: {  	v57 =	vperm.xlane v7, v3  }
0x27f: {  	vm1 =	veq.s32 v55, v8;
	v58 =	vmax.f32 v9, v56  }
0x280: {  	v60 =	vperm.xlane v8, v5;
	v59 =	vmax.f32 v7, v57;
	v9 =	vsel vm1, v58, v9  }
0x281: {  	v62 =	vperm.xlane v8, v6;
	v7 =	vsel vm1, v59, v7;
	v61 =	vperm.xlane v9, v5  }
0x282: {  	v63 =	vperm.xlane v7, v5  }
0x283: {  	vm2 =	vne.s32 v62, v8;
	vm1 =	veq.s32 v60, v8;
	v10 =	vmax.f32 v9, v61  }
0x284: {  	vm2 =	vmor vm2, vm0;
	v17 =	vld.idx.msk [tilespmem:v8+s18+$0x0], $0xffff;
	v16 =	vmax.f32 v7, v63;
	v9 =	vsel vm1, v10, v9  }
0x285: {  	v18 =	vperm.xlane v8, v1;
	v20 =	vld.idx.msk [tilespmem:v8+s19+$0x0], $0xffff;
	v7 =	vsel vm1, v16, v7;
	v19 =	vperm.xlane v9, v1  }
0x286: {  	v21 =	vperm.xlane v7, v1  }
0x287: {  	vm1 =	veq.s32 v18, v8;
	v22 =	vmax.f32 v9, v19  }
0x288: {  	v23 =	vmax.f32 v7, v21;
	v9 =	vsel vm1, v22, v9  }
0x289: {  	v7 =	vsel vm1, v23, v7;
	v9 =	vmax.f32 v17, v9  }
0x28a: {  	v7 =	vmax.f32 v20, v7;
	[tilespmem:v8+s18+$0x0] =	vst.idx.msk vm2, v9  }
0x28b: {  	[tilespmem:v8+s19+$0x0] =	vst.idx.msk vm2, v7  }
0x28c: {  	v7 =	vld [tilespmem:s24+$0xC860];
	_ =	sdelay $0x4  }
0x28d: {  	v7 =	vxor.u32 $0x80000000, v7  }
0x28e: {  	(xrf1) =	vsort.ascd.msk.u32 $0xffff, v7, v4;
	_ =	sdelay $0x9  }
0x28f: {  	v7 =	vld [tilespmem:s24+$0xA150];
	_ =	sdelay $0x3  }
0x290: {  	v8, v9, _ =	vpop (xrf1)  }
0x291: {  	v7 =	vperm.xlane v7, v9;
	_ =	sdelay $0x5  }
0x292: {  	v9 =	vld.idx.msk [tilespmem:v7+s2+$0x0], $0xffff  }
0x293: {  	v7 =	vld.idx.msk [tilespmem:v7+s16+$0x0], $0xffff;
	_ =	sdelay $0x2  }
0x294: {  	v8 =	vxor.u32 $0x80000000, v8  }
0x295: {  	v24 =	vperm.xlane v8, v0;
	v25 =	vperm.xlane v9, v0  }
0x296: {  	v26 =	vperm.xlane v7, v0  }
0x297: {  	vm1 =	veq.s32 v24, v8;
	v27 =	vmax.f32 v9, v25  }
0x298: {  	v28 =	vmax.f32 v7, v26;
	v9 =	vsel vm1, v27, v9  }
0x299: {  	v29 =	vperm.xlane v8, v3;
	v7 =	vsel vm1, v28, v7;
	v30 =	vperm.xlane v9, v3  }
0x29a: {  	v31 =	vperm.xlane v7, v3  }
0x29b: {  	vm1 =	veq.s32 v29, v8;
	v32 =	vmax.f32 v9, v30  }
0x29c: {  	v34 =	vperm.xlane v8, v5;
	v33 =	vmax.f32 v7, v31;
	v9 =	vsel vm1, v32, v9  }
0x29d: {  	v36 =	vperm.xlane v8, v6;
	v7 =	vsel vm1, v33, v7;
	v35 =	vperm.xlane v9, v5  }
0x29e: {  	v37 =	vperm.xlane v7, v5  }
0x29f: {  	vm2 =	vne.s32 v36, v8;
	vm1 =	veq.s32 v34, v8;
	v10 =	vmax.f32 v9, v35  }
0x2a0: {  	vm2 =	vmor vm2, vm0;
	v39 =	vld.idx.msk [tilespmem:v8+s18+$0x0], $0xffff;
	v38 =	vmax.f32 v7, v37;
	v9 =	vsel vm1, v10, v9  }
0x2a1: {  	v40 =	vperm.xlane v8, v1;
	v42 =	vld.idx.msk [tilespmem:v8+s19+$0x0], $0xffff;
	v7 =	vsel vm1, v38, v7;
	v41 =	vperm.xlane v9, v1  }
0x2a2: {  	v43 =	vperm.xlane v7, v1  }
0x2a3: {  	vm1 =	veq.s32 v40, v8;
	v44 =	vmax.f32 v9, v41  }
0x2a4: {  	v45 =	vmax.f32 v7, v43;
	v9 =	vsel vm1, v44, v9  }
0x2a5: {  	v7 =	vsel vm1, v45, v7;
	v9 =	vmax.f32 v39, v9  }
0x2a6: {  	v7 =	vmax.f32 v42, v7;
	[tilespmem:v8+s18+$0x0] =	vst.idx.msk vm2, v9  }
0x2a7: {  	[tilespmem:v8+s19+$0x0] =	vst.idx.msk vm2, v7  }
0x2a8: {  	v7 =	vld [tilespmem:s24+$0xC870];
	_ =	sdelay $0x4  }
0x2a9: {  	v7 =	vxor.u32 $0x80000000, v7  }
0x2aa: {  	(xrf1) =	vsort.ascd.msk.u32 $0xffff, v7, v4;
	_ =	sdelay $0x9  }
0x2ab: {  	v7 =	vld [tilespmem:s24+$0xA160];
	_ =	sdelay $0x3  }
0x2ac: {  	v8, v9, _ =	vpop (xrf1)  }
0x2ad: {  	v7 =	vperm.xlane v7, v9;
	_ =	sdelay $0x5  }
0x2ae: {  	v9 =	vld.idx.msk [tilespmem:v7+s2+$0x0], $0xffff  }
0x2af: {  	v7 =	vld.idx.msk [tilespmem:v7+s16+$0x0], $0xffff;
	_ =	sdelay $0x2  }
0x2b0: {  	v8 =	vxor.u32 $0x80000000, v8  }
0x2b1: {  	v46 =	vperm.xlane v8, v0;
	v47 =	vperm.xlane v9, v0  }
0x2b2: {  	v48 =	vperm.xlane v7, v0  }
0x2b3: {  	vm1 =	veq.s32 v46, v8;
	v49 =	vmax.f32 v9, v47  }
0x2b4: {  	v50 =	vmax.f32 v7, v48;
	v9 =	vsel vm1, v49, v9  }
0x2b5: {  	v51 =	vperm.xlane v8, v3;
	v7 =	vsel vm1, v50, v7;
	v52 =	vperm.xlane v9, v3  }
0x2b6: {  	v53 =	vperm.xlane v7, v3  }
0x2b7: {  	vm1 =	veq.s32 v51, v8;
	v54 =	vmax.f32 v9, v52  }
0x2b8: {  	v56 =	vperm.xlane v8, v5;
	v55 =	vmax.f32 v7, v53;
	v9 =	vsel vm1, v54, v9  }
0x2b9: {  	v58 =	vperm.xlane v8, v6;
	v7 =	vsel vm1, v55, v7;
	v57 =	vperm.xlane v9, v5  }
0x2ba: {  	v59 =	vperm.xlane v7, v5  }
0x2bb: {  	vm2 =	vne.s32 v58, v8;
	vm1 =	veq.s32 v56, v8;
	v10 =	vmax.f32 v9, v57  }
0x2bc: {  	vm2 =	vmor vm2, vm0;
	v61 =	vld.idx.msk [tilespmem:v8+s18+$0x0], $0xffff;
	v60 =	vmax.f32 v7, v59;
	v9 =	vsel vm1, v10, v9  }
0x2bd: {  	v62 =	vperm.xlane v8, v1;
	v16 =	vld.idx.msk [tilespmem:v8+s19+$0x0], $0xffff;
	v7 =	vsel vm1, v60, v7;
	v63 =	vperm.xlane v9, v1  }
0x2be: {  	v17 =	vperm.xlane v7, v1  }
0x2bf: {  	vm1 =	veq.s32 v62, v8;
	v18 =	vmax.f32 v9, v63  }
0x2c0: {  	v19 =	vmax.f32 v7, v17;
	v9 =	vsel vm1, v18, v9  }
0x2c1: {  	v7 =	vsel vm1, v19, v7;
	v9 =	vmax.f32 v61, v9  }
0x2c2: {  	v7 =	vmax.f32 v16, v7;
	[tilespmem:v8+s18+$0x0] =	vst.idx.msk vm2, v9  }
0x2c3: {  	[tilespmem:v8+s19+$0x0] =	vst.idx.msk vm2, v7  }
0x2c4: {  	v7 =	vld [tilespmem:s24+$0xC880];
	_ =	sdelay $0x4  }
0x2c5: {  	v7 =	vxor.u32 $0x80000000, v7  }
0x2c6: {  	(xrf1) =	vsort.ascd.msk.u32 $0xffff, v7, v4;
	_ =	sdelay $0x9  }
0x2c7: {  	v7 =	vld [tilespmem:s24+$0xA170];
	_ =	sdelay $0x3  }
0x2c8: {  	v8, v9, _ =	vpop (xrf1)  }
0x2c9: {  	v7 =	vperm.xlane v7, v9;
	_ =	sdelay $0x5  }
0x2ca: {  	v9 =	vld.idx.msk [tilespmem:v7+s2+$0x0], $0xffff  }
0x2cb: {  	v7 =	vld.idx.msk [tilespmem:v7+s16+$0x0], $0xffff;
	_ =	sdelay $0x2  }
0x2cc: {  	v8 =	vxor.u32 $0x80000000, v8  }
0x2cd: {  	v20 =	vperm.xlane v8, v0;
	v21 =	vperm.xlane v9, v0  }
0x2ce: {  	v22 =	vperm.xlane v7, v0  }
0x2cf: {  	vm1 =	veq.s32 v20, v8;
	v23 =	vmax.f32 v9, v21  }
0x2d0: {  	v24 =	vmax.f32 v7, v22;
	v9 =	vsel vm1, v23, v9  }
0x2d1: {  	v25 =	vperm.xlane v8, v3;
	v7 =	vsel vm1, v24, v7;
	v26 =	vperm.xlane v9, v3  }
0x2d2: {  	v27 =	vperm.xlane v7, v3  }
0x2d3: {  	vm1 =	veq.s32 v25, v8;
	v28 =	vmax.f32 v9, v26  }
0x2d4: {  	v30 =	vperm.xlane v8, v5;
	v29 =	vmax.f32 v7, v27;
	v9 =	vsel vm1, v28, v9  }
0x2d5: {  	v32 =	vperm.xlane v8, v6;
	v7 =	vsel vm1, v29, v7;
	v31 =	vperm.xlane v9, v5  }
0x2d6: {  	v33 =	vperm.xlane v7, v5  }
0x2d7: {  	vm2 =	vne.s32 v32, v8;
	vm1 =	veq.s32 v30, v8;
	v10 =	vmax.f32 v9, v31  }
0x2d8: {  	vm2 =	vmor vm2, vm0;
	v35 =	vld.idx.msk [tilespmem:v8+s18+$0x0], $0xffff;
	v34 =	vmax.f32 v7, v33;
	v9 =	vsel vm1, v10, v9  }
0x2d9: {  	v36 =	vperm.xlane v8, v1;
	v38 =	vld.idx.msk [tilespmem:v8+s19+$0x0], $0xffff;
	v7 =	vsel vm1, v34, v7;
	v37 =	vperm.xlane v9, v1  }
0x2da: {  	v39 =	vperm.xlane v7, v1  }
0x2db: {  	vm1 =	veq.s32 v36, v8;
	v40 =	vmax.f32 v9, v37  }
0x2dc: {  	v41 =	vmax.f32 v7, v39;
	v9 =	vsel vm1, v40, v9  }
0x2dd: {  	v7 =	vsel vm1, v41, v7;
	v9 =	vmax.f32 v35, v9  }
0x2de: {  	v7 =	vmax.f32 v38, v7;
	[tilespmem:v8+s18+$0x0] =	vst.idx.msk vm2, v9  }
0x2df: {  	[tilespmem:v8+s19+$0x0] =	vst.idx.msk vm2, v7  }
0x2e0: {  	v7 =	vld [tilespmem:s24+$0xC890];
	_ =	sdelay $0x4  }
0x2e1: {  	v7 =	vxor.u32 $0x80000000, v7  }
0x2e2: {  	(xrf1) =	vsort.ascd.msk.u32 $0xffff, v7, v4;
	_ =	sdelay $0x9  }
0x2e3: {  	v7 =	vld [tilespmem:s24+$0xA180];
	_ =	sdelay $0x3  }
0x2e4: {  	v8, v9, _ =	vpop (xrf1)  }
0x2e5: {  	v7 =	vperm.xlane v7, v9;
	_ =	sdelay $0x5  }
0x2e6: {  	v9 =	vld.idx.msk [tilespmem:v7+s2+$0x0], $0xffff  }
0x2e7: {  	v7 =	vld.idx.msk [tilespmem:v7+s16+$0x0], $0xffff;
	_ =	sdelay $0x2  }
0x2e8: {  	v8 =	vxor.u32 $0x80000000, v8  }
0x2e9: {  	v42 =	vperm.xlane v8, v0;
	v43 =	vperm.xlane v9, v0  }
0x2ea: {  	v44 =	vperm.xlane v7, v0  }
0x2eb: {  	vm1 =	veq.s32 v42, v8;
	v45 =	vmax.f32 v9, v43  }
0x2ec: {  	v46 =	vmax.f32 v7, v44;
	v9 =	vsel vm1, v45, v9  }
0x2ed: {  	v47 =	vperm.xlane v8, v3;
	v7 =	vsel vm1, v46, v7;
	v48 =	vperm.xlane v9, v3  }
0x2ee: {  	v49 =	vperm.xlane v7, v3  }
0x2ef: {  	vm1 =	veq.s32 v47, v8;
	v50 =	vmax.f32 v9, v48  }
0x2f0: {  	v52 =	vperm.xlane v8, v5;
	v51 =	vmax.f32 v7, v49;
	v9 =	vsel vm1, v50, v9  }
0x2f1: {  	v54 =	vperm.xlane v8, v6;
	v7 =	vsel vm1, v51, v7;
	v53 =	vperm.xlane v9, v5  }
0x2f2: {  	v55 =	vperm.xlane v7, v5  }
0x2f3: {  	vm2 =	vne.s32 v54, v8;
	vm1 =	veq.s32 v52, v8;
	v10 =	vmax.f32 v9, v53  }
0x2f4: {  	vm2 =	vmor vm2, vm0;
	v57 =	vld.idx.msk [tilespmem:v8+s18+$0x0], $0xffff;
	v56 =	vmax.f32 v7, v55;
	v9 =	vsel vm1, v10, v9  }
0x2f5: {  	v58 =	vperm.xlane v8, v1;
	v60 =	vld.idx.msk [tilespmem:v8+s19+$0x0], $0xffff;
	v7 =	vsel vm1, v56, v7;
	v59 =	vperm.xlane v9, v1  }
0x2f6: {  	p0 =	sne.s32 s23, $0x9600;
	v61 =	vperm.xlane v7, v1  }
.Ltmp1:
0x2f7: {  	vm1 =	veq.s32 v58, v8;
	v62 =	vmax.f32 v9, v59;
	(pc) =	sbr.rel @p0 .LBB2_4-.Ltmp1, $4  }
0x2f8: {  	v63 =	vmax.f32 v7, v61;
	v9 =	vsel vm1, v62, v9  }
0x2f9: {  	v7 =	vsel vm1, v63, v7;
	v9 =	vmax.f32 v57, v9  }
0x2fa: {  	v7 =	vmax.f32 v60, v7;
	[tilespmem:v8+s18+$0x0] =	vst.idx.msk vm2, v9  }
0x2fb: {  	s23 =	sadd.s32 $0x640, s23;
	[tilespmem:v8+s19+$0x0] =	vst.idx.msk vm2, v7  }
0x2fc: {  	_ =	strace $0x90000049  }
0x2fd: {  	_ =	strace $0x8000004A  }
0x2fe: {  	[spmem:s6] =	stream.linear.scatter [tilespmem:s18], [sflag:$0x2], $0x2800, $0x200038;
	[tilespmem:$0x190A0] =	vst v63  }
0x2ff: {  	_ =	swait.ge [sflag:s20], $0x2800  }
0x300: {  	[sflag:s20] =	ssyncset.done $0x0  }
0x301: {  	s23 =	rddreg [dreg:$0x7];
	[sflag:s20] =	ssyncadd.s32 $0xFFFFD800  }
0x302: {  	[spmem:s23] =	stream.linear.scatter [tilespmem:s19], [sflag:$0x2], $0x2800, $0x200038;
	[tilespmem:$0x190A0] =	vst v63  }
0x303: {  	_ =	swait.ge [sflag:s20], $0x2800  }
0x304: {  	[sflag:s20] =	ssyncset.done $0x0  }
0x305: {  	[sflag:s20] =	ssyncadd.s32 $0xFFFFD800  }
0x306: {  	s24 =	simm.s32 $0xEE20;
	[bflag:$0x0] =	sbarrier.arrive $0xFFFF  }
0x307: {  	[tilespmem:s24], [sflag:$0x1] =	stream.linear.gather [spmem:s9], $0x280, $0x200038;
	[tilespmem:$0x190A0] =	vst v63  }
0x308: {  	s25 =	rddreg [dreg:$0x8];
	s24 =	simm.s32 $0xF0A0  }
0x309: {  	[tilespmem:s24], [sflag:$0x1] =	stream.linear.gather [spmem:s25], $0x280, $0x200038;
	[tilespmem:$0x190A0] =	vst v63  }
0x30a: {  	s24 =	rddreg [dreg:$0x9];
	s25 =	simm.s32 $0xF320  }
0x30b: {  	[tilespmem:s25], [sflag:$0x1] =	stream.linear.gather [spmem:s24], $0x280, $0x200038;
	[tilespmem:$0x190A0] =	vst v63  }
0x30c: {  	s24 =	rddreg [dreg:$0xa];
	s25 =	simm.s32 $0xF5A0  }
0x30d: {  	[tilespmem:s25], [sflag:$0x1] =	stream.linear.gather [spmem:s24], $0x280, $0x200038;
	[tilespmem:$0x190A0] =	vst v63  }
0x30e: {  	s24 =	rddreg [dreg:$0xb];
	s25 =	simm.s32 $0xF820  }
0x30f: {  	[tilespmem:s25], [sflag:$0x1] =	stream.linear.gather [spmem:s24], $0x280, $0x200038;
	[tilespmem:$0x190A0] =	vst v63  }
0x310: {  	s24 =	rddreg [dreg:$0xc];
	s25 =	simm.s32 $0xFAA0  }
0x311: {  	[tilespmem:s25], [sflag:$0x1] =	stream.linear.gather [spmem:s24], $0x280, $0x200038;
	[tilespmem:$0x190A0] =	vst v63  }
0x312: {  	s24 =	rddreg [dreg:$0xd];
	s25 =	simm.s32 $0xFD20  }
0x313: {  	[tilespmem:s25], [sflag:$0x1] =	stream.linear.gather [spmem:s24], $0x280, $0x200038;
	[tilespmem:$0x190A0] =	vst v63  }
0x314: {  	s24 =	rddreg [dreg:$0xe];
	s25 =	simm.s32 $0xFFA0  }
0x315: {  	[tilespmem:s25], [sflag:$0x1] =	stream.linear.gather [spmem:s24], $0x280, $0x200038;
	[tilespmem:$0x190A0] =	vst v63  }
0x316: {  	s24 =	rddreg [dreg:$0xf];
	s25 =	simm.s32 $0x10220  }
0x317: {  	[tilespmem:s25], [sflag:$0x1] =	stream.linear.gather [spmem:s24], $0x280, $0x200038;
	[tilespmem:$0x190A0] =	vst v63  }
0x318: {  	s24 =	rddreg [dreg:$0x10];
	s25 =	simm.s32 $0x104A0  }
0x319: {  	[tilespmem:s25], [sflag:$0x1] =	stream.linear.gather [spmem:s24], $0x280, $0x200038;
	[tilespmem:$0x190A0] =	vst v63  }
0x31a: {  	s24 =	rddreg [dreg:$0x11];
	s25 =	simm.s32 $0x10720  }
0x31b: {  	[tilespmem:s25], [sflag:$0x1] =	stream.linear.gather [spmem:s24], $0x280, $0x200038;
	[tilespmem:$0x190A0] =	vst v63  }
0x31c: {  	s24 =	rddreg [dreg:$0x12];
	s25 =	simm.s32 $0x109A0  }
0x31d: {  	[tilespmem:s25], [sflag:$0x1] =	stream.linear.gather [spmem:s24], $0x280, $0x200038;
	[tilespmem:$0x190A0] =	vst v63  }
0x31e: {  	s24 =	rddreg [dreg:$0x13];
	s25 =	simm.s32 $0x10C20  }
0x31f: {  	[tilespmem:s25], [sflag:$0x1] =	stream.linear.gather [spmem:s24], $0x280, $0x200038;
	[tilespmem:$0x190A0] =	vst v63  }
0x320: {  	s24 =	rddreg [dreg:$0x14];
	s25 =	simm.s32 $0x10EA0  }
0x321: {  	[tilespmem:s25], [sflag:$0x1] =	stream.linear.gather [spmem:s24], $0x280, $0x200038;
	[tilespmem:$0x190A0] =	vst v63  }
0x322: {  	s24 =	simm.s32 $0x11120  }
0x323: {  	[tilespmem:s24], [sflag:$0x1] =	stream.linear.gather [spmem:s26], $0x280, $0x200038;
	[tilespmem:$0x190A0] =	vst v63  }
0x324: {  	s25 =	simm.s32 $0x113A0  }
0x325: {  	[tilespmem:s25], [sflag:$0x1] =	stream.linear.gather [spmem:s28], $0x280, $0x200038;
	[tilespmem:$0x190A0] =	vst v63  }
0x326: {  	s24 =	simm.s32 $0x11620  }
0x327: {  	[tilespmem:s24], [sflag:$0x1] =	stream.linear.gather [spmem:s29], $0x280, $0x200038;
	[tilespmem:$0x190A0] =	vst v63  }
0x328: {  	s25 =	simm.s32 $0x118A0  }
0x329: {  	[tilespmem:s25], [sflag:$0x1] =	stream.linear.gather [spmem:s30], $0x280, $0x200038;
	[tilespmem:$0x190A0] =	vst v63  }
0x32a: {  	s24 =	simm.s32 $0x11B20  }
0x32b: {  	[tilespmem:s24], [sflag:$0x1] =	stream.linear.gather [spmem:s31], $0x280, $0x200038;
	[tilespmem:$0x190A0] =	vst v63  }
0x32c: {  	s25 =	simm.s32 $0x11DA0  }
0x32d: {  	[tilespmem:s25], [sflag:$0x1] =	stream.linear.gather [spmem:s1], $0x280, $0x200038;
	[tilespmem:$0x190A0] =	vst v63  }
0x32e: {  	s24 =	simm.s32 $0x12020  }
0x32f: {  	[tilespmem:s24], [sflag:$0x1] =	stream.linear.gather [spmem:s0], $0x280, $0x200038;
	[tilespmem:$0x190A0] =	vst v63  }
0x330: {  	s25 =	simm.s32 $0x122A0  }
0x331: {  	[tilespmem:s25], [sflag:$0x1] =	stream.linear.gather [spmem:s3], $0x280, $0x200038;
	[tilespmem:$0x190A0] =	vst v63  }
0x332: {  	s24 =	simm.s32 $0x12520  }
0x333: {  	[tilespmem:s24], [sflag:$0x1] =	stream.linear.gather [spmem:s4], $0x280, $0x200038;
	[tilespmem:$0x190A0] =	vst v63  }
0x334: {  	s25 =	simm.s32 $0x127A0  }
0x335: {  	[tilespmem:s25], [sflag:$0x1] =	stream.linear.gather [spmem:s5], $0x280, $0x200038;
	[tilespmem:$0x190A0] =	vst v63  }
0x336: {  	s24 =	simm.s32 $0x12A20  }
0x337: {  	[tilespmem:s24], [sflag:$0x1] =	stream.linear.gather [spmem:s7], $0x280, $0x200038;
	[tilespmem:$0x190A0] =	vst v63  }
0x338: {  	s25 =	simm.s32 $0x12CA0  }
0x339: {  	[tilespmem:s25], [sflag:$0x1] =	stream.linear.gather [spmem:s8], $0x280, $0x200038;
	[tilespmem:$0x190A0] =	vst v63  }
0x33a: {  	s24 =	simm.s32 $0x12F20  }
0x33b: {  	[tilespmem:s24], [sflag:$0x1] =	stream.linear.gather [spmem:s10], $0x280, $0x200038;
	[tilespmem:$0x190A0] =	vst v63  }
0x33c: {  	s25 =	simm.s32 $0x131A0  }
0x33d: {  	[tilespmem:s25], [sflag:$0x1] =	stream.linear.gather [spmem:s11], $0x280, $0x200038;
	[tilespmem:$0x190A0] =	vst v63  }
0x33e: {  	s24 =	simm.s32 $0x13420  }
0x33f: {  	[tilespmem:s24], [sflag:$0x1] =	stream.linear.gather [spmem:s12], $0x280, $0x200038;
	[tilespmem:$0x190A0] =	vst v63  }
0x340: {  	s25 =	simm.s32 $0x136A0  }
0x341: {  	[tilespmem:s25], [sflag:$0x1] =	stream.linear.gather [spmem:s13], $0x280, $0x200038;
	[tilespmem:$0x190A0] =	vst v63  }
0x342: {  	s24 =	simm.s32 $0x13920  }
0x343: {  	[tilespmem:s24], [sflag:$0x1] =	stream.linear.gather [spmem:s14], $0x280, $0x200038;
	[tilespmem:$0x190A0] =	vst v63  }
0x344: {  	s25 =	simm.s32 $0x13BA0  }
0x345: {  	[tilespmem:s25], [sflag:$0x1] =	stream.linear.gather [spmem:s15], $0x280, $0x200038;
	[tilespmem:$0x190A0] =	vst v63  }
0x346: {  	_ =	swait.ge [sflag:s17], $0x280  }
0x347: {  	[sflag:s17] =	ssyncset.done $0x0  }
0x348: {  	[sflag:s17] =	ssyncadd.s32 $0xFFFFFD80  }
0x349: {  	_ =	swait.ge [sflag:s17], $0x280  }
0x34a: {  	[sflag:s17] =	ssyncset.done $0x0  }
0x34b: {  	[sflag:s17] =	ssyncadd.s32 $0xFFFFFD80  }
0x34c: {  	_ =	swait.ge [sflag:s17], $0x280  }
0x34d: {  	[sflag:s17] =	ssyncset.done $0x0  }
0x34e: {  	[sflag:s17] =	ssyncadd.s32 $0xFFFFFD80  }
0x34f: {  	_ =	swait.ge [sflag:s17], $0x280  }
0x350: {  	[sflag:s17] =	ssyncset.done $0x0  }
0x351: {  	[sflag:s17] =	ssyncadd.s32 $0xFFFFFD80  }
0x352: {  	_ =	swait.ge [sflag:s17], $0x280  }
0x353: {  	[sflag:s17] =	ssyncset.done $0x0  }
0x354: {  	[sflag:s17] =	ssyncadd.s32 $0xFFFFFD80  }
0x355: {  	_ =	swait.ge [sflag:s17], $0x280  }
0x356: {  	[sflag:s17] =	ssyncset.done $0x0  }
0x357: {  	[sflag:s17] =	ssyncadd.s32 $0xFFFFFD80  }
0x358: {  	_ =	swait.ge [sflag:s17], $0x280  }
0x359: {  	[sflag:s17] =	ssyncset.done $0x0  }
0x35a: {  	[sflag:s17] =	ssyncadd.s32 $0xFFFFFD80  }
0x35b: {  	_ =	swait.ge [sflag:s17], $0x280  }
0x35c: {  	[sflag:s17] =	ssyncset.done $0x0  }
0x35d: {  	[sflag:s17] =	ssyncadd.s32 $0xFFFFFD80  }
0x35e: {  	_ =	swait.ge [sflag:s17], $0x280  }
0x35f: {  	[sflag:s17] =	ssyncset.done $0x0  }
0x360: {  	[sflag:s17] =	ssyncadd.s32 $0xFFFFFD80  }
0x361: {  	_ =	swait.ge [sflag:s17], $0x280  }
0x362: {  	[sflag:s17] =	ssyncset.done $0x0  }
0x363: {  	[sflag:s17] =	ssyncadd.s32 $0xFFFFFD80  }
0x364: {  	_ =	swait.ge [sflag:s17], $0x280  }
0x365: {  	[sflag:s17] =	ssyncset.done $0x0  }
0x366: {  	[sflag:s17] =	ssyncadd.s32 $0xFFFFFD80  }
0x367: {  	_ =	swait.ge [sflag:s17], $0x280  }
0x368: {  	[sflag:s17] =	ssyncset.done $0x0  }
0x369: {  	[sflag:s17] =	ssyncadd.s32 $0xFFFFFD80  }
0x36a: {  	_ =	swait.ge [sflag:s17], $0x280  }
0x36b: {  	[sflag:s17] =	ssyncset.done $0x0  }
0x36c: {  	[sflag:s17] =	ssyncadd.s32 $0xFFFFFD80  }
0x36d: {  	_ =	swait.ge [sflag:s17], $0x280  }
0x36e: {  	[sflag:s17] =	ssyncset.done $0x0  }
0x36f: {  	[sflag:s17] =	ssyncadd.s32 $0xFFFFFD80  }
0x370: {  	_ =	swait.ge [sflag:s17], $0x280  }
0x371: {  	[sflag:s17] =	ssyncset.done $0x0  }
0x372: {  	[sflag:s17] =	ssyncadd.s32 $0xFFFFFD80  }
0x373: {  	_ =	swait.ge [sflag:s17], $0x280  }
0x374: {  	[sflag:s17] =	ssyncset.done $0x0  }
0x375: {  	[sflag:s17] =	ssyncadd.s32 $0xFFFFFD80  }
0x376: {  	_ =	swait.ge [sflag:s17], $0x280  }
0x377: {  	[sflag:s17] =	ssyncset.done $0x0  }
0x378: {  	[sflag:s17] =	ssyncadd.s32 $0xFFFFFD80  }
0x379: {  	_ =	swait.ge [sflag:s17], $0x280  }
0x37a: {  	[sflag:s17] =	ssyncset.done $0x0  }
0x37b: {  	[sflag:s17] =	ssyncadd.s32 $0xFFFFFD80  }
0x37c: {  	_ =	swait.ge [sflag:s17], $0x280  }
0x37d: {  	[sflag:s17] =	ssyncset.done $0x0  }
0x37e: {  	[sflag:s17] =	ssyncadd.s32 $0xFFFFFD80  }
0x37f: {  	_ =	swait.ge [sflag:s17], $0x280  }
0x380: {  	[sflag:s17] =	ssyncset.done $0x0  }
0x381: {  	[sflag:s17] =	ssyncadd.s32 $0xFFFFFD80  }
0x382: {  	_ =	swait.ge [sflag:s17], $0x280  }
0x383: {  	[sflag:s17] =	ssyncset.done $0x0  }
0x384: {  	[sflag:s17] =	ssyncadd.s32 $0xFFFFFD80  }
0x385: {  	_ =	swait.ge [sflag:s17], $0x280  }
0x386: {  	[sflag:s17] =	ssyncset.done $0x0  }
0x387: {  	[sflag:s17] =	ssyncadd.s32 $0xFFFFFD80  }
0x388: {  	_ =	swait.ge [sflag:s17], $0x280  }
0x389: {  	[sflag:s17] =	ssyncset.done $0x0  }
0x38a: {  	[sflag:s17] =	ssyncadd.s32 $0xFFFFFD80  }
0x38b: {  	_ =	swait.ge [sflag:s17], $0x280  }
0x38c: {  	[sflag:s17] =	ssyncset.done $0x0  }
0x38d: {  	[sflag:s17] =	ssyncadd.s32 $0xFFFFFD80  }
0x38e: {  	_ =	swait.ge [sflag:s17], $0x280  }
0x38f: {  	[sflag:s17] =	ssyncset.done $0x0  }
0x390: {  	[sflag:s17] =	ssyncadd.s32 $0xFFFFFD80  }
0x391: {  	_ =	swait.ge [sflag:s17], $0x280  }
0x392: {  	[sflag:s17] =	ssyncset.done $0x0  }
0x393: {  	[sflag:s17] =	ssyncadd.s32 $0xFFFFFD80  }
0x394: {  	_ =	swait.ge [sflag:s17], $0x280  }
0x395: {  	[sflag:s17] =	ssyncset.done $0x0  }
0x396: {  	[sflag:s17] =	ssyncadd.s32 $0xFFFFFD80  }
0x397: {  	_ =	swait.ge [sflag:s17], $0x280  }
0x398: {  	[sflag:s17] =	ssyncset.done $0x0  }
0x399: {  	[sflag:s17] =	ssyncadd.s32 $0xFFFFFD80  }
0x39a: {  	_ =	swait.ge [sflag:s17], $0x280  }
0x39b: {  	[sflag:s17] =	ssyncset.done $0x0  }
0x39c: {  	[sflag:s17] =	ssyncadd.s32 $0xFFFFFD80  }
0x39d: {  	_ =	swait.ge [sflag:s17], $0x280  }
0x39e: {  	[sflag:s17] =	ssyncset.done $0x0  }
0x39f: {  	[sflag:s17] =	ssyncadd.s32 $0xFFFFFD80  }
0x3a0: {  	_ =	swait.ge [sflag:s17], $0x280  }
0x3a1: {  	[sflag:s17] =	ssyncset.done $0x0  }
0x3a2: {  	[sflag:s17] =	ssyncadd.s32 $0xFFFFFD80  }
0x3a3: {  	_ =	swait.ge [sflag:s17], $0x280  }
0x3a4: {  	[sflag:s17] =	ssyncset.done $0x0  }
0x3a5: {  	s23 =	simm.s32 $0x0;
	[sflag:s17] =	ssyncadd.s32 $0xFFFFFD80  }
0x3a6: {  	v7 =	vld [tilespmem:s23+$0xEE20]  }
0x3a7: {  	v8 =	vld [tilespmem:s23+$0xF0A0]  }
0x3a8: {  	v9 =	vld [tilespmem:s23+$0xF320]  }
0x3a9: {  	v10 =	vld [tilespmem:s23+$0xF5A0]  }
0x3aa: {  	v11 =	vld [tilespmem:s23+$0xF820]  }
0x3ab: {  	v12 =	vld [tilespmem:s23+$0xFAA0]  }
0x3ac: {  	v7 =	vmax.f32 v7, v8;
	v8 =	vld [tilespmem:s23+$0xFD20]  }
0x3ad: {  	v7 =	vmax.f32 v7, v9;
	v9 =	vld [tilespmem:s23+$0xFFA0]  }
0x3ae: {  	v7 =	vmax.f32 v7, v10;
	v10 =	vld [tilespmem:s23+$0x10220]  }
0x3af: {  	v7 =	vmax.f32 v7, v11;
	v11 =	vld [tilespmem:s23+$0x104A0]  }
0x3b0: {  	v7 =	vmax.f32 v7, v12;
	v12 =	vld [tilespmem:s23+$0x10720]  }
0x3b1: {  	v13 =	vld [tilespmem:s23+$0x109A0];
	v7 =	vmax.f32 v7, v8  }
0x3b2: {  	v8 =	vld [tilespmem:s23+$0x10C20];
	v7 =	vmax.f32 v7, v9  }
0x3b3: {  	v9 =	vld [tilespmem:s23+$0x10EA0];
	v7 =	vmax.f32 v7, v10  }
0x3b4: {  	v10 =	vld [tilespmem:s23+$0x11120];
	v7 =	vmax.f32 v7, v11  }
0x3b5: {  	s24 =	simm.s32 $0x10;
	v11 =	vld [tilespmem:s23+$0x113A0];
	v12 =	vmax.f32 v7, v12  }
0x3b6: {  	s25 =	simm.s32 $0x80;
	v7 =	vld [tilespmem:s24+$0xEE20];
	v12 =	vmax.f32 v12, v13  }
.LBB2_6:
0x3b7: {  	p0 =	sne.s32 s25, $0x9C0;
	v13 =	vld [tilespmem:s24+$0xF0A0];
	v8 =	vmax.f32 v12, v8  }
0x3b8: {  	v12 =	vld [tilespmem:s24+$0xF320];
	v8 =	vmax.f32 v8, v9  }
0x3b9: {  	v9 =	vld [tilespmem:s24+$0xF5A0];
	v8 =	vmax.f32 v8, v10  }
0x3ba: {  	v10 =	vld [tilespmem:s24+$0xF820];
	v8 =	vmax.f32 v8, v11  }
0x3bb: {  	v11 =	vld [tilespmem:s24+$0xFAA0];
	[tilespmem:s23+$0x13E20] =	vst v8;
	s23 =	smov.u32 s24  }
0x3bc: {  	v7 =	vmax.f32 v7, v13;
	v8 =	vld [tilespmem:s23+$0xFD20]  }
0x3bd: {  	v7 =	vmax.f32 v7, v12;
	v12 =	vld [tilespmem:s23+$0xFFA0]  }
0x3be: {  	v7 =	vmax.f32 v7, v9;
	v9 =	vld [tilespmem:s23+$0x10220]  }
0x3bf: {  	v7 =	vmax.f32 v7, v10;
	v10 =	vld [tilespmem:s23+$0x104A0]  }
0x3c0: {  	v7 =	vmax.f32 v7, v11;
	v11 =	vld [tilespmem:s23+$0x10720]  }
0x3c1: {  	v7 =	vmax.f32 v7, v8;
	v13 =	vld [tilespmem:s23+$0x109A0]  }
.Ltmp2:
0x3c2: {  	v7 =	vmax.f32 v7, v12;
	v8 =	vld [tilespmem:s23+$0x10C20];
	(pc) =	sbr.rel @p0 .LBB2_6-.Ltmp2, $4  }
0x3c3: {  	v7 =	vmax.f32 v7, v9;
	v9 =	vld [tilespmem:s23+$0x10EA0]  }
0x3c4: {  	v7 =	vmax.f32 v7, v10;
	v10 =	vld [tilespmem:s23+$0x11120]  }
0x3c5: {  	s24 =	sshra.s32 s25, $0x2;
	v12 =	vmax.f32 v7, v11;
	v11 =	vld [tilespmem:s23+$0x113A0]  }
0x3c6: {  	s25 =	sadd.s32 $0x40, s25;
	v7 =	vld [tilespmem:s24+$0xEE20];
	v12 =	vmax.f32 v12, v13  }
0x3c7: {  	v13 =	vld [tilespmem:s24+$0xF0A0];
	v8 =	vmax.f32 v12, v8  }
0x3c8: {  	v12 =	vld [tilespmem:s24+$0xF320];
	v8 =	vmax.f32 v8, v9  }
0x3c9: {  	v9 =	vld [tilespmem:s24+$0xF5A0];
	v8 =	vmax.f32 v8, v10  }
0x3ca: {  	v10 =	vld [tilespmem:s24+$0xF820];
	v8 =	vmax.f32 v8, v11  }
0x3cb: {  	v11 =	vld [tilespmem:s24+$0xFAA0];
	[tilespmem:s23+$0x13E20] =	vst v8  }
0x3cc: {  	v7 =	vmax.f32 v7, v13;
	v8 =	vld [tilespmem:s24+$0xFD20]  }
0x3cd: {  	v7 =	vmax.f32 v7, v12;
	v12 =	vld [tilespmem:s24+$0xFFA0]  }
0x3ce: {  	v7 =	vmax.f32 v7, v9;
	v9 =	vld [tilespmem:s24+$0x10220]  }
0x3cf: {  	v7 =	vmax.f32 v7, v10;
	v10 =	vld [tilespmem:s24+$0x104A0]  }
0x3d0: {  	v7 =	vmax.f32 v7, v11;
	v11 =	vld [tilespmem:s24+$0x10720]  }
0x3d1: {  	v7 =	vmax.f32 v7, v8;
	v8 =	vld [tilespmem:s24+$0x109A0]  }
0x3d2: {  	v7 =	vmax.f32 v7, v12;
	v12 =	vld [tilespmem:s24+$0x10C20]  }
0x3d3: {  	v7 =	vmax.f32 v7, v9;
	v9 =	vld [tilespmem:s24+$0x10EA0]  }
0x3d4: {  	v7 =	vmax.f32 v7, v10;
	v10 =	vld [tilespmem:s24+$0x11120]  }
0x3d5: {  	v7 =	vmax.f32 v7, v11;
	v11 =	vld [tilespmem:s24+$0x113A0]  }
0x3d6: {  	v7 =	vmax.f32 v7, v8  }
0x3d7: {  	v7 =	vmax.f32 v7, v12  }
0x3d8: {  	v7 =	vmax.f32 v7, v9  }
0x3d9: {  	v7 =	vmax.f32 v7, v10  }
0x3da: {  	v7 =	vmax.f32 v7, v11  }
0x3db: {  	s25 =	rddreg [dreg:$0x15];
	[tilespmem:s24+$0x13E20] =	vst v7;
	s24 =	simm.s32 $0x0  }
0x3dc: {  	[hbm4b:s25+s24] =	stream.linear.scatter [tilespmem:s21], [sflag:$0x2], $0x280, $0x200038;
	[tilespmem:$0x190A0] =	vst v63  }
0x3dd: {  	_ =	swait.ge [sflag:s20], $0x280  }
0x3de: {  	[sflag:s20] =	ssyncset.done $0x0  }
0x3df: {  	s23 =	simm.s32 $0x0;
	[sflag:s20] =	ssyncadd.s32 $0xFFFFFD80  }
0x3e0: {  	v7 =	vld [tilespmem:s23+$0x11620]  }
0x3e1: {  	v8 =	vld [tilespmem:s23+$0x118A0]  }
0x3e2: {  	v9 =	vld [tilespmem:s23+$0x11B20]  }
0x3e3: {  	v10 =	vld [tilespmem:s23+$0x11DA0]  }
0x3e4: {  	v11 =	vld [tilespmem:s23+$0x12020]  }
0x3e5: {  	v12 =	vld [tilespmem:s23+$0x122A0]  }
0x3e6: {  	v7 =	vmax.f32 v7, v8;
	v8 =	vld [tilespmem:s23+$0x12520]  }
0x3e7: {  	v7 =	vmax.f32 v7, v9;
	v9 =	vld [tilespmem:s23+$0x127A0]  }
0x3e8: {  	v7 =	vmax.f32 v7, v10;
	v10 =	vld [tilespmem:s23+$0x12A20]  }
0x3e9: {  	v7 =	vmax.f32 v7, v11;
	v11 =	vld [tilespmem:s23+$0x12CA0]  }
0x3ea: {  	v7 =	vmax.f32 v7, v12;
	v12 =	vld [tilespmem:s23+$0x12F20]  }
0x3eb: {  	v13 =	vld [tilespmem:s23+$0x131A0];
	v7 =	vmax.f32 v7, v8  }
0x3ec: {  	v8 =	vld [tilespmem:s23+$0x13420];
	v7 =	vmax.f32 v7, v9  }
0x3ed: {  	v9 =	vld [tilespmem:s23+$0x136A0];
	v7 =	vmax.f32 v7, v10  }
0x3ee: {  	v10 =	vld [tilespmem:s23+$0x13920];
	v7 =	vmax.f32 v7, v11  }
0x3ef: {  	s24 =	simm.s32 $0x10;
	v11 =	vld [tilespmem:s23+$0x13BA0];
	v12 =	vmax.f32 v7, v12  }
0x3f0: {  	s25 =	simm.s32 $0x80;
	v7 =	vld [tilespmem:s24+$0x11620];
	v12 =	vmax.f32 v12, v13  }
.LBB2_8:
0x3f1: {  	p0 =	sne.s32 s25, $0x9C0;
	v13 =	vld [tilespmem:s24+$0x118A0];
	v8 =	vmax.f32 v12, v8  }
0x3f2: {  	v12 =	vld [tilespmem:s24+$0x11B20];
	v8 =	vmax.f32 v8, v9  }
0x3f3: {  	v9 =	vld [tilespmem:s24+$0x11DA0];
	v8 =	vmax.f32 v8, v10  }
0x3f4: {  	v10 =	vld [tilespmem:s24+$0x12020];
	v8 =	vmax.f32 v8, v11  }
0x3f5: {  	v11 =	vld [tilespmem:s24+$0x122A0];
	[tilespmem:s23+$0x13E20] =	vst v8;
	s23 =	smov.u32 s24  }
0x3f6: {  	v7 =	vmax.f32 v7, v13;
	v8 =	vld [tilespmem:s23+$0x12520]  }
0x3f7: {  	v7 =	vmax.f32 v7, v12;
	v12 =	vld [tilespmem:s23+$0x127A0]  }
0x3f8: {  	v7 =	vmax.f32 v7, v9;
	v9 =	vld [tilespmem:s23+$0x12A20]  }
0x3f9: {  	v7 =	vmax.f32 v7, v10;
	v10 =	vld [tilespmem:s23+$0x12CA0]  }
0x3fa: {  	v7 =	vmax.f32 v7, v11;
	v11 =	vld [tilespmem:s23+$0x12F20]  }
0x3fb: {  	v7 =	vmax.f32 v7, v8;
	v13 =	vld [tilespmem:s23+$0x131A0]  }
.Ltmp3:
0x3fc: {  	v7 =	vmax.f32 v7, v12;
	v8 =	vld [tilespmem:s23+$0x13420];
	(pc) =	sbr.rel @p0 .LBB2_8-.Ltmp3, $4  }
0x3fd: {  	v7 =	vmax.f32 v7, v9;
	v9 =	vld [tilespmem:s23+$0x136A0]  }
0x3fe: {  	v7 =	vmax.f32 v7, v10;
	v10 =	vld [tilespmem:s23+$0x13920]  }
0x3ff: {  	s24 =	sshra.s32 s25, $0x2;
	v12 =	vmax.f32 v7, v11;
	v11 =	vld [tilespmem:s23+$0x13BA0]  }
0x400: {  	s25 =	sadd.s32 $0x40, s25;
	v7 =	vld [tilespmem:s24+$0x11620];
	v12 =	vmax.f32 v12, v13  }
0x401: {  	v13 =	vld [tilespmem:s24+$0x118A0];
	v8 =	vmax.f32 v12, v8  }
0x402: {  	v52 =	vld [tilespmem:s24+$0x11B20];
	v8 =	vmax.f32 v8, v9  }
0x403: {  	v53 =	vld [tilespmem:s24+$0x11DA0];
	v8 =	vmax.f32 v8, v10  }
0x404: {  	v54 =	vld [tilespmem:s24+$0x12020];
	v8 =	vmax.f32 v8, v11  }
0x405: {  	v55 =	vld [tilespmem:s24+$0x122A0];
	[tilespmem:s23+$0x13E20] =	vst v8  }
0x406: {  	v7 =	vmax.f32 v7, v13;
	v8 =	vld [tilespmem:s24+$0x12520]  }
0x407: {  	v56 =	vld [tilespmem:s24+$0x127A0];
	v7 =	vmax.f32 v7, v52  }
0x408: {  	v57 =	vld [tilespmem:s24+$0x12A20];
	v7 =	vmax.f32 v7, v53  }
0x409: {  	v58 =	vld [tilespmem:s24+$0x12CA0];
	v7 =	vmax.f32 v7, v54  }
0x40a: {  	v59 =	vld [tilespmem:s24+$0x12F20];
	v7 =	vmax.f32 v7, v55  }
0x40b: {  	v7 =	vmax.f32 v7, v8;
	v8 =	vld [tilespmem:s24+$0x131A0]  }
0x40c: {  	v60 =	vld [tilespmem:s24+$0x13420];
	v7 =	vmax.f32 v7, v56  }
0x40d: {  	v61 =	vld [tilespmem:s24+$0x136A0];
	v7 =	vmax.f32 v7, v57  }
0x40e: {  	v62 =	vld [tilespmem:s24+$0x13920];
	v7 =	vmax.f32 v7, v58  }
0x40f: {  	v63 =	vld [tilespmem:s24+$0x13BA0];
	v7 =	vmax.f32 v7, v59  }
0x410: {  	v7 =	vmax.f32 v7, v8  }
0x411: {  	v7 =	vmax.f32 v7, v60  }
0x412: {  	v7 =	vmax.f32 v7, v61  }
0x413: {  	v7 =	vmax.f32 v7, v62  }
0x414: {  	v7 =	vmax.f32 v7, v63  }
0x415: {  	[tilespmem:s24+$0x13E20] =	vst v7;
	s24 =	rddreg [dreg:$0x16]  }
0x416: {  	[hbm4b:s24+s2] =	stream.linear.scatter [tilespmem:s21], [sflag:$0x2], $0x280, $0x200038;
	[tilespmem:$0x190A0] =	vst v63  }
0x417: {  	_ =	swait.ge [sflag:s20], $0x280  }
0x418: {  	s22 =	sadd.s32 $0x1, s22;
	s25 =	rddreg [dreg:$0x17]  }
0x419: {  	p0 =	sne.s32 s22, s25  }
.Ltmp4:
0x41a: {  	_ = 	snop;
	(pc) =	sbr.rel @p0 .LBB2_1-.Ltmp4, $4  }
0x41b: {  	_ = 	snop  }
0x41c: {  	[sflag:s20] =	ssyncset.done $0x0  }
0x41d: {  	[sflag:s20] =	ssyncadd.s32 $0xFFFFFD80  }
0x41e: {  	_ =	strace $0x9000004A  }
0x41f: {  	_ =	sfence.sel $0x180000  }
0x420: {  	[bflag:$0x0] =	sbarrier.arrive $0xFFFF  }
0x421: {  	_ =	strace $0x90000047  }
0x422: {  	s0 =	stileid.u32;
	[bflag:$0x2] =	sbarrier.arrive $0xFFFF  }
0x423: {  	p0 =	sne.s32 s0, $0x0;
	s0 =	rddreg [dreg:$0x2]  }
0x424: {  	s0 =	sadd.s32 @!p0 $0x100000, s0  }
0x425: {  	[sflag:s0] =	ssyncadd.tile.s32 @!p0 $0x1;
	_ =	shalt  }
.Lfunc_end2:
_tile_overlayer_lowered:
.L_overlay_start_2:
0x426: {  	(tag) =	ssettag $0x2  }
0x427: {  	s0 =	rddreg [dreg:$0x0];
	s2 =	stileid.u32  }
0x428: {  	s1 =	rddreg [dreg:$0x1];
	p0 =	sne.s32 s2, $0x0  }
0x429: {  	s3 =	rddreg [dreg:$0x2];
	[bflag:$0x3] =	sbarrier.arrive $0xFFFF;
	s2 =	simm.s32 @!p0 $0x1C02  }
0x42a: {  	[timem:s3], [sflag:s2] =	dma.local @!p0 [hbm:s0], s1  }
0x42b: {  	s0 =	simm.s32 @!p0 $0x2  }
0x42c: {  	_ =	swait.ge @!p0 [sflag:s0], s1  }
0x42d: {  	s1 =	ssub.s32 @!p0 $0x0, s1;
	[sflag:s0] =	ssyncset.done @!p0 $0x0  }
0x42e: {  	[sflag:s0] =	ssyncadd.s32 @!p0 s1  }
0x42f: {  	[bflag:$0x3] =	sbarrier.arrive $0xFFFF  }
0x430: {  	_ =	shalt  }

</sc_bundles>
